<compile_context>
chip_gen: v7x
topology: tpu7x:2x2x1
jax: 0.10.2.dev20260603
libtpu: 0.0.44.dev20260713+nightly
codegen_flags: <defaults>
</compile_context>

<pallas_src>
import jax
import jax.numpy as jnp
from jax import lax
from jax.experimental import pallas as pl
from jax.experimental.pallas import tpu as pltpu
from jax.experimental.pallas import tpu_sc as plsc

D0, D1, D2, K = 100000, 8, 64, 16384
P = D1 * D2
PH = P // 2
NC, NS, L = 2, 16, 16
NW = NC * NS
TC = 128
NTC = (D0 + TC - 1) // TC
TAILC = D0 - (NTC - 1) * TC
BASE_TCS = NTC // NW
EXTRA = NTC - BASE_TCS * NW
MAXCOLS = (BASE_TCS + 1) * TC
CAP = ((MAXCOLS + L) // L) * L + L
CHI = K
WB = 32
KB = 14
KM = (1 << KB) - 1


def _body(
    idx_hbm, upd_hbm, inpt_hbm, out_hbm,
    idxc, tbl, plist, bk, wub, slab0, slab1,
    sem, lsem0, lsem1, ssem0, ssem1,
):
    lsem = (lsem0, lsem1)
    ssem = (ssem0, ssem1)
    cid = lax.axis_index("c")
    sid = lax.axis_index("s")
    wid = sid * NC + cid
    lane = lax.iota(jnp.int32, L)

    tc0 = wid * BASE_TCS + jnp.minimum(wid, EXTRA)
    ntc = jnp.where(wid < EXTRA, BASE_TCS + 1, BASE_TCS)
    lo = tc0 * TC
    hi = jnp.minimum((tc0 + ntc) * TC, D0)

    @pl.loop(0, MAXCOLS // L)
    def _clear(g):
        tbl[pl.ds(g * L, L)] = jnp.full((L,), -1, jnp.int32)

    pltpu.sync_copy(idx_hbm, idxc)

    @pl.loop(0, K // L)
    def _scan(g):
        vidx = idxc[pl.ds(g * L, L)]
        mask = (vidx >= lo) & (vidx < hi)
        kvec = g * L + lane
        addr = jnp.clip(vidx - lo, 0, MAXCOLS - 1)
        plsc.store_scatter(tbl, [addr], kvec, mask=mask)

        def _retry(active):
            got = plsc.load_gather(tbl, [addr], mask=mask)
            active = mask & (got < kvec)
            plsc.store_scatter(tbl, [addr], kvec, mask=active)
            return active

        lax.while_loop(jnp.any, _retry, mask)

    def _compress(g, cur):
        v = tbl[pl.ds(g * L, L)]
        m = v >= 0
        packed = ((lo + g * L + lane) << KB) | v
        plsc.store_compressed(plist.at[pl.ds(cur, L)], packed, mask=m)
        return cur + plsc.all_reduce_population_count(m)[0]

    cnt = lax.fori_loop(0, MAXCOLS // L, _compress, jnp.int32(0))
    nlv = (cnt + L - 1) // L

    slabs = (slab0, slab1)

    def _hslice(t, sh):
        off = pl.multiple_of(t * TC, TC)
        return (pl.ds(sh * PH, PH), pl.ds(off, TC))

    def _load(t, sh):
        s0, s1 = _hslice(t, sh)
        return pltpu.make_async_copy(
            inpt_hbm.at[s0, s1], slabs[sh], lsem[sh]
        )

    def _store(t, sh):
        s0, s1 = _hslice(t, sh)
        return pltpu.make_async_copy(
            slabs[sh], out_hbm.at[s0, s1], ssem[sh]
        )

    def _count(t):
        return lax.fori_loop(
            0,
            nlv,
            lambda j, a: a
            + plsc.all_reduce_population_count(
                ((j * L + lane) < cnt)
                & (
                    lax.shift_right_logical(plist[pl.ds(j * L, L)], KB)
                    < (t + 1) * TC
                )
            )[0],
            jnp.int32(0),
        )

    def _merge(t, i0, i1, sh, gather):
        slab = slabs[sh]
        pbase = sh * PH
        nb = (i1 - i0 + WB - 1) // WB

        @pl.loop(0, nb)
        def _batch(b):
            b0 = i0 + b * WB
            if gather:
                for h in range(WB // L):
                    v = plist[pl.ds(b0 + h * L, L)]
                    bk[pl.ds(h * L, L)] = v & KM
                pltpu.async_copy(upd_hbm.at[bk], wub, sem).wait()
            nw = jnp.minimum(i1 - b0, WB)

            @pl.loop(0, nw)
            def _winner(j):
                v = plist[pl.ds(b0 + j, L)]
                rm = jnp.full((L,), (v[0] >> KB) - t * TC, jnp.int32)
                pos = jnp.full((L,), j, jnp.int32)
                for g in range(PH // L):
                    cvec = g * L + lane
                    vals = plsc.load_gather(wub, [pos, pbase + cvec])
                    plsc.store_scatter(slab, [cvec, rm], vals)

    def _pair(u, carry):
        i0 = carry
        t = tc0 + u
        i1 = _count(t)

        _load(t, 0).wait()
        _merge(t, i0, i1, 0, True)
        _store(t, 0).start()

        _load(t, 1).wait()
        one_batch = (i1 - i0) <= WB

        @pl.when(one_batch)
        def _reuse():
            _merge(t, i0, i1, 1, False)

        @pl.when(jnp.logical_not(one_batch))
        def _regather():
            _merge(t, i0, i1, 1, True)

        _store(t, 1).start()

        @pl.when(u + 1 < ntc)
        def _prefetch():
            _store(t, 0).wait()
            _load(t + 1, 0).start()
            _store(t, 1).wait()
            _load(t + 1, 1).start()

        return i1

    _load(tc0, 0).start()
    _load(tc0, 1).start()
    lax.fori_loop(0, ntc, _pair, jnp.int32(0))
    _store(tc0 + ntc - 1, 0).wait()
    _store(tc0 + ntc - 1, 1).wait()


_scatter_t = pl.kernel(
    _body,
    out_type=jax.ShapeDtypeStruct((P, D0), jnp.float32),
    mesh=plsc.VectorSubcoreMesh(core_axis_name="c", subcore_axis_name="s"),
    compiler_params=pltpu.CompilerParams(needs_layout_passes=False),
    scratch_types=[
        pltpu.VMEM((CHI,), jnp.int32),
        pltpu.VMEM((MAXCOLS,), jnp.int32),
        pltpu.VMEM((CAP,), jnp.int32),
        pltpu.VMEM((WB,), jnp.int32),
        pltpu.VMEM((WB, P), jnp.float32),
        pltpu.VMEM((PH, TC), jnp.float32),
        pltpu.VMEM((PH, TC), jnp.float32),
        pltpu.SemaphoreType.DMA,
        pltpu.SemaphoreType.DMA,
        pltpu.SemaphoreType.DMA,
        pltpu.SemaphoreType.DMA,
        pltpu.SemaphoreType.DMA,
    ],
)


def kernel(input, indices, update):
    inp_t = input.transpose(1, 2, 0).reshape(P, D0)
    upd_rows = update.reshape(K, P)
    out_t = _scatter_t(indices, upd_rows, inp_t)
    return out_t.reshape(D1, D2, D0).transpose(2, 0, 1)

# --- scband reference (transcript-rebuilt; emitter-appended) ---
"""Pipeline reference for scband-model-17411797418179 (READ-ONLY COPY).

The authoritative reference and input builder live on the scoring server;
editing this copy changes nothing except your own understanding.
"""

import jax, jax.numpy as jnp
import numpy as np


def setup_inputs(seed: int = 0) -> dict:
    key = jax.random.key(seed)
    k1, k2, k3 = jax.random.split(key, 3)
    D0, D1, D2, K = 100000, 8, 64, 16384
    inp = jax.random.normal(k1, (D0, D1, D2), dtype=jnp.float32)
    indices = jax.random.randint(k2, (K,), 0, D0, dtype=jnp.int32)
    update = jax.random.normal(k3, (K, D1, D2), dtype=jnp.float32)
    return {"input": inp, "indices": indices, "update": update}


def reference(input, indices, update):
    # scatter_block_update: overwrite whole [D1, D2] blocks of `input`
    # at row positions given by `indices` (flattened kernel view is
    # [D0*D1, D2] with K block writes; equivalent dense form below).
    D0, D1, D2 = input.shape
    out = input.at[indices].set(update)
    return out.reshape(D0, D1, D2)

if __name__ == "__main__":
    import jax
    _d = setup_inputs()
    print(jax.jit(kernel)(*tuple(_d.values())))

</pallas_src>

<mosaic_0001>
#map = affine_map<(d0, d1) -> (0)>
#map1 = affine_map<(d0, d1) -> (0, 0)>
module attributes {stable_mosaic.version = 14 : i64} {
  func.func @_body(%arg0: i32, %arg1: i32, %arg2: memref<16384xi32, #tpu.memory_space<hbm>>, %arg3: memref<16384x512xf32, #tpu.memory_space<hbm>>, %arg4: memref<512x100000xf32, #tpu.memory_space<hbm>>, %arg5: memref<512x100000xf32, #tpu.memory_space<hbm>>, %arg6: memref<16384xi32, #tpu.memory_space<vmem>>, %arg7: memref<3200xi32, #tpu.memory_space<vmem>>, %arg8: memref<3232xi32, #tpu.memory_space<vmem>>, %arg9: memref<32xi32, #tpu.memory_space<vmem>>, %arg10: memref<32x512xf32, #tpu.memory_space<vmem>>, %arg11: memref<256x128xf32, #tpu.memory_space<vmem>>, %arg12: memref<256x128xf32, #tpu.memory_space<vmem>>, %arg13: memref<!tpu.dma_semaphore, #tpu.memory_space<semaphore_mem>>, %arg14: memref<!tpu.dma_semaphore, #tpu.memory_space<semaphore_mem>>, %arg15: memref<!tpu.dma_semaphore, #tpu.memory_space<semaphore_mem>>, %arg16: memref<!tpu.dma_semaphore, #tpu.memory_space<semaphore_mem>>, %arg17: memref<!tpu.dma_semaphore, #tpu.memory_space<semaphore_mem>>) attributes {dimension_semantics = [#tpu.dimension_semantics<core_parallel>, #tpu.dimension_semantics<subcore_parallel>], iteration_bounds = array<i64: 2, 16>, scalar_prefetch = 0 : i64, scratch_operands = 12 : i64, tpu.core_type = #tpu.core_type<sc_vector_subcore>, window_params = [{transform_indices = #map}, {transform_indices = #map1}, {transform_indices = #map1}, {transform_indices = #map1}]} {
    %mul3A = arith.constant 2 : i32
    %mul3A_0 = arith.muli %arg1, %mul3A : i32
    %add3A = arith.addi %mul3A_0, %arg0 : i32
    %iota3A = tpu.iota {dimensions = array<i32: 0>} : vector<16xi32>
    %mul3A_1 = arith.constant 24 : i32
    %mul3A_2 = arith.muli %add3A, %mul3A_1 : i32
    %min3A = arith.constant 14 : i32
    %min3A_3 = arith.minsi %add3A, %min3A : i32
    %add3A_4 = arith.addi %mul3A_2, %min3A_3 : i32
    %lt3A = arith.constant 14 : i32
    %lt3A_5 = arith.cmpi slt, %add3A, %lt3A : i32
    %jit3A = arith.constant 25 : i32
    %jit3A_6 = arith.constant 24 : i32
    %select_n3A = arith.select %lt3A_5, %jit3A, %jit3A_6 : i32
    %mul3A_7 = arith.constant 128 : i32
    %mul3A_8 = arith.muli %add3A_4, %mul3A_7 : i32
    %add3A_9 = arith.addi %add3A_4, %select_n3A : i32
    %mul3A_10 = arith.constant 128 : i32
    %mul3A_11 = arith.muli %add3A_9, %mul3A_10 : i32
    %min3A_12 = arith.constant 100000 : i32
    %min3A_13 = arith.minsi %mul3A_11, %min3A_12 : i32
    %scan3A = arith.constant 0 : i32
    %scan3A_14 = arith.constant 200 : i32
    %scan3A_15 = arith.addi %scan3A, %scan3A_14 : i32
    %scan3A_16 = arith.constant 1 : i32
    scf.for %scan3A_94 = %scan3A to %scan3A_15 step %scan3A_16  : i32 {
      %mul3A_95 = arith.constant 1 : i32
      %mul3A_96 = arith.muli %scan3A_94, %mul3A_95 : i32
      %add3A_97 = arith.constant 0 : i32
      %add3A_98 = arith.addi %add3A_97, %mul3A_96 : i32
      %broadcast_in_dim3A = arith.constant -1 : i32
      %broadcast_in_dim3A_99 = vector.broadcast %broadcast_in_dim3A : i32 to vector<16xi32>
      %mul3A_100 = arith.constant 16 : i32
      %mul3A_101 = arith.muli %add3A_98, %mul3A_100 : i32
      %swap3A = arith.index_cast %mul3A_101 : i32 to index
      %swap3A_102 = tpu.vector_load %arg7[%swap3A] {strides = array<i32>} : memref<3200xi32, #tpu.memory_space<vmem>>, vector<16xi32>,
      tpu.vector_store %arg7[%swap3A], %broadcast_in_dim3A_99 {strides = array<i32>} : memref<3200xi32, #tpu.memory_space<vmem>>, vector<16xi32>,
    }
    %scan3A_17 = arith.constant 200 : i32
    "tpu.region"() ({
      %run_scoped3A = tpu.sem_alloc : memref<!tpu.dma_semaphore, #tpu.memory_space<semaphore_mem>>
      tpu.enqueue_dma source(%arg2 : memref<16384xi32, #tpu.memory_space<hbm>>) target(%arg6 : memref<16384xi32, #tpu.memory_space<vmem>>) target_semaphore(%run_scoped3A : memref<!tpu.dma_semaphore, #tpu.memory_space<semaphore_mem>>)
      tpu.wait_dma2 semaphore(%run_scoped3A : memref<!tpu.dma_semaphore, #tpu.memory_space<semaphore_mem>>) src(%arg2 : memref<16384xi32, #tpu.memory_space<hbm>>) dst(%arg6 : memref<16384xi32, #tpu.memory_space<vmem>>)
      tpu.yield
    }) : () -> ()
    %scan3A_18 = arith.constant 0 : i32
    %scan3A_19 = arith.constant 1024 : i32
    %scan3A_20 = arith.addi %scan3A_18, %scan3A_19 : i32
    %scan3A_21 = arith.constant 1 : i32
    scf.for %scan3A_94 = %scan3A_18 to %scan3A_20 step %scan3A_21  : i32 {
      %mul3A_95 = arith.constant 1 : i32
      %mul3A_96 = arith.muli %scan3A_94, %mul3A_95 : i32
      %add3A_97 = arith.constant 0 : i32
      %add3A_98 = arith.addi %add3A_97, %mul3A_96 : i32
      %mul3A_99 = arith.constant 16 : i32
      %mul3A_100 = arith.muli %add3A_98, %mul3A_99 : i32
      %get3A = arith.index_cast %mul3A_100 : i32 to index
      %get3A_101 = tpu.vector_load %arg6[%get3A] {strides = array<i32>} : memref<16384xi32, #tpu.memory_space<vmem>>, vector<16xi32>,
      %ge3A = vector.broadcast %mul3A_8 : i32 to vector<16xi32>
      %ge3A_102 = arith.cmpi sge, %get3A_101, %ge3A : vector<16xi32>
      %lt3A_103 = vector.broadcast %min3A_13 : i32 to vector<16xi32>
      %lt3A_104 = arith.cmpi slt, %get3A_101, %lt3A_103 : vector<16xi32>
      %and3A_105 = arith.andi %ge3A_102, %lt3A_104 : vector<16xi1>
      %mul3A_106 = arith.constant 16 : i32
      %mul3A_107 = arith.muli %add3A_98, %mul3A_106 : i32
      %add3A_108 = vector.broadcast %mul3A_107 : i32 to vector<16xi32>
      %add3A_109 = arith.addi %add3A_108, %iota3A : vector<16xi32>
      %sub3A_110 = vector.broadcast %mul3A_8 : i32 to vector<16xi32>
      %sub3A_111 = arith.subi %get3A_101, %sub3A_110 : vector<16xi32>
      %jit3A_112 = arith.constant 0 : i32
      %jit3A_113 = arith.constant 3199 : i32
      %max3A = vector.broadcast %jit3A_112 : i32 to vector<16xi32>
      %max3A_114 = arith.maxsi %max3A, %sub3A_111 : vector<16xi32>
      %min3A_115 = vector.broadcast %jit3A_113 : i32 to vector<16xi32>
      %min3A_116 = arith.minsi %min3A_115, %max3A_114 : vector<16xi32>
      tpu.vector_store_idx %arg7[%min3A_116], %add3A_109 masked %and3A_105 : memref<3200xi32, #tpu.memory_space<vmem>>[vector<16xi32>], vector<16xi32>, vector<16xi1>
      %while3A_117 = scf.while (%while3A_118 = %and3A_105) : (vector<16xi1>) -> vector<16xi1> {
        %reduce_or3A = arith.constant 1.000000e+00 : f32
        %reduce_or3A_119 = arith.constant 0.000000e+00 : f32
        %reduce_or3A_120 = vector.broadcast %reduce_or3A : f32 to vector<16xf32>
        %reduce_or3A_121 = vector.broadcast %reduce_or3A_119 : f32 to vector<16xf32>
        %reduce_or3A_122 = arith.select %while3A_118, %reduce_or3A_120, %reduce_or3A_121 : vector<16xi1>, vector<16xf32>
        %reduce_or3A_123 = arith.constant true
        %reduce_or3A_124 = vector.broadcast %reduce_or3A_123 : i1 to vector<16xi1>
        %reduce_or3A_125 = tpu.scan <max>, %reduce_or3A_122 masked %reduce_or3A_124 : vector<16xf32>, vector<16xi1> -> vector<16xf32>
        %reduce_or3A_126 = vector.extract %reduce_or3A_125[15] : f32 from vector<16xf32>
        %reduce_or3A_127 = arith.constant 0.000000e+00 : f32
        %reduce_or3A_128 = arith.cmpf ogt, %reduce_or3A_126, %reduce_or3A_127 : f32
        scf.condition(%reduce_or3A_128) %while3A_118 : vector<16xi1>
      } do {
      ^bb0(%while3A_118: vector<16xi1>):
        %gather3A = tpu.vector_load_idx %arg7[%min3A_116] masked %and3A_105 : memref<3200xi32, #tpu.memory_space<vmem>>[vector<16xi32>], vector<16xi32>, vector<16xi1>
        %lt3A_119 = arith.cmpi slt, %gather3A, %add3A_109 : vector<16xi32>
        %and3A_120 = arith.andi %and3A_105, %lt3A_119 : vector<16xi1>
        tpu.vector_store_idx %arg7[%min3A_116], %add3A_109 masked %and3A_120 : memref<3200xi32, #tpu.memory_space<vmem>>[vector<16xi32>], vector<16xi32>, vector<16xi1>
        scf.yield %and3A_120 : vector<16xi1>
      }
    }
    %scan3A_22 = arith.constant 1024 : i32
    %scan3A_23 = arith.constant 0 : i32
    %scan3A_24 = arith.constant 0 : i32
    %scan3A_25 = arith.constant 200 : i32
    %scan3A_26 = arith.addi %scan3A_24, %scan3A_25 : i32
    %scan3A_27 = arith.constant 1 : i32
    %scan3A_28 = scf.for %scan3A_94 = %scan3A_24 to %scan3A_26 step %scan3A_27 iter_args(%scan3A_95 = %scan3A_23) -> (i32)  : i32 {
      %mul3A_96 = arith.constant 16 : i32
      %mul3A_97 = arith.muli %scan3A_94, %mul3A_96 : i32
      %get3A = arith.index_cast %mul3A_97 : i32 to index
      %get3A_98 = tpu.vector_load %arg7[%get3A] {strides = array<i32>} : memref<3200xi32, #tpu.memory_space<vmem>>, vector<16xi32>,
      %ge3A = arith.constant 0 : i32
      %ge3A_99 = vector.broadcast %ge3A : i32 to vector<16xi32>
      %ge3A_100 = arith.cmpi sge, %get3A_98, %ge3A_99 : vector<16xi32>
      %mul3A_101 = arith.constant 16 : i32
      %mul3A_102 = arith.muli %scan3A_94, %mul3A_101 : i32
      %add3A_103 = arith.addi %mul3A_8, %mul3A_102 : i32
      %add3A_104 = vector.broadcast %add3A_103 : i32 to vector<16xi32>
      %add3A_105 = arith.addi %add3A_104, %iota3A : vector<16xi32>
      %shift_left3A = arith.constant 14 : i32
      %shift_left3A_106 = vector.broadcast %shift_left3A : i32 to vector<16xi32>
      %shift_left3A_107 = arith.shli %add3A_105, %shift_left3A_106 : vector<16xi32>
      %or3A = arith.ori %shift_left3A_107, %get3A_98 : vector<16xi32>
      %swap3A = arith.index_cast %scan3A_95 : i32 to index
      %swap3A_108 = tpu.vector_load %arg8[%swap3A] masked %ge3A_100 {strides = array<i32>} : memref<3232xi32, #tpu.memory_space<vmem>>, vector<16xi32>, vector<16xi1>
      tpu.vector_store %arg8[%swap3A], %or3A masked %ge3A_100 {strides = array<i32>} : memref<3232xi32, #tpu.memory_space<vmem>>, vector<16xi32>, vector<16xi1>
      %all_reduce_population_count3A = tpu.all_reduce %ge3A_100 {dim = 0 : i64, kind = #tpu.reduction_kind<sum>} : vector<16xi1> -> vector<16xi32>
      %slice3A = vector.extract_strided_slice %all_reduce_population_count3A {offsets = [0], sizes = [1], strides = [1]} : vector<16xi32> to vector<1xi32>
      %squeeze3A = vector.extract %slice3A[0] : i32 from vector<1xi32>
      %add3A_109 = arith.addi %scan3A_95, %squeeze3A : i32
      scf.yield %add3A_109 : i32
    }
    %scan3A_29 = arith.constant 200 : i32
    %add3A_30 = arith.constant 16 : i32
    %add3A_31 = arith.addi %scan3A_28, %add3A_30 : i32
    %sub3A = arith.constant 1 : i32
    %sub3A_32 = arith.subi %add3A_31, %sub3A : i32
    %jit3A_33 = arith.constant 16 : i32
    %div3A = arith.divsi %sub3A_32, %jit3A_33 : i32
    %sign3A = arith.constant 0 : i32
    %sign3A_34 = arith.cmpi sgt, %sub3A_32, %sign3A : i32
    %sign3A_35 = arith.extui %sign3A_34 : i1 to i32
    %sign3A_36 = arith.constant 0 : i32
    %sign3A_37 = arith.cmpi slt, %sub3A_32, %sign3A_36 : i32
    %sign3A_38 = arith.extui %sign3A_37 : i1 to i32
    %sign3A_39 = arith.subi %sign3A_35, %sign3A_38 : i32
    %sign3A_40 = arith.constant 0 : i32
    %sign3A_41 = arith.cmpi sgt, %jit3A_33, %sign3A_40 : i32
    %sign3A_42 = arith.extui %sign3A_41 : i1 to i32
    %sign3A_43 = arith.constant 0 : i32
    %sign3A_44 = arith.cmpi slt, %jit3A_33, %sign3A_43 : i32
    %sign3A_45 = arith.extui %sign3A_44 : i1 to i32
    %sign3A_46 = arith.subi %sign3A_42, %sign3A_45 : i32
    %ne3A = arith.cmpi ne, %sign3A_39, %sign3A_46 : i32
    %rem3A = arith.remsi %sub3A_32, %jit3A_33 : i32
    %ne3A_47 = arith.constant 0 : i32
    %ne3A_48 = arith.cmpi ne, %rem3A, %ne3A_47 : i32
    %and3A = arith.andi %ne3A, %ne3A_48 : i1
    %sub3A_49 = arith.constant 1 : i32
    %sub3A_50 = arith.subi %div3A, %sub3A_49 : i32
    %select_n3A_51 = arith.select %and3A, %sub3A_50, %div3A : i32
    %mul3A_52 = arith.constant 128 : i32
    %mul3A_53 = arith.muli %add3A_4, %mul3A_52 : i32
    %multiple_of3A = tpu.assume_multiple %mul3A_53, 128 : i32
    %dma_start3A = arith.constant 0 : i32
    %dma_start3A_54 = tpu.memref_slice %arg4[%dma_start3A, %multiple_of3A] : memref<512x100000xf32, #tpu.memory_space<hbm>> -> memref<256x128xf32, #tpu.memory_space<hbm>>
    %dma_start3A_55 = arith.constant 0 : i32
    %dma_start3A_56 = tpu.memref_slice %arg4[%dma_start3A_55, %multiple_of3A] : memref<512x100000xf32, #tpu.memory_space<hbm>> -> memref<256x128xf32, #tpu.memory_space<hbm>>
    tpu.enqueue_dma source(%dma_start3A_56 : memref<256x128xf32, #tpu.memory_space<hbm>>) target(%arg11 : memref<256x128xf32, #tpu.memory_space<vmem>>) target_semaphore(%arg14 : memref<!tpu.dma_semaphore, #tpu.memory_space<semaphore_mem>>)
    %mul3A_57 = arith.constant 128 : i32
    %mul3A_58 = arith.muli %add3A_4, %mul3A_57 : i32
    %multiple_of3A_59 = tpu.assume_multiple %mul3A_58, 128 : i32
    %dma_start3A_60 = arith.constant 256 : i32
    %dma_start3A_61 = tpu.memref_slice %arg4[%dma_start3A_60, %multiple_of3A_59] : memref<512x100000xf32, #tpu.memory_space<hbm>> -> memref<256x128xf32, #tpu.memory_space<hbm>>
    %dma_start3A_62 = arith.constant 256 : i32
    %dma_start3A_63 = tpu.memref_slice %arg4[%dma_start3A_62, %multiple_of3A_59] : memref<512x100000xf32, #tpu.memory_space<hbm>> -> memref<256x128xf32, #tpu.memory_space<hbm>>
    tpu.enqueue_dma source(%dma_start3A_63 : memref<256x128xf32, #tpu.memory_space<hbm>>) target(%arg12 : memref<256x128xf32, #tpu.memory_space<vmem>>) target_semaphore(%arg15 : memref<!tpu.dma_semaphore, #tpu.memory_space<semaphore_mem>>)
    %while3A = arith.constant 0 : i32
    %while3A_64 = arith.constant 0 : i32
    %while3A_65 = arith.subi %select_n3A, %while3A : i32
    %while3A_66 = arith.addi %while3A, %while3A_65 : i32
    %while3A_67 = arith.constant 1 : i32
    %while3A_68 = arith.divsi %while3A_65, %while3A_67 : i32
    %while3A_69 = arith.muli %while3A_68, %while3A_67 : i32
    %while3A_70 = arith.addi %while3A, %while3A_69 : i32
    %while3A_71 = arith.constant 1 : i32
    %while3A_72 = scf.for %while3A_94 = %while3A to %while3A_70 step %while3A_71 iter_args(%while3A_95 = %while3A_64) -> (i32)  : i32 {
      %add3A_96 = arith.addi %add3A_4, %while3A_94 : i32
      %while3A_97 = arith.constant 0 : i32
      %while3A_98 = arith.constant 0 : i32
      %while3A_99 = arith.subi %select_n3A_51, %while3A_97 : i32
      %while3A_100 = arith.addi %while3A_97, %while3A_99 : i32
      %while3A_101 = arith.constant 1 : i32
      %while3A_102 = arith.divsi %while3A_99, %while3A_101 : i32
      %while3A_103 = arith.muli %while3A_102, %while3A_101 : i32
      %while3A_104 = arith.addi %while3A_97, %while3A_103 : i32
      %while3A_105 = arith.constant 1 : i32
      %while3A_106 = scf.for %while3A_198 = %while3A_97 to %while3A_104 step %while3A_105 iter_args(%while3A_199 = %while3A_98) -> (i32)  : i32 {
        %mul3A_200 = arith.constant 16 : i32
        %mul3A_201 = arith.muli %while3A_198, %mul3A_200 : i32
        %add3A_202 = vector.broadcast %mul3A_201 : i32 to vector<16xi32>
        %add3A_203 = arith.addi %add3A_202, %iota3A : vector<16xi32>
        %lt3A_204 = vector.broadcast %scan3A_28 : i32 to vector<16xi32>
        %lt3A_205 = arith.cmpi slt, %add3A_203, %lt3A_204 : vector<16xi32>
        %mul3A_206 = arith.constant 16 : i32
        %mul3A_207 = arith.muli %while3A_198, %mul3A_206 : i32
        %get3A = arith.index_cast %mul3A_207 : i32 to index
        %get3A_208 = tpu.vector_load %arg8[%get3A] {strides = array<i32>} : memref<3232xi32, #tpu.memory_space<vmem>>, vector<16xi32>,
        %shift_right_logical3A = arith.constant 14 : i32
        %shift_right_logical3A_209 = vector.broadcast %shift_right_logical3A : i32 to vector<16xi32>
        %shift_right_logical3A_210 = arith.shrui %get3A_208, %shift_right_logical3A_209 : vector<16xi32>
        %add3A_211 = arith.constant 1 : i32
        %add3A_212 = arith.addi %add3A_96, %add3A_211 : i32
        %mul3A_213 = arith.constant 128 : i32
        %mul3A_214 = arith.muli %add3A_212, %mul3A_213 : i32
        %lt3A_215 = vector.broadcast %mul3A_214 : i32 to vector<16xi32>
        %lt3A_216 = arith.cmpi slt, %shift_right_logical3A_210, %lt3A_215 : vector<16xi32>
        %and3A_217 = arith.andi %lt3A_205, %lt3A_216 : vector<16xi1>
        %all_reduce_population_count3A = tpu.all_reduce %and3A_217 {dim = 0 : i64, kind = #tpu.reduction_kind<sum>} : vector<16xi1> -> vector<16xi32>
        %slice3A = vector.extract_strided_slice %all_reduce_population_count3A {offsets = [0], sizes = [1], strides = [1]} : vector<16xi32> to vector<1xi32>
        %squeeze3A = vector.extract %slice3A[0] : i32 from vector<1xi32>
        %add3A_218 = arith.addi %while3A_199, %squeeze3A : i32
        scf.yield %add3A_218 : i32
      }
      %while3A_107 = arith.constant 1 : i32
      %while3A_108 = scf.for %while3A_198 = %while3A_104 to %while3A_100 step %while3A_107 iter_args(%while3A_199 = %while3A_106) -> (i32)  : i32 {
        %mul3A_200 = arith.constant 16 : i32
        %mul3A_201 = arith.muli %while3A_198, %mul3A_200 : i32
        %add3A_202 = vector.broadcast %mul3A_201 : i32 to vector<16xi32>
        %add3A_203 = arith.addi %add3A_202, %iota3A : vector<16xi32>
        %lt3A_204 = vector.broadcast %scan3A_28 : i32 to vector<16xi32>
        %lt3A_205 = arith.cmpi slt, %add3A_203, %lt3A_204 : vector<16xi32>
        %mul3A_206 = arith.constant 16 : i32
        %mul3A_207 = arith.muli %while3A_198, %mul3A_206 : i32
        %get3A = arith.index_cast %mul3A_207 : i32 to index
        %get3A_208 = tpu.vector_load %arg8[%get3A] {strides = array<i32>} : memref<3232xi32, #tpu.memory_space<vmem>>, vector<16xi32>,
        %shift_right_logical3A = arith.constant 14 : i32
        %shift_right_logical3A_209 = vector.broadcast %shift_right_logical3A : i32 to vector<16xi32>
        %shift_right_logical3A_210 = arith.shrui %get3A_208, %shift_right_logical3A_209 : vector<16xi32>
        %add3A_211 = arith.constant 1 : i32
        %add3A_212 = arith.addi %add3A_96, %add3A_211 : i32
        %mul3A_213 = arith.constant 128 : i32
        %mul3A_214 = arith.muli %add3A_212, %mul3A_213 : i32
        %lt3A_215 = vector.broadcast %mul3A_214 : i32 to vector<16xi32>
        %lt3A_216 = arith.cmpi slt, %shift_right_logical3A_210, %lt3A_215 : vector<16xi32>
        %and3A_217 = arith.andi %lt3A_205, %lt3A_216 : vector<16xi1>
        %all_reduce_population_count3A = tpu.all_reduce %and3A_217 {dim = 0 : i64, kind = #tpu.reduction_kind<sum>} : vector<16xi1> -> vector<16xi32>
        %slice3A = vector.extract_strided_slice %all_reduce_population_count3A {offsets = [0], sizes = [1], strides = [1]} : vector<16xi32> to vector<1xi32>
        %squeeze3A = vector.extract %slice3A[0] : i32 from vector<1xi32>
        %add3A_218 = arith.addi %while3A_199, %squeeze3A : i32
        scf.yield %add3A_218 : i32
      }
      %mul3A_109 = arith.constant 128 : i32
      %mul3A_110 = arith.muli %add3A_96, %mul3A_109 : i32
      %multiple_of3A_111 = tpu.assume_multiple %mul3A_110, 128 : i32
      %dma_wait3A_112 = arith.constant 0 : i32
      %dma_wait3A_113 = tpu.memref_slice %arg4[%dma_wait3A_112, %multiple_of3A_111] : memref<512x100000xf32, #tpu.memory_space<hbm>> -> memref<256x128xf32, #tpu.memory_space<hbm>>
      %dma_wait3A_114 = arith.constant 0 : i32
      %dma_wait3A_115 = tpu.memref_slice %arg4[%dma_wait3A_114, %multiple_of3A_111] : memref<512x100000xf32, #tpu.memory_space<hbm>> -> memref<256x128xf32, #tpu.memory_space<hbm>>
      tpu.wait_dma2 semaphore(%arg14 : memref<!tpu.dma_semaphore, #tpu.memory_space<semaphore_mem>>) src(%dma_wait3A_115 : memref<256x128xf32, #tpu.memory_space<hbm>>) dst(%arg11 : memref<256x128xf32, #tpu.memory_space<vmem>>)
      %sub3A_116 = arith.subi %while3A_108, %while3A_95 : i32
      %add3A_117 = arith.constant 32 : i32
      %add3A_118 = arith.addi %sub3A_116, %add3A_117 : i32
      %sub3A_119 = arith.constant 1 : i32
      %sub3A_120 = arith.subi %add3A_118, %sub3A_119 : i32
      %jit3A_121 = arith.constant 32 : i32
      %div3A_122 = arith.divsi %sub3A_120, %jit3A_121 : i32
      %sign3A_123 = arith.constant 0 : i32
      %sign3A_124 = arith.cmpi sgt, %sub3A_120, %sign3A_123 : i32
      %sign3A_125 = arith.extui %sign3A_124 : i1 to i32
      %sign3A_126 = arith.constant 0 : i32
      %sign3A_127 = arith.cmpi slt, %sub3A_120, %sign3A_126 : i32
      %sign3A_128 = arith.extui %sign3A_127 : i1 to i32
      %sign3A_129 = arith.subi %sign3A_125, %sign3A_128 : i32
      %sign3A_130 = arith.constant 0 : i32
      %sign3A_131 = arith.cmpi sgt, %jit3A_121, %sign3A_130 : i32
      %sign3A_132 = arith.extui %sign3A_131 : i1 to i32
      %sign3A_133 = arith.constant 0 : i32
      %sign3A_134 = arith.cmpi slt, %jit3A_121, %sign3A_133 : i32
      %sign3A_135 = arith.extui %sign3A_134 : i1 to i32
      %sign3A_136 = arith.subi %sign3A_132, %sign3A_135 : i32
      %ne3A_137 = arith.cmpi ne, %sign3A_129, %sign3A_136 : i32
      %rem3A_138 = arith.remsi %sub3A_120, %jit3A_121 : i32
      %ne3A_139 = arith.constant 0 : i32
      %ne3A_140 = arith.cmpi ne, %rem3A_138, %ne3A_139 : i32
      %and3A_141 = arith.andi %ne3A_137, %ne3A_140 : i1
      %sub3A_142 = arith.constant 1 : i32
      %sub3A_143 = arith.subi %div3A_122, %sub3A_142 : i32
      %select_n3A_144 = arith.select %and3A_141, %sub3A_143, %div3A_122 : i32
      %sub3A_145 = arith.constant 0 : i32
      %sub3A_146 = arith.subi %select_n3A_144, %sub3A_145 : i32
      %sub3A_147 = arith.constant 1 : i32
      %sub3A_148 = arith.constant 1 : i32
      %sub3A_149 = arith.subi %sub3A_147, %sub3A_148 : i32
      %add3A_150 = arith.addi %sub3A_146, %sub3A_149 : i32
      %div3A_151 = arith.constant 1 : i32
      %div3A_152 = arith.divsi %add3A_150, %div3A_151 : i32
      %while3A_153 = arith.constant 1 : i32
      %while3A_154 = arith.constant 0 : i32
      %while3A_155 = arith.constant 0 : i32
      %while3A_156 = arith.subi %div3A_152, %while3A_155 : i32
      %while3A_157 = arith.addi %while3A_155, %while3A_156 : i32
      %while3A_158 = arith.constant 1 : i32
      %while3A_159 = arith.divsi %while3A_156, %while3A_158 : i32
      %while3A_160 = arith.muli %while3A_159, %while3A_158 : i32
      %while3A_161 = arith.addi %while3A_155, %while3A_160 : i32
      %while3A_162 = arith.constant 1 : i32
      scf.for %while3A_198 = %while3A_155 to %while3A_161 step %while3A_162  : i32 {
        %mul3A_199 = arith.muli %while3A_198, %while3A_153 : i32
        %add3A_200 = arith.addi %while3A_154, %mul3A_199 : i32
        %mul3A_201 = arith.constant 32 : i32
        %mul3A_202 = arith.muli %add3A_200, %mul3A_201 : i32
        %add3A_203 = arith.addi %while3A_95, %mul3A_202 : i32
        %add3A_204 = arith.constant 0 : i32
        %add3A_205 = arith.addi %add3A_203, %add3A_204 : i32
        %get3A = arith.index_cast %add3A_205 : i32 to index
        %get3A_206 = tpu.vector_load %arg8[%get3A] {strides = array<i32>} : memref<3232xi32, #tpu.memory_space<vmem>>, vector<16xi32>,
        %and3A_207 = arith.constant 16383 : i32
        %and3A_208 = vector.broadcast %and3A_207 : i32 to vector<16xi32>
        %and3A_209 = arith.andi %get3A_206, %and3A_208 : vector<16xi32>
        %swap3A = arith.constant 0 : index
        %swap3A_210 = tpu.vector_load %arg9[%swap3A] {strides = array<i32>} : memref<32xi32, #tpu.memory_space<vmem>>, vector<16xi32>,
        tpu.vector_store %arg9[%swap3A], %and3A_209 {strides = array<i32>} : memref<32xi32, #tpu.memory_space<vmem>>, vector<16xi32>,
        %add3A_211 = arith.constant 16 : i32
        %add3A_212 = arith.addi %add3A_203, %add3A_211 : i32
        %get3A_213 = arith.index_cast %add3A_212 : i32 to index
        %get3A_214 = tpu.vector_load %arg8[%get3A_213] {strides = array<i32>} : memref<3232xi32, #tpu.memory_space<vmem>>, vector<16xi32>,
        %and3A_215 = arith.constant 16383 : i32
        %and3A_216 = vector.broadcast %and3A_215 : i32 to vector<16xi32>
        %and3A_217 = arith.andi %get3A_214, %and3A_216 : vector<16xi32>
        %swap3A_218 = arith.constant 16 : index
        %swap3A_219 = tpu.vector_load %arg9[%swap3A_218] {strides = array<i32>} : memref<32xi32, #tpu.memory_space<vmem>>, vector<16xi32>,
        tpu.vector_store %arg9[%swap3A_218], %and3A_217 {strides = array<i32>} : memref<32xi32, #tpu.memory_space<vmem>>, vector<16xi32>,
        %dma_start3A_220 = arith.constant 0 : i32
        %dma_start3A_221 = arith.constant 0 : i32
        %dma_start3A_222 = tpu.memref_slice %arg3[%dma_start3A_220, %dma_start3A_221] : memref<16384x512xf32, #tpu.memory_space<hbm>> -> memref<16384x512xf32, #tpu.memory_space<hbm>>
        tpu.enqueue_indirect_dma source(%dma_start3A_222 : memref<16384x512xf32, #tpu.memory_space<hbm>>) target(%arg10 : memref<32x512xf32, #tpu.memory_space<vmem>>) offsets(%arg9 : memref<32xi32, #tpu.memory_space<vmem>>) semaphore(%arg13 : memref<!tpu.dma_semaphore, #tpu.memory_space<semaphore_mem>>)
        %dma_wait3A_223 = arith.constant 0 : i32
        %dma_wait3A_224 = arith.constant 0 : i32
        %dma_wait3A_225 = tpu.memref_slice %arg3[%dma_wait3A_223, %dma_wait3A_224] : memref<16384x512xf32, #tpu.memory_space<hbm>> -> memref<16384x512xf32, #tpu.memory_space<hbm>>
        tpu.wait_indirect_dma semaphore(%arg13 : memref<!tpu.dma_semaphore, #tpu.memory_space<semaphore_mem>>) src(%dma_wait3A_225 : memref<16384x512xf32, #tpu.memory_space<hbm>>) dst(%arg10 : memref<32x512xf32, #tpu.memory_space<vmem>>)
        %sub3A_226 = arith.subi %while3A_108, %add3A_203 : i32
        %min3A_227 = arith.constant 32 : i32
        %min3A_228 = arith.minsi %sub3A_226, %min3A_227 : i32
        %sub3A_229 = arith.constant 0 : i32
        %sub3A_230 = arith.subi %min3A_228, %sub3A_229 : i32
        %sub3A_231 = arith.constant 1 : i32
        %sub3A_232 = arith.constant 1 : i32
        %sub3A_233 = arith.subi %sub3A_231, %sub3A_232 : i32
        %add3A_234 = arith.addi %sub3A_230, %sub3A_233 : i32
        %div3A_235 = arith.constant 1 : i32
        %div3A_236 = arith.divsi %add3A_234, %div3A_235 : i32
        %while3A_237 = arith.constant 1 : i32
        %while3A_238 = arith.constant 0 : i32
        %while3A_239 = arith.constant 0 : i32
        %while3A_240 = arith.subi %div3A_236, %while3A_239 : i32
        %while3A_241 = arith.addi %while3A_239, %while3A_240 : i32
        %while3A_242 = arith.constant 1 : i32
        %while3A_243 = arith.divsi %while3A_240, %while3A_242 : i32
        %while3A_244 = arith.muli %while3A_243, %while3A_242 : i32
        %while3A_245 = arith.addi %while3A_239, %while3A_244 : i32
        %while3A_246 = arith.constant 1 : i32
        scf.for %while3A_248 = %while3A_239 to %while3A_245 step %while3A_246  : i32 {
          %mul3A_249 = arith.muli %while3A_248, %while3A_237 : i32
          %add3A_250 = arith.addi %while3A_238, %mul3A_249 : i32
          %add3A_251 = arith.addi %add3A_203, %add3A_250 : i32
          %get3A_252 = arith.index_cast %add3A_251 : i32 to index
          %get3A_253 = tpu.vector_load %arg8[%get3A_252] {strides = array<i32>} : memref<3232xi32, #tpu.memory_space<vmem>>, vector<16xi32>,
          %slice3A = vector.extract_strided_slice %get3A_253 {offsets = [0], sizes = [1], strides = [1]} : vector<16xi32> to vector<1xi32>
          %squeeze3A = vector.extract %slice3A[0] : i32 from vector<1xi32>
          %shift_right_arithmetic3A = arith.constant 14 : i32
          %shift_right_arithmetic3A_254 = arith.shrsi %squeeze3A, %shift_right_arithmetic3A : i32
          %mul3A_255 = arith.constant 128 : i32
          %mul3A_256 = arith.muli %add3A_96, %mul3A_255 : i32
          %sub3A_257 = arith.subi %shift_right_arithmetic3A_254, %mul3A_256 : i32
          %broadcast_in_dim3A = vector.broadcast %sub3A_257 : i32 to vector<16xi32>
          %broadcast_in_dim3A_258 = vector.broadcast %add3A_250 : i32 to vector<16xi32>
          %add3A_259 = arith.constant 0 : i32
          %add3A_260 = vector.broadcast %add3A_259 : i32 to vector<16xi32>
          %add3A_261 = arith.addi %add3A_260, %iota3A : vector<16xi32>
          %add3A_262 = arith.constant 0 : i32
          %add3A_263 = vector.broadcast %add3A_262 : i32 to vector<16xi32>
          %add3A_264 = arith.addi %add3A_263, %add3A_261 : vector<16xi32>
          %gather3A = tpu.vector_load_idx %arg10[%broadcast_in_dim3A_258, %add3A_264] : memref<32x512xf32, #tpu.memory_space<vmem>>[vector<16xi32>, vector<16xi32>], vector<16xf32>,
          tpu.vector_store_idx %arg11[%add3A_261, %broadcast_in_dim3A], %gather3A : memref<256x128xf32, #tpu.memory_space<vmem>>[vector<16xi32>, vector<16xi32>], vector<16xf32>,
          %add3A_265 = arith.constant 16 : i32
          %add3A_266 = vector.broadcast %add3A_265 : i32 to vector<16xi32>
          %add3A_267 = arith.addi %add3A_266, %iota3A : vector<16xi32>
          %add3A_268 = arith.constant 0 : i32
          %add3A_269 = vector.broadcast %add3A_268 : i32 to vector<16xi32>
          %add3A_270 = arith.addi %add3A_269, %add3A_267 : vector<16xi32>
          %gather3A_271 = tpu.vector_load_idx %arg10[%broadcast_in_dim3A_258, %add3A_270] : memref<32x512xf32, #tpu.memory_space<vmem>>[vector<16xi32>, vector<16xi32>], vector<16xf32>,
          tpu.vector_store_idx %arg11[%add3A_267, %broadcast_in_dim3A], %gather3A_271 : memref<256x128xf32, #tpu.memory_space<vmem>>[vector<16xi32>, vector<16xi32>], vector<16xf32>,
          %add3A_272 = arith.constant 32 : i32
          %add3A_273 = vector.broadcast %add3A_272 : i32 to vector<16xi32>
          %add3A_274 = arith.addi %add3A_273, %iota3A : vector<16xi32>
          %add3A_275 = arith.constant 0 : i32
          %add3A_276 = vector.broadcast %add3A_275 : i32 to vector<16xi32>
          %add3A_277 = arith.addi %add3A_276, %add3A_274 : vector<16xi32>
          %gather3A_278 = tpu.vector_load_idx %arg10[%broadcast_in_dim3A_258, %add3A_277] : memref<32x512xf32, #tpu.memory_space<vmem>>[vector<16xi32>, vector<16xi32>], vector<16xf32>,
          tpu.vector_store_idx %arg11[%add3A_274, %broadcast_in_dim3A], %gather3A_278 : memref<256x128xf32, #tpu.memory_space<vmem>>[vector<16xi32>, vector<16xi32>], vector<16xf32>,
          %add3A_279 = arith.constant 48 : i32
          %add3A_280 = vector.broadcast %add3A_279 : i32 to vector<16xi32>
          %add3A_281 = arith.addi %add3A_280, %iota3A : vector<16xi32>
          %add3A_282 = arith.constant 0 : i32
          %add3A_283 = vector.broadcast %add3A_282 : i32 to vector<16xi32>
          %add3A_284 = arith.addi %add3A_283, %add3A_281 : vector<16xi32>
          %gather3A_285 = tpu.vector_load_idx %arg10[%broadcast_in_dim3A_258, %add3A_284] : memref<32x512xf32, #tpu.memory_space<vmem>>[vector<16xi32>, vector<16xi32>], vector<16xf32>,
          tpu.vector_store_idx %arg11[%add3A_281, %broadcast_in_dim3A], %gather3A_285 : memref<256x128xf32, #tpu.memory_space<vmem>>[vector<16xi32>, vector<16xi32>], vector<16xf32>,
          %add3A_286 = arith.constant 64 : i32
          %add3A_287 = vector.broadcast %add3A_286 : i32 to vector<16xi32>
          %add3A_288 = arith.addi %add3A_287, %iota3A : vector<16xi32>
          %add3A_289 = arith.constant 0 : i32
          %add3A_290 = vector.broadcast %add3A_289 : i32 to vector<16xi32>
          %add3A_291 = arith.addi %add3A_290, %add3A_288 : vector<16xi32>
          %gather3A_292 = tpu.vector_load_idx %arg10[%broadcast_in_dim3A_258, %add3A_291] : memref<32x512xf32, #tpu.memory_space<vmem>>[vector<16xi32>, vector<16xi32>], vector<16xf32>,
          tpu.vector_store_idx %arg11[%add3A_288, %broadcast_in_dim3A], %gather3A_292 : memref<256x128xf32, #tpu.memory_space<vmem>>[vector<16xi32>, vector<16xi32>], vector<16xf32>,
          %add3A_293 = arith.constant 80 : i32
          %add3A_294 = vector.broadcast %add3A_293 : i32 to vector<16xi32>
          %add3A_295 = arith.addi %add3A_294, %iota3A : vector<16xi32>
          %add3A_296 = arith.constant 0 : i32
          %add3A_297 = vector.broadcast %add3A_296 : i32 to vector<16xi32>
          %add3A_298 = arith.addi %add3A_297, %add3A_295 : vector<16xi32>
          %gather3A_299 = tpu.vector_load_idx %arg10[%broadcast_in_dim3A_258, %add3A_298] : memref<32x512xf32, #tpu.memory_space<vmem>>[vector<16xi32>, vector<16xi32>], vector<16xf32>,
          tpu.vector_store_idx %arg11[%add3A_295, %broadcast_in_dim3A], %gather3A_299 : memref<256x128xf32, #tpu.memory_space<vmem>>[vector<16xi32>, vector<16xi32>], vector<16xf32>,
          %add3A_300 = arith.constant 96 : i32
          %add3A_301 = vector.broadcast %add3A_300 : i32 to vector<16xi32>
          %add3A_302 = arith.addi %add3A_301, %iota3A : vector<16xi32>
          %add3A_303 = arith.constant 0 : i32
          %add3A_304 = vector.broadcast %add3A_303 : i32 to vector<16xi32>
          %add3A_305 = arith.addi %add3A_304, %add3A_302 : vector<16xi32>
          %gather3A_306 = tpu.vector_load_idx %arg10[%broadcast_in_dim3A_258, %add3A_305] : memref<32x512xf32, #tpu.memory_space<vmem>>[vector<16xi32>, vector<16xi32>], vector<16xf32>,
          tpu.vector_store_idx %arg11[%add3A_302, %broadcast_in_dim3A], %gather3A_306 : memref<256x128xf32, #tpu.memory_space<vmem>>[vector<16xi32>, vector<16xi32>], vector<16xf32>,
          %add3A_307 = arith.constant 112 : i32
          %add3A_308 = vector.broadcast %add3A_307 : i32 to vector<16xi32>
          %add3A_309 = arith.addi %add3A_308, %iota3A : vector<16xi32>
          %add3A_310 = arith.constant 0 : i32
          %add3A_311 = vector.broadcast %add3A_310 : i32 to vector<16xi32>
          %add3A_312 = arith.addi %add3A_311, %add3A_309 : vector<16xi32>
          %gather3A_313 = tpu.vector_load_idx %arg10[%broadcast_in_dim3A_258, %add3A_312] : memref<32x512xf32, #tpu.memory_space<vmem>>[vector<16xi32>, vector<16xi32>], vector<16xf32>,
          tpu.vector_store_idx %arg11[%add3A_309, %broadcast_in_dim3A], %gather3A_313 : memref<256x128xf32, #tpu.memory_space<vmem>>[vector<16xi32>, vector<16xi32>], vector<16xf32>,
          %add3A_314 = arith.constant 128 : i32
          %add3A_315 = vector.broadcast %add3A_314 : i32 to vector<16xi32>
          %add3A_316 = arith.addi %add3A_315, %iota3A : vector<16xi32>
          %add3A_317 = arith.constant 0 : i32
          %add3A_318 = vector.broadcast %add3A_317 : i32 to vector<16xi32>
          %add3A_319 = arith.addi %add3A_318, %add3A_316 : vector<16xi32>
          %gather3A_320 = tpu.vector_load_idx %arg10[%broadcast_in_dim3A_258, %add3A_319] : memref<32x512xf32, #tpu.memory_space<vmem>>[vector<16xi32>, vector<16xi32>], vector<16xf32>,
          tpu.vector_store_idx %arg11[%add3A_316, %broadcast_in_dim3A], %gather3A_320 : memref<256x128xf32, #tpu.memory_space<vmem>>[vector<16xi32>, vector<16xi32>], vector<16xf32>,
          %add3A_321 = arith.constant 144 : i32
          %add3A_322 = vector.broadcast %add3A_321 : i32 to vector<16xi32>
          %add3A_323 = arith.addi %add3A_322, %iota3A : vector<16xi32>
          %add3A_324 = arith.constant 0 : i32
          %add3A_325 = vector.broadcast %add3A_324 : i32 to vector<16xi32>
          %add3A_326 = arith.addi %add3A_325, %add3A_323 : vector<16xi32>
          %gather3A_327 = tpu.vector_load_idx %arg10[%broadcast_in_dim3A_258, %add3A_326] : memref<32x512xf32, #tpu.memory_space<vmem>>[vector<16xi32>, vector<16xi32>], vector<16xf32>,
          tpu.vector_store_idx %arg11[%add3A_323, %broadcast_in_dim3A], %gather3A_327 : memref<256x128xf32, #tpu.memory_space<vmem>>[vector<16xi32>, vector<16xi32>], vector<16xf32>,
          %add3A_328 = arith.constant 160 : i32
          %add3A_329 = vector.broadcast %add3A_328 : i32 to vector<16xi32>
          %add3A_330 = arith.addi %add3A_329, %iota3A : vector<16xi32>
          %add3A_331 = arith.constant 0 : i32
          %add3A_332 = vector.broadcast %add3A_331 : i32 to vector<16xi32>
          %add3A_333 = arith.addi %add3A_332, %add3A_330 : vector<16xi32>
          %gather3A_334 = tpu.vector_load_idx %arg10[%broadcast_in_dim3A_258, %add3A_333] : memref<32x512xf32, #tpu.memory_space<vmem>>[vector<16xi32>, vector<16xi32>], vector<16xf32>,
          tpu.vector_store_idx %arg11[%add3A_330, %broadcast_in_dim3A], %gather3A_334 : memref<256x128xf32, #tpu.memory_space<vmem>>[vector<16xi32>, vector<16xi32>], vector<16xf32>,
          %add3A_335 = arith.constant 176 : i32
          %add3A_336 = vector.broadcast %add3A_335 : i32 to vector<16xi32>
          %add3A_337 = arith.addi %add3A_336, %iota3A : vector<16xi32>
          %add3A_338 = arith.constant 0 : i32
          %add3A_339 = vector.broadcast %add3A_338 : i32 to vector<16xi32>
          %add3A_340 = arith.addi %add3A_339, %add3A_337 : vector<16xi32>
          %gather3A_341 = tpu.vector_load_idx %arg10[%broadcast_in_dim3A_258, %add3A_340] : memref<32x512xf32, #tpu.memory_space<vmem>>[vector<16xi32>, vector<16xi32>], vector<16xf32>,
          tpu.vector_store_idx %arg11[%add3A_337, %broadcast_in_dim3A], %gather3A_341 : memref<256x128xf32, #tpu.memory_space<vmem>>[vector<16xi32>, vector<16xi32>], vector<16xf32>,
          %add3A_342 = arith.constant 192 : i32
          %add3A_343 = vector.broadcast %add3A_342 : i32 to vector<16xi32>
          %add3A_344 = arith.addi %add3A_343, %iota3A : vector<16xi32>
          %add3A_345 = arith.constant 0 : i32
          %add3A_346 = vector.broadcast %add3A_345 : i32 to vector<16xi32>
          %add3A_347 = arith.addi %add3A_346, %add3A_344 : vector<16xi32>
          %gather3A_348 = tpu.vector_load_idx %arg10[%broadcast_in_dim3A_258, %add3A_347] : memref<32x512xf32, #tpu.memory_space<vmem>>[vector<16xi32>, vector<16xi32>], vector<16xf32>,
          tpu.vector_store_idx %arg11[%add3A_344, %broadcast_in_dim3A], %gather3A_348 : memref<256x128xf32, #tpu.memory_space<vmem>>[vector<16xi32>, vector<16xi32>], vector<16xf32>,
          %add3A_349 = arith.constant 208 : i32
          %add3A_350 = vector.broadcast %add3A_349 : i32 to vector<16xi32>
          %add3A_351 = arith.addi %add3A_350, %iota3A : vector<16xi32>
          %add3A_352 = arith.constant 0 : i32
          %add3A_353 = vector.broadcast %add3A_352 : i32 to vector<16xi32>
          %add3A_354 = arith.addi %add3A_353, %add3A_351 : vector<16xi32>
          %gather3A_355 = tpu.vector_load_idx %arg10[%broadcast_in_dim3A_258, %add3A_354] : memref<32x512xf32, #tpu.memory_space<vmem>>[vector<16xi32>, vector<16xi32>], vector<16xf32>,
          tpu.vector_store_idx %arg11[%add3A_351, %broadcast_in_dim3A], %gather3A_355 : memref<256x128xf32, #tpu.memory_space<vmem>>[vector<16xi32>, vector<16xi32>], vector<16xf32>,
          %add3A_356 = arith.constant 224 : i32
          %add3A_357 = vector.broadcast %add3A_356 : i32 to vector<16xi32>
          %add3A_358 = arith.addi %add3A_357, %iota3A : vector<16xi32>
          %add3A_359 = arith.constant 0 : i32
          %add3A_360 = vector.broadcast %add3A_359 : i32 to vector<16xi32>
          %add3A_361 = arith.addi %add3A_360, %add3A_358 : vector<16xi32>
          %gather3A_362 = tpu.vector_load_idx %arg10[%broadcast_in_dim3A_258, %add3A_361] : memref<32x512xf32, #tpu.memory_space<vmem>>[vector<16xi32>, vector<16xi32>], vector<16xf32>,
          tpu.vector_store_idx %arg11[%add3A_358, %broadcast_in_dim3A], %gather3A_362 : memref<256x128xf32, #tpu.memory_space<vmem>>[vector<16xi32>, vector<16xi32>], vector<16xf32>,
          %add3A_363 = arith.constant 240 : i32
          %add3A_364 = vector.broadcast %add3A_363 : i32 to vector<16xi32>
          %add3A_365 = arith.addi %add3A_364, %iota3A : vector<16xi32>
          %add3A_366 = arith.constant 0 : i32
          %add3A_367 = vector.broadcast %add3A_366 : i32 to vector<16xi32>
          %add3A_368 = arith.addi %add3A_367, %add3A_365 : vector<16xi32>
          %gather3A_369 = tpu.vector_load_idx %arg10[%broadcast_in_dim3A_258, %add3A_368] : memref<32x512xf32, #tpu.memory_space<vmem>>[vector<16xi32>, vector<16xi32>], vector<16xf32>,
          tpu.vector_store_idx %arg11[%add3A_365, %broadcast_in_dim3A], %gather3A_369 : memref<256x128xf32, #tpu.memory_space<vmem>>[vector<16xi32>, vector<16xi32>], vector<16xf32>,
        }
        %while3A_247 = arith.constant 1 : i32
        scf.for %while3A_248 = %while3A_245 to %while3A_241 step %while3A_247  : i32 {
          %mul3A_249 = arith.muli %while3A_248, %while3A_237 : i32
          %add3A_250 = arith.addi %while3A_238, %mul3A_249 : i32
          %add3A_251 = arith.addi %add3A_203, %add3A_250 : i32
          %get3A_252 = arith.index_cast %add3A_251 : i32 to index
          %get3A_253 = tpu.vector_load %arg8[%get3A_252] {strides = array<i32>} : memref<3232xi32, #tpu.memory_space<vmem>>, vector<16xi32>,
          %slice3A = vector.extract_strided_slice %get3A_253 {offsets = [0], sizes = [1], strides = [1]} : vector<16xi32> to vector<1xi32>
          %squeeze3A = vector.extract %slice3A[0] : i32 from vector<1xi32>
          %shift_right_arithmetic3A = arith.constant 14 : i32
          %shift_right_arithmetic3A_254 = arith.shrsi %squeeze3A, %shift_right_arithmetic3A : i32
          %mul3A_255 = arith.constant 128 : i32
          %mul3A_256 = arith.muli %add3A_96, %mul3A_255 : i32
          %sub3A_257 = arith.subi %shift_right_arithmetic3A_254, %mul3A_256 : i32
          %broadcast_in_dim3A = vector.broadcast %sub3A_257 : i32 to vector<16xi32>
          %broadcast_in_dim3A_258 = vector.broadcast %add3A_250 : i32 to vector<16xi32>
          %add3A_259 = arith.constant 0 : i32
          %add3A_260 = vector.broadcast %add3A_259 : i32 to vector<16xi32>
          %add3A_261 = arith.addi %add3A_260, %iota3A : vector<16xi32>
          %add3A_262 = arith.constant 0 : i32
          %add3A_263 = vector.broadcast %add3A_262 : i32 to vector<16xi32>
          %add3A_264 = arith.addi %add3A_263, %add3A_261 : vector<16xi32>
          %gather3A = tpu.vector_load_idx %arg10[%broadcast_in_dim3A_258, %add3A_264] : memref<32x512xf32, #tpu.memory_space<vmem>>[vector<16xi32>, vector<16xi32>], vector<16xf32>,
          tpu.vector_store_idx %arg11[%add3A_261, %broadcast_in_dim3A], %gather3A : memref<256x128xf32, #tpu.memory_space<vmem>>[vector<16xi32>, vector<16xi32>], vector<16xf32>,
          %add3A_265 = arith.constant 16 : i32
          %add3A_266 = vector.broadcast %add3A_265 : i32 to vector<16xi32>
          %add3A_267 = arith.addi %add3A_266, %iota3A : vector<16xi32>
          %add3A_268 = arith.constant 0 : i32
          %add3A_269 = vector.broadcast %add3A_268 : i32 to vector<16xi32>
          %add3A_270 = arith.addi %add3A_269, %add3A_267 : vector<16xi32>
          %gather3A_271 = tpu.vector_load_idx %arg10[%broadcast_in_dim3A_258, %add3A_270] : memref<32x512xf32, #tpu.memory_space<vmem>>[vector<16xi32>, vector<16xi32>], vector<16xf32>,
          tpu.vector_store_idx %arg11[%add3A_267, %broadcast_in_dim3A], %gather3A_271 : memref<256x128xf32, #tpu.memory_space<vmem>>[vector<16xi32>, vector<16xi32>], vector<16xf32>,
          %add3A_272 = arith.constant 32 : i32
          %add3A_273 = vector.broadcast %add3A_272 : i32 to vector<16xi32>
          %add3A_274 = arith.addi %add3A_273, %iota3A : vector<16xi32>
          %add3A_275 = arith.constant 0 : i32
          %add3A_276 = vector.broadcast %add3A_275 : i32 to vector<16xi32>
          %add3A_277 = arith.addi %add3A_276, %add3A_274 : vector<16xi32>
          %gather3A_278 = tpu.vector_load_idx %arg10[%broadcast_in_dim3A_258, %add3A_277] : memref<32x512xf32, #tpu.memory_space<vmem>>[vector<16xi32>, vector<16xi32>], vector<16xf32>,
          tpu.vector_store_idx %arg11[%add3A_274, %broadcast_in_dim3A], %gather3A_278 : memref<256x128xf32, #tpu.memory_space<vmem>>[vector<16xi32>, vector<16xi32>], vector<16xf32>,
          %add3A_279 = arith.constant 48 : i32
          %add3A_280 = vector.broadcast %add3A_279 : i32 to vector<16xi32>
          %add3A_281 = arith.addi %add3A_280, %iota3A : vector<16xi32>
          %add3A_282 = arith.constant 0 : i32
          %add3A_283 = vector.broadcast %add3A_282 : i32 to vector<16xi32>
          %add3A_284 = arith.addi %add3A_283, %add3A_281 : vector<16xi32>
          %gather3A_285 = tpu.vector_load_idx %arg10[%broadcast_in_dim3A_258, %add3A_284] : memref<32x512xf32, #tpu.memory_space<vmem>>[vector<16xi32>, vector<16xi32>], vector<16xf32>,
          tpu.vector_store_idx %arg11[%add3A_281, %broadcast_in_dim3A], %gather3A_285 : memref<256x128xf32, #tpu.memory_space<vmem>>[vector<16xi32>, vector<16xi32>], vector<16xf32>,
          %add3A_286 = arith.constant 64 : i32
          %add3A_287 = vector.broadcast %add3A_286 : i32 to vector<16xi32>
          %add3A_288 = arith.addi %add3A_287, %iota3A : vector<16xi32>
          %add3A_289 = arith.constant 0 : i32
          %add3A_290 = vector.broadcast %add3A_289 : i32 to vector<16xi32>
          %add3A_291 = arith.addi %add3A_290, %add3A_288 : vector<16xi32>
          %gather3A_292 = tpu.vector_load_idx %arg10[%broadcast_in_dim3A_258, %add3A_291] : memref<32x512xf32, #tpu.memory_space<vmem>>[vector<16xi32>, vector<16xi32>], vector<16xf32>,
          tpu.vector_store_idx %arg11[%add3A_288, %broadcast_in_dim3A], %gather3A_292 : memref<256x128xf32, #tpu.memory_space<vmem>>[vector<16xi32>, vector<16xi32>], vector<16xf32>,
          %add3A_293 = arith.constant 80 : i32
          %add3A_294 = vector.broadcast %add3A_293 : i32 to vector<16xi32>
          %add3A_295 = arith.addi %add3A_294, %iota3A : vector<16xi32>
          %add3A_296 = arith.constant 0 : i32
          %add3A_297 = vector.broadcast %add3A_296 : i32 to vector<16xi32>
          %add3A_298 = arith.addi %add3A_297, %add3A_295 : vector<16xi32>
          %gather3A_299 = tpu.vector_load_idx %arg10[%broadcast_in_dim3A_258, %add3A_298] : memref<32x512xf32, #tpu.memory_space<vmem>>[vector<16xi32>, vector<16xi32>], vector<16xf32>,
          tpu.vector_store_idx %arg11[%add3A_295, %broadcast_in_dim3A], %gather3A_299 : memref<256x128xf32, #tpu.memory_space<vmem>>[vector<16xi32>, vector<16xi32>], vector<16xf32>,
          %add3A_300 = arith.constant 96 : i32
          %add3A_301 = vector.broadcast %add3A_300 : i32 to vector<16xi32>
          %add3A_302 = arith.addi %add3A_301, %iota3A : vector<16xi32>
          %add3A_303 = arith.constant 0 : i32
          %add3A_304 = vector.broadcast %add3A_303 : i32 to vector<16xi32>
          %add3A_305 = arith.addi %add3A_304, %add3A_302 : vector<16xi32>
          %gather3A_306 = tpu.vector_load_idx %arg10[%broadcast_in_dim3A_258, %add3A_305] : memref<32x512xf32, #tpu.memory_space<vmem>>[vector<16xi32>, vector<16xi32>], vector<16xf32>,
          tpu.vector_store_idx %arg11[%add3A_302, %broadcast_in_dim3A], %gather3A_306 : memref<256x128xf32, #tpu.memory_space<vmem>>[vector<16xi32>, vector<16xi32>], vector<16xf32>,
          %add3A_307 = arith.constant 112 : i32
          %add3A_308 = vector.broadcast %add3A_307 : i32 to vector<16xi32>
          %add3A_309 = arith.addi %add3A_308, %iota3A : vector<16xi32>
          %add3A_310 = arith.constant 0 : i32
          %add3A_311 = vector.broadcast %add3A_310 : i32 to vector<16xi32>
          %add3A_312 = arith.addi %add3A_311, %add3A_309 : vector<16xi32>
          %gather3A_313 = tpu.vector_load_idx %arg10[%broadcast_in_dim3A_258, %add3A_312] : memref<32x512xf32, #tpu.memory_space<vmem>>[vector<16xi32>, vector<16xi32>], vector<16xf32>,
          tpu.vector_store_idx %arg11[%add3A_309, %broadcast_in_dim3A], %gather3A_313 : memref<256x128xf32, #tpu.memory_space<vmem>>[vector<16xi32>, vector<16xi32>], vector<16xf32>,
          %add3A_314 = arith.constant 128 : i32
          %add3A_315 = vector.broadcast %add3A_314 : i32 to vector<16xi32>
          %add3A_316 = arith.addi %add3A_315, %iota3A : vector<16xi32>
          %add3A_317 = arith.constant 0 : i32
          %add3A_318 = vector.broadcast %add3A_317 : i32 to vector<16xi32>
          %add3A_319 = arith.addi %add3A_318, %add3A_316 : vector<16xi32>
          %gather3A_320 = tpu.vector_load_idx %arg10[%broadcast_in_dim3A_258, %add3A_319] : memref<32x512xf32, #tpu.memory_space<vmem>>[vector<16xi32>, vector<16xi32>], vector<16xf32>,
          tpu.vector_store_idx %arg11[%add3A_316, %broadcast_in_dim3A], %gather3A_320 : memref<256x128xf32, #tpu.memory_space<vmem>>[vector<16xi32>, vector<16xi32>], vector<16xf32>,
          %add3A_321 = arith.constant 144 : i32
          %add3A_322 = vector.broadcast %add3A_321 : i32 to vector<16xi32>
          %add3A_323 = arith.addi %add3A_322, %iota3A : vector<16xi32>
          %add3A_324 = arith.constant 0 : i32
          %add3A_325 = vector.broadcast %add3A_324 : i32 to vector<16xi32>
          %add3A_326 = arith.addi %add3A_325, %add3A_323 : vector<16xi32>
          %gather3A_327 = tpu.vector_load_idx %arg10[%broadcast_in_dim3A_258, %add3A_326] : memref<32x512xf32, #tpu.memory_space<vmem>>[vector<16xi32>, vector<16xi32>], vector<16xf32>,
          tpu.vector_store_idx %arg11[%add3A_323, %broadcast_in_dim3A], %gather3A_327 : memref<256x128xf32, #tpu.memory_space<vmem>>[vector<16xi32>, vector<16xi32>], vector<16xf32>,
          %add3A_328 = arith.constant 160 : i32
          %add3A_329 = vector.broadcast %add3A_328 : i32 to vector<16xi32>
          %add3A_330 = arith.addi %add3A_329, %iota3A : vector<16xi32>
          %add3A_331 = arith.constant 0 : i32
          %add3A_332 = vector.broadcast %add3A_331 : i32 to vector<16xi32>
          %add3A_333 = arith.addi %add3A_332, %add3A_330 : vector<16xi32>
          %gather3A_334 = tpu.vector_load_idx %arg10[%broadcast_in_dim3A_258, %add3A_333] : memref<32x512xf32, #tpu.memory_space<vmem>>[vector<16xi32>, vector<16xi32>], vector<16xf32>,
          tpu.vector_store_idx %arg11[%add3A_330, %broadcast_in_dim3A], %gather3A_334 : memref<256x128xf32, #tpu.memory_space<vmem>>[vector<16xi32>, vector<16xi32>], vector<16xf32>,
          %add3A_335 = arith.constant 176 : i32
          %add3A_336 = vector.broadcast %add3A_335 : i32 to vector<16xi32>
          %add3A_337 = arith.addi %add3A_336, %iota3A : vector<16xi32>
          %add3A_338 = arith.constant 0 : i32
          %add3A_339 = vector.broadcast %add3A_338 : i32 to vector<16xi32>
          %add3A_340 = arith.addi %add3A_339, %add3A_337 : vector<16xi32>
          %gather3A_341 = tpu.vector_load_idx %arg10[%broadcast_in_dim3A_258, %add3A_340] : memref<32x512xf32, #tpu.memory_space<vmem>>[vector<16xi32>, vector<16xi32>], vector<16xf32>,
          tpu.vector_store_idx %arg11[%add3A_337, %broadcast_in_dim3A], %gather3A_341 : memref<256x128xf32, #tpu.memory_space<vmem>>[vector<16xi32>, vector<16xi32>], vector<16xf32>,
          %add3A_342 = arith.constant 192 : i32
          %add3A_343 = vector.broadcast %add3A_342 : i32 to vector<16xi32>
          %add3A_344 = arith.addi %add3A_343, %iota3A : vector<16xi32>
          %add3A_345 = arith.constant 0 : i32
          %add3A_346 = vector.broadcast %add3A_345 : i32 to vector<16xi32>
          %add3A_347 = arith.addi %add3A_346, %add3A_344 : vector<16xi32>
          %gather3A_348 = tpu.vector_load_idx %arg10[%broadcast_in_dim3A_258, %add3A_347] : memref<32x512xf32, #tpu.memory_space<vmem>>[vector<16xi32>, vector<16xi32>], vector<16xf32>,
          tpu.vector_store_idx %arg11[%add3A_344, %broadcast_in_dim3A], %gather3A_348 : memref<256x128xf32, #tpu.memory_space<vmem>>[vector<16xi32>, vector<16xi32>], vector<16xf32>,
          %add3A_349 = arith.constant 208 : i32
          %add3A_350 = vector.broadcast %add3A_349 : i32 to vector<16xi32>
          %add3A_351 = arith.addi %add3A_350, %iota3A : vector<16xi32>
          %add3A_352 = arith.constant 0 : i32
          %add3A_353 = vector.broadcast %add3A_352 : i32 to vector<16xi32>
          %add3A_354 = arith.addi %add3A_353, %add3A_351 : vector<16xi32>
          %gather3A_355 = tpu.vector_load_idx %arg10[%broadcast_in_dim3A_258, %add3A_354] : memref<32x512xf32, #tpu.memory_space<vmem>>[vector<16xi32>, vector<16xi32>], vector<16xf32>,
          tpu.vector_store_idx %arg11[%add3A_351, %broadcast_in_dim3A], %gather3A_355 : memref<256x128xf32, #tpu.memory_space<vmem>>[vector<16xi32>, vector<16xi32>], vector<16xf32>,
          %add3A_356 = arith.constant 224 : i32
          %add3A_357 = vector.broadcast %add3A_356 : i32 to vector<16xi32>
          %add3A_358 = arith.addi %add3A_357, %iota3A : vector<16xi32>
          %add3A_359 = arith.constant 0 : i32
          %add3A_360 = vector.broadcast %add3A_359 : i32 to vector<16xi32>
          %add3A_361 = arith.addi %add3A_360, %add3A_358 : vector<16xi32>
          %gather3A_362 = tpu.vector_load_idx %arg10[%broadcast_in_dim3A_258, %add3A_361] : memref<32x512xf32, #tpu.memory_space<vmem>>[vector<16xi32>, vector<16xi32>], vector<16xf32>,
          tpu.vector_store_idx %arg11[%add3A_358, %broadcast_in_dim3A], %gather3A_362 : memref<256x128xf32, #tpu.memory_space<vmem>>[vector<16xi32>, vector<16xi32>], vector<16xf32>,
          %add3A_363 = arith.constant 240 : i32
          %add3A_364 = vector.broadcast %add3A_363 : i32 to vector<16xi32>
          %add3A_365 = arith.addi %add3A_364, %iota3A : vector<16xi32>
          %add3A_366 = arith.constant 0 : i32
          %add3A_367 = vector.broadcast %add3A_366 : i32 to vector<16xi32>
          %add3A_368 = arith.addi %add3A_367, %add3A_365 : vector<16xi32>
          %gather3A_369 = tpu.vector_load_idx %arg10[%broadcast_in_dim3A_258, %add3A_368] : memref<32x512xf32, #tpu.memory_space<vmem>>[vector<16xi32>, vector<16xi32>], vector<16xf32>,
          tpu.vector_store_idx %arg11[%add3A_365, %broadcast_in_dim3A], %gather3A_369 : memref<256x128xf32, #tpu.memory_space<vmem>>[vector<16xi32>, vector<16xi32>], vector<16xf32>,
        }
      }
      %while3A_163 = arith.constant 1 : i32
      scf.for %while3A_198 = %while3A_161 to %while3A_157 step %while3A_163  : i32 {
        %mul3A_199 = arith.muli %while3A_198, %while3A_153 : i32
        %add3A_200 = arith.addi %while3A_154, %mul3A_199 : i32
        %mul3A_201 = arith.constant 32 : i32
        %mul3A_202 = arith.muli %add3A_200, %mul3A_201 : i32
        %add3A_203 = arith.addi %while3A_95, %mul3A_202 : i32
        %add3A_204 = arith.constant 0 : i32
        %add3A_205 = arith.addi %add3A_203, %add3A_204 : i32
        %get3A = arith.index_cast %add3A_205 : i32 to index
        %get3A_206 = tpu.vector_load %arg8[%get3A] {strides = array<i32>} : memref<3232xi32, #tpu.memory_space<vmem>>, vector<16xi32>,
        %and3A_207 = arith.constant 16383 : i32
        %and3A_208 = vector.broadcast %and3A_207 : i32 to vector<16xi32>
        %and3A_209 = arith.andi %get3A_206, %and3A_208 : vector<16xi32>
        %swap3A = arith.constant 0 : index
        %swap3A_210 = tpu.vector_load %arg9[%swap3A] {strides = array<i32>} : memref<32xi32, #tpu.memory_space<vmem>>, vector<16xi32>,
        tpu.vector_store %arg9[%swap3A], %and3A_209 {strides = array<i32>} : memref<32xi32, #tpu.memory_space<vmem>>, vector<16xi32>,
        %add3A_211 = arith.constant 16 : i32
        %add3A_212 = arith.addi %add3A_203, %add3A_211 : i32
        %get3A_213 = arith.index_cast %add3A_212 : i32 to index
        %get3A_214 = tpu.vector_load %arg8[%get3A_213] {strides = array<i32>} : memref<3232xi32, #tpu.memory_space<vmem>>, vector<16xi32>,
        %and3A_215 = arith.constant 16383 : i32
        %and3A_216 = vector.broadcast %and3A_215 : i32 to vector<16xi32>
        %and3A_217 = arith.andi %get3A_214, %and3A_216 : vector<16xi32>
        %swap3A_218 = arith.constant 16 : index
        %swap3A_219 = tpu.vector_load %arg9[%swap3A_218] {strides = array<i32>} : memref<32xi32, #tpu.memory_space<vmem>>, vector<16xi32>,
        tpu.vector_store %arg9[%swap3A_218], %and3A_217 {strides = array<i32>} : memref<32xi32, #tpu.memory_space<vmem>>, vector<16xi32>,
        %dma_start3A_220 = arith.constant 0 : i32
        %dma_start3A_221 = arith.constant 0 : i32
        %dma_start3A_222 = tpu.memref_slice %arg3[%dma_start3A_220, %dma_start3A_221] : memref<16384x512xf32, #tpu.memory_space<hbm>> -> memref<16384x512xf32, #tpu.memory_space<hbm>>
        tpu.enqueue_indirect_dma source(%dma_start3A_222 : memref<16384x512xf32, #tpu.memory_space<hbm>>) target(%arg10 : memref<32x512xf32, #tpu.memory_space<vmem>>) offsets(%arg9 : memref<32xi32, #tpu.memory_space<vmem>>) semaphore(%arg13 : memref<!tpu.dma_semaphore, #tpu.memory_space<semaphore_mem>>)
        %dma_wait3A_223 = arith.constant 0 : i32
        %dma_wait3A_224 = arith.constant 0 : i32
        %dma_wait3A_225 = tpu.memref_slice %arg3[%dma_wait3A_223, %dma_wait3A_224] : memref<16384x512xf32, #tpu.memory_space<hbm>> -> memref<16384x512xf32, #tpu.memory_space<hbm>>
        tpu.wait_indirect_dma semaphore(%arg13 : memref<!tpu.dma_semaphore, #tpu.memory_space<semaphore_mem>>) src(%dma_wait3A_225 : memref<16384x512xf32, #tpu.memory_space<hbm>>) dst(%arg10 : memref<32x512xf32, #tpu.memory_space<vmem>>)
        %sub3A_226 = arith.subi %while3A_108, %add3A_203 : i32
        %min3A_227 = arith.constant 32 : i32
        %min3A_228 = arith.minsi %sub3A_226, %min3A_227 : i32
        %sub3A_229 = arith.constant 0 : i32
        %sub3A_230 = arith.subi %min3A_228, %sub3A_229 : i32
        %sub3A_231 = arith.constant 1 : i32
        %sub3A_232 = arith.constant 1 : i32
        %sub3A_233 = arith.subi %sub3A_231, %sub3A_232 : i32
        %add3A_234 = arith.addi %sub3A_230, %sub3A_233 : i32
        %div3A_235 = arith.constant 1 : i32
        %div3A_236 = arith.divsi %add3A_234, %div3A_235 : i32
        %while3A_237 = arith.constant 1 : i32
        %while3A_238 = arith.constant 0 : i32
        %while3A_239 = arith.constant 0 : i32
        %while3A_240 = arith.subi %div3A_236, %while3A_239 : i32
        %while3A_241 = arith.addi %while3A_239, %while3A_240 : i32
        %while3A_242 = arith.constant 1 : i32
        %while3A_243 = arith.divsi %while3A_240, %while3A_242 : i32
        %while3A_244 = arith.muli %while3A_243, %while3A_242 : i32
        %while3A_245 = arith.addi %while3A_239, %while3A_244 : i32
        %while3A_246 = arith.constant 1 : i32
        scf.for %while3A_248 = %while3A_239 to %while3A_245 step %while3A_246  : i32 {
          %mul3A_249 = arith.muli %while3A_248, %while3A_237 : i32
          %add3A_250 = arith.addi %while3A_238, %mul3A_249 : i32
          %add3A_251 = arith.addi %add3A_203, %add3A_250 : i32
          %get3A_252 = arith.index_cast %add3A_251 : i32 to index
          %get3A_253 = tpu.vector_load %arg8[%get3A_252] {strides = array<i32>} : memref<3232xi32, #tpu.memory_space<vmem>>, vector<16xi32>,
          %slice3A = vector.extract_strided_slice %get3A_253 {offsets = [0], sizes = [1], strides = [1]} : vector<16xi32> to vector<1xi32>
          %squeeze3A = vector.extract %slice3A[0] : i32 from vector<1xi32>
          %shift_right_arithmetic3A = arith.constant 14 : i32
          %shift_right_arithmetic3A_254 = arith.shrsi %squeeze3A, %shift_right_arithmetic3A : i32
          %mul3A_255 = arith.constant 128 : i32
          %mul3A_256 = arith.muli %add3A_96, %mul3A_255 : i32
          %sub3A_257 = arith.subi %shift_right_arithmetic3A_254, %mul3A_256 : i32
          %broadcast_in_dim3A = vector.broadcast %sub3A_257 : i32 to vector<16xi32>
          %broadcast_in_dim3A_258 = vector.broadcast %add3A_250 : i32 to vector<16xi32>
          %add3A_259 = arith.constant 0 : i32
          %add3A_260 = vector.broadcast %add3A_259 : i32 to vector<16xi32>
          %add3A_261 = arith.addi %add3A_260, %iota3A : vector<16xi32>
          %add3A_262 = arith.constant 0 : i32
          %add3A_263 = vector.broadcast %add3A_262 : i32 to vector<16xi32>
          %add3A_264 = arith.addi %add3A_263, %add3A_261 : vector<16xi32>
          %gather3A = tpu.vector_load_idx %arg10[%broadcast_in_dim3A_258, %add3A_264] : memref<32x512xf32, #tpu.memory_space<vmem>>[vector<16xi32>, vector<16xi32>], vector<16xf32>,
          tpu.vector_store_idx %arg11[%add3A_261, %broadcast_in_dim3A], %gather3A : memref<256x128xf32, #tpu.memory_space<vmem>>[vector<16xi32>, vector<16xi32>], vector<16xf32>,
          %add3A_265 = arith.constant 16 : i32
          %add3A_266 = vector.broadcast %add3A_265 : i32 to vector<16xi32>
          %add3A_267 = arith.addi %add3A_266, %iota3A : vector<16xi32>
          %add3A_268 = arith.constant 0 : i32
          %add3A_269 = vector.broadcast %add3A_268 : i32 to vector<16xi32>
          %add3A_270 = arith.addi %add3A_269, %add3A_267 : vector<16xi32>
          %gather3A_271 = tpu.vector_load_idx %arg10[%broadcast_in_dim3A_258, %add3A_270] : memref<32x512xf32, #tpu.memory_space<vmem>>[vector<16xi32>, vector<16xi32>], vector<16xf32>,
          tpu.vector_store_idx %arg11[%add3A_267, %broadcast_in_dim3A], %gather3A_271 : memref<256x128xf32, #tpu.memory_space<vmem>>[vector<16xi32>, vector<16xi32>], vector<16xf32>,
          %add3A_272 = arith.constant 32 : i32
          %add3A_273 = vector.broadcast %add3A_272 : i32 to vector<16xi32>
          %add3A_274 = arith.addi %add3A_273, %iota3A : vector<16xi32>
          %add3A_275 = arith.constant 0 : i32
          %add3A_276 = vector.broadcast %add3A_275 : i32 to vector<16xi32>
          %add3A_277 = arith.addi %add3A_276, %add3A_274 : vector<16xi32>
          %gather3A_278 = tpu.vector_load_idx %arg10[%broadcast_in_dim3A_258, %add3A_277] : memref<32x512xf32, #tpu.memory_space<vmem>>[vector<16xi32>, vector<16xi32>], vector<16xf32>,
          tpu.vector_store_idx %arg11[%add3A_274, %broadcast_in_dim3A], %gather3A_278 : memref<256x128xf32, #tpu.memory_space<vmem>>[vector<16xi32>, vector<16xi32>], vector<16xf32>,
          %add3A_279 = arith.constant 48 : i32
          %add3A_280 = vector.broadcast %add3A_279 : i32 to vector<16xi32>
          %add3A_281 = arith.addi %add3A_280, %iota3A : vector<16xi32>
          %add3A_282 = arith.constant 0 : i32
          %add3A_283 = vector.broadcast %add3A_282 : i32 to vector<16xi32>
          %add3A_284 = arith.addi %add3A_283, %add3A_281 : vector<16xi32>
          %gather3A_285 = tpu.vector_load_idx %arg10[%broadcast_in_dim3A_258, %add3A_284] : memref<32x512xf32, #tpu.memory_space<vmem>>[vector<16xi32>, vector<16xi32>], vector<16xf32>,
          tpu.vector_store_idx %arg11[%add3A_281, %broadcast_in_dim3A], %gather3A_285 : memref<256x128xf32, #tpu.memory_space<vmem>>[vector<16xi32>, vector<16xi32>], vector<16xf32>,
          %add3A_286 = arith.constant 64 : i32
          %add3A_287 = vector.broadcast %add3A_286 : i32 to vector<16xi32>
          %add3A_288 = arith.addi %add3A_287, %iota3A : vector<16xi32>
          %add3A_289 = arith.constant 0 : i32
          %add3A_290 = vector.broadcast %add3A_289 : i32 to vector<16xi32>
          %add3A_291 = arith.addi %add3A_290, %add3A_288 : vector<16xi32>
          %gather3A_292 = tpu.vector_load_idx %arg10[%broadcast_in_dim3A_258, %add3A_291] : memref<32x512xf32, #tpu.memory_space<vmem>>[vector<16xi32>, vector<16xi32>], vector<16xf32>,
          tpu.vector_store_idx %arg11[%add3A_288, %broadcast_in_dim3A], %gather3A_292 : memref<256x128xf32, #tpu.memory_space<vmem>>[vector<16xi32>, vector<16xi32>], vector<16xf32>,
          %add3A_293 = arith.constant 80 : i32
          %add3A_294 = vector.broadcast %add3A_293 : i32 to vector<16xi32>
          %add3A_295 = arith.addi %add3A_294, %iota3A : vector<16xi32>
          %add3A_296 = arith.constant 0 : i32
          %add3A_297 = vector.broadcast %add3A_296 : i32 to vector<16xi32>
          %add3A_298 = arith.addi %add3A_297, %add3A_295 : vector<16xi32>
          %gather3A_299 = tpu.vector_load_idx %arg10[%broadcast_in_dim3A_258, %add3A_298] : memref<32x512xf32, #tpu.memory_space<vmem>>[vector<16xi32>, vector<16xi32>], vector<16xf32>,
          tpu.vector_store_idx %arg11[%add3A_295, %broadcast_in_dim3A], %gather3A_299 : memref<256x128xf32, #tpu.memory_space<vmem>>[vector<16xi32>, vector<16xi32>], vector<16xf32>,
          %add3A_300 = arith.constant 96 : i32
          %add3A_301 = vector.broadcast %add3A_300 : i32 to vector<16xi32>
          %add3A_302 = arith.addi %add3A_301, %iota3A : vector<16xi32>
          %add3A_303 = arith.constant 0 : i32
          %add3A_304 = vector.broadcast %add3A_303 : i32 to vector<16xi32>
          %add3A_305 = arith.addi %add3A_304, %add3A_302 : vector<16xi32>
          %gather3A_306 = tpu.vector_load_idx %arg10[%broadcast_in_dim3A_258, %add3A_305] : memref<32x512xf32, #tpu.memory_space<vmem>>[vector<16xi32>, vector<16xi32>], vector<16xf32>,
          tpu.vector_store_idx %arg11[%add3A_302, %broadcast_in_dim3A], %gather3A_306 : memref<256x128xf32, #tpu.memory_space<vmem>>[vector<16xi32>, vector<16xi32>], vector<16xf32>,
          %add3A_307 = arith.constant 112 : i32
          %add3A_308 = vector.broadcast %add3A_307 : i32 to vector<16xi32>
          %add3A_309 = arith.addi %add3A_308, %iota3A : vector<16xi32>
          %add3A_310 = arith.constant 0 : i32
          %add3A_311 = vector.broadcast %add3A_310 : i32 to vector<16xi32>
          %add3A_312 = arith.addi %add3A_311, %add3A_309 : vector<16xi32>
          %gather3A_313 = tpu.vector_load_idx %arg10[%broadcast_in_dim3A_258, %add3A_312] : memref<32x512xf32, #tpu.memory_space<vmem>>[vector<16xi32>, vector<16xi32>], vector<16xf32>,
          tpu.vector_store_idx %arg11[%add3A_309, %broadcast_in_dim3A], %gather3A_313 : memref<256x128xf32, #tpu.memory_space<vmem>>[vector<16xi32>, vector<16xi32>], vector<16xf32>,
          %add3A_314 = arith.constant 128 : i32
          %add3A_315 = vector.broadcast %add3A_314 : i32 to vector<16xi32>
          %add3A_316 = arith.addi %add3A_315, %iota3A : vector<16xi32>
          %add3A_317 = arith.constant 0 : i32
          %add3A_318 = vector.broadcast %add3A_317 : i32 to vector<16xi32>
          %add3A_319 = arith.addi %add3A_318, %add3A_316 : vector<16xi32>
          %gather3A_320 = tpu.vector_load_idx %arg10[%broadcast_in_dim3A_258, %add3A_319] : memref<32x512xf32, #tpu.memory_space<vmem>>[vector<16xi32>, vector<16xi32>], vector<16xf32>,
          tpu.vector_store_idx %arg11[%add3A_316, %broadcast_in_dim3A], %gather3A_320 : memref<256x128xf32, #tpu.memory_space<vmem>>[vector<16xi32>, vector<16xi32>], vector<16xf32>,
          %add3A_321 = arith.constant 144 : i32
          %add3A_322 = vector.broadcast %add3A_321 : i32 to vector<16xi32>
          %add3A_323 = arith.addi %add3A_322, %iota3A : vector<16xi32>
          %add3A_324 = arith.constant 0 : i32
          %add3A_325 = vector.broadcast %add3A_324 : i32 to vector<16xi32>
          %add3A_326 = arith.addi %add3A_325, %add3A_323 : vector<16xi32>
          %gather3A_327 = tpu.vector_load_idx %arg10[%broadcast_in_dim3A_258, %add3A_326] : memref<32x512xf32, #tpu.memory_space<vmem>>[vector<16xi32>, vector<16xi32>], vector<16xf32>,
          tpu.vector_store_idx %arg11[%add3A_323, %broadcast_in_dim3A], %gather3A_327 : memref<256x128xf32, #tpu.memory_space<vmem>>[vector<16xi32>, vector<16xi32>], vector<16xf32>,
          %add3A_328 = arith.constant 160 : i32
          %add3A_329 = vector.broadcast %add3A_328 : i32 to vector<16xi32>
          %add3A_330 = arith.addi %add3A_329, %iota3A : vector<16xi32>
          %add3A_331 = arith.constant 0 : i32
          %add3A_332 = vector.broadcast %add3A_331 : i32 to vector<16xi32>
          %add3A_333 = arith.addi %add3A_332, %add3A_330 : vector<16xi32>
          %gather3A_334 = tpu.vector_load_idx %arg10[%broadcast_in_dim3A_258, %add3A_333] : memref<32x512xf32, #tpu.memory_space<vmem>>[vector<16xi32>, vector<16xi32>], vector<16xf32>,
          tpu.vector_store_idx %arg11[%add3A_330, %broadcast_in_dim3A], %gather3A_334 : memref<256x128xf32, #tpu.memory_space<vmem>>[vector<16xi32>, vector<16xi32>], vector<16xf32>,
          %add3A_335 = arith.constant 176 : i32
          %add3A_336 = vector.broadcast %add3A_335 : i32 to vector<16xi32>
          %add3A_337 = arith.addi %add3A_336, %iota3A : vector<16xi32>
          %add3A_338 = arith.constant 0 : i32
          %add3A_339 = vector.broadcast %add3A_338 : i32 to vector<16xi32>
          %add3A_340 = arith.addi %add3A_339, %add3A_337 : vector<16xi32>
          %gather3A_341 = tpu.vector_load_idx %arg10[%broadcast_in_dim3A_258, %add3A_340] : memref<32x512xf32, #tpu.memory_space<vmem>>[vector<16xi32>, vector<16xi32>], vector<16xf32>,
          tpu.vector_store_idx %arg11[%add3A_337, %broadcast_in_dim3A], %gather3A_341 : memref<256x128xf32, #tpu.memory_space<vmem>>[vector<16xi32>, vector<16xi32>], vector<16xf32>,
          %add3A_342 = arith.constant 192 : i32
          %add3A_343 = vector.broadcast %add3A_342 : i32 to vector<16xi32>
          %add3A_344 = arith.addi %add3A_343, %iota3A : vector<16xi32>
          %add3A_345 = arith.constant 0 : i32
          %add3A_346 = vector.broadcast %add3A_345 : i32 to vector<16xi32>
          %add3A_347 = arith.addi %add3A_346, %add3A_344 : vector<16xi32>
          %gather3A_348 = tpu.vector_load_idx %arg10[%broadcast_in_dim3A_258, %add3A_347] : memref<32x512xf32, #tpu.memory_space<vmem>>[vector<16xi32>, vector<16xi32>], vector<16xf32>,
          tpu.vector_store_idx %arg11[%add3A_344, %broadcast_in_dim3A], %gather3A_348 : memref<256x128xf32, #tpu.memory_space<vmem>>[vector<16xi32>, vector<16xi32>], vector<16xf32>,
          %add3A_349 = arith.constant 208 : i32
          %add3A_350 = vector.broadcast %add3A_349 : i32 to vector<16xi32>
          %add3A_351 = arith.addi %add3A_350, %iota3A : vector<16xi32>
          %add3A_352 = arith.constant 0 : i32
          %add3A_353 = vector.broadcast %add3A_352 : i32 to vector<16xi32>
          %add3A_354 = arith.addi %add3A_353, %add3A_351 : vector<16xi32>
          %gather3A_355 = tpu.vector_load_idx %arg10[%broadcast_in_dim3A_258, %add3A_354] : memref<32x512xf32, #tpu.memory_space<vmem>>[vector<16xi32>, vector<16xi32>], vector<16xf32>,
          tpu.vector_store_idx %arg11[%add3A_351, %broadcast_in_dim3A], %gather3A_355 : memref<256x128xf32, #tpu.memory_space<vmem>>[vector<16xi32>, vector<16xi32>], vector<16xf32>,
          %add3A_356 = arith.constant 224 : i32
          %add3A_357 = vector.broadcast %add3A_356 : i32 to vector<16xi32>
          %add3A_358 = arith.addi %add3A_357, %iota3A : vector<16xi32>
          %add3A_359 = arith.constant 0 : i32
          %add3A_360 = vector.broadcast %add3A_359 : i32 to vector<16xi32>
          %add3A_361 = arith.addi %add3A_360, %add3A_358 : vector<16xi32>
          %gather3A_362 = tpu.vector_load_idx %arg10[%broadcast_in_dim3A_258, %add3A_361] : memref<32x512xf32, #tpu.memory_space<vmem>>[vector<16xi32>, vector<16xi32>], vector<16xf32>,
          tpu.vector_store_idx %arg11[%add3A_358, %broadcast_in_dim3A], %gather3A_362 : memref<256x128xf32, #tpu.memory_space<vmem>>[vector<16xi32>, vector<16xi32>], vector<16xf32>,
          %add3A_363 = arith.constant 240 : i32
          %add3A_364 = vector.broadcast %add3A_363 : i32 to vector<16xi32>
          %add3A_365 = arith.addi %add3A_364, %iota3A : vector<16xi32>
          %add3A_366 = arith.constant 0 : i32
          %add3A_367 = vector.broadcast %add3A_366 : i32 to vector<16xi32>
          %add3A_368 = arith.addi %add3A_367, %add3A_365 : vector<16xi32>
          %gather3A_369 = tpu.vector_load_idx %arg10[%broadcast_in_dim3A_258, %add3A_368] : memref<32x512xf32, #tpu.memory_space<vmem>>[vector<16xi32>, vector<16xi32>], vector<16xf32>,
          tpu.vector_store_idx %arg11[%add3A_365, %broadcast_in_dim3A], %gather3A_369 : memref<256x128xf32, #tpu.memory_space<vmem>>[vector<16xi32>, vector<16xi32>], vector<16xf32>,
        }
        %while3A_247 = arith.constant 1 : i32
        scf.for %while3A_248 = %while3A_245 to %while3A_241 step %while3A_247  : i32 {
          %mul3A_249 = arith.muli %while3A_248, %while3A_237 : i32
          %add3A_250 = arith.addi %while3A_238, %mul3A_249 : i32
          %add3A_251 = arith.addi %add3A_203, %add3A_250 : i32
          %get3A_252 = arith.index_cast %add3A_251 : i32 to index
          %get3A_253 = tpu.vector_load %arg8[%get3A_252] {strides = array<i32>} : memref<3232xi32, #tpu.memory_space<vmem>>, vector<16xi32>,
          %slice3A = vector.extract_strided_slice %get3A_253 {offsets = [0], sizes = [1], strides = [1]} : vector<16xi32> to vector<1xi32>
          %squeeze3A = vector.extract %slice3A[0] : i32 from vector<1xi32>
          %shift_right_arithmetic3A = arith.constant 14 : i32
          %shift_right_arithmetic3A_254 = arith.shrsi %squeeze3A, %shift_right_arithmetic3A : i32
          %mul3A_255 = arith.constant 128 : i32
          %mul3A_256 = arith.muli %add3A_96, %mul3A_255 : i32
          %sub3A_257 = arith.subi %shift_right_arithmetic3A_254, %mul3A_256 : i32
          %broadcast_in_dim3A = vector.broadcast %sub3A_257 : i32 to vector<16xi32>
          %broadcast_in_dim3A_258 = vector.broadcast %add3A_250 : i32 to vector<16xi32>
          %add3A_259 = arith.constant 0 : i32
          %add3A_260 = vector.broadcast %add3A_259 : i32 to vector<16xi32>
          %add3A_261 = arith.addi %add3A_260, %iota3A : vector<16xi32>
          %add3A_262 = arith.constant 0 : i32
          %add3A_263 = vector.broadcast %add3A_262 : i32 to vector<16xi32>
          %add3A_264 = arith.addi %add3A_263, %add3A_261 : vector<16xi32>
          %gather3A = tpu.vector_load_idx %arg10[%broadcast_in_dim3A_258, %add3A_264] : memref<32x512xf32, #tpu.memory_space<vmem>>[vector<16xi32>, vector<16xi32>], vector<16xf32>,
          tpu.vector_store_idx %arg11[%add3A_261, %broadcast_in_dim3A], %gather3A : memref<256x128xf32, #tpu.memory_space<vmem>>[vector<16xi32>, vector<16xi32>], vector<16xf32>,
          %add3A_265 = arith.constant 16 : i32
          %add3A_266 = vector.broadcast %add3A_265 : i32 to vector<16xi32>
          %add3A_267 = arith.addi %add3A_266, %iota3A : vector<16xi32>
          %add3A_268 = arith.constant 0 : i32
          %add3A_269 = vector.broadcast %add3A_268 : i32 to vector<16xi32>
          %add3A_270 = arith.addi %add3A_269, %add3A_267 : vector<16xi32>
          %gather3A_271 = tpu.vector_load_idx %arg10[%broadcast_in_dim3A_258, %add3A_270] : memref<32x512xf32, #tpu.memory_space<vmem>>[vector<16xi32>, vector<16xi32>], vector<16xf32>,
          tpu.vector_store_idx %arg11[%add3A_267, %broadcast_in_dim3A], %gather3A_271 : memref<256x128xf32, #tpu.memory_space<vmem>>[vector<16xi32>, vector<16xi32>], vector<16xf32>,
          %add3A_272 = arith.constant 32 : i32
          %add3A_273 = vector.broadcast %add3A_272 : i32 to vector<16xi32>
          %add3A_274 = arith.addi %add3A_273, %iota3A : vector<16xi32>
          %add3A_275 = arith.constant 0 : i32
          %add3A_276 = vector.broadcast %add3A_275 : i32 to vector<16xi32>
          %add3A_277 = arith.addi %add3A_276, %add3A_274 : vector<16xi32>
          %gather3A_278 = tpu.vector_load_idx %arg10[%broadcast_in_dim3A_258, %add3A_277] : memref<32x512xf32, #tpu.memory_space<vmem>>[vector<16xi32>, vector<16xi32>], vector<16xf32>,
          tpu.vector_store_idx %arg11[%add3A_274, %broadcast_in_dim3A], %gather3A_278 : memref<256x128xf32, #tpu.memory_space<vmem>>[vector<16xi32>, vector<16xi32>], vector<16xf32>,
          %add3A_279 = arith.constant 48 : i32
          %add3A_280 = vector.broadcast %add3A_279 : i32 to vector<16xi32>
          %add3A_281 = arith.addi %add3A_280, %iota3A : vector<16xi32>
          %add3A_282 = arith.constant 0 : i32
          %add3A_283 = vector.broadcast %add3A_282 : i32 to vector<16xi32>
          %add3A_284 = arith.addi %add3A_283, %add3A_281 : vector<16xi32>
          %gather3A_285 = tpu.vector_load_idx %arg10[%broadcast_in_dim3A_258, %add3A_284] : memref<32x512xf32, #tpu.memory_space<vmem>>[vector<16xi32>, vector<16xi32>], vector<16xf32>,
          tpu.vector_store_idx %arg11[%add3A_281, %broadcast_in_dim3A], %gather3A_285 : memref<256x128xf32, #tpu.memory_space<vmem>>[vector<16xi32>, vector<16xi32>], vector<16xf32>,
          %add3A_286 = arith.constant 64 : i32
          %add3A_287 = vector.broadcast %add3A_286 : i32 to vector<16xi32>
          %add3A_288 = arith.addi %add3A_287, %iota3A : vector<16xi32>
          %add3A_289 = arith.constant 0 : i32
          %add3A_290 = vector.broadcast %add3A_289 : i32 to vector<16xi32>
          %add3A_291 = arith.addi %add3A_290, %add3A_288 : vector<16xi32>
          %gather3A_292 = tpu.vector_load_idx %arg10[%broadcast_in_dim3A_258, %add3A_291] : memref<32x512xf32, #tpu.memory_space<vmem>>[vector<16xi32>, vector<16xi32>], vector<16xf32>,
          tpu.vector_store_idx %arg11[%add3A_288, %broadcast_in_dim3A], %gather3A_292 : memref<256x128xf32, #tpu.memory_space<vmem>>[vector<16xi32>, vector<16xi32>], vector<16xf32>,
          %add3A_293 = arith.constant 80 : i32
          %add3A_294 = vector.broadcast %add3A_293 : i32 to vector<16xi32>
          %add3A_295 = arith.addi %add3A_294, %iota3A : vector<16xi32>
          %add3A_296 = arith.constant 0 : i32
          %add3A_297 = vector.broadcast %add3A_296 : i32 to vector<16xi32>
          %add3A_298 = arith.addi %add3A_297, %add3A_295 : vector<16xi32>
          %gather3A_299 = tpu.vector_load_idx %arg10[%broadcast_in_dim3A_258, %add3A_298] : memref<32x512xf32, #tpu.memory_space<vmem>>[vector<16xi32>, vector<16xi32>], vector<16xf32>,
          tpu.vector_store_idx %arg11[%add3A_295, %broadcast_in_dim3A], %gather3A_299 : memref<256x128xf32, #tpu.memory_space<vmem>>[vector<16xi32>, vector<16xi32>], vector<16xf32>,
          %add3A_300 = arith.constant 96 : i32
          %add3A_301 = vector.broadcast %add3A_300 : i32 to vector<16xi32>
          %add3A_302 = arith.addi %add3A_301, %iota3A : vector<16xi32>
          %add3A_303 = arith.constant 0 : i32
          %add3A_304 = vector.broadcast %add3A_303 : i32 to vector<16xi32>
          %add3A_305 = arith.addi %add3A_304, %add3A_302 : vector<16xi32>
          %gather3A_306 = tpu.vector_load_idx %arg10[%broadcast_in_dim3A_258, %add3A_305] : memref<32x512xf32, #tpu.memory_space<vmem>>[vector<16xi32>, vector<16xi32>], vector<16xf32>,
          tpu.vector_store_idx %arg11[%add3A_302, %broadcast_in_dim3A], %gather3A_306 : memref<256x128xf32, #tpu.memory_space<vmem>>[vector<16xi32>, vector<16xi32>], vector<16xf32>,
          %add3A_307 = arith.constant 112 : i32
          %add3A_308 = vector.broadcast %add3A_307 : i32 to vector<16xi32>
          %add3A_309 = arith.addi %add3A_308, %iota3A : vector<16xi32>
          %add3A_310 = arith.constant 0 : i32
          %add3A_311 = vector.broadcast %add3A_310 : i32 to vector<16xi32>
          %add3A_312 = arith.addi %add3A_311, %add3A_309 : vector<16xi32>
          %gather3A_313 = tpu.vector_load_idx %arg10[%broadcast_in_dim3A_258, %add3A_312] : memref<32x512xf32, #tpu.memory_space<vmem>>[vector<16xi32>, vector<16xi32>], vector<16xf32>,
          tpu.vector_store_idx %arg11[%add3A_309, %broadcast_in_dim3A], %gather3A_313 : memref<256x128xf32, #tpu.memory_space<vmem>>[vector<16xi32>, vector<16xi32>], vector<16xf32>,
          %add3A_314 = arith.constant 128 : i32
          %add3A_315 = vector.broadcast %add3A_314 : i32 to vector<16xi32>
          %add3A_316 = arith.addi %add3A_315, %iota3A : vector<16xi32>
          %add3A_317 = arith.constant 0 : i32
          %add3A_318 = vector.broadcast %add3A_317 : i32 to vector<16xi32>
          %add3A_319 = arith.addi %add3A_318, %add3A_316 : vector<16xi32>
          %gather3A_320 = tpu.vector_load_idx %arg10[%broadcast_in_dim3A_258, %add3A_319] : memref<32x512xf32, #tpu.memory_space<vmem>>[vector<16xi32>, vector<16xi32>], vector<16xf32>,
          tpu.vector_store_idx %arg11[%add3A_316, %broadcast_in_dim3A], %gather3A_320 : memref<256x128xf32, #tpu.memory_space<vmem>>[vector<16xi32>, vector<16xi32>], vector<16xf32>,
          %add3A_321 = arith.constant 144 : i32
          %add3A_322 = vector.broadcast %add3A_321 : i32 to vector<16xi32>
          %add3A_323 = arith.addi %add3A_322, %iota3A : vector<16xi32>
          %add3A_324 = arith.constant 0 : i32
          %add3A_325 = vector.broadcast %add3A_324 : i32 to vector<16xi32>
          %add3A_326 = arith.addi %add3A_325, %add3A_323 : vector<16xi32>
          %gather3A_327 = tpu.vector_load_idx %arg10[%broadcast_in_dim3A_258, %add3A_326] : memref<32x512xf32, #tpu.memory_space<vmem>>[vector<16xi32>, vector<16xi32>], vector<16xf32>,
          tpu.vector_store_idx %arg11[%add3A_323, %broadcast_in_dim3A], %gather3A_327 : memref<256x128xf32, #tpu.memory_space<vmem>>[vector<16xi32>, vector<16xi32>], vector<16xf32>,
          %add3A_328 = arith.constant 160 : i32
          %add3A_329 = vector.broadcast %add3A_328 : i32 to vector<16xi32>
          %add3A_330 = arith.addi %add3A_329, %iota3A : vector<16xi32>
          %add3A_331 = arith.constant 0 : i32
          %add3A_332 = vector.broadcast %add3A_331 : i32 to vector<16xi32>
          %add3A_333 = arith.addi %add3A_332, %add3A_330 : vector<16xi32>
          %gather3A_334 = tpu.vector_load_idx %arg10[%broadcast_in_dim3A_258, %add3A_333] : memref<32x512xf32, #tpu.memory_space<vmem>>[vector<16xi32>, vector<16xi32>], vector<16xf32>,
          tpu.vector_store_idx %arg11[%add3A_330, %broadcast_in_dim3A], %gather3A_334 : memref<256x128xf32, #tpu.memory_space<vmem>>[vector<16xi32>, vector<16xi32>], vector<16xf32>,
          %add3A_335 = arith.constant 176 : i32
          %add3A_336 = vector.broadcast %add3A_335 : i32 to vector<16xi32>
          %add3A_337 = arith.addi %add3A_336, %iota3A : vector<16xi32>
          %add3A_338 = arith.constant 0 : i32
          %add3A_339 = vector.broadcast %add3A_338 : i32 to vector<16xi32>
          %add3A_340 = arith.addi %add3A_339, %add3A_337 : vector<16xi32>
          %gather3A_341 = tpu.vector_load_idx %arg10[%broadcast_in_dim3A_258, %add3A_340] : memref<32x512xf32, #tpu.memory_space<vmem>>[vector<16xi32>, vector<16xi32>], vector<16xf32>,
          tpu.vector_store_idx %arg11[%add3A_337, %broadcast_in_dim3A], %gather3A_341 : memref<256x128xf32, #tpu.memory_space<vmem>>[vector<16xi32>, vector<16xi32>], vector<16xf32>,
          %add3A_342 = arith.constant 192 : i32
          %add3A_343 = vector.broadcast %add3A_342 : i32 to vector<16xi32>
          %add3A_344 = arith.addi %add3A_343, %iota3A : vector<16xi32>
          %add3A_345 = arith.constant 0 : i32
          %add3A_346 = vector.broadcast %add3A_345 : i32 to vector<16xi32>
          %add3A_347 = arith.addi %add3A_346, %add3A_344 : vector<16xi32>
          %gather3A_348 = tpu.vector_load_idx %arg10[%broadcast_in_dim3A_258, %add3A_347] : memref<32x512xf32, #tpu.memory_space<vmem>>[vector<16xi32>, vector<16xi32>], vector<16xf32>,
          tpu.vector_store_idx %arg11[%add3A_344, %broadcast_in_dim3A], %gather3A_348 : memref<256x128xf32, #tpu.memory_space<vmem>>[vector<16xi32>, vector<16xi32>], vector<16xf32>,
          %add3A_349 = arith.constant 208 : i32
          %add3A_350 = vector.broadcast %add3A_349 : i32 to vector<16xi32>
          %add3A_351 = arith.addi %add3A_350, %iota3A : vector<16xi32>
          %add3A_352 = arith.constant 0 : i32
          %add3A_353 = vector.broadcast %add3A_352 : i32 to vector<16xi32>
          %add3A_354 = arith.addi %add3A_353, %add3A_351 : vector<16xi32>
          %gather3A_355 = tpu.vector_load_idx %arg10[%broadcast_in_dim3A_258, %add3A_354] : memref<32x512xf32, #tpu.memory_space<vmem>>[vector<16xi32>, vector<16xi32>], vector<16xf32>,
          tpu.vector_store_idx %arg11[%add3A_351, %broadcast_in_dim3A], %gather3A_355 : memref<256x128xf32, #tpu.memory_space<vmem>>[vector<16xi32>, vector<16xi32>], vector<16xf32>,
          %add3A_356 = arith.constant 224 : i32
          %add3A_357 = vector.broadcast %add3A_356 : i32 to vector<16xi32>
          %add3A_358 = arith.addi %add3A_357, %iota3A : vector<16xi32>
          %add3A_359 = arith.constant 0 : i32
          %add3A_360 = vector.broadcast %add3A_359 : i32 to vector<16xi32>
          %add3A_361 = arith.addi %add3A_360, %add3A_358 : vector<16xi32>
          %gather3A_362 = tpu.vector_load_idx %arg10[%broadcast_in_dim3A_258, %add3A_361] : memref<32x512xf32, #tpu.memory_space<vmem>>[vector<16xi32>, vector<16xi32>], vector<16xf32>,
          tpu.vector_store_idx %arg11[%add3A_358, %broadcast_in_dim3A], %gather3A_362 : memref<256x128xf32, #tpu.memory_space<vmem>>[vector<16xi32>, vector<16xi32>], vector<16xf32>,
          %add3A_363 = arith.constant 240 : i32
          %add3A_364 = vector.broadcast %add3A_363 : i32 to vector<16xi32>
          %add3A_365 = arith.addi %add3A_364, %iota3A : vector<16xi32>
          %add3A_366 = arith.constant 0 : i32
          %add3A_367 = vector.broadcast %add3A_366 : i32 to vector<16xi32>
          %add3A_368 = arith.addi %add3A_367, %add3A_365 : vector<16xi32>
          %gather3A_369 = tpu.vector_load_idx %arg10[%broadcast_in_dim3A_258, %add3A_368] : memref<32x512xf32, #tpu.memory_space<vmem>>[vector<16xi32>, vector<16xi32>], vector<16xf32>,
          tpu.vector_store_idx %arg11[%add3A_365, %broadcast_in_dim3A], %gather3A_369 : memref<256x128xf32, #tpu.memory_space<vmem>>[vector<16xi32>, vector<16xi32>], vector<16xf32>,
        }
      }
      %mul3A_164 = arith.constant 128 : i32
      %mul3A_165 = arith.muli %add3A_96, %mul3A_164 : i32
      %multiple_of3A_166 = tpu.assume_multiple %mul3A_165, 128 : i32
      %dma_start3A_167 = arith.constant 0 : i32
      %dma_start3A_168 = tpu.memref_slice %arg5[%dma_start3A_167, %multiple_of3A_166] : memref<512x100000xf32, #tpu.memory_space<hbm>> -> memref<256x128xf32, #tpu.memory_space<hbm>>
      %dma_start3A_169 = arith.constant 0 : i32
      %dma_start3A_170 = tpu.memref_slice %arg5[%dma_start3A_169, %multiple_of3A_166] : memref<512x100000xf32, #tpu.memory_space<hbm>> -> memref<256x128xf32, #tpu.memory_space<hbm>>
      tpu.enqueue_dma source(%arg11 : memref<256x128xf32, #tpu.memory_space<vmem>>) target(%dma_start3A_170 : memref<256x128xf32, #tpu.memory_space<hbm>>) target_semaphore(%arg16 : memref<!tpu.dma_semaphore, #tpu.memory_space<semaphore_mem>>)
      %mul3A_171 = arith.constant 128 : i32
      %mul3A_172 = arith.muli %add3A_96, %mul3A_171 : i32
      %multiple_of3A_173 = tpu.assume_multiple %mul3A_172, 128 : i32
      %dma_wait3A_174 = arith.constant 256 : i32
      %dma_wait3A_175 = tpu.memref_slice %arg4[%dma_wait3A_174, %multiple_of3A_173] : memref<512x100000xf32, #tpu.memory_space<hbm>> -> memref<256x128xf32, #tpu.memory_space<hbm>>
      %dma_wait3A_176 = arith.constant 256 : i32
      %dma_wait3A_177 = tpu.memref_slice %arg4[%dma_wait3A_176, %multiple_of3A_173] : memref<512x100000xf32, #tpu.memory_space<hbm>> -> memref<256x128xf32, #tpu.memory_space<hbm>>
      tpu.wait_dma2 semaphore(%arg15 : memref<!tpu.dma_semaphore, #tpu.memory_space<semaphore_mem>>) src(%dma_wait3A_177 : memref<256x128xf32, #tpu.memory_space<hbm>>) dst(%arg12 : memref<256x128xf32, #tpu.memory_space<vmem>>)
      %sub3A_178 = arith.subi %while3A_108, %while3A_95 : i32
      %le3A = arith.constant 32 : i32
      %le3A_179 = arith.cmpi sle, %sub3A_178, %le3A : i32
      %convert_element_type3A = arith.extui %le3A_179 : i1 to i32
      %cond3A = arith.constant 0 : i32
      %cond3A_180 = arith.cmpi ne, %convert_element_type3A, %cond3A : i32
      scf.if %cond3A_180 {
        %sub3A_198 = arith.subi %while3A_108, %while3A_95 : i32
        %add3A_199 = arith.constant 32 : i32
        %add3A_200 = arith.addi %sub3A_198, %add3A_199 : i32
        %sub3A_201 = arith.constant 1 : i32
        %sub3A_202 = arith.subi %add3A_200, %sub3A_201 : i32
        %jit3A_203 = arith.constant 32 : i32
        %div3A_204 = arith.divsi %sub3A_202, %jit3A_203 : i32
        %sign3A_205 = arith.constant 0 : i32
        %sign3A_206 = arith.cmpi sgt, %sub3A_202, %sign3A_205 : i32
        %sign3A_207 = arith.extui %sign3A_206 : i1 to i32
        %sign3A_208 = arith.constant 0 : i32
        %sign3A_209 = arith.cmpi slt, %sub3A_202, %sign3A_208 : i32
        %sign3A_210 = arith.extui %sign3A_209 : i1 to i32
        %sign3A_211 = arith.subi %sign3A_207, %sign3A_210 : i32
        %sign3A_212 = arith.constant 0 : i32
        %sign3A_213 = arith.cmpi sgt, %jit3A_203, %sign3A_212 : i32
        %sign3A_214 = arith.extui %sign3A_213 : i1 to i32
        %sign3A_215 = arith.constant 0 : i32
        %sign3A_216 = arith.cmpi slt, %jit3A_203, %sign3A_215 : i32
        %sign3A_217 = arith.extui %sign3A_216 : i1 to i32
        %sign3A_218 = arith.subi %sign3A_214, %sign3A_217 : i32
        %ne3A_219 = arith.cmpi ne, %sign3A_211, %sign3A_218 : i32
        %rem3A_220 = arith.remsi %sub3A_202, %jit3A_203 : i32
        %ne3A_221 = arith.constant 0 : i32
        %ne3A_222 = arith.cmpi ne, %rem3A_220, %ne3A_221 : i32
        %and3A_223 = arith.andi %ne3A_219, %ne3A_222 : i1
        %sub3A_224 = arith.constant 1 : i32
        %sub3A_225 = arith.subi %div3A_204, %sub3A_224 : i32
        %select_n3A_226 = arith.select %and3A_223, %sub3A_225, %div3A_204 : i32
        %sub3A_227 = arith.constant 0 : i32
        %sub3A_228 = arith.subi %select_n3A_226, %sub3A_227 : i32
        %sub3A_229 = arith.constant 1 : i32
        %sub3A_230 = arith.constant 1 : i32
        %sub3A_231 = arith.subi %sub3A_229, %sub3A_230 : i32
        %add3A_232 = arith.addi %sub3A_228, %sub3A_231 : i32
        %div3A_233 = arith.constant 1 : i32
        %div3A_234 = arith.divsi %add3A_232, %div3A_233 : i32
        %while3A_235 = arith.constant 1 : i32
        %while3A_236 = arith.constant 0 : i32
        %while3A_237 = arith.constant 0 : i32
        %while3A_238 = arith.subi %div3A_234, %while3A_237 : i32
        %while3A_239 = arith.addi %while3A_237, %while3A_238 : i32
        %while3A_240 = arith.constant 1 : i32
        %while3A_241 = arith.divsi %while3A_238, %while3A_240 : i32
        %while3A_242 = arith.muli %while3A_241, %while3A_240 : i32
        %while3A_243 = arith.addi %while3A_237, %while3A_242 : i32
        %while3A_244 = arith.constant 1 : i32
        scf.for %while3A_246 = %while3A_237 to %while3A_243 step %while3A_244  : i32 {
          %mul3A_247 = arith.muli %while3A_246, %while3A_235 : i32
          %add3A_248 = arith.addi %while3A_236, %mul3A_247 : i32
          %mul3A_249 = arith.constant 32 : i32
          %mul3A_250 = arith.muli %add3A_248, %mul3A_249 : i32
          %add3A_251 = arith.addi %while3A_95, %mul3A_250 : i32
          %sub3A_252 = arith.subi %while3A_108, %add3A_251 : i32
          %min3A_253 = arith.constant 32 : i32
          %min3A_254 = arith.minsi %sub3A_252, %min3A_253 : i32
          %sub3A_255 = arith.constant 0 : i32
          %sub3A_256 = arith.subi %min3A_254, %sub3A_255 : i32
          %sub3A_257 = arith.constant 1 : i32
          %sub3A_258 = arith.constant 1 : i32
          %sub3A_259 = arith.subi %sub3A_257, %sub3A_258 : i32
          %add3A_260 = arith.addi %sub3A_256, %sub3A_259 : i32
          %div3A_261 = arith.constant 1 : i32
          %div3A_262 = arith.divsi %add3A_260, %div3A_261 : i32
          %while3A_263 = arith.constant 1 : i32
          %while3A_264 = arith.constant 0 : i32
          %while3A_265 = arith.constant 0 : i32
          %while3A_266 = arith.subi %div3A_262, %while3A_265 : i32
          %while3A_267 = arith.addi %while3A_265, %while3A_266 : i32
          %while3A_268 = arith.constant 1 : i32
          %while3A_269 = arith.divsi %while3A_266, %while3A_268 : i32
          %while3A_270 = arith.muli %while3A_269, %while3A_268 : i32
          %while3A_271 = arith.addi %while3A_265, %while3A_270 : i32
          %while3A_272 = arith.constant 1 : i32
          scf.for %while3A_274 = %while3A_265 to %while3A_271 step %while3A_272  : i32 {
            %mul3A_275 = arith.muli %while3A_274, %while3A_263 : i32
            %add3A_276 = arith.addi %while3A_264, %mul3A_275 : i32
            %add3A_277 = arith.addi %add3A_251, %add3A_276 : i32
            %get3A = arith.index_cast %add3A_277 : i32 to index
            %get3A_278 = tpu.vector_load %arg8[%get3A] {strides = array<i32>} : memref<3232xi32, #tpu.memory_space<vmem>>, vector<16xi32>,
            %slice3A = vector.extract_strided_slice %get3A_278 {offsets = [0], sizes = [1], strides = [1]} : vector<16xi32> to vector<1xi32>
            %squeeze3A = vector.extract %slice3A[0] : i32 from vector<1xi32>
            %shift_right_arithmetic3A = arith.constant 14 : i32
            %shift_right_arithmetic3A_279 = arith.shrsi %squeeze3A, %shift_right_arithmetic3A : i32
            %mul3A_280 = arith.constant 128 : i32
            %mul3A_281 = arith.muli %add3A_96, %mul3A_280 : i32
            %sub3A_282 = arith.subi %shift_right_arithmetic3A_279, %mul3A_281 : i32
            %broadcast_in_dim3A = vector.broadcast %sub3A_282 : i32 to vector<16xi32>
            %broadcast_in_dim3A_283 = vector.broadcast %add3A_276 : i32 to vector<16xi32>
            %add3A_284 = arith.constant 0 : i32
            %add3A_285 = vector.broadcast %add3A_284 : i32 to vector<16xi32>
            %add3A_286 = arith.addi %add3A_285, %iota3A : vector<16xi32>
            %add3A_287 = arith.constant 256 : i32
            %add3A_288 = vector.broadcast %add3A_287 : i32 to vector<16xi32>
            %add3A_289 = arith.addi %add3A_288, %add3A_286 : vector<16xi32>
            %gather3A = tpu.vector_load_idx %arg10[%broadcast_in_dim3A_283, %add3A_289] : memref<32x512xf32, #tpu.memory_space<vmem>>[vector<16xi32>, vector<16xi32>], vector<16xf32>,
            tpu.vector_store_idx %arg12[%add3A_286, %broadcast_in_dim3A], %gather3A : memref<256x128xf32, #tpu.memory_space<vmem>>[vector<16xi32>, vector<16xi32>], vector<16xf32>,
            %add3A_290 = arith.constant 16 : i32
            %add3A_291 = vector.broadcast %add3A_290 : i32 to vector<16xi32>
            %add3A_292 = arith.addi %add3A_291, %iota3A : vector<16xi32>
            %add3A_293 = arith.constant 256 : i32
            %add3A_294 = vector.broadcast %add3A_293 : i32 to vector<16xi32>
            %add3A_295 = arith.addi %add3A_294, %add3A_292 : vector<16xi32>
            %gather3A_296 = tpu.vector_load_idx %arg10[%broadcast_in_dim3A_283, %add3A_295] : memref<32x512xf32, #tpu.memory_space<vmem>>[vector<16xi32>, vector<16xi32>], vector<16xf32>,
            tpu.vector_store_idx %arg12[%add3A_292, %broadcast_in_dim3A], %gather3A_296 : memref<256x128xf32, #tpu.memory_space<vmem>>[vector<16xi32>, vector<16xi32>], vector<16xf32>,
            %add3A_297 = arith.constant 32 : i32
            %add3A_298 = vector.broadcast %add3A_297 : i32 to vector<16xi32>
            %add3A_299 = arith.addi %add3A_298, %iota3A : vector<16xi32>
            %add3A_300 = arith.constant 256 : i32
            %add3A_301 = vector.broadcast %add3A_300 : i32 to vector<16xi32>
            %add3A_302 = arith.addi %add3A_301, %add3A_299 : vector<16xi32>
            %gather3A_303 = tpu.vector_load_idx %arg10[%broadcast_in_dim3A_283, %add3A_302] : memref<32x512xf32, #tpu.memory_space<vmem>>[vector<16xi32>, vector<16xi32>], vector<16xf32>,
            tpu.vector_store_idx %arg12[%add3A_299, %broadcast_in_dim3A], %gather3A_303 : memref<256x128xf32, #tpu.memory_space<vmem>>[vector<16xi32>, vector<16xi32>], vector<16xf32>,
            %add3A_304 = arith.constant 48 : i32
            %add3A_305 = vector.broadcast %add3A_304 : i32 to vector<16xi32>
            %add3A_306 = arith.addi %add3A_305, %iota3A : vector<16xi32>
            %add3A_307 = arith.constant 256 : i32
            %add3A_308 = vector.broadcast %add3A_307 : i32 to vector<16xi32>
            %add3A_309 = arith.addi %add3A_308, %add3A_306 : vector<16xi32>
            %gather3A_310 = tpu.vector_load_idx %arg10[%broadcast_in_dim3A_283, %add3A_309] : memref<32x512xf32, #tpu.memory_space<vmem>>[vector<16xi32>, vector<16xi32>], vector<16xf32>,
            tpu.vector_store_idx %arg12[%add3A_306, %broadcast_in_dim3A], %gather3A_310 : memref<256x128xf32, #tpu.memory_space<vmem>>[vector<16xi32>, vector<16xi32>], vector<16xf32>,
            %add3A_311 = arith.constant 64 : i32
            %add3A_312 = vector.broadcast %add3A_311 : i32 to vector<16xi32>
            %add3A_313 = arith.addi %add3A_312, %iota3A : vector<16xi32>
            %add3A_314 = arith.constant 256 : i32
            %add3A_315 = vector.broadcast %add3A_314 : i32 to vector<16xi32>
            %add3A_316 = arith.addi %add3A_315, %add3A_313 : vector<16xi32>
            %gather3A_317 = tpu.vector_load_idx %arg10[%broadcast_in_dim3A_283, %add3A_316] : memref<32x512xf32, #tpu.memory_space<vmem>>[vector<16xi32>, vector<16xi32>], vector<16xf32>,
            tpu.vector_store_idx %arg12[%add3A_313, %broadcast_in_dim3A], %gather3A_317 : memref<256x128xf32, #tpu.memory_space<vmem>>[vector<16xi32>, vector<16xi32>], vector<16xf32>,
            %add3A_318 = arith.constant 80 : i32
            %add3A_319 = vector.broadcast %add3A_318 : i32 to vector<16xi32>
            %add3A_320 = arith.addi %add3A_319, %iota3A : vector<16xi32>
            %add3A_321 = arith.constant 256 : i32
            %add3A_322 = vector.broadcast %add3A_321 : i32 to vector<16xi32>
            %add3A_323 = arith.addi %add3A_322, %add3A_320 : vector<16xi32>
            %gather3A_324 = tpu.vector_load_idx %arg10[%broadcast_in_dim3A_283, %add3A_323] : memref<32x512xf32, #tpu.memory_space<vmem>>[vector<16xi32>, vector<16xi32>], vector<16xf32>,
            tpu.vector_store_idx %arg12[%add3A_320, %broadcast_in_dim3A], %gather3A_324 : memref<256x128xf32, #tpu.memory_space<vmem>>[vector<16xi32>, vector<16xi32>], vector<16xf32>,
            %add3A_325 = arith.constant 96 : i32
            %add3A_326 = vector.broadcast %add3A_325 : i32 to vector<16xi32>
            %add3A_327 = arith.addi %add3A_326, %iota3A : vector<16xi32>
            %add3A_328 = arith.constant 256 : i32
            %add3A_329 = vector.broadcast %add3A_328 : i32 to vector<16xi32>
            %add3A_330 = arith.addi %add3A_329, %add3A_327 : vector<16xi32>
            %gather3A_331 = tpu.vector_load_idx %arg10[%broadcast_in_dim3A_283, %add3A_330] : memref<32x512xf32, #tpu.memory_space<vmem>>[vector<16xi32>, vector<16xi32>], vector<16xf32>,
            tpu.vector_store_idx %arg12[%add3A_327, %broadcast_in_dim3A], %gather3A_331 : memref<256x128xf32, #tpu.memory_space<vmem>>[vector<16xi32>, vector<16xi32>], vector<16xf32>,
            %add3A_332 = arith.constant 112 : i32
            %add3A_333 = vector.broadcast %add3A_332 : i32 to vector<16xi32>
            %add3A_334 = arith.addi %add3A_333, %iota3A : vector<16xi32>
            %add3A_335 = arith.constant 256 : i32
            %add3A_336 = vector.broadcast %add3A_335 : i32 to vector<16xi32>
            %add3A_337 = arith.addi %add3A_336, %add3A_334 : vector<16xi32>
            %gather3A_338 = tpu.vector_load_idx %arg10[%broadcast_in_dim3A_283, %add3A_337] : memref<32x512xf32, #tpu.memory_space<vmem>>[vector<16xi32>, vector<16xi32>], vector<16xf32>,
            tpu.vector_store_idx %arg12[%add3A_334, %broadcast_in_dim3A], %gather3A_338 : memref<256x128xf32, #tpu.memory_space<vmem>>[vector<16xi32>, vector<16xi32>], vector<16xf32>,
            %add3A_339 = arith.constant 128 : i32
            %add3A_340 = vector.broadcast %add3A_339 : i32 to vector<16xi32>
            %add3A_341 = arith.addi %add3A_340, %iota3A : vector<16xi32>
            %add3A_342 = arith.constant 256 : i32
            %add3A_343 = vector.broadcast %add3A_342 : i32 to vector<16xi32>
            %add3A_344 = arith.addi %add3A_343, %add3A_341 : vector<16xi32>
            %gather3A_345 = tpu.vector_load_idx %arg10[%broadcast_in_dim3A_283, %add3A_344] : memref<32x512xf32, #tpu.memory_space<vmem>>[vector<16xi32>, vector<16xi32>], vector<16xf32>,
            tpu.vector_store_idx %arg12[%add3A_341, %broadcast_in_dim3A], %gather3A_345 : memref<256x128xf32, #tpu.memory_space<vmem>>[vector<16xi32>, vector<16xi32>], vector<16xf32>,
            %add3A_346 = arith.constant 144 : i32
            %add3A_347 = vector.broadcast %add3A_346 : i32 to vector<16xi32>
            %add3A_348 = arith.addi %add3A_347, %iota3A : vector<16xi32>
            %add3A_349 = arith.constant 256 : i32
            %add3A_350 = vector.broadcast %add3A_349 : i32 to vector<16xi32>
            %add3A_351 = arith.addi %add3A_350, %add3A_348 : vector<16xi32>
            %gather3A_352 = tpu.vector_load_idx %arg10[%broadcast_in_dim3A_283, %add3A_351] : memref<32x512xf32, #tpu.memory_space<vmem>>[vector<16xi32>, vector<16xi32>], vector<16xf32>,
            tpu.vector_store_idx %arg12[%add3A_348, %broadcast_in_dim3A], %gather3A_352 : memref<256x128xf32, #tpu.memory_space<vmem>>[vector<16xi32>, vector<16xi32>], vector<16xf32>,
            %add3A_353 = arith.constant 160 : i32
            %add3A_354 = vector.broadcast %add3A_353 : i32 to vector<16xi32>
            %add3A_355 = arith.addi %add3A_354, %iota3A : vector<16xi32>
            %add3A_356 = arith.constant 256 : i32
            %add3A_357 = vector.broadcast %add3A_356 : i32 to vector<16xi32>
            %add3A_358 = arith.addi %add3A_357, %add3A_355 : vector<16xi32>
            %gather3A_359 = tpu.vector_load_idx %arg10[%broadcast_in_dim3A_283, %add3A_358] : memref<32x512xf32, #tpu.memory_space<vmem>>[vector<16xi32>, vector<16xi32>], vector<16xf32>,
            tpu.vector_store_idx %arg12[%add3A_355, %broadcast_in_dim3A], %gather3A_359 : memref<256x128xf32, #tpu.memory_space<vmem>>[vector<16xi32>, vector<16xi32>], vector<16xf32>,
            %add3A_360 = arith.constant 176 : i32
            %add3A_361 = vector.broadcast %add3A_360 : i32 to vector<16xi32>
            %add3A_362 = arith.addi %add3A_361, %iota3A : vector<16xi32>
            %add3A_363 = arith.constant 256 : i32
            %add3A_364 = vector.broadcast %add3A_363 : i32 to vector<16xi32>
            %add3A_365 = arith.addi %add3A_364, %add3A_362 : vector<16xi32>
            %gather3A_366 = tpu.vector_load_idx %arg10[%broadcast_in_dim3A_283, %add3A_365] : memref<32x512xf32, #tpu.memory_space<vmem>>[vector<16xi32>, vector<16xi32>], vector<16xf32>,
            tpu.vector_store_idx %arg12[%add3A_362, %broadcast_in_dim3A], %gather3A_366 : memref<256x128xf32, #tpu.memory_space<vmem>>[vector<16xi32>, vector<16xi32>], vector<16xf32>,
            %add3A_367 = arith.constant 192 : i32
            %add3A_368 = vector.broadcast %add3A_367 : i32 to vector<16xi32>
            %add3A_369 = arith.addi %add3A_368, %iota3A : vector<16xi32>
            %add3A_370 = arith.constant 256 : i32
            %add3A_371 = vector.broadcast %add3A_370 : i32 to vector<16xi32>
            %add3A_372 = arith.addi %add3A_371, %add3A_369 : vector<16xi32>
            %gather3A_373 = tpu.vector_load_idx %arg10[%broadcast_in_dim3A_283, %add3A_372] : memref<32x512xf32, #tpu.memory_space<vmem>>[vector<16xi32>, vector<16xi32>], vector<16xf32>,
            tpu.vector_store_idx %arg12[%add3A_369, %broadcast_in_dim3A], %gather3A_373 : memref<256x128xf32, #tpu.memory_space<vmem>>[vector<16xi32>, vector<16xi32>], vector<16xf32>,
            %add3A_374 = arith.constant 208 : i32
            %add3A_375 = vector.broadcast %add3A_374 : i32 to vector<16xi32>
            %add3A_376 = arith.addi %add3A_375, %iota3A : vector<16xi32>
            %add3A_377 = arith.constant 256 : i32
            %add3A_378 = vector.broadcast %add3A_377 : i32 to vector<16xi32>
            %add3A_379 = arith.addi %add3A_378, %add3A_376 : vector<16xi32>
            %gather3A_380 = tpu.vector_load_idx %arg10[%broadcast_in_dim3A_283, %add3A_379] : memref<32x512xf32, #tpu.memory_space<vmem>>[vector<16xi32>, vector<16xi32>], vector<16xf32>,
            tpu.vector_store_idx %arg12[%add3A_376, %broadcast_in_dim3A], %gather3A_380 : memref<256x128xf32, #tpu.memory_space<vmem>>[vector<16xi32>, vector<16xi32>], vector<16xf32>,
            %add3A_381 = arith.constant 224 : i32
            %add3A_382 = vector.broadcast %add3A_381 : i32 to vector<16xi32>
            %add3A_383 = arith.addi %add3A_382, %iota3A : vector<16xi32>
            %add3A_384 = arith.constant 256 : i32
            %add3A_385 = vector.broadcast %add3A_384 : i32 to vector<16xi32>
            %add3A_386 = arith.addi %add3A_385, %add3A_383 : vector<16xi32>
            %gather3A_387 = tpu.vector_load_idx %arg10[%broadcast_in_dim3A_283, %add3A_386] : memref<32x512xf32, #tpu.memory_space<vmem>>[vector<16xi32>, vector<16xi32>], vector<16xf32>,
            tpu.vector_store_idx %arg12[%add3A_383, %broadcast_in_dim3A], %gather3A_387 : memref<256x128xf32, #tpu.memory_space<vmem>>[vector<16xi32>, vector<16xi32>], vector<16xf32>,
            %add3A_388 = arith.constant 240 : i32
            %add3A_389 = vector.broadcast %add3A_388 : i32 to vector<16xi32>
            %add3A_390 = arith.addi %add3A_389, %iota3A : vector<16xi32>
            %add3A_391 = arith.constant 256 : i32
            %add3A_392 = vector.broadcast %add3A_391 : i32 to vector<16xi32>
            %add3A_393 = arith.addi %add3A_392, %add3A_390 : vector<16xi32>
            %gather3A_394 = tpu.vector_load_idx %arg10[%broadcast_in_dim3A_283, %add3A_393] : memref<32x512xf32, #tpu.memory_space<vmem>>[vector<16xi32>, vector<16xi32>], vector<16xf32>,
            tpu.vector_store_idx %arg12[%add3A_390, %broadcast_in_dim3A], %gather3A_394 : memref<256x128xf32, #tpu.memory_space<vmem>>[vector<16xi32>, vector<16xi32>], vector<16xf32>,
          }
          %while3A_273 = arith.constant 1 : i32
          scf.for %while3A_274 = %while3A_271 to %while3A_267 step %while3A_273  : i32 {
            %mul3A_275 = arith.muli %while3A_274, %while3A_263 : i32
            %add3A_276 = arith.addi %while3A_264, %mul3A_275 : i32
            %add3A_277 = arith.addi %add3A_251, %add3A_276 : i32
            %get3A = arith.index_cast %add3A_277 : i32 to index
            %get3A_278 = tpu.vector_load %arg8[%get3A] {strides = array<i32>} : memref<3232xi32, #tpu.memory_space<vmem>>, vector<16xi32>,
            %slice3A = vector.extract_strided_slice %get3A_278 {offsets = [0], sizes = [1], strides = [1]} : vector<16xi32> to vector<1xi32>
            %squeeze3A = vector.extract %slice3A[0] : i32 from vector<1xi32>
            %shift_right_arithmetic3A = arith.constant 14 : i32
            %shift_right_arithmetic3A_279 = arith.shrsi %squeeze3A, %shift_right_arithmetic3A : i32
            %mul3A_280 = arith.constant 128 : i32
            %mul3A_281 = arith.muli %add3A_96, %mul3A_280 : i32
            %sub3A_282 = arith.subi %shift_right_arithmetic3A_279, %mul3A_281 : i32
            %broadcast_in_dim3A = vector.broadcast %sub3A_282 : i32 to vector<16xi32>
            %broadcast_in_dim3A_283 = vector.broadcast %add3A_276 : i32 to vector<16xi32>
            %add3A_284 = arith.constant 0 : i32
            %add3A_285 = vector.broadcast %add3A_284 : i32 to vector<16xi32>
            %add3A_286 = arith.addi %add3A_285, %iota3A : vector<16xi32>
            %add3A_287 = arith.constant 256 : i32
            %add3A_288 = vector.broadcast %add3A_287 : i32 to vector<16xi32>
            %add3A_289 = arith.addi %add3A_288, %add3A_286 : vector<16xi32>
            %gather3A = tpu.vector_load_idx %arg10[%broadcast_in_dim3A_283, %add3A_289] : memref<32x512xf32, #tpu.memory_space<vmem>>[vector<16xi32>, vector<16xi32>], vector<16xf32>,
            tpu.vector_store_idx %arg12[%add3A_286, %broadcast_in_dim3A], %gather3A : memref<256x128xf32, #tpu.memory_space<vmem>>[vector<16xi32>, vector<16xi32>], vector<16xf32>,
            %add3A_290 = arith.constant 16 : i32
            %add3A_291 = vector.broadcast %add3A_290 : i32 to vector<16xi32>
            %add3A_292 = arith.addi %add3A_291, %iota3A : vector<16xi32>
            %add3A_293 = arith.constant 256 : i32
            %add3A_294 = vector.broadcast %add3A_293 : i32 to vector<16xi32>
            %add3A_295 = arith.addi %add3A_294, %add3A_292 : vector<16xi32>
            %gather3A_296 = tpu.vector_load_idx %arg10[%broadcast_in_dim3A_283, %add3A_295] : memref<32x512xf32, #tpu.memory_space<vmem>>[vector<16xi32>, vector<16xi32>], vector<16xf32>,
            tpu.vector_store_idx %arg12[%add3A_292, %broadcast_in_dim3A], %gather3A_296 : memref<256x128xf32, #tpu.memory_space<vmem>>[vector<16xi32>, vector<16xi32>], vector<16xf32>,
            %add3A_297 = arith.constant 32 : i32
            %add3A_298 = vector.broadcast %add3A_297 : i32 to vector<16xi32>
            %add3A_299 = arith.addi %add3A_298, %iota3A : vector<16xi32>
            %add3A_300 = arith.constant 256 : i32
            %add3A_301 = vector.broadcast %add3A_300 : i32 to vector<16xi32>
            %add3A_302 = arith.addi %add3A_301, %add3A_299 : vector<16xi32>
            %gather3A_303 = tpu.vector_load_idx %arg10[%broadcast_in_dim3A_283, %add3A_302] : memref<32x512xf32, #tpu.memory_space<vmem>>[vector<16xi32>, vector<16xi32>], vector<16xf32>,
            tpu.vector_store_idx %arg12[%add3A_299, %broadcast_in_dim3A], %gather3A_303 : memref<256x128xf32, #tpu.memory_space<vmem>>[vector<16xi32>, vector<16xi32>], vector<16xf32>,
            %add3A_304 = arith.constant 48 : i32
            %add3A_305 = vector.broadcast %add3A_304 : i32 to vector<16xi32>
            %add3A_306 = arith.addi %add3A_305, %iota3A : vector<16xi32>
            %add3A_307 = arith.constant 256 : i32
            %add3A_308 = vector.broadcast %add3A_307 : i32 to vector<16xi32>
            %add3A_309 = arith.addi %add3A_308, %add3A_306 : vector<16xi32>
            %gather3A_310 = tpu.vector_load_idx %arg10[%broadcast_in_dim3A_283, %add3A_309] : memref<32x512xf32, #tpu.memory_space<vmem>>[vector<16xi32>, vector<16xi32>], vector<16xf32>,
            tpu.vector_store_idx %arg12[%add3A_306, %broadcast_in_dim3A], %gather3A_310 : memref<256x128xf32, #tpu.memory_space<vmem>>[vector<16xi32>, vector<16xi32>], vector<16xf32>,
            %add3A_311 = arith.constant 64 : i32
            %add3A_312 = vector.broadcast %add3A_311 : i32 to vector<16xi32>
            %add3A_313 = arith.addi %add3A_312, %iota3A : vector<16xi32>
            %add3A_314 = arith.constant 256 : i32
            %add3A_315 = vector.broadcast %add3A_314 : i32 to vector<16xi32>
            %add3A_316 = arith.addi %add3A_315, %add3A_313 : vector<16xi32>
            %gather3A_317 = tpu.vector_load_idx %arg10[%broadcast_in_dim3A_283, %add3A_316] : memref<32x512xf32, #tpu.memory_space<vmem>>[vector<16xi32>, vector<16xi32>], vector<16xf32>,
            tpu.vector_store_idx %arg12[%add3A_313, %broadcast_in_dim3A], %gather3A_317 : memref<256x128xf32, #tpu.memory_space<vmem>>[vector<16xi32>, vector<16xi32>], vector<16xf32>,
            %add3A_318 = arith.constant 80 : i32
            %add3A_319 = vector.broadcast %add3A_318 : i32 to vector<16xi32>
            %add3A_320 = arith.addi %add3A_319, %iota3A : vector<16xi32>
            %add3A_321 = arith.constant 256 : i32
            %add3A_322 = vector.broadcast %add3A_321 : i32 to vector<16xi32>
            %add3A_323 = arith.addi %add3A_322, %add3A_320 : vector<16xi32>
            %gather3A_324 = tpu.vector_load_idx %arg10[%broadcast_in_dim3A_283, %add3A_323] : memref<32x512xf32, #tpu.memory_space<vmem>>[vector<16xi32>, vector<16xi32>], vector<16xf32>,
            tpu.vector_store_idx %arg12[%add3A_320, %broadcast_in_dim3A], %gather3A_324 : memref<256x128xf32, #tpu.memory_space<vmem>>[vector<16xi32>, vector<16xi32>], vector<16xf32>,
            %add3A_325 = arith.constant 96 : i32
            %add3A_326 = vector.broadcast %add3A_325 : i32 to vector<16xi32>
            %add3A_327 = arith.addi %add3A_326, %iota3A : vector<16xi32>
            %add3A_328 = arith.constant 256 : i32
            %add3A_329 = vector.broadcast %add3A_328 : i32 to vector<16xi32>
            %add3A_330 = arith.addi %add3A_329, %add3A_327 : vector<16xi32>
            %gather3A_331 = tpu.vector_load_idx %arg10[%broadcast_in_dim3A_283, %add3A_330] : memref<32x512xf32, #tpu.memory_space<vmem>>[vector<16xi32>, vector<16xi32>], vector<16xf32>,
            tpu.vector_store_idx %arg12[%add3A_327, %broadcast_in_dim3A], %gather3A_331 : memref<256x128xf32, #tpu.memory_space<vmem>>[vector<16xi32>, vector<16xi32>], vector<16xf32>,
            %add3A_332 = arith.constant 112 : i32
            %add3A_333 = vector.broadcast %add3A_332 : i32 to vector<16xi32>
            %add3A_334 = arith.addi %add3A_333, %iota3A : vector<16xi32>
            %add3A_335 = arith.constant 256 : i32
            %add3A_336 = vector.broadcast %add3A_335 : i32 to vector<16xi32>
            %add3A_337 = arith.addi %add3A_336, %add3A_334 : vector<16xi32>
            %gather3A_338 = tpu.vector_load_idx %arg10[%broadcast_in_dim3A_283, %add3A_337] : memref<32x512xf32, #tpu.memory_space<vmem>>[vector<16xi32>, vector<16xi32>], vector<16xf32>,
            tpu.vector_store_idx %arg12[%add3A_334, %broadcast_in_dim3A], %gather3A_338 : memref<256x128xf32, #tpu.memory_space<vmem>>[vector<16xi32>, vector<16xi32>], vector<16xf32>,
            %add3A_339 = arith.constant 128 : i32
            %add3A_340 = vector.broadcast %add3A_339 : i32 to vector<16xi32>
            %add3A_341 = arith.addi %add3A_340, %iota3A : vector<16xi32>
            %add3A_342 = arith.constant 256 : i32
            %add3A_343 = vector.broadcast %add3A_342 : i32 to vector<16xi32>
            %add3A_344 = arith.addi %add3A_343, %add3A_341 : vector<16xi32>
            %gather3A_345 = tpu.vector_load_idx %arg10[%broadcast_in_dim3A_283, %add3A_344] : memref<32x512xf32, #tpu.memory_space<vmem>>[vector<16xi32>, vector<16xi32>], vector<16xf32>,
            tpu.vector_store_idx %arg12[%add3A_341, %broadcast_in_dim3A], %gather3A_345 : memref<256x128xf32, #tpu.memory_space<vmem>>[vector<16xi32>, vector<16xi32>], vector<16xf32>,
            %add3A_346 = arith.constant 144 : i32
            %add3A_347 = vector.broadcast %add3A_346 : i32 to vector<16xi32>
            %add3A_348 = arith.addi %add3A_347, %iota3A : vector<16xi32>
            %add3A_349 = arith.constant 256 : i32
            %add3A_350 = vector.broadcast %add3A_349 : i32 to vector<16xi32>
            %add3A_351 = arith.addi %add3A_350, %add3A_348 : vector<16xi32>
            %gather3A_352 = tpu.vector_load_idx %arg10[%broadcast_in_dim3A_283, %add3A_351] : memref<32x512xf32, #tpu.memory_space<vmem>>[vector<16xi32>, vector<16xi32>], vector<16xf32>,
            tpu.vector_store_idx %arg12[%add3A_348, %broadcast_in_dim3A], %gather3A_352 : memref<256x128xf32, #tpu.memory_space<vmem>>[vector<16xi32>, vector<16xi32>], vector<16xf32>,
            %add3A_353 = arith.constant 160 : i32
            %add3A_354 = vector.broadcast %add3A_353 : i32 to vector<16xi32>
            %add3A_355 = arith.addi %add3A_354, %iota3A : vector<16xi32>
            %add3A_356 = arith.constant 256 : i32
            %add3A_357 = vector.broadcast %add3A_356 : i32 to vector<16xi32>
            %add3A_358 = arith.addi %add3A_357, %add3A_355 : vector<16xi32>
            %gather3A_359 = tpu.vector_load_idx %arg10[%broadcast_in_dim3A_283, %add3A_358] : memref<32x512xf32, #tpu.memory_space<vmem>>[vector<16xi32>, vector<16xi32>], vector<16xf32>,
            tpu.vector_store_idx %arg12[%add3A_355, %broadcast_in_dim3A], %gather3A_359 : memref<256x128xf32, #tpu.memory_space<vmem>>[vector<16xi32>, vector<16xi32>], vector<16xf32>,
            %add3A_360 = arith.constant 176 : i32
            %add3A_361 = vector.broadcast %add3A_360 : i32 to vector<16xi32>
            %add3A_362 = arith.addi %add3A_361, %iota3A : vector<16xi32>
            %add3A_363 = arith.constant 256 : i32
            %add3A_364 = vector.broadcast %add3A_363 : i32 to vector<16xi32>
            %add3A_365 = arith.addi %add3A_364, %add3A_362 : vector<16xi32>
            %gather3A_366 = tpu.vector_load_idx %arg10[%broadcast_in_dim3A_283, %add3A_365] : memref<32x512xf32, #tpu.memory_space<vmem>>[vector<16xi32>, vector<16xi32>], vector<16xf32>,
            tpu.vector_store_idx %arg12[%add3A_362, %broadcast_in_dim3A], %gather3A_366 : memref<256x128xf32, #tpu.memory_space<vmem>>[vector<16xi32>, vector<16xi32>], vector<16xf32>,
            %add3A_367 = arith.constant 192 : i32
            %add3A_368 = vector.broadcast %add3A_367 : i32 to vector<16xi32>
            %add3A_369 = arith.addi %add3A_368, %iota3A : vector<16xi32>
            %add3A_370 = arith.constant 256 : i32
            %add3A_371 = vector.broadcast %add3A_370 : i32 to vector<16xi32>
            %add3A_372 = arith.addi %add3A_371, %add3A_369 : vector<16xi32>
            %gather3A_373 = tpu.vector_load_idx %arg10[%broadcast_in_dim3A_283, %add3A_372] : memref<32x512xf32, #tpu.memory_space<vmem>>[vector<16xi32>, vector<16xi32>], vector<16xf32>,
            tpu.vector_store_idx %arg12[%add3A_369, %broadcast_in_dim3A], %gather3A_373 : memref<256x128xf32, #tpu.memory_space<vmem>>[vector<16xi32>, vector<16xi32>], vector<16xf32>,
            %add3A_374 = arith.constant 208 : i32
            %add3A_375 = vector.broadcast %add3A_374 : i32 to vector<16xi32>
            %add3A_376 = arith.addi %add3A_375, %iota3A : vector<16xi32>
            %add3A_377 = arith.constant 256 : i32
            %add3A_378 = vector.broadcast %add3A_377 : i32 to vector<16xi32>
            %add3A_379 = arith.addi %add3A_378, %add3A_376 : vector<16xi32>
            %gather3A_380 = tpu.vector_load_idx %arg10[%broadcast_in_dim3A_283, %add3A_379] : memref<32x512xf32, #tpu.memory_space<vmem>>[vector<16xi32>, vector<16xi32>], vector<16xf32>,
            tpu.vector_store_idx %arg12[%add3A_376, %broadcast_in_dim3A], %gather3A_380 : memref<256x128xf32, #tpu.memory_space<vmem>>[vector<16xi32>, vector<16xi32>], vector<16xf32>,
            %add3A_381 = arith.constant 224 : i32
            %add3A_382 = vector.broadcast %add3A_381 : i32 to vector<16xi32>
            %add3A_383 = arith.addi %add3A_382, %iota3A : vector<16xi32>
            %add3A_384 = arith.constant 256 : i32
            %add3A_385 = vector.broadcast %add3A_384 : i32 to vector<16xi32>
            %add3A_386 = arith.addi %add3A_385, %add3A_383 : vector<16xi32>
            %gather3A_387 = tpu.vector_load_idx %arg10[%broadcast_in_dim3A_283, %add3A_386] : memref<32x512xf32, #tpu.memory_space<vmem>>[vector<16xi32>, vector<16xi32>], vector<16xf32>,
            tpu.vector_store_idx %arg12[%add3A_383, %broadcast_in_dim3A], %gather3A_387 : memref<256x128xf32, #tpu.memory_space<vmem>>[vector<16xi32>, vector<16xi32>], vector<16xf32>,
            %add3A_388 = arith.constant 240 : i32
            %add3A_389 = vector.broadcast %add3A_388 : i32 to vector<16xi32>
            %add3A_390 = arith.addi %add3A_389, %iota3A : vector<16xi32>
            %add3A_391 = arith.constant 256 : i32
            %add3A_392 = vector.broadcast %add3A_391 : i32 to vector<16xi32>
            %add3A_393 = arith.addi %add3A_392, %add3A_390 : vector<16xi32>
            %gather3A_394 = tpu.vector_load_idx %arg10[%broadcast_in_dim3A_283, %add3A_393] : memref<32x512xf32, #tpu.memory_space<vmem>>[vector<16xi32>, vector<16xi32>], vector<16xf32>,
            tpu.vector_store_idx %arg12[%add3A_390, %broadcast_in_dim3A], %gather3A_394 : memref<256x128xf32, #tpu.memory_space<vmem>>[vector<16xi32>, vector<16xi32>], vector<16xf32>,
          }
        }
        %while3A_245 = arith.constant 1 : i32
        scf.for %while3A_246 = %while3A_243 to %while3A_239 step %while3A_245  : i32 {
          %mul3A_247 = arith.muli %while3A_246, %while3A_235 : i32
          %add3A_248 = arith.addi %while3A_236, %mul3A_247 : i32
          %mul3A_249 = arith.constant 32 : i32
          %mul3A_250 = arith.muli %add3A_248, %mul3A_249 : i32
          %add3A_251 = arith.addi %while3A_95, %mul3A_250 : i32
          %sub3A_252 = arith.subi %while3A_108, %add3A_251 : i32
          %min3A_253 = arith.constant 32 : i32
          %min3A_254 = arith.minsi %sub3A_252, %min3A_253 : i32
          %sub3A_255 = arith.constant 0 : i32
          %sub3A_256 = arith.subi %min3A_254, %sub3A_255 : i32
          %sub3A_257 = arith.constant 1 : i32
          %sub3A_258 = arith.constant 1 : i32
          %sub3A_259 = arith.subi %sub3A_257, %sub3A_258 : i32
          %add3A_260 = arith.addi %sub3A_256, %sub3A_259 : i32
          %div3A_261 = arith.constant 1 : i32
          %div3A_262 = arith.divsi %add3A_260, %div3A_261 : i32
          %while3A_263 = arith.constant 1 : i32
          %while3A_264 = arith.constant 0 : i32
          %while3A_265 = arith.constant 0 : i32
          %while3A_266 = arith.subi %div3A_262, %while3A_265 : i32
          %while3A_267 = arith.addi %while3A_265, %while3A_266 : i32
          %while3A_268 = arith.constant 1 : i32
          %while3A_269 = arith.divsi %while3A_266, %while3A_268 : i32
          %while3A_270 = arith.muli %while3A_269, %while3A_268 : i32
          %while3A_271 = arith.addi %while3A_265, %while3A_270 : i32
          %while3A_272 = arith.constant 1 : i32
          scf.for %while3A_274 = %while3A_265 to %while3A_271 step %while3A_272  : i32 {
            %mul3A_275 = arith.muli %while3A_274, %while3A_263 : i32
            %add3A_276 = arith.addi %while3A_264, %mul3A_275 : i32
            %add3A_277 = arith.addi %add3A_251, %add3A_276 : i32
            %get3A = arith.index_cast %add3A_277 : i32 to index
            %get3A_278 = tpu.vector_load %arg8[%get3A] {strides = array<i32>} : memref<3232xi32, #tpu.memory_space<vmem>>, vector<16xi32>,
            %slice3A = vector.extract_strided_slice %get3A_278 {offsets = [0], sizes = [1], strides = [1]} : vector<16xi32> to vector<1xi32>
            %squeeze3A = vector.extract %slice3A[0] : i32 from vector<1xi32>
            %shift_right_arithmetic3A = arith.constant 14 : i32
            %shift_right_arithmetic3A_279 = arith.shrsi %squeeze3A, %shift_right_arithmetic3A : i32
            %mul3A_280 = arith.constant 128 : i32
            %mul3A_281 = arith.muli %add3A_96, %mul3A_280 : i32
            %sub3A_282 = arith.subi %shift_right_arithmetic3A_279, %mul3A_281 : i32
            %broadcast_in_dim3A = vector.broadcast %sub3A_282 : i32 to vector<16xi32>
            %broadcast_in_dim3A_283 = vector.broadcast %add3A_276 : i32 to vector<16xi32>
            %add3A_284 = arith.constant 0 : i32
            %add3A_285 = vector.broadcast %add3A_284 : i32 to vector<16xi32>
            %add3A_286 = arith.addi %add3A_285, %iota3A : vector<16xi32>
            %add3A_287 = arith.constant 256 : i32
            %add3A_288 = vector.broadcast %add3A_287 : i32 to vector<16xi32>
            %add3A_289 = arith.addi %add3A_288, %add3A_286 : vector<16xi32>
            %gather3A = tpu.vector_load_idx %arg10[%broadcast_in_dim3A_283, %add3A_289] : memref<32x512xf32, #tpu.memory_space<vmem>>[vector<16xi32>, vector<16xi32>], vector<16xf32>,
            tpu.vector_store_idx %arg12[%add3A_286, %broadcast_in_dim3A], %gather3A : memref<256x128xf32, #tpu.memory_space<vmem>>[vector<16xi32>, vector<16xi32>], vector<16xf32>,
            %add3A_290 = arith.constant 16 : i32
            %add3A_291 = vector.broadcast %add3A_290 : i32 to vector<16xi32>
            %add3A_292 = arith.addi %add3A_291, %iota3A : vector<16xi32>
            %add3A_293 = arith.constant 256 : i32
            %add3A_294 = vector.broadcast %add3A_293 : i32 to vector<16xi32>
            %add3A_295 = arith.addi %add3A_294, %add3A_292 : vector<16xi32>
            %gather3A_296 = tpu.vector_load_idx %arg10[%broadcast_in_dim3A_283, %add3A_295] : memref<32x512xf32, #tpu.memory_space<vmem>>[vector<16xi32>, vector<16xi32>], vector<16xf32>,
            tpu.vector_store_idx %arg12[%add3A_292, %broadcast_in_dim3A], %gather3A_296 : memref<256x128xf32, #tpu.memory_space<vmem>>[vector<16xi32>, vector<16xi32>], vector<16xf32>,
            %add3A_297 = arith.constant 32 : i32
            %add3A_298 = vector.broadcast %add3A_297 : i32 to vector<16xi32>
            %add3A_299 = arith.addi %add3A_298, %iota3A : vector<16xi32>
            %add3A_300 = arith.constant 256 : i32
            %add3A_301 = vector.broadcast %add3A_300 : i32 to vector<16xi32>
            %add3A_302 = arith.addi %add3A_301, %add3A_299 : vector<16xi32>
            %gather3A_303 = tpu.vector_load_idx %arg10[%broadcast_in_dim3A_283, %add3A_302] : memref<32x512xf32, #tpu.memory_space<vmem>>[vector<16xi32>, vector<16xi32>], vector<16xf32>,
            tpu.vector_store_idx %arg12[%add3A_299, %broadcast_in_dim3A], %gather3A_303 : memref<256x128xf32, #tpu.memory_space<vmem>>[vector<16xi32>, vector<16xi32>], vector<16xf32>,
            %add3A_304 = arith.constant 48 : i32
            %add3A_305 = vector.broadcast %add3A_304 : i32 to vector<16xi32>
            %add3A_306 = arith.addi %add3A_305, %iota3A : vector<16xi32>
            %add3A_307 = arith.constant 256 : i32
            %add3A_308 = vector.broadcast %add3A_307 : i32 to vector<16xi32>
            %add3A_309 = arith.addi %add3A_308, %add3A_306 : vector<16xi32>
            %gather3A_310 = tpu.vector_load_idx %arg10[%broadcast_in_dim3A_283, %add3A_309] : memref<32x512xf32, #tpu.memory_space<vmem>>[vector<16xi32>, vector<16xi32>], vector<16xf32>,
            tpu.vector_store_idx %arg12[%add3A_306, %broadcast_in_dim3A], %gather3A_310 : memref<256x128xf32, #tpu.memory_space<vmem>>[vector<16xi32>, vector<16xi32>], vector<16xf32>,
            %add3A_311 = arith.constant 64 : i32
            %add3A_312 = vector.broadcast %add3A_311 : i32 to vector<16xi32>
            %add3A_313 = arith.addi %add3A_312, %iota3A : vector<16xi32>
            %add3A_314 = arith.constant 256 : i32
            %add3A_315 = vector.broadcast %add3A_314 : i32 to vector<16xi32>
            %add3A_316 = arith.addi %add3A_315, %add3A_313 : vector<16xi32>
            %gather3A_317 = tpu.vector_load_idx %arg10[%broadcast_in_dim3A_283, %add3A_316] : memref<32x512xf32, #tpu.memory_space<vmem>>[vector<16xi32>, vector<16xi32>], vector<16xf32>,
            tpu.vector_store_idx %arg12[%add3A_313, %broadcast_in_dim3A], %gather3A_317 : memref<256x128xf32, #tpu.memory_space<vmem>>[vector<16xi32>, vector<16xi32>], vector<16xf32>,
            %add3A_318 = arith.constant 80 : i32
            %add3A_319 = vector.broadcast %add3A_318 : i32 to vector<16xi32>
            %add3A_320 = arith.addi %add3A_319, %iota3A : vector<16xi32>
            %add3A_321 = arith.constant 256 : i32
            %add3A_322 = vector.broadcast %add3A_321 : i32 to vector<16xi32>
            %add3A_323 = arith.addi %add3A_322, %add3A_320 : vector<16xi32>
            %gather3A_324 = tpu.vector_load_idx %arg10[%broadcast_in_dim3A_283, %add3A_323] : memref<32x512xf32, #tpu.memory_space<vmem>>[vector<16xi32>, vector<16xi32>], vector<16xf32>,
            tpu.vector_store_idx %arg12[%add3A_320, %broadcast_in_dim3A], %gather3A_324 : memref<256x128xf32, #tpu.memory_space<vmem>>[vector<16xi32>, vector<16xi32>], vector<16xf32>,
            %add3A_325 = arith.constant 96 : i32
            %add3A_326 = vector.broadcast %add3A_325 : i32 to vector<16xi32>
            %add3A_327 = arith.addi %add3A_326, %iota3A : vector<16xi32>
            %add3A_328 = arith.constant 256 : i32
            %add3A_329 = vector.broadcast %add3A_328 : i32 to vector<16xi32>
            %add3A_330 = arith.addi %add3A_329, %add3A_327 : vector<16xi32>
            %gather3A_331 = tpu.vector_load_idx %arg10[%broadcast_in_dim3A_283, %add3A_330] : memref<32x512xf32, #tpu.memory_space<vmem>>[vector<16xi32>, vector<16xi32>], vector<16xf32>,
            tpu.vector_store_idx %arg12[%add3A_327, %broadcast_in_dim3A], %gather3A_331 : memref<256x128xf32, #tpu.memory_space<vmem>>[vector<16xi32>, vector<16xi32>], vector<16xf32>,
            %add3A_332 = arith.constant 112 : i32
            %add3A_333 = vector.broadcast %add3A_332 : i32 to vector<16xi32>
            %add3A_334 = arith.addi %add3A_333, %iota3A : vector<16xi32>
            %add3A_335 = arith.constant 256 : i32
            %add3A_336 = vector.broadcast %add3A_335 : i32 to vector<16xi32>
            %add3A_337 = arith.addi %add3A_336, %add3A_334 : vector<16xi32>
            %gather3A_338 = tpu.vector_load_idx %arg10[%broadcast_in_dim3A_283, %add3A_337] : memref<32x512xf32, #tpu.memory_space<vmem>>[vector<16xi32>, vector<16xi32>], vector<16xf32>,
            tpu.vector_store_idx %arg12[%add3A_334, %broadcast_in_dim3A], %gather3A_338 : memref<256x128xf32, #tpu.memory_space<vmem>>[vector<16xi32>, vector<16xi32>], vector<16xf32>,
            %add3A_339 = arith.constant 128 : i32
            %add3A_340 = vector.broadcast %add3A_339 : i32 to vector<16xi32>
            %add3A_341 = arith.addi %add3A_340, %iota3A : vector<16xi32>
            %add3A_342 = arith.constant 256 : i32
            %add3A_343 = vector.broadcast %add3A_342 : i32 to vector<16xi32>
            %add3A_344 = arith.addi %add3A_343, %add3A_341 : vector<16xi32>
            %gather3A_345 = tpu.vector_load_idx %arg10[%broadcast_in_dim3A_283, %add3A_344] : memref<32x512xf32, #tpu.memory_space<vmem>>[vector<16xi32>, vector<16xi32>], vector<16xf32>,
            tpu.vector_store_idx %arg12[%add3A_341, %broadcast_in_dim3A], %gather3A_345 : memref<256x128xf32, #tpu.memory_space<vmem>>[vector<16xi32>, vector<16xi32>], vector<16xf32>,
            %add3A_346 = arith.constant 144 : i32
            %add3A_347 = vector.broadcast %add3A_346 : i32 to vector<16xi32>
            %add3A_348 = arith.addi %add3A_347, %iota3A : vector<16xi32>
            %add3A_349 = arith.constant 256 : i32
            %add3A_350 = vector.broadcast %add3A_349 : i32 to vector<16xi32>
            %add3A_351 = arith.addi %add3A_350, %add3A_348 : vector<16xi32>
            %gather3A_352 = tpu.vector_load_idx %arg10[%broadcast_in_dim3A_283, %add3A_351] : memref<32x512xf32, #tpu.memory_space<vmem>>[vector<16xi32>, vector<16xi32>], vector<16xf32>,
            tpu.vector_store_idx %arg12[%add3A_348, %broadcast_in_dim3A], %gather3A_352 : memref<256x128xf32, #tpu.memory_space<vmem>>[vector<16xi32>, vector<16xi32>], vector<16xf32>,
            %add3A_353 = arith.constant 160 : i32
            %add3A_354 = vector.broadcast %add3A_353 : i32 to vector<16xi32>
            %add3A_355 = arith.addi %add3A_354, %iota3A : vector<16xi32>
            %add3A_356 = arith.constant 256 : i32
            %add3A_357 = vector.broadcast %add3A_356 : i32 to vector<16xi32>
            %add3A_358 = arith.addi %add3A_357, %add3A_355 : vector<16xi32>
            %gather3A_359 = tpu.vector_load_idx %arg10[%broadcast_in_dim3A_283, %add3A_358] : memref<32x512xf32, #tpu.memory_space<vmem>>[vector<16xi32>, vector<16xi32>], vector<16xf32>,
            tpu.vector_store_idx %arg12[%add3A_355, %broadcast_in_dim3A], %gather3A_359 : memref<256x128xf32, #tpu.memory_space<vmem>>[vector<16xi32>, vector<16xi32>], vector<16xf32>,
            %add3A_360 = arith.constant 176 : i32
            %add3A_361 = vector.broadcast %add3A_360 : i32 to vector<16xi32>
            %add3A_362 = arith.addi %add3A_361, %iota3A : vector<16xi32>
            %add3A_363 = arith.constant 256 : i32
            %add3A_364 = vector.broadcast %add3A_363 : i32 to vector<16xi32>
            %add3A_365 = arith.addi %add3A_364, %add3A_362 : vector<16xi32>
            %gather3A_366 = tpu.vector_load_idx %arg10[%broadcast_in_dim3A_283, %add3A_365] : memref<32x512xf32, #tpu.memory_space<vmem>>[vector<16xi32>, vector<16xi32>], vector<16xf32>,
            tpu.vector_store_idx %arg12[%add3A_362, %broadcast_in_dim3A], %gather3A_366 : memref<256x128xf32, #tpu.memory_space<vmem>>[vector<16xi32>, vector<16xi32>], vector<16xf32>,
            %add3A_367 = arith.constant 192 : i32
            %add3A_368 = vector.broadcast %add3A_367 : i32 to vector<16xi32>
            %add3A_369 = arith.addi %add3A_368, %iota3A : vector<16xi32>
            %add3A_370 = arith.constant 256 : i32
            %add3A_371 = vector.broadcast %add3A_370 : i32 to vector<16xi32>
            %add3A_372 = arith.addi %add3A_371, %add3A_369 : vector<16xi32>
            %gather3A_373 = tpu.vector_load_idx %arg10[%broadcast_in_dim3A_283, %add3A_372] : memref<32x512xf32, #tpu.memory_space<vmem>>[vector<16xi32>, vector<16xi32>], vector<16xf32>,
            tpu.vector_store_idx %arg12[%add3A_369, %broadcast_in_dim3A], %gather3A_373 : memref<256x128xf32, #tpu.memory_space<vmem>>[vector<16xi32>, vector<16xi32>], vector<16xf32>,
            %add3A_374 = arith.constant 208 : i32
            %add3A_375 = vector.broadcast %add3A_374 : i32 to vector<16xi32>
            %add3A_376 = arith.addi %add3A_375, %iota3A : vector<16xi32>
            %add3A_377 = arith.constant 256 : i32
            %add3A_378 = vector.broadcast %add3A_377 : i32 to vector<16xi32>
            %add3A_379 = arith.addi %add3A_378, %add3A_376 : vector<16xi32>
            %gather3A_380 = tpu.vector_load_idx %arg10[%broadcast_in_dim3A_283, %add3A_379] : memref<32x512xf32, #tpu.memory_space<vmem>>[vector<16xi32>, vector<16xi32>], vector<16xf32>,
            tpu.vector_store_idx %arg12[%add3A_376, %broadcast_in_dim3A], %gather3A_380 : memref<256x128xf32, #tpu.memory_space<vmem>>[vector<16xi32>, vector<16xi32>], vector<16xf32>,
            %add3A_381 = arith.constant 224 : i32
            %add3A_382 = vector.broadcast %add3A_381 : i32 to vector<16xi32>
            %add3A_383 = arith.addi %add3A_382, %iota3A : vector<16xi32>
            %add3A_384 = arith.constant 256 : i32
            %add3A_385 = vector.broadcast %add3A_384 : i32 to vector<16xi32>
            %add3A_386 = arith.addi %add3A_385, %add3A_383 : vector<16xi32>
            %gather3A_387 = tpu.vector_load_idx %arg10[%broadcast_in_dim3A_283, %add3A_386] : memref<32x512xf32, #tpu.memory_space<vmem>>[vector<16xi32>, vector<16xi32>], vector<16xf32>,
            tpu.vector_store_idx %arg12[%add3A_383, %broadcast_in_dim3A], %gather3A_387 : memref<256x128xf32, #tpu.memory_space<vmem>>[vector<16xi32>, vector<16xi32>], vector<16xf32>,
            %add3A_388 = arith.constant 240 : i32
            %add3A_389 = vector.broadcast %add3A_388 : i32 to vector<16xi32>
            %add3A_390 = arith.addi %add3A_389, %iota3A : vector<16xi32>
            %add3A_391 = arith.constant 256 : i32
            %add3A_392 = vector.broadcast %add3A_391 : i32 to vector<16xi32>
            %add3A_393 = arith.addi %add3A_392, %add3A_390 : vector<16xi32>
            %gather3A_394 = tpu.vector_load_idx %arg10[%broadcast_in_dim3A_283, %add3A_393] : memref<32x512xf32, #tpu.memory_space<vmem>>[vector<16xi32>, vector<16xi32>], vector<16xf32>,
            tpu.vector_store_idx %arg12[%add3A_390, %broadcast_in_dim3A], %gather3A_394 : memref<256x128xf32, #tpu.memory_space<vmem>>[vector<16xi32>, vector<16xi32>], vector<16xf32>,
          }
          %while3A_273 = arith.constant 1 : i32
          scf.for %while3A_274 = %while3A_271 to %while3A_267 step %while3A_273  : i32 {
            %mul3A_275 = arith.muli %while3A_274, %while3A_263 : i32
            %add3A_276 = arith.addi %while3A_264, %mul3A_275 : i32
            %add3A_277 = arith.addi %add3A_251, %add3A_276 : i32
            %get3A = arith.index_cast %add3A_277 : i32 to index
            %get3A_278 = tpu.vector_load %arg8[%get3A] {strides = array<i32>} : memref<3232xi32, #tpu.memory_space<vmem>>, vector<16xi32>,
            %slice3A = vector.extract_strided_slice %get3A_278 {offsets = [0], sizes = [1], strides = [1]} : vector<16xi32> to vector<1xi32>
            %squeeze3A = vector.extract %slice3A[0] : i32 from vector<1xi32>
            %shift_right_arithmetic3A = arith.constant 14 : i32
            %shift_right_arithmetic3A_279 = arith.shrsi %squeeze3A, %shift_right_arithmetic3A : i32
            %mul3A_280 = arith.constant 128 : i32
            %mul3A_281 = arith.muli %add3A_96, %mul3A_280 : i32
            %sub3A_282 = arith.subi %shift_right_arithmetic3A_279, %mul3A_281 : i32
            %broadcast_in_dim3A = vector.broadcast %sub3A_282 : i32 to vector<16xi32>
            %broadcast_in_dim3A_283 = vector.broadcast %add3A_276 : i32 to vector<16xi32>
            %add3A_284 = arith.constant 0 : i32
            %add3A_285 = vector.broadcast %add3A_284 : i32 to vector<16xi32>
            %add3A_286 = arith.addi %add3A_285, %iota3A : vector<16xi32>
            %add3A_287 = arith.constant 256 : i32
            %add3A_288 = vector.broadcast %add3A_287 : i32 to vector<16xi32>
            %add3A_289 = arith.addi %add3A_288, %add3A_286 : vector<16xi32>
            %gather3A = tpu.vector_load_idx %arg10[%broadcast_in_dim3A_283, %add3A_289] : memref<32x512xf32, #tpu.memory_space<vmem>>[vector<16xi32>, vector<16xi32>], vector<16xf32>,
            tpu.vector_store_idx %arg12[%add3A_286, %broadcast_in_dim3A], %gather3A : memref<256x128xf32, #tpu.memory_space<vmem>>[vector<16xi32>, vector<16xi32>], vector<16xf32>,
            %add3A_290 = arith.constant 16 : i32
            %add3A_291 = vector.broadcast %add3A_290 : i32 to vector<16xi32>
            %add3A_292 = arith.addi %add3A_291, %iota3A : vector<16xi32>
            %add3A_293 = arith.constant 256 : i32
            %add3A_294 = vector.broadcast %add3A_293 : i32 to vector<16xi32>
            %add3A_295 = arith.addi %add3A_294, %add3A_292 : vector<16xi32>
            %gather3A_296 = tpu.vector_load_idx %arg10[%broadcast_in_dim3A_283, %add3A_295] : memref<32x512xf32, #tpu.memory_space<vmem>>[vector<16xi32>, vector<16xi32>], vector<16xf32>,
            tpu.vector_store_idx %arg12[%add3A_292, %broadcast_in_dim3A], %gather3A_296 : memref<256x128xf32, #tpu.memory_space<vmem>>[vector<16xi32>, vector<16xi32>], vector<16xf32>,
            %add3A_297 = arith.constant 32 : i32
            %add3A_298 = vector.broadcast %add3A_297 : i32 to vector<16xi32>
            %add3A_299 = arith.addi %add3A_298, %iota3A : vector<16xi32>
            %add3A_300 = arith.constant 256 : i32
            %add3A_301 = vector.broadcast %add3A_300 : i32 to vector<16xi32>
            %add3A_302 = arith.addi %add3A_301, %add3A_299 : vector<16xi32>
            %gather3A_303 = tpu.vector_load_idx %arg10[%broadcast_in_dim3A_283, %add3A_302] : memref<32x512xf32, #tpu.memory_space<vmem>>[vector<16xi32>, vector<16xi32>], vector<16xf32>,
            tpu.vector_store_idx %arg12[%add3A_299, %broadcast_in_dim3A], %gather3A_303 : memref<256x128xf32, #tpu.memory_space<vmem>>[vector<16xi32>, vector<16xi32>], vector<16xf32>,
            %add3A_304 = arith.constant 48 : i32
            %add3A_305 = vector.broadcast %add3A_304 : i32 to vector<16xi32>
            %add3A_306 = arith.addi %add3A_305, %iota3A : vector<16xi32>
            %add3A_307 = arith.constant 256 : i32
            %add3A_308 = vector.broadcast %add3A_307 : i32 to vector<16xi32>
            %add3A_309 = arith.addi %add3A_308, %add3A_306 : vector<16xi32>
            %gather3A_310 = tpu.vector_load_idx %arg10[%broadcast_in_dim3A_283, %add3A_309] : memref<32x512xf32, #tpu.memory_space<vmem>>[vector<16xi32>, vector<16xi32>], vector<16xf32>,
            tpu.vector_store_idx %arg12[%add3A_306, %broadcast_in_dim3A], %gather3A_310 : memref<256x128xf32, #tpu.memory_space<vmem>>[vector<16xi32>, vector<16xi32>], vector<16xf32>,
            %add3A_311 = arith.constant 64 : i32
            %add3A_312 = vector.broadcast %add3A_311 : i32 to vector<16xi32>
            %add3A_313 = arith.addi %add3A_312, %iota3A : vector<16xi32>
            %add3A_314 = arith.constant 256 : i32
            %add3A_315 = vector.broadcast %add3A_314 : i32 to vector<16xi32>
            %add3A_316 = arith.addi %add3A_315, %add3A_313 : vector<16xi32>
            %gather3A_317 = tpu.vector_load_idx %arg10[%broadcast_in_dim3A_283, %add3A_316] : memref<32x512xf32, #tpu.memory_space<vmem>>[vector<16xi32>, vector<16xi32>], vector<16xf32>,
            tpu.vector_store_idx %arg12[%add3A_313, %broadcast_in_dim3A], %gather3A_317 : memref<256x128xf32, #tpu.memory_space<vmem>>[vector<16xi32>, vector<16xi32>], vector<16xf32>,
            %add3A_318 = arith.constant 80 : i32
            %add3A_319 = vector.broadcast %add3A_318 : i32 to vector<16xi32>
            %add3A_320 = arith.addi %add3A_319, %iota3A : vector<16xi32>
            %add3A_321 = arith.constant 256 : i32
            %add3A_322 = vector.broadcast %add3A_321 : i32 to vector<16xi32>
            %add3A_323 = arith.addi %add3A_322, %add3A_320 : vector<16xi32>
            %gather3A_324 = tpu.vector_load_idx %arg10[%broadcast_in_dim3A_283, %add3A_323] : memref<32x512xf32, #tpu.memory_space<vmem>>[vector<16xi32>, vector<16xi32>], vector<16xf32>,
            tpu.vector_store_idx %arg12[%add3A_320, %broadcast_in_dim3A], %gather3A_324 : memref<256x128xf32, #tpu.memory_space<vmem>>[vector<16xi32>, vector<16xi32>], vector<16xf32>,
            %add3A_325 = arith.constant 96 : i32
            %add3A_326 = vector.broadcast %add3A_325 : i32 to vector<16xi32>
            %add3A_327 = arith.addi %add3A_326, %iota3A : vector<16xi32>
            %add3A_328 = arith.constant 256 : i32
            %add3A_329 = vector.broadcast %add3A_328 : i32 to vector<16xi32>
            %add3A_330 = arith.addi %add3A_329, %add3A_327 : vector<16xi32>
            %gather3A_331 = tpu.vector_load_idx %arg10[%broadcast_in_dim3A_283, %add3A_330] : memref<32x512xf32, #tpu.memory_space<vmem>>[vector<16xi32>, vector<16xi32>], vector<16xf32>,
            tpu.vector_store_idx %arg12[%add3A_327, %broadcast_in_dim3A], %gather3A_331 : memref<256x128xf32, #tpu.memory_space<vmem>>[vector<16xi32>, vector<16xi32>], vector<16xf32>,
            %add3A_332 = arith.constant 112 : i32
            %add3A_333 = vector.broadcast %add3A_332 : i32 to vector<16xi32>
            %add3A_334 = arith.addi %add3A_333, %iota3A : vector<16xi32>
            %add3A_335 = arith.constant 256 : i32
            %add3A_336 = vector.broadcast %add3A_335 : i32 to vector<16xi32>
            %add3A_337 = arith.addi %add3A_336, %add3A_334 : vector<16xi32>
            %gather3A_338 = tpu.vector_load_idx %arg10[%broadcast_in_dim3A_283, %add3A_337] : memref<32x512xf32, #tpu.memory_space<vmem>>[vector<16xi32>, vector<16xi32>], vector<16xf32>,
            tpu.vector_store_idx %arg12[%add3A_334, %broadcast_in_dim3A], %gather3A_338 : memref<256x128xf32, #tpu.memory_space<vmem>>[vector<16xi32>, vector<16xi32>], vector<16xf32>,
            %add3A_339 = arith.constant 128 : i32
            %add3A_340 = vector.broadcast %add3A_339 : i32 to vector<16xi32>
            %add3A_341 = arith.addi %add3A_340, %iota3A : vector<16xi32>
            %add3A_342 = arith.constant 256 : i32
            %add3A_343 = vector.broadcast %add3A_342 : i32 to vector<16xi32>
            %add3A_344 = arith.addi %add3A_343, %add3A_341 : vector<16xi32>
            %gather3A_345 = tpu.vector_load_idx %arg10[%broadcast_in_dim3A_283, %add3A_344] : memref<32x512xf32, #tpu.memory_space<vmem>>[vector<16xi32>, vector<16xi32>], vector<16xf32>,
            tpu.vector_store_idx %arg12[%add3A_341, %broadcast_in_dim3A], %gather3A_345 : memref<256x128xf32, #tpu.memory_space<vmem>>[vector<16xi32>, vector<16xi32>], vector<16xf32>,
            %add3A_346 = arith.constant 144 : i32
            %add3A_347 = vector.broadcast %add3A_346 : i32 to vector<16xi32>
            %add3A_348 = arith.addi %add3A_347, %iota3A : vector<16xi32>
            %add3A_349 = arith.constant 256 : i32
            %add3A_350 = vector.broadcast %add3A_349 : i32 to vector<16xi32>
            %add3A_351 = arith.addi %add3A_350, %add3A_348 : vector<16xi32>
            %gather3A_352 = tpu.vector_load_idx %arg10[%broadcast_in_dim3A_283, %add3A_351] : memref<32x512xf32, #tpu.memory_space<vmem>>[vector<16xi32>, vector<16xi32>], vector<16xf32>,
            tpu.vector_store_idx %arg12[%add3A_348, %broadcast_in_dim3A], %gather3A_352 : memref<256x128xf32, #tpu.memory_space<vmem>>[vector<16xi32>, vector<16xi32>], vector<16xf32>,
            %add3A_353 = arith.constant 160 : i32
            %add3A_354 = vector.broadcast %add3A_353 : i32 to vector<16xi32>
            %add3A_355 = arith.addi %add3A_354, %iota3A : vector<16xi32>
            %add3A_356 = arith.constant 256 : i32
            %add3A_357 = vector.broadcast %add3A_356 : i32 to vector<16xi32>
            %add3A_358 = arith.addi %add3A_357, %add3A_355 : vector<16xi32>
            %gather3A_359 = tpu.vector_load_idx %arg10[%broadcast_in_dim3A_283, %add3A_358] : memref<32x512xf32, #tpu.memory_space<vmem>>[vector<16xi32>, vector<16xi32>], vector<16xf32>,
            tpu.vector_store_idx %arg12[%add3A_355, %broadcast_in_dim3A], %gather3A_359 : memref<256x128xf32, #tpu.memory_space<vmem>>[vector<16xi32>, vector<16xi32>], vector<16xf32>,
            %add3A_360 = arith.constant 176 : i32
            %add3A_361 = vector.broadcast %add3A_360 : i32 to vector<16xi32>
            %add3A_362 = arith.addi %add3A_361, %iota3A : vector<16xi32>
            %add3A_363 = arith.constant 256 : i32
            %add3A_364 = vector.broadcast %add3A_363 : i32 to vector<16xi32>
            %add3A_365 = arith.addi %add3A_364, %add3A_362 : vector<16xi32>
            %gather3A_366 = tpu.vector_load_idx %arg10[%broadcast_in_dim3A_283, %add3A_365] : memref<32x512xf32, #tpu.memory_space<vmem>>[vector<16xi32>, vector<16xi32>], vector<16xf32>,
            tpu.vector_store_idx %arg12[%add3A_362, %broadcast_in_dim3A], %gather3A_366 : memref<256x128xf32, #tpu.memory_space<vmem>>[vector<16xi32>, vector<16xi32>], vector<16xf32>,
            %add3A_367 = arith.constant 192 : i32
            %add3A_368 = vector.broadcast %add3A_367 : i32 to vector<16xi32>
            %add3A_369 = arith.addi %add3A_368, %iota3A : vector<16xi32>
            %add3A_370 = arith.constant 256 : i32
            %add3A_371 = vector.broadcast %add3A_370 : i32 to vector<16xi32>
            %add3A_372 = arith.addi %add3A_371, %add3A_369 : vector<16xi32>
            %gather3A_373 = tpu.vector_load_idx %arg10[%broadcast_in_dim3A_283, %add3A_372] : memref<32x512xf32, #tpu.memory_space<vmem>>[vector<16xi32>, vector<16xi32>], vector<16xf32>,
            tpu.vector_store_idx %arg12[%add3A_369, %broadcast_in_dim3A], %gather3A_373 : memref<256x128xf32, #tpu.memory_space<vmem>>[vector<16xi32>, vector<16xi32>], vector<16xf32>,
            %add3A_374 = arith.constant 208 : i32
            %add3A_375 = vector.broadcast %add3A_374 : i32 to vector<16xi32>
            %add3A_376 = arith.addi %add3A_375, %iota3A : vector<16xi32>
            %add3A_377 = arith.constant 256 : i32
            %add3A_378 = vector.broadcast %add3A_377 : i32 to vector<16xi32>
            %add3A_379 = arith.addi %add3A_378, %add3A_376 : vector<16xi32>
            %gather3A_380 = tpu.vector_load_idx %arg10[%broadcast_in_dim3A_283, %add3A_379] : memref<32x512xf32, #tpu.memory_space<vmem>>[vector<16xi32>, vector<16xi32>], vector<16xf32>,
            tpu.vector_store_idx %arg12[%add3A_376, %broadcast_in_dim3A], %gather3A_380 : memref<256x128xf32, #tpu.memory_space<vmem>>[vector<16xi32>, vector<16xi32>], vector<16xf32>,
            %add3A_381 = arith.constant 224 : i32
            %add3A_382 = vector.broadcast %add3A_381 : i32 to vector<16xi32>
            %add3A_383 = arith.addi %add3A_382, %iota3A : vector<16xi32>
            %add3A_384 = arith.constant 256 : i32
            %add3A_385 = vector.broadcast %add3A_384 : i32 to vector<16xi32>
            %add3A_386 = arith.addi %add3A_385, %add3A_383 : vector<16xi32>
            %gather3A_387 = tpu.vector_load_idx %arg10[%broadcast_in_dim3A_283, %add3A_386] : memref<32x512xf32, #tpu.memory_space<vmem>>[vector<16xi32>, vector<16xi32>], vector<16xf32>,
            tpu.vector_store_idx %arg12[%add3A_383, %broadcast_in_dim3A], %gather3A_387 : memref<256x128xf32, #tpu.memory_space<vmem>>[vector<16xi32>, vector<16xi32>], vector<16xf32>,
            %add3A_388 = arith.constant 240 : i32
            %add3A_389 = vector.broadcast %add3A_388 : i32 to vector<16xi32>
            %add3A_390 = arith.addi %add3A_389, %iota3A : vector<16xi32>
            %add3A_391 = arith.constant 256 : i32
            %add3A_392 = vector.broadcast %add3A_391 : i32 to vector<16xi32>
            %add3A_393 = arith.addi %add3A_392, %add3A_390 : vector<16xi32>
            %gather3A_394 = tpu.vector_load_idx %arg10[%broadcast_in_dim3A_283, %add3A_393] : memref<32x512xf32, #tpu.memory_space<vmem>>[vector<16xi32>, vector<16xi32>], vector<16xf32>,
            tpu.vector_store_idx %arg12[%add3A_390, %broadcast_in_dim3A], %gather3A_394 : memref<256x128xf32, #tpu.memory_space<vmem>>[vector<16xi32>, vector<16xi32>], vector<16xf32>,
          }
        }
      } else {
      }
      %not3A = arith.constant true
      %not3A_181 = arith.xori %le3A_179, %not3A : i1
      %convert_element_type3A_182 = arith.extui %not3A_181 : i1 to i32
      %cond3A_183 = arith.constant 0 : i32
      %cond3A_184 = arith.cmpi ne, %convert_element_type3A_182, %cond3A_183 : i32
      scf.if %cond3A_184 {
        %sub3A_198 = arith.subi %while3A_108, %while3A_95 : i32
        %add3A_199 = arith.constant 32 : i32
        %add3A_200 = arith.addi %sub3A_198, %add3A_199 : i32
        %sub3A_201 = arith.constant 1 : i32
        %sub3A_202 = arith.subi %add3A_200, %sub3A_201 : i32
        %jit3A_203 = arith.constant 32 : i32
        %div3A_204 = arith.divsi %sub3A_202, %jit3A_203 : i32
        %sign3A_205 = arith.constant 0 : i32
        %sign3A_206 = arith.cmpi sgt, %sub3A_202, %sign3A_205 : i32
        %sign3A_207 = arith.extui %sign3A_206 : i1 to i32
        %sign3A_208 = arith.constant 0 : i32
        %sign3A_209 = arith.cmpi slt, %sub3A_202, %sign3A_208 : i32
        %sign3A_210 = arith.extui %sign3A_209 : i1 to i32
        %sign3A_211 = arith.subi %sign3A_207, %sign3A_210 : i32
        %sign3A_212 = arith.constant 0 : i32
        %sign3A_213 = arith.cmpi sgt, %jit3A_203, %sign3A_212 : i32
        %sign3A_214 = arith.extui %sign3A_213 : i1 to i32
        %sign3A_215 = arith.constant 0 : i32
        %sign3A_216 = arith.cmpi slt, %jit3A_203, %sign3A_215 : i32
        %sign3A_217 = arith.extui %sign3A_216 : i1 to i32
        %sign3A_218 = arith.subi %sign3A_214, %sign3A_217 : i32
        %ne3A_219 = arith.cmpi ne, %sign3A_211, %sign3A_218 : i32
        %rem3A_220 = arith.remsi %sub3A_202, %jit3A_203 : i32
        %ne3A_221 = arith.constant 0 : i32
        %ne3A_222 = arith.cmpi ne, %rem3A_220, %ne3A_221 : i32
        %and3A_223 = arith.andi %ne3A_219, %ne3A_222 : i1
        %sub3A_224 = arith.constant 1 : i32
        %sub3A_225 = arith.subi %div3A_204, %sub3A_224 : i32
        %select_n3A_226 = arith.select %and3A_223, %sub3A_225, %div3A_204 : i32
        %sub3A_227 = arith.constant 0 : i32
        %sub3A_228 = arith.subi %select_n3A_226, %sub3A_227 : i32
        %sub3A_229 = arith.constant 1 : i32
        %sub3A_230 = arith.constant 1 : i32
        %sub3A_231 = arith.subi %sub3A_229, %sub3A_230 : i32
        %add3A_232 = arith.addi %sub3A_228, %sub3A_231 : i32
        %div3A_233 = arith.constant 1 : i32
        %div3A_234 = arith.divsi %add3A_232, %div3A_233 : i32
        %while3A_235 = arith.constant 1 : i32
        %while3A_236 = arith.constant 0 : i32
        %while3A_237 = arith.constant 0 : i32
        %while3A_238 = arith.subi %div3A_234, %while3A_237 : i32
        %while3A_239 = arith.addi %while3A_237, %while3A_238 : i32
        %while3A_240 = arith.constant 1 : i32
        %while3A_241 = arith.divsi %while3A_238, %while3A_240 : i32
        %while3A_242 = arith.muli %while3A_241, %while3A_240 : i32
        %while3A_243 = arith.addi %while3A_237, %while3A_242 : i32
        %while3A_244 = arith.constant 1 : i32
        scf.for %while3A_246 = %while3A_237 to %while3A_243 step %while3A_244  : i32 {
          %mul3A_247 = arith.muli %while3A_246, %while3A_235 : i32
          %add3A_248 = arith.addi %while3A_236, %mul3A_247 : i32
          %mul3A_249 = arith.constant 32 : i32
          %mul3A_250 = arith.muli %add3A_248, %mul3A_249 : i32
          %add3A_251 = arith.addi %while3A_95, %mul3A_250 : i32
          %add3A_252 = arith.constant 0 : i32
          %add3A_253 = arith.addi %add3A_251, %add3A_252 : i32
          %get3A = arith.index_cast %add3A_253 : i32 to index
          %get3A_254 = tpu.vector_load %arg8[%get3A] {strides = array<i32>} : memref<3232xi32, #tpu.memory_space<vmem>>, vector<16xi32>,
          %and3A_255 = arith.constant 16383 : i32
          %and3A_256 = vector.broadcast %and3A_255 : i32 to vector<16xi32>
          %and3A_257 = arith.andi %get3A_254, %and3A_256 : vector<16xi32>
          %swap3A = arith.constant 0 : index
          %swap3A_258 = tpu.vector_load %arg9[%swap3A] {strides = array<i32>} : memref<32xi32, #tpu.memory_space<vmem>>, vector<16xi32>,
          tpu.vector_store %arg9[%swap3A], %and3A_257 {strides = array<i32>} : memref<32xi32, #tpu.memory_space<vmem>>, vector<16xi32>,
          %add3A_259 = arith.constant 16 : i32
          %add3A_260 = arith.addi %add3A_251, %add3A_259 : i32
          %get3A_261 = arith.index_cast %add3A_260 : i32 to index
          %get3A_262 = tpu.vector_load %arg8[%get3A_261] {strides = array<i32>} : memref<3232xi32, #tpu.memory_space<vmem>>, vector<16xi32>,
          %and3A_263 = arith.constant 16383 : i32
          %and3A_264 = vector.broadcast %and3A_263 : i32 to vector<16xi32>
          %and3A_265 = arith.andi %get3A_262, %and3A_264 : vector<16xi32>
          %swap3A_266 = arith.constant 16 : index
          %swap3A_267 = tpu.vector_load %arg9[%swap3A_266] {strides = array<i32>} : memref<32xi32, #tpu.memory_space<vmem>>, vector<16xi32>,
          tpu.vector_store %arg9[%swap3A_266], %and3A_265 {strides = array<i32>} : memref<32xi32, #tpu.memory_space<vmem>>, vector<16xi32>,
          %dma_start3A_268 = arith.constant 0 : i32
          %dma_start3A_269 = arith.constant 0 : i32
          %dma_start3A_270 = tpu.memref_slice %arg3[%dma_start3A_268, %dma_start3A_269] : memref<16384x512xf32, #tpu.memory_space<hbm>> -> memref<16384x512xf32, #tpu.memory_space<hbm>>
          tpu.enqueue_indirect_dma source(%dma_start3A_270 : memref<16384x512xf32, #tpu.memory_space<hbm>>) target(%arg10 : memref<32x512xf32, #tpu.memory_space<vmem>>) offsets(%arg9 : memref<32xi32, #tpu.memory_space<vmem>>) semaphore(%arg13 : memref<!tpu.dma_semaphore, #tpu.memory_space<semaphore_mem>>)
          %dma_wait3A_271 = arith.constant 0 : i32
          %dma_wait3A_272 = arith.constant 0 : i32
          %dma_wait3A_273 = tpu.memref_slice %arg3[%dma_wait3A_271, %dma_wait3A_272] : memref<16384x512xf32, #tpu.memory_space<hbm>> -> memref<16384x512xf32, #tpu.memory_space<hbm>>
          tpu.wait_indirect_dma semaphore(%arg13 : memref<!tpu.dma_semaphore, #tpu.memory_space<semaphore_mem>>) src(%dma_wait3A_273 : memref<16384x512xf32, #tpu.memory_space<hbm>>) dst(%arg10 : memref<32x512xf32, #tpu.memory_space<vmem>>)
          %sub3A_274 = arith.subi %while3A_108, %add3A_251 : i32
          %min3A_275 = arith.constant 32 : i32
          %min3A_276 = arith.minsi %sub3A_274, %min3A_275 : i32
          %sub3A_277 = arith.constant 0 : i32
          %sub3A_278 = arith.subi %min3A_276, %sub3A_277 : i32
          %sub3A_279 = arith.constant 1 : i32
          %sub3A_280 = arith.constant 1 : i32
          %sub3A_281 = arith.subi %sub3A_279, %sub3A_280 : i32
          %add3A_282 = arith.addi %sub3A_278, %sub3A_281 : i32
          %div3A_283 = arith.constant 1 : i32
          %div3A_284 = arith.divsi %add3A_282, %div3A_283 : i32
          %while3A_285 = arith.constant 1 : i32
          %while3A_286 = arith.constant 0 : i32
          %while3A_287 = arith.constant 0 : i32
          %while3A_288 = arith.subi %div3A_284, %while3A_287 : i32
          %while3A_289 = arith.addi %while3A_287, %while3A_288 : i32
          %while3A_290 = arith.constant 1 : i32
          %while3A_291 = arith.divsi %while3A_288, %while3A_290 : i32
          %while3A_292 = arith.muli %while3A_291, %while3A_290 : i32
          %while3A_293 = arith.addi %while3A_287, %while3A_292 : i32
          %while3A_294 = arith.constant 1 : i32
          scf.for %while3A_296 = %while3A_287 to %while3A_293 step %while3A_294  : i32 {
            %mul3A_297 = arith.muli %while3A_296, %while3A_285 : i32
            %add3A_298 = arith.addi %while3A_286, %mul3A_297 : i32
            %add3A_299 = arith.addi %add3A_251, %add3A_298 : i32
            %get3A_300 = arith.index_cast %add3A_299 : i32 to index
            %get3A_301 = tpu.vector_load %arg8[%get3A_300] {strides = array<i32>} : memref<3232xi32, #tpu.memory_space<vmem>>, vector<16xi32>,
            %slice3A = vector.extract_strided_slice %get3A_301 {offsets = [0], sizes = [1], strides = [1]} : vector<16xi32> to vector<1xi32>
            %squeeze3A = vector.extract %slice3A[0] : i32 from vector<1xi32>
            %shift_right_arithmetic3A = arith.constant 14 : i32
            %shift_right_arithmetic3A_302 = arith.shrsi %squeeze3A, %shift_right_arithmetic3A : i32
            %mul3A_303 = arith.constant 128 : i32
            %mul3A_304 = arith.muli %add3A_96, %mul3A_303 : i32
            %sub3A_305 = arith.subi %shift_right_arithmetic3A_302, %mul3A_304 : i32
            %broadcast_in_dim3A = vector.broadcast %sub3A_305 : i32 to vector<16xi32>
            %broadcast_in_dim3A_306 = vector.broadcast %add3A_298 : i32 to vector<16xi32>
            %add3A_307 = arith.constant 0 : i32
            %add3A_308 = vector.broadcast %add3A_307 : i32 to vector<16xi32>
            %add3A_309 = arith.addi %add3A_308, %iota3A : vector<16xi32>
            %add3A_310 = arith.constant 256 : i32
            %add3A_311 = vector.broadcast %add3A_310 : i32 to vector<16xi32>
            %add3A_312 = arith.addi %add3A_311, %add3A_309 : vector<16xi32>
            %gather3A = tpu.vector_load_idx %arg10[%broadcast_in_dim3A_306, %add3A_312] : memref<32x512xf32, #tpu.memory_space<vmem>>[vector<16xi32>, vector<16xi32>], vector<16xf32>,
            tpu.vector_store_idx %arg12[%add3A_309, %broadcast_in_dim3A], %gather3A : memref<256x128xf32, #tpu.memory_space<vmem>>[vector<16xi32>, vector<16xi32>], vector<16xf32>,
            %add3A_313 = arith.constant 16 : i32
            %add3A_314 = vector.broadcast %add3A_313 : i32 to vector<16xi32>
            %add3A_315 = arith.addi %add3A_314, %iota3A : vector<16xi32>
            %add3A_316 = arith.constant 256 : i32
            %add3A_317 = vector.broadcast %add3A_316 : i32 to vector<16xi32>
            %add3A_318 = arith.addi %add3A_317, %add3A_315 : vector<16xi32>
            %gather3A_319 = tpu.vector_load_idx %arg10[%broadcast_in_dim3A_306, %add3A_318] : memref<32x512xf32, #tpu.memory_space<vmem>>[vector<16xi32>, vector<16xi32>], vector<16xf32>,
            tpu.vector_store_idx %arg12[%add3A_315, %broadcast_in_dim3A], %gather3A_319 : memref<256x128xf32, #tpu.memory_space<vmem>>[vector<16xi32>, vector<16xi32>], vector<16xf32>,
            %add3A_320 = arith.constant 32 : i32
            %add3A_321 = vector.broadcast %add3A_320 : i32 to vector<16xi32>
            %add3A_322 = arith.addi %add3A_321, %iota3A : vector<16xi32>
            %add3A_323 = arith.constant 256 : i32
            %add3A_324 = vector.broadcast %add3A_323 : i32 to vector<16xi32>
            %add3A_325 = arith.addi %add3A_324, %add3A_322 : vector<16xi32>
            %gather3A_326 = tpu.vector_load_idx %arg10[%broadcast_in_dim3A_306, %add3A_325] : memref<32x512xf32, #tpu.memory_space<vmem>>[vector<16xi32>, vector<16xi32>], vector<16xf32>,
            tpu.vector_store_idx %arg12[%add3A_322, %broadcast_in_dim3A], %gather3A_326 : memref<256x128xf32, #tpu.memory_space<vmem>>[vector<16xi32>, vector<16xi32>], vector<16xf32>,
            %add3A_327 = arith.constant 48 : i32
            %add3A_328 = vector.broadcast %add3A_327 : i32 to vector<16xi32>
            %add3A_329 = arith.addi %add3A_328, %iota3A : vector<16xi32>
            %add3A_330 = arith.constant 256 : i32
            %add3A_331 = vector.broadcast %add3A_330 : i32 to vector<16xi32>
            %add3A_332 = arith.addi %add3A_331, %add3A_329 : vector<16xi32>
            %gather3A_333 = tpu.vector_load_idx %arg10[%broadcast_in_dim3A_306, %add3A_332] : memref<32x512xf32, #tpu.memory_space<vmem>>[vector<16xi32>, vector<16xi32>], vector<16xf32>,
            tpu.vector_store_idx %arg12[%add3A_329, %broadcast_in_dim3A], %gather3A_333 : memref<256x128xf32, #tpu.memory_space<vmem>>[vector<16xi32>, vector<16xi32>], vector<16xf32>,
            %add3A_334 = arith.constant 64 : i32
            %add3A_335 = vector.broadcast %add3A_334 : i32 to vector<16xi32>
            %add3A_336 = arith.addi %add3A_335, %iota3A : vector<16xi32>
            %add3A_337 = arith.constant 256 : i32
            %add3A_338 = vector.broadcast %add3A_337 : i32 to vector<16xi32>
            %add3A_339 = arith.addi %add3A_338, %add3A_336 : vector<16xi32>
            %gather3A_340 = tpu.vector_load_idx %arg10[%broadcast_in_dim3A_306, %add3A_339] : memref<32x512xf32, #tpu.memory_space<vmem>>[vector<16xi32>, vector<16xi32>], vector<16xf32>,
            tpu.vector_store_idx %arg12[%add3A_336, %broadcast_in_dim3A], %gather3A_340 : memref<256x128xf32, #tpu.memory_space<vmem>>[vector<16xi32>, vector<16xi32>], vector<16xf32>,
            %add3A_341 = arith.constant 80 : i32
            %add3A_342 = vector.broadcast %add3A_341 : i32 to vector<16xi32>
            %add3A_343 = arith.addi %add3A_342, %iota3A : vector<16xi32>
            %add3A_344 = arith.constant 256 : i32
            %add3A_345 = vector.broadcast %add3A_344 : i32 to vector<16xi32>
            %add3A_346 = arith.addi %add3A_345, %add3A_343 : vector<16xi32>
            %gather3A_347 = tpu.vector_load_idx %arg10[%broadcast_in_dim3A_306, %add3A_346] : memref<32x512xf32, #tpu.memory_space<vmem>>[vector<16xi32>, vector<16xi32>], vector<16xf32>,
            tpu.vector_store_idx %arg12[%add3A_343, %broadcast_in_dim3A], %gather3A_347 : memref<256x128xf32, #tpu.memory_space<vmem>>[vector<16xi32>, vector<16xi32>], vector<16xf32>,
            %add3A_348 = arith.constant 96 : i32
            %add3A_349 = vector.broadcast %add3A_348 : i32 to vector<16xi32>
            %add3A_350 = arith.addi %add3A_349, %iota3A : vector<16xi32>
            %add3A_351 = arith.constant 256 : i32
            %add3A_352 = vector.broadcast %add3A_351 : i32 to vector<16xi32>
            %add3A_353 = arith.addi %add3A_352, %add3A_350 : vector<16xi32>
            %gather3A_354 = tpu.vector_load_idx %arg10[%broadcast_in_dim3A_306, %add3A_353] : memref<32x512xf32, #tpu.memory_space<vmem>>[vector<16xi32>, vector<16xi32>], vector<16xf32>,
            tpu.vector_store_idx %arg12[%add3A_350, %broadcast_in_dim3A], %gather3A_354 : memref<256x128xf32, #tpu.memory_space<vmem>>[vector<16xi32>, vector<16xi32>], vector<16xf32>,
            %add3A_355 = arith.constant 112 : i32
            %add3A_356 = vector.broadcast %add3A_355 : i32 to vector<16xi32>
            %add3A_357 = arith.addi %add3A_356, %iota3A : vector<16xi32>
            %add3A_358 = arith.constant 256 : i32
            %add3A_359 = vector.broadcast %add3A_358 : i32 to vector<16xi32>
            %add3A_360 = arith.addi %add3A_359, %add3A_357 : vector<16xi32>
            %gather3A_361 = tpu.vector_load_idx %arg10[%broadcast_in_dim3A_306, %add3A_360] : memref<32x512xf32, #tpu.memory_space<vmem>>[vector<16xi32>, vector<16xi32>], vector<16xf32>,
            tpu.vector_store_idx %arg12[%add3A_357, %broadcast_in_dim3A], %gather3A_361 : memref<256x128xf32, #tpu.memory_space<vmem>>[vector<16xi32>, vector<16xi32>], vector<16xf32>,
            %add3A_362 = arith.constant 128 : i32
            %add3A_363 = vector.broadcast %add3A_362 : i32 to vector<16xi32>
            %add3A_364 = arith.addi %add3A_363, %iota3A : vector<16xi32>
            %add3A_365 = arith.constant 256 : i32
            %add3A_366 = vector.broadcast %add3A_365 : i32 to vector<16xi32>
            %add3A_367 = arith.addi %add3A_366, %add3A_364 : vector<16xi32>
            %gather3A_368 = tpu.vector_load_idx %arg10[%broadcast_in_dim3A_306, %add3A_367] : memref<32x512xf32, #tpu.memory_space<vmem>>[vector<16xi32>, vector<16xi32>], vector<16xf32>,
            tpu.vector_store_idx %arg12[%add3A_364, %broadcast_in_dim3A], %gather3A_368 : memref<256x128xf32, #tpu.memory_space<vmem>>[vector<16xi32>, vector<16xi32>], vector<16xf32>,
            %add3A_369 = arith.constant 144 : i32
            %add3A_370 = vector.broadcast %add3A_369 : i32 to vector<16xi32>
            %add3A_371 = arith.addi %add3A_370, %iota3A : vector<16xi32>
            %add3A_372 = arith.constant 256 : i32
            %add3A_373 = vector.broadcast %add3A_372 : i32 to vector<16xi32>
            %add3A_374 = arith.addi %add3A_373, %add3A_371 : vector<16xi32>
            %gather3A_375 = tpu.vector_load_idx %arg10[%broadcast_in_dim3A_306, %add3A_374] : memref<32x512xf32, #tpu.memory_space<vmem>>[vector<16xi32>, vector<16xi32>], vector<16xf32>,
            tpu.vector_store_idx %arg12[%add3A_371, %broadcast_in_dim3A], %gather3A_375 : memref<256x128xf32, #tpu.memory_space<vmem>>[vector<16xi32>, vector<16xi32>], vector<16xf32>,
            %add3A_376 = arith.constant 160 : i32
            %add3A_377 = vector.broadcast %add3A_376 : i32 to vector<16xi32>
            %add3A_378 = arith.addi %add3A_377, %iota3A : vector<16xi32>
            %add3A_379 = arith.constant 256 : i32
            %add3A_380 = vector.broadcast %add3A_379 : i32 to vector<16xi32>
            %add3A_381 = arith.addi %add3A_380, %add3A_378 : vector<16xi32>
            %gather3A_382 = tpu.vector_load_idx %arg10[%broadcast_in_dim3A_306, %add3A_381] : memref<32x512xf32, #tpu.memory_space<vmem>>[vector<16xi32>, vector<16xi32>], vector<16xf32>,
            tpu.vector_store_idx %arg12[%add3A_378, %broadcast_in_dim3A], %gather3A_382 : memref<256x128xf32, #tpu.memory_space<vmem>>[vector<16xi32>, vector<16xi32>], vector<16xf32>,
            %add3A_383 = arith.constant 176 : i32
            %add3A_384 = vector.broadcast %add3A_383 : i32 to vector<16xi32>
            %add3A_385 = arith.addi %add3A_384, %iota3A : vector<16xi32>
            %add3A_386 = arith.constant 256 : i32
            %add3A_387 = vector.broadcast %add3A_386 : i32 to vector<16xi32>
            %add3A_388 = arith.addi %add3A_387, %add3A_385 : vector<16xi32>
            %gather3A_389 = tpu.vector_load_idx %arg10[%broadcast_in_dim3A_306, %add3A_388] : memref<32x512xf32, #tpu.memory_space<vmem>>[vector<16xi32>, vector<16xi32>], vector<16xf32>,
            tpu.vector_store_idx %arg12[%add3A_385, %broadcast_in_dim3A], %gather3A_389 : memref<256x128xf32, #tpu.memory_space<vmem>>[vector<16xi32>, vector<16xi32>], vector<16xf32>,
            %add3A_390 = arith.constant 192 : i32
            %add3A_391 = vector.broadcast %add3A_390 : i32 to vector<16xi32>
            %add3A_392 = arith.addi %add3A_391, %iota3A : vector<16xi32>
            %add3A_393 = arith.constant 256 : i32
            %add3A_394 = vector.broadcast %add3A_393 : i32 to vector<16xi32>
            %add3A_395 = arith.addi %add3A_394, %add3A_392 : vector<16xi32>
            %gather3A_396 = tpu.vector_load_idx %arg10[%broadcast_in_dim3A_306, %add3A_395] : memref<32x512xf32, #tpu.memory_space<vmem>>[vector<16xi32>, vector<16xi32>], vector<16xf32>,
            tpu.vector_store_idx %arg12[%add3A_392, %broadcast_in_dim3A], %gather3A_396 : memref<256x128xf32, #tpu.memory_space<vmem>>[vector<16xi32>, vector<16xi32>], vector<16xf32>,
            %add3A_397 = arith.constant 208 : i32
            %add3A_398 = vector.broadcast %add3A_397 : i32 to vector<16xi32>
            %add3A_399 = arith.addi %add3A_398, %iota3A : vector<16xi32>
            %add3A_400 = arith.constant 256 : i32
            %add3A_401 = vector.broadcast %add3A_400 : i32 to vector<16xi32>
            %add3A_402 = arith.addi %add3A_401, %add3A_399 : vector<16xi32>
            %gather3A_403 = tpu.vector_load_idx %arg10[%broadcast_in_dim3A_306, %add3A_402] : memref<32x512xf32, #tpu.memory_space<vmem>>[vector<16xi32>, vector<16xi32>], vector<16xf32>,
            tpu.vector_store_idx %arg12[%add3A_399, %broadcast_in_dim3A], %gather3A_403 : memref<256x128xf32, #tpu.memory_space<vmem>>[vector<16xi32>, vector<16xi32>], vector<16xf32>,
            %add3A_404 = arith.constant 224 : i32
            %add3A_405 = vector.broadcast %add3A_404 : i32 to vector<16xi32>
            %add3A_406 = arith.addi %add3A_405, %iota3A : vector<16xi32>
            %add3A_407 = arith.constant 256 : i32
            %add3A_408 = vector.broadcast %add3A_407 : i32 to vector<16xi32>
            %add3A_409 = arith.addi %add3A_408, %add3A_406 : vector<16xi32>
            %gather3A_410 = tpu.vector_load_idx %arg10[%broadcast_in_dim3A_306, %add3A_409] : memref<32x512xf32, #tpu.memory_space<vmem>>[vector<16xi32>, vector<16xi32>], vector<16xf32>,
            tpu.vector_store_idx %arg12[%add3A_406, %broadcast_in_dim3A], %gather3A_410 : memref<256x128xf32, #tpu.memory_space<vmem>>[vector<16xi32>, vector<16xi32>], vector<16xf32>,
            %add3A_411 = arith.constant 240 : i32
            %add3A_412 = vector.broadcast %add3A_411 : i32 to vector<16xi32>
            %add3A_413 = arith.addi %add3A_412, %iota3A : vector<16xi32>
            %add3A_414 = arith.constant 256 : i32
            %add3A_415 = vector.broadcast %add3A_414 : i32 to vector<16xi32>
            %add3A_416 = arith.addi %add3A_415, %add3A_413 : vector<16xi32>
            %gather3A_417 = tpu.vector_load_idx %arg10[%broadcast_in_dim3A_306, %add3A_416] : memref<32x512xf32, #tpu.memory_space<vmem>>[vector<16xi32>, vector<16xi32>], vector<16xf32>,
            tpu.vector_store_idx %arg12[%add3A_413, %broadcast_in_dim3A], %gather3A_417 : memref<256x128xf32, #tpu.memory_space<vmem>>[vector<16xi32>, vector<16xi32>], vector<16xf32>,
          }
          %while3A_295 = arith.constant 1 : i32
          scf.for %while3A_296 = %while3A_293 to %while3A_289 step %while3A_295  : i32 {
            %mul3A_297 = arith.muli %while3A_296, %while3A_285 : i32
            %add3A_298 = arith.addi %while3A_286, %mul3A_297 : i32
            %add3A_299 = arith.addi %add3A_251, %add3A_298 : i32
            %get3A_300 = arith.index_cast %add3A_299 : i32 to index
            %get3A_301 = tpu.vector_load %arg8[%get3A_300] {strides = array<i32>} : memref<3232xi32, #tpu.memory_space<vmem>>, vector<16xi32>,
            %slice3A = vector.extract_strided_slice %get3A_301 {offsets = [0], sizes = [1], strides = [1]} : vector<16xi32> to vector<1xi32>
            %squeeze3A = vector.extract %slice3A[0] : i32 from vector<1xi32>
            %shift_right_arithmetic3A = arith.constant 14 : i32
            %shift_right_arithmetic3A_302 = arith.shrsi %squeeze3A, %shift_right_arithmetic3A : i32
            %mul3A_303 = arith.constant 128 : i32
            %mul3A_304 = arith.muli %add3A_96, %mul3A_303 : i32
            %sub3A_305 = arith.subi %shift_right_arithmetic3A_302, %mul3A_304 : i32
            %broadcast_in_dim3A = vector.broadcast %sub3A_305 : i32 to vector<16xi32>
            %broadcast_in_dim3A_306 = vector.broadcast %add3A_298 : i32 to vector<16xi32>
            %add3A_307 = arith.constant 0 : i32
            %add3A_308 = vector.broadcast %add3A_307 : i32 to vector<16xi32>
            %add3A_309 = arith.addi %add3A_308, %iota3A : vector<16xi32>
            %add3A_310 = arith.constant 256 : i32
            %add3A_311 = vector.broadcast %add3A_310 : i32 to vector<16xi32>
            %add3A_312 = arith.addi %add3A_311, %add3A_309 : vector<16xi32>
            %gather3A = tpu.vector_load_idx %arg10[%broadcast_in_dim3A_306, %add3A_312] : memref<32x512xf32, #tpu.memory_space<vmem>>[vector<16xi32>, vector<16xi32>], vector<16xf32>,
            tpu.vector_store_idx %arg12[%add3A_309, %broadcast_in_dim3A], %gather3A : memref<256x128xf32, #tpu.memory_space<vmem>>[vector<16xi32>, vector<16xi32>], vector<16xf32>,
            %add3A_313 = arith.constant 16 : i32
            %add3A_314 = vector.broadcast %add3A_313 : i32 to vector<16xi32>
            %add3A_315 = arith.addi %add3A_314, %iota3A : vector<16xi32>
            %add3A_316 = arith.constant 256 : i32
            %add3A_317 = vector.broadcast %add3A_316 : i32 to vector<16xi32>
            %add3A_318 = arith.addi %add3A_317, %add3A_315 : vector<16xi32>
            %gather3A_319 = tpu.vector_load_idx %arg10[%broadcast_in_dim3A_306, %add3A_318] : memref<32x512xf32, #tpu.memory_space<vmem>>[vector<16xi32>, vector<16xi32>], vector<16xf32>,
            tpu.vector_store_idx %arg12[%add3A_315, %broadcast_in_dim3A], %gather3A_319 : memref<256x128xf32, #tpu.memory_space<vmem>>[vector<16xi32>, vector<16xi32>], vector<16xf32>,
            %add3A_320 = arith.constant 32 : i32
            %add3A_321 = vector.broadcast %add3A_320 : i32 to vector<16xi32>
            %add3A_322 = arith.addi %add3A_321, %iota3A : vector<16xi32>
            %add3A_323 = arith.constant 256 : i32
            %add3A_324 = vector.broadcast %add3A_323 : i32 to vector<16xi32>
            %add3A_325 = arith.addi %add3A_324, %add3A_322 : vector<16xi32>
            %gather3A_326 = tpu.vector_load_idx %arg10[%broadcast_in_dim3A_306, %add3A_325] : memref<32x512xf32, #tpu.memory_space<vmem>>[vector<16xi32>, vector<16xi32>], vector<16xf32>,
            tpu.vector_store_idx %arg12[%add3A_322, %broadcast_in_dim3A], %gather3A_326 : memref<256x128xf32, #tpu.memory_space<vmem>>[vector<16xi32>, vector<16xi32>], vector<16xf32>,
            %add3A_327 = arith.constant 48 : i32
            %add3A_328 = vector.broadcast %add3A_327 : i32 to vector<16xi32>
            %add3A_329 = arith.addi %add3A_328, %iota3A : vector<16xi32>
            %add3A_330 = arith.constant 256 : i32
            %add3A_331 = vector.broadcast %add3A_330 : i32 to vector<16xi32>
            %add3A_332 = arith.addi %add3A_331, %add3A_329 : vector<16xi32>
            %gather3A_333 = tpu.vector_load_idx %arg10[%broadcast_in_dim3A_306, %add3A_332] : memref<32x512xf32, #tpu.memory_space<vmem>>[vector<16xi32>, vector<16xi32>], vector<16xf32>,
            tpu.vector_store_idx %arg12[%add3A_329, %broadcast_in_dim3A], %gather3A_333 : memref<256x128xf32, #tpu.memory_space<vmem>>[vector<16xi32>, vector<16xi32>], vector<16xf32>,
            %add3A_334 = arith.constant 64 : i32
            %add3A_335 = vector.broadcast %add3A_334 : i32 to vector<16xi32>
            %add3A_336 = arith.addi %add3A_335, %iota3A : vector<16xi32>
            %add3A_337 = arith.constant 256 : i32
            %add3A_338 = vector.broadcast %add3A_337 : i32 to vector<16xi32>
            %add3A_339 = arith.addi %add3A_338, %add3A_336 : vector<16xi32>
            %gather3A_340 = tpu.vector_load_idx %arg10[%broadcast_in_dim3A_306, %add3A_339] : memref<32x512xf32, #tpu.memory_space<vmem>>[vector<16xi32>, vector<16xi32>], vector<16xf32>,
            tpu.vector_store_idx %arg12[%add3A_336, %broadcast_in_dim3A], %gather3A_340 : memref<256x128xf32, #tpu.memory_space<vmem>>[vector<16xi32>, vector<16xi32>], vector<16xf32>,
            %add3A_341 = arith.constant 80 : i32
            %add3A_342 = vector.broadcast %add3A_341 : i32 to vector<16xi32>
            %add3A_343 = arith.addi %add3A_342, %iota3A : vector<16xi32>
            %add3A_344 = arith.constant 256 : i32
            %add3A_345 = vector.broadcast %add3A_344 : i32 to vector<16xi32>
            %add3A_346 = arith.addi %add3A_345, %add3A_343 : vector<16xi32>
            %gather3A_347 = tpu.vector_load_idx %arg10[%broadcast_in_dim3A_306, %add3A_346] : memref<32x512xf32, #tpu.memory_space<vmem>>[vector<16xi32>, vector<16xi32>], vector<16xf32>,
            tpu.vector_store_idx %arg12[%add3A_343, %broadcast_in_dim3A], %gather3A_347 : memref<256x128xf32, #tpu.memory_space<vmem>>[vector<16xi32>, vector<16xi32>], vector<16xf32>,
            %add3A_348 = arith.constant 96 : i32
            %add3A_349 = vector.broadcast %add3A_348 : i32 to vector<16xi32>
            %add3A_350 = arith.addi %add3A_349, %iota3A : vector<16xi32>
            %add3A_351 = arith.constant 256 : i32
            %add3A_352 = vector.broadcast %add3A_351 : i32 to vector<16xi32>
            %add3A_353 = arith.addi %add3A_352, %add3A_350 : vector<16xi32>
            %gather3A_354 = tpu.vector_load_idx %arg10[%broadcast_in_dim3A_306, %add3A_353] : memref<32x512xf32, #tpu.memory_space<vmem>>[vector<16xi32>, vector<16xi32>], vector<16xf32>,
            tpu.vector_store_idx %arg12[%add3A_350, %broadcast_in_dim3A], %gather3A_354 : memref<256x128xf32, #tpu.memory_space<vmem>>[vector<16xi32>, vector<16xi32>], vector<16xf32>,
            %add3A_355 = arith.constant 112 : i32
            %add3A_356 = vector.broadcast %add3A_355 : i32 to vector<16xi32>
            %add3A_357 = arith.addi %add3A_356, %iota3A : vector<16xi32>
            %add3A_358 = arith.constant 256 : i32
            %add3A_359 = vector.broadcast %add3A_358 : i32 to vector<16xi32>
            %add3A_360 = arith.addi %add3A_359, %add3A_357 : vector<16xi32>
            %gather3A_361 = tpu.vector_load_idx %arg10[%broadcast_in_dim3A_306, %add3A_360] : memref<32x512xf32, #tpu.memory_space<vmem>>[vector<16xi32>, vector<16xi32>], vector<16xf32>,
            tpu.vector_store_idx %arg12[%add3A_357, %broadcast_in_dim3A], %gather3A_361 : memref<256x128xf32, #tpu.memory_space<vmem>>[vector<16xi32>, vector<16xi32>], vector<16xf32>,
            %add3A_362 = arith.constant 128 : i32
            %add3A_363 = vector.broadcast %add3A_362 : i32 to vector<16xi32>
            %add3A_364 = arith.addi %add3A_363, %iota3A : vector<16xi32>
            %add3A_365 = arith.constant 256 : i32
            %add3A_366 = vector.broadcast %add3A_365 : i32 to vector<16xi32>
            %add3A_367 = arith.addi %add3A_366, %add3A_364 : vector<16xi32>
            %gather3A_368 = tpu.vector_load_idx %arg10[%broadcast_in_dim3A_306, %add3A_367] : memref<32x512xf32, #tpu.memory_space<vmem>>[vector<16xi32>, vector<16xi32>], vector<16xf32>,
            tpu.vector_store_idx %arg12[%add3A_364, %broadcast_in_dim3A], %gather3A_368 : memref<256x128xf32, #tpu.memory_space<vmem>>[vector<16xi32>, vector<16xi32>], vector<16xf32>,
            %add3A_369 = arith.constant 144 : i32
            %add3A_370 = vector.broadcast %add3A_369 : i32 to vector<16xi32>
            %add3A_371 = arith.addi %add3A_370, %iota3A : vector<16xi32>
            %add3A_372 = arith.constant 256 : i32
            %add3A_373 = vector.broadcast %add3A_372 : i32 to vector<16xi32>
            %add3A_374 = arith.addi %add3A_373, %add3A_371 : vector<16xi32>
            %gather3A_375 = tpu.vector_load_idx %arg10[%broadcast_in_dim3A_306, %add3A_374] : memref<32x512xf32, #tpu.memory_space<vmem>>[vector<16xi32>, vector<16xi32>], vector<16xf32>,
            tpu.vector_store_idx %arg12[%add3A_371, %broadcast_in_dim3A], %gather3A_375 : memref<256x128xf32, #tpu.memory_space<vmem>>[vector<16xi32>, vector<16xi32>], vector<16xf32>,
            %add3A_376 = arith.constant 160 : i32
            %add3A_377 = vector.broadcast %add3A_376 : i32 to vector<16xi32>
            %add3A_378 = arith.addi %add3A_377, %iota3A : vector<16xi32>
            %add3A_379 = arith.constant 256 : i32
            %add3A_380 = vector.broadcast %add3A_379 : i32 to vector<16xi32>
            %add3A_381 = arith.addi %add3A_380, %add3A_378 : vector<16xi32>
            %gather3A_382 = tpu.vector_load_idx %arg10[%broadcast_in_dim3A_306, %add3A_381] : memref<32x512xf32, #tpu.memory_space<vmem>>[vector<16xi32>, vector<16xi32>], vector<16xf32>,
            tpu.vector_store_idx %arg12[%add3A_378, %broadcast_in_dim3A], %gather3A_382 : memref<256x128xf32, #tpu.memory_space<vmem>>[vector<16xi32>, vector<16xi32>], vector<16xf32>,
            %add3A_383 = arith.constant 176 : i32
            %add3A_384 = vector.broadcast %add3A_383 : i32 to vector<16xi32>
            %add3A_385 = arith.addi %add3A_384, %iota3A : vector<16xi32>
            %add3A_386 = arith.constant 256 : i32
            %add3A_387 = vector.broadcast %add3A_386 : i32 to vector<16xi32>
            %add3A_388 = arith.addi %add3A_387, %add3A_385 : vector<16xi32>
            %gather3A_389 = tpu.vector_load_idx %arg10[%broadcast_in_dim3A_306, %add3A_388] : memref<32x512xf32, #tpu.memory_space<vmem>>[vector<16xi32>, vector<16xi32>], vector<16xf32>,
            tpu.vector_store_idx %arg12[%add3A_385, %broadcast_in_dim3A], %gather3A_389 : memref<256x128xf32, #tpu.memory_space<vmem>>[vector<16xi32>, vector<16xi32>], vector<16xf32>,
            %add3A_390 = arith.constant 192 : i32
            %add3A_391 = vector.broadcast %add3A_390 : i32 to vector<16xi32>
            %add3A_392 = arith.addi %add3A_391, %iota3A : vector<16xi32>
            %add3A_393 = arith.constant 256 : i32
            %add3A_394 = vector.broadcast %add3A_393 : i32 to vector<16xi32>
            %add3A_395 = arith.addi %add3A_394, %add3A_392 : vector<16xi32>
            %gather3A_396 = tpu.vector_load_idx %arg10[%broadcast_in_dim3A_306, %add3A_395] : memref<32x512xf32, #tpu.memory_space<vmem>>[vector<16xi32>, vector<16xi32>], vector<16xf32>,
            tpu.vector_store_idx %arg12[%add3A_392, %broadcast_in_dim3A], %gather3A_396 : memref<256x128xf32, #tpu.memory_space<vmem>>[vector<16xi32>, vector<16xi32>], vector<16xf32>,
            %add3A_397 = arith.constant 208 : i32
            %add3A_398 = vector.broadcast %add3A_397 : i32 to vector<16xi32>
            %add3A_399 = arith.addi %add3A_398, %iota3A : vector<16xi32>
            %add3A_400 = arith.constant 256 : i32
            %add3A_401 = vector.broadcast %add3A_400 : i32 to vector<16xi32>
            %add3A_402 = arith.addi %add3A_401, %add3A_399 : vector<16xi32>
            %gather3A_403 = tpu.vector_load_idx %arg10[%broadcast_in_dim3A_306, %add3A_402] : memref<32x512xf32, #tpu.memory_space<vmem>>[vector<16xi32>, vector<16xi32>], vector<16xf32>,
            tpu.vector_store_idx %arg12[%add3A_399, %broadcast_in_dim3A], %gather3A_403 : memref<256x128xf32, #tpu.memory_space<vmem>>[vector<16xi32>, vector<16xi32>], vector<16xf32>,
            %add3A_404 = arith.constant 224 : i32
            %add3A_405 = vector.broadcast %add3A_404 : i32 to vector<16xi32>
            %add3A_406 = arith.addi %add3A_405, %iota3A : vector<16xi32>
            %add3A_407 = arith.constant 256 : i32
            %add3A_408 = vector.broadcast %add3A_407 : i32 to vector<16xi32>
            %add3A_409 = arith.addi %add3A_408, %add3A_406 : vector<16xi32>
            %gather3A_410 = tpu.vector_load_idx %arg10[%broadcast_in_dim3A_306, %add3A_409] : memref<32x512xf32, #tpu.memory_space<vmem>>[vector<16xi32>, vector<16xi32>], vector<16xf32>,
            tpu.vector_store_idx %arg12[%add3A_406, %broadcast_in_dim3A], %gather3A_410 : memref<256x128xf32, #tpu.memory_space<vmem>>[vector<16xi32>, vector<16xi32>], vector<16xf32>,
            %add3A_411 = arith.constant 240 : i32
            %add3A_412 = vector.broadcast %add3A_411 : i32 to vector<16xi32>
            %add3A_413 = arith.addi %add3A_412, %iota3A : vector<16xi32>
            %add3A_414 = arith.constant 256 : i32
            %add3A_415 = vector.broadcast %add3A_414 : i32 to vector<16xi32>
            %add3A_416 = arith.addi %add3A_415, %add3A_413 : vector<16xi32>
            %gather3A_417 = tpu.vector_load_idx %arg10[%broadcast_in_dim3A_306, %add3A_416] : memref<32x512xf32, #tpu.memory_space<vmem>>[vector<16xi32>, vector<16xi32>], vector<16xf32>,
            tpu.vector_store_idx %arg12[%add3A_413, %broadcast_in_dim3A], %gather3A_417 : memref<256x128xf32, #tpu.memory_space<vmem>>[vector<16xi32>, vector<16xi32>], vector<16xf32>,
          }
        }
        %while3A_245 = arith.constant 1 : i32
        scf.for %while3A_246 = %while3A_243 to %while3A_239 step %while3A_245  : i32 {
          %mul3A_247 = arith.muli %while3A_246, %while3A_235 : i32
          %add3A_248 = arith.addi %while3A_236, %mul3A_247 : i32
          %mul3A_249 = arith.constant 32 : i32
          %mul3A_250 = arith.muli %add3A_248, %mul3A_249 : i32
          %add3A_251 = arith.addi %while3A_95, %mul3A_250 : i32
          %add3A_252 = arith.constant 0 : i32
          %add3A_253 = arith.addi %add3A_251, %add3A_252 : i32
          %get3A = arith.index_cast %add3A_253 : i32 to index
          %get3A_254 = tpu.vector_load %arg8[%get3A] {strides = array<i32>} : memref<3232xi32, #tpu.memory_space<vmem>>, vector<16xi32>,
          %and3A_255 = arith.constant 16383 : i32
          %and3A_256 = vector.broadcast %and3A_255 : i32 to vector<16xi32>
          %and3A_257 = arith.andi %get3A_254, %and3A_256 : vector<16xi32>
          %swap3A = arith.constant 0 : index
          %swap3A_258 = tpu.vector_load %arg9[%swap3A] {strides = array<i32>} : memref<32xi32, #tpu.memory_space<vmem>>, vector<16xi32>,
          tpu.vector_store %arg9[%swap3A], %and3A_257 {strides = array<i32>} : memref<32xi32, #tpu.memory_space<vmem>>, vector<16xi32>,
          %add3A_259 = arith.constant 16 : i32
          %add3A_260 = arith.addi %add3A_251, %add3A_259 : i32
          %get3A_261 = arith.index_cast %add3A_260 : i32 to index
          %get3A_262 = tpu.vector_load %arg8[%get3A_261] {strides = array<i32>} : memref<3232xi32, #tpu.memory_space<vmem>>, vector<16xi32>,
          %and3A_263 = arith.constant 16383 : i32
          %and3A_264 = vector.broadcast %and3A_263 : i32 to vector<16xi32>
          %and3A_265 = arith.andi %get3A_262, %and3A_264 : vector<16xi32>
          %swap3A_266 = arith.constant 16 : index
          %swap3A_267 = tpu.vector_load %arg9[%swap3A_266] {strides = array<i32>} : memref<32xi32, #tpu.memory_space<vmem>>, vector<16xi32>,
          tpu.vector_store %arg9[%swap3A_266], %and3A_265 {strides = array<i32>} : memref<32xi32, #tpu.memory_space<vmem>>, vector<16xi32>,
          %dma_start3A_268 = arith.constant 0 : i32
          %dma_start3A_269 = arith.constant 0 : i32
          %dma_start3A_270 = tpu.memref_slice %arg3[%dma_start3A_268, %dma_start3A_269] : memref<16384x512xf32, #tpu.memory_space<hbm>> -> memref<16384x512xf32, #tpu.memory_space<hbm>>
          tpu.enqueue_indirect_dma source(%dma_start3A_270 : memref<16384x512xf32, #tpu.memory_space<hbm>>) target(%arg10 : memref<32x512xf32, #tpu.memory_space<vmem>>) offsets(%arg9 : memref<32xi32, #tpu.memory_space<vmem>>) semaphore(%arg13 : memref<!tpu.dma_semaphore, #tpu.memory_space<semaphore_mem>>)
          %dma_wait3A_271 = arith.constant 0 : i32
          %dma_wait3A_272 = arith.constant 0 : i32
          %dma_wait3A_273 = tpu.memref_slice %arg3[%dma_wait3A_271, %dma_wait3A_272] : memref<16384x512xf32, #tpu.memory_space<hbm>> -> memref<16384x512xf32, #tpu.memory_space<hbm>>
          tpu.wait_indirect_dma semaphore(%arg13 : memref<!tpu.dma_semaphore, #tpu.memory_space<semaphore_mem>>) src(%dma_wait3A_273 : memref<16384x512xf32, #tpu.memory_space<hbm>>) dst(%arg10 : memref<32x512xf32, #tpu.memory_space<vmem>>)
          %sub3A_274 = arith.subi %while3A_108, %add3A_251 : i32
          %min3A_275 = arith.constant 32 : i32
          %min3A_276 = arith.minsi %sub3A_274, %min3A_275 : i32
          %sub3A_277 = arith.constant 0 : i32
          %sub3A_278 = arith.subi %min3A_276, %sub3A_277 : i32
          %sub3A_279 = arith.constant 1 : i32
          %sub3A_280 = arith.constant 1 : i32
          %sub3A_281 = arith.subi %sub3A_279, %sub3A_280 : i32
          %add3A_282 = arith.addi %sub3A_278, %sub3A_281 : i32
          %div3A_283 = arith.constant 1 : i32
          %div3A_284 = arith.divsi %add3A_282, %div3A_283 : i32
          %while3A_285 = arith.constant 1 : i32
          %while3A_286 = arith.constant 0 : i32
          %while3A_287 = arith.constant 0 : i32
          %while3A_288 = arith.subi %div3A_284, %while3A_287 : i32
          %while3A_289 = arith.addi %while3A_287, %while3A_288 : i32
          %while3A_290 = arith.constant 1 : i32
          %while3A_291 = arith.divsi %while3A_288, %while3A_290 : i32
          %while3A_292 = arith.muli %while3A_291, %while3A_290 : i32
          %while3A_293 = arith.addi %while3A_287, %while3A_292 : i32
          %while3A_294 = arith.constant 1 : i32
          scf.for %while3A_296 = %while3A_287 to %while3A_293 step %while3A_294  : i32 {
            %mul3A_297 = arith.muli %while3A_296, %while3A_285 : i32
            %add3A_298 = arith.addi %while3A_286, %mul3A_297 : i32
            %add3A_299 = arith.addi %add3A_251, %add3A_298 : i32
            %get3A_300 = arith.index_cast %add3A_299 : i32 to index
            %get3A_301 = tpu.vector_load %arg8[%get3A_300] {strides = array<i32>} : memref<3232xi32, #tpu.memory_space<vmem>>, vector<16xi32>,
            %slice3A = vector.extract_strided_slice %get3A_301 {offsets = [0], sizes = [1], strides = [1]} : vector<16xi32> to vector<1xi32>
            %squeeze3A = vector.extract %slice3A[0] : i32 from vector<1xi32>
            %shift_right_arithmetic3A = arith.constant 14 : i32
            %shift_right_arithmetic3A_302 = arith.shrsi %squeeze3A, %shift_right_arithmetic3A : i32
            %mul3A_303 = arith.constant 128 : i32
            %mul3A_304 = arith.muli %add3A_96, %mul3A_303 : i32
            %sub3A_305 = arith.subi %shift_right_arithmetic3A_302, %mul3A_304 : i32
            %broadcast_in_dim3A = vector.broadcast %sub3A_305 : i32 to vector<16xi32>
            %broadcast_in_dim3A_306 = vector.broadcast %add3A_298 : i32 to vector<16xi32>
            %add3A_307 = arith.constant 0 : i32
            %add3A_308 = vector.broadcast %add3A_307 : i32 to vector<16xi32>
            %add3A_309 = arith.addi %add3A_308, %iota3A : vector<16xi32>
            %add3A_310 = arith.constant 256 : i32
            %add3A_311 = vector.broadcast %add3A_310 : i32 to vector<16xi32>
            %add3A_312 = arith.addi %add3A_311, %add3A_309 : vector<16xi32>
            %gather3A = tpu.vector_load_idx %arg10[%broadcast_in_dim3A_306, %add3A_312] : memref<32x512xf32, #tpu.memory_space<vmem>>[vector<16xi32>, vector<16xi32>], vector<16xf32>,
            tpu.vector_store_idx %arg12[%add3A_309, %broadcast_in_dim3A], %gather3A : memref<256x128xf32, #tpu.memory_space<vmem>>[vector<16xi32>, vector<16xi32>], vector<16xf32>,
            %add3A_313 = arith.constant 16 : i32
            %add3A_314 = vector.broadcast %add3A_313 : i32 to vector<16xi32>
            %add3A_315 = arith.addi %add3A_314, %iota3A : vector<16xi32>
            %add3A_316 = arith.constant 256 : i32
            %add3A_317 = vector.broadcast %add3A_316 : i32 to vector<16xi32>
            %add3A_318 = arith.addi %add3A_317, %add3A_315 : vector<16xi32>
            %gather3A_319 = tpu.vector_load_idx %arg10[%broadcast_in_dim3A_306, %add3A_318] : memref<32x512xf32, #tpu.memory_space<vmem>>[vector<16xi32>, vector<16xi32>], vector<16xf32>,
            tpu.vector_store_idx %arg12[%add3A_315, %broadcast_in_dim3A], %gather3A_319 : memref<256x128xf32, #tpu.memory_space<vmem>>[vector<16xi32>, vector<16xi32>], vector<16xf32>,
            %add3A_320 = arith.constant 32 : i32
            %add3A_321 = vector.broadcast %add3A_320 : i32 to vector<16xi32>
            %add3A_322 = arith.addi %add3A_321, %iota3A : vector<16xi32>
            %add3A_323 = arith.constant 256 : i32
            %add3A_324 = vector.broadcast %add3A_323 : i32 to vector<16xi32>
            %add3A_325 = arith.addi %add3A_324, %add3A_322 : vector<16xi32>
            %gather3A_326 = tpu.vector_load_idx %arg10[%broadcast_in_dim3A_306, %add3A_325] : memref<32x512xf32, #tpu.memory_space<vmem>>[vector<16xi32>, vector<16xi32>], vector<16xf32>,
            tpu.vector_store_idx %arg12[%add3A_322, %broadcast_in_dim3A], %gather3A_326 : memref<256x128xf32, #tpu.memory_space<vmem>>[vector<16xi32>, vector<16xi32>], vector<16xf32>,
            %add3A_327 = arith.constant 48 : i32
            %add3A_328 = vector.broadcast %add3A_327 : i32 to vector<16xi32>
            %add3A_329 = arith.addi %add3A_328, %iota3A : vector<16xi32>
            %add3A_330 = arith.constant 256 : i32
            %add3A_331 = vector.broadcast %add3A_330 : i32 to vector<16xi32>
            %add3A_332 = arith.addi %add3A_331, %add3A_329 : vector<16xi32>
            %gather3A_333 = tpu.vector_load_idx %arg10[%broadcast_in_dim3A_306, %add3A_332] : memref<32x512xf32, #tpu.memory_space<vmem>>[vector<16xi32>, vector<16xi32>], vector<16xf32>,
            tpu.vector_store_idx %arg12[%add3A_329, %broadcast_in_dim3A], %gather3A_333 : memref<256x128xf32, #tpu.memory_space<vmem>>[vector<16xi32>, vector<16xi32>], vector<16xf32>,
            %add3A_334 = arith.constant 64 : i32
            %add3A_335 = vector.broadcast %add3A_334 : i32 to vector<16xi32>
            %add3A_336 = arith.addi %add3A_335, %iota3A : vector<16xi32>
            %add3A_337 = arith.constant 256 : i32
            %add3A_338 = vector.broadcast %add3A_337 : i32 to vector<16xi32>
            %add3A_339 = arith.addi %add3A_338, %add3A_336 : vector<16xi32>
            %gather3A_340 = tpu.vector_load_idx %arg10[%broadcast_in_dim3A_306, %add3A_339] : memref<32x512xf32, #tpu.memory_space<vmem>>[vector<16xi32>, vector<16xi32>], vector<16xf32>,
            tpu.vector_store_idx %arg12[%add3A_336, %broadcast_in_dim3A], %gather3A_340 : memref<256x128xf32, #tpu.memory_space<vmem>>[vector<16xi32>, vector<16xi32>], vector<16xf32>,
            %add3A_341 = arith.constant 80 : i32
            %add3A_342 = vector.broadcast %add3A_341 : i32 to vector<16xi32>
            %add3A_343 = arith.addi %add3A_342, %iota3A : vector<16xi32>
            %add3A_344 = arith.constant 256 : i32
            %add3A_345 = vector.broadcast %add3A_344 : i32 to vector<16xi32>
            %add3A_346 = arith.addi %add3A_345, %add3A_343 : vector<16xi32>
            %gather3A_347 = tpu.vector_load_idx %arg10[%broadcast_in_dim3A_306, %add3A_346] : memref<32x512xf32, #tpu.memory_space<vmem>>[vector<16xi32>, vector<16xi32>], vector<16xf32>,
            tpu.vector_store_idx %arg12[%add3A_343, %broadcast_in_dim3A], %gather3A_347 : memref<256x128xf32, #tpu.memory_space<vmem>>[vector<16xi32>, vector<16xi32>], vector<16xf32>,
            %add3A_348 = arith.constant 96 : i32
            %add3A_349 = vector.broadcast %add3A_348 : i32 to vector<16xi32>
            %add3A_350 = arith.addi %add3A_349, %iota3A : vector<16xi32>
            %add3A_351 = arith.constant 256 : i32
            %add3A_352 = vector.broadcast %add3A_351 : i32 to vector<16xi32>
            %add3A_353 = arith.addi %add3A_352, %add3A_350 : vector<16xi32>
            %gather3A_354 = tpu.vector_load_idx %arg10[%broadcast_in_dim3A_306, %add3A_353] : memref<32x512xf32, #tpu.memory_space<vmem>>[vector<16xi32>, vector<16xi32>], vector<16xf32>,
            tpu.vector_store_idx %arg12[%add3A_350, %broadcast_in_dim3A], %gather3A_354 : memref<256x128xf32, #tpu.memory_space<vmem>>[vector<16xi32>, vector<16xi32>], vector<16xf32>,
            %add3A_355 = arith.constant 112 : i32
            %add3A_356 = vector.broadcast %add3A_355 : i32 to vector<16xi32>
            %add3A_357 = arith.addi %add3A_356, %iota3A : vector<16xi32>
            %add3A_358 = arith.constant 256 : i32
            %add3A_359 = vector.broadcast %add3A_358 : i32 to vector<16xi32>
            %add3A_360 = arith.addi %add3A_359, %add3A_357 : vector<16xi32>
            %gather3A_361 = tpu.vector_load_idx %arg10[%broadcast_in_dim3A_306, %add3A_360] : memref<32x512xf32, #tpu.memory_space<vmem>>[vector<16xi32>, vector<16xi32>], vector<16xf32>,
            tpu.vector_store_idx %arg12[%add3A_357, %broadcast_in_dim3A], %gather3A_361 : memref<256x128xf32, #tpu.memory_space<vmem>>[vector<16xi32>, vector<16xi32>], vector<16xf32>,
            %add3A_362 = arith.constant 128 : i32
            %add3A_363 = vector.broadcast %add3A_362 : i32 to vector<16xi32>
            %add3A_364 = arith.addi %add3A_363, %iota3A : vector<16xi32>
            %add3A_365 = arith.constant 256 : i32
            %add3A_366 = vector.broadcast %add3A_365 : i32 to vector<16xi32>
            %add3A_367 = arith.addi %add3A_366, %add3A_364 : vector<16xi32>
            %gather3A_368 = tpu.vector_load_idx %arg10[%broadcast_in_dim3A_306, %add3A_367] : memref<32x512xf32, #tpu.memory_space<vmem>>[vector<16xi32>, vector<16xi32>], vector<16xf32>,
            tpu.vector_store_idx %arg12[%add3A_364, %broadcast_in_dim3A], %gather3A_368 : memref<256x128xf32, #tpu.memory_space<vmem>>[vector<16xi32>, vector<16xi32>], vector<16xf32>,
            %add3A_369 = arith.constant 144 : i32
            %add3A_370 = vector.broadcast %add3A_369 : i32 to vector<16xi32>
            %add3A_371 = arith.addi %add3A_370, %iota3A : vector<16xi32>
            %add3A_372 = arith.constant 256 : i32
            %add3A_373 = vector.broadcast %add3A_372 : i32 to vector<16xi32>
            %add3A_374 = arith.addi %add3A_373, %add3A_371 : vector<16xi32>
            %gather3A_375 = tpu.vector_load_idx %arg10[%broadcast_in_dim3A_306, %add3A_374] : memref<32x512xf32, #tpu.memory_space<vmem>>[vector<16xi32>, vector<16xi32>], vector<16xf32>,
            tpu.vector_store_idx %arg12[%add3A_371, %broadcast_in_dim3A], %gather3A_375 : memref<256x128xf32, #tpu.memory_space<vmem>>[vector<16xi32>, vector<16xi32>], vector<16xf32>,
            %add3A_376 = arith.constant 160 : i32
            %add3A_377 = vector.broadcast %add3A_376 : i32 to vector<16xi32>
            %add3A_378 = arith.addi %add3A_377, %iota3A : vector<16xi32>
            %add3A_379 = arith.constant 256 : i32
            %add3A_380 = vector.broadcast %add3A_379 : i32 to vector<16xi32>
            %add3A_381 = arith.addi %add3A_380, %add3A_378 : vector<16xi32>
            %gather3A_382 = tpu.vector_load_idx %arg10[%broadcast_in_dim3A_306, %add3A_381] : memref<32x512xf32, #tpu.memory_space<vmem>>[vector<16xi32>, vector<16xi32>], vector<16xf32>,
            tpu.vector_store_idx %arg12[%add3A_378, %broadcast_in_dim3A], %gather3A_382 : memref<256x128xf32, #tpu.memory_space<vmem>>[vector<16xi32>, vector<16xi32>], vector<16xf32>,
            %add3A_383 = arith.constant 176 : i32
            %add3A_384 = vector.broadcast %add3A_383 : i32 to vector<16xi32>
            %add3A_385 = arith.addi %add3A_384, %iota3A : vector<16xi32>
            %add3A_386 = arith.constant 256 : i32
            %add3A_387 = vector.broadcast %add3A_386 : i32 to vector<16xi32>
            %add3A_388 = arith.addi %add3A_387, %add3A_385 : vector<16xi32>
            %gather3A_389 = tpu.vector_load_idx %arg10[%broadcast_in_dim3A_306, %add3A_388] : memref<32x512xf32, #tpu.memory_space<vmem>>[vector<16xi32>, vector<16xi32>], vector<16xf32>,
            tpu.vector_store_idx %arg12[%add3A_385, %broadcast_in_dim3A], %gather3A_389 : memref<256x128xf32, #tpu.memory_space<vmem>>[vector<16xi32>, vector<16xi32>], vector<16xf32>,
            %add3A_390 = arith.constant 192 : i32
            %add3A_391 = vector.broadcast %add3A_390 : i32 to vector<16xi32>
            %add3A_392 = arith.addi %add3A_391, %iota3A : vector<16xi32>
            %add3A_393 = arith.constant 256 : i32
            %add3A_394 = vector.broadcast %add3A_393 : i32 to vector<16xi32>
            %add3A_395 = arith.addi %add3A_394, %add3A_392 : vector<16xi32>
            %gather3A_396 = tpu.vector_load_idx %arg10[%broadcast_in_dim3A_306, %add3A_395] : memref<32x512xf32, #tpu.memory_space<vmem>>[vector<16xi32>, vector<16xi32>], vector<16xf32>,
            tpu.vector_store_idx %arg12[%add3A_392, %broadcast_in_dim3A], %gather3A_396 : memref<256x128xf32, #tpu.memory_space<vmem>>[vector<16xi32>, vector<16xi32>], vector<16xf32>,
            %add3A_397 = arith.constant 208 : i32
            %add3A_398 = vector.broadcast %add3A_397 : i32 to vector<16xi32>
            %add3A_399 = arith.addi %add3A_398, %iota3A : vector<16xi32>
            %add3A_400 = arith.constant 256 : i32
            %add3A_401 = vector.broadcast %add3A_400 : i32 to vector<16xi32>
            %add3A_402 = arith.addi %add3A_401, %add3A_399 : vector<16xi32>
            %gather3A_403 = tpu.vector_load_idx %arg10[%broadcast_in_dim3A_306, %add3A_402] : memref<32x512xf32, #tpu.memory_space<vmem>>[vector<16xi32>, vector<16xi32>], vector<16xf32>,
            tpu.vector_store_idx %arg12[%add3A_399, %broadcast_in_dim3A], %gather3A_403 : memref<256x128xf32, #tpu.memory_space<vmem>>[vector<16xi32>, vector<16xi32>], vector<16xf32>,
            %add3A_404 = arith.constant 224 : i32
            %add3A_405 = vector.broadcast %add3A_404 : i32 to vector<16xi32>
            %add3A_406 = arith.addi %add3A_405, %iota3A : vector<16xi32>
            %add3A_407 = arith.constant 256 : i32
            %add3A_408 = vector.broadcast %add3A_407 : i32 to vector<16xi32>
            %add3A_409 = arith.addi %add3A_408, %add3A_406 : vector<16xi32>
            %gather3A_410 = tpu.vector_load_idx %arg10[%broadcast_in_dim3A_306, %add3A_409] : memref<32x512xf32, #tpu.memory_space<vmem>>[vector<16xi32>, vector<16xi32>], vector<16xf32>,
            tpu.vector_store_idx %arg12[%add3A_406, %broadcast_in_dim3A], %gather3A_410 : memref<256x128xf32, #tpu.memory_space<vmem>>[vector<16xi32>, vector<16xi32>], vector<16xf32>,
            %add3A_411 = arith.constant 240 : i32
            %add3A_412 = vector.broadcast %add3A_411 : i32 to vector<16xi32>
            %add3A_413 = arith.addi %add3A_412, %iota3A : vector<16xi32>
            %add3A_414 = arith.constant 256 : i32
            %add3A_415 = vector.broadcast %add3A_414 : i32 to vector<16xi32>
            %add3A_416 = arith.addi %add3A_415, %add3A_413 : vector<16xi32>
            %gather3A_417 = tpu.vector_load_idx %arg10[%broadcast_in_dim3A_306, %add3A_416] : memref<32x512xf32, #tpu.memory_space<vmem>>[vector<16xi32>, vector<16xi32>], vector<16xf32>,
            tpu.vector_store_idx %arg12[%add3A_413, %broadcast_in_dim3A], %gather3A_417 : memref<256x128xf32, #tpu.memory_space<vmem>>[vector<16xi32>, vector<16xi32>], vector<16xf32>,
          }
          %while3A_295 = arith.constant 1 : i32
          scf.for %while3A_296 = %while3A_293 to %while3A_289 step %while3A_295  : i32 {
            %mul3A_297 = arith.muli %while3A_296, %while3A_285 : i32
            %add3A_298 = arith.addi %while3A_286, %mul3A_297 : i32
            %add3A_299 = arith.addi %add3A_251, %add3A_298 : i32
            %get3A_300 = arith.index_cast %add3A_299 : i32 to index
            %get3A_301 = tpu.vector_load %arg8[%get3A_300] {strides = array<i32>} : memref<3232xi32, #tpu.memory_space<vmem>>, vector<16xi32>,
            %slice3A = vector.extract_strided_slice %get3A_301 {offsets = [0], sizes = [1], strides = [1]} : vector<16xi32> to vector<1xi32>
            %squeeze3A = vector.extract %slice3A[0] : i32 from vector<1xi32>
            %shift_right_arithmetic3A = arith.constant 14 : i32
            %shift_right_arithmetic3A_302 = arith.shrsi %squeeze3A, %shift_right_arithmetic3A : i32
            %mul3A_303 = arith.constant 128 : i32
            %mul3A_304 = arith.muli %add3A_96, %mul3A_303 : i32
            %sub3A_305 = arith.subi %shift_right_arithmetic3A_302, %mul3A_304 : i32
            %broadcast_in_dim3A = vector.broadcast %sub3A_305 : i32 to vector<16xi32>
            %broadcast_in_dim3A_306 = vector.broadcast %add3A_298 : i32 to vector<16xi32>
            %add3A_307 = arith.constant 0 : i32
            %add3A_308 = vector.broadcast %add3A_307 : i32 to vector<16xi32>
            %add3A_309 = arith.addi %add3A_308, %iota3A : vector<16xi32>
            %add3A_310 = arith.constant 256 : i32
            %add3A_311 = vector.broadcast %add3A_310 : i32 to vector<16xi32>
            %add3A_312 = arith.addi %add3A_311, %add3A_309 : vector<16xi32>
            %gather3A = tpu.vector_load_idx %arg10[%broadcast_in_dim3A_306, %add3A_312] : memref<32x512xf32, #tpu.memory_space<vmem>>[vector<16xi32>, vector<16xi32>], vector<16xf32>,
            tpu.vector_store_idx %arg12[%add3A_309, %broadcast_in_dim3A], %gather3A : memref<256x128xf32, #tpu.memory_space<vmem>>[vector<16xi32>, vector<16xi32>], vector<16xf32>,
            %add3A_313 = arith.constant 16 : i32
            %add3A_314 = vector.broadcast %add3A_313 : i32 to vector<16xi32>
            %add3A_315 = arith.addi %add3A_314, %iota3A : vector<16xi32>
            %add3A_316 = arith.constant 256 : i32
            %add3A_317 = vector.broadcast %add3A_316 : i32 to vector<16xi32>
            %add3A_318 = arith.addi %add3A_317, %add3A_315 : vector<16xi32>
            %gather3A_319 = tpu.vector_load_idx %arg10[%broadcast_in_dim3A_306, %add3A_318] : memref<32x512xf32, #tpu.memory_space<vmem>>[vector<16xi32>, vector<16xi32>], vector<16xf32>,
            tpu.vector_store_idx %arg12[%add3A_315, %broadcast_in_dim3A], %gather3A_319 : memref<256x128xf32, #tpu.memory_space<vmem>>[vector<16xi32>, vector<16xi32>], vector<16xf32>,
            %add3A_320 = arith.constant 32 : i32
            %add3A_321 = vector.broadcast %add3A_320 : i32 to vector<16xi32>
            %add3A_322 = arith.addi %add3A_321, %iota3A : vector<16xi32>
            %add3A_323 = arith.constant 256 : i32
            %add3A_324 = vector.broadcast %add3A_323 : i32 to vector<16xi32>
            %add3A_325 = arith.addi %add3A_324, %add3A_322 : vector<16xi32>
            %gather3A_326 = tpu.vector_load_idx %arg10[%broadcast_in_dim3A_306, %add3A_325] : memref<32x512xf32, #tpu.memory_space<vmem>>[vector<16xi32>, vector<16xi32>], vector<16xf32>,
            tpu.vector_store_idx %arg12[%add3A_322, %broadcast_in_dim3A], %gather3A_326 : memref<256x128xf32, #tpu.memory_space<vmem>>[vector<16xi32>, vector<16xi32>], vector<16xf32>,
            %add3A_327 = arith.constant 48 : i32
            %add3A_328 = vector.broadcast %add3A_327 : i32 to vector<16xi32>
            %add3A_329 = arith.addi %add3A_328, %iota3A : vector<16xi32>
            %add3A_330 = arith.constant 256 : i32
            %add3A_331 = vector.broadcast %add3A_330 : i32 to vector<16xi32>
            %add3A_332 = arith.addi %add3A_331, %add3A_329 : vector<16xi32>
            %gather3A_333 = tpu.vector_load_idx %arg10[%broadcast_in_dim3A_306, %add3A_332] : memref<32x512xf32, #tpu.memory_space<vmem>>[vector<16xi32>, vector<16xi32>], vector<16xf32>,
            tpu.vector_store_idx %arg12[%add3A_329, %broadcast_in_dim3A], %gather3A_333 : memref<256x128xf32, #tpu.memory_space<vmem>>[vector<16xi32>, vector<16xi32>], vector<16xf32>,
            %add3A_334 = arith.constant 64 : i32
            %add3A_335 = vector.broadcast %add3A_334 : i32 to vector<16xi32>
            %add3A_336 = arith.addi %add3A_335, %iota3A : vector<16xi32>
            %add3A_337 = arith.constant 256 : i32
            %add3A_338 = vector.broadcast %add3A_337 : i32 to vector<16xi32>
            %add3A_339 = arith.addi %add3A_338, %add3A_336 : vector<16xi32>
            %gather3A_340 = tpu.vector_load_idx %arg10[%broadcast_in_dim3A_306, %add3A_339] : memref<32x512xf32, #tpu.memory_space<vmem>>[vector<16xi32>, vector<16xi32>], vector<16xf32>,
            tpu.vector_store_idx %arg12[%add3A_336, %broadcast_in_dim3A], %gather3A_340 : memref<256x128xf32, #tpu.memory_space<vmem>>[vector<16xi32>, vector<16xi32>], vector<16xf32>,
            %add3A_341 = arith.constant 80 : i32
            %add3A_342 = vector.broadcast %add3A_341 : i32 to vector<16xi32>
            %add3A_343 = arith.addi %add3A_342, %iota3A : vector<16xi32>
            %add3A_344 = arith.constant 256 : i32
            %add3A_345 = vector.broadcast %add3A_344 : i32 to vector<16xi32>
            %add3A_346 = arith.addi %add3A_345, %add3A_343 : vector<16xi32>
            %gather3A_347 = tpu.vector_load_idx %arg10[%broadcast_in_dim3A_306, %add3A_346] : memref<32x512xf32, #tpu.memory_space<vmem>>[vector<16xi32>, vector<16xi32>], vector<16xf32>,
            tpu.vector_store_idx %arg12[%add3A_343, %broadcast_in_dim3A], %gather3A_347 : memref<256x128xf32, #tpu.memory_space<vmem>>[vector<16xi32>, vector<16xi32>], vector<16xf32>,
            %add3A_348 = arith.constant 96 : i32
            %add3A_349 = vector.broadcast %add3A_348 : i32 to vector<16xi32>
            %add3A_350 = arith.addi %add3A_349, %iota3A : vector<16xi32>
            %add3A_351 = arith.constant 256 : i32
            %add3A_352 = vector.broadcast %add3A_351 : i32 to vector<16xi32>
            %add3A_353 = arith.addi %add3A_352, %add3A_350 : vector<16xi32>
            %gather3A_354 = tpu.vector_load_idx %arg10[%broadcast_in_dim3A_306, %add3A_353] : memref<32x512xf32, #tpu.memory_space<vmem>>[vector<16xi32>, vector<16xi32>], vector<16xf32>,
            tpu.vector_store_idx %arg12[%add3A_350, %broadcast_in_dim3A], %gather3A_354 : memref<256x128xf32, #tpu.memory_space<vmem>>[vector<16xi32>, vector<16xi32>], vector<16xf32>,
            %add3A_355 = arith.constant 112 : i32
            %add3A_356 = vector.broadcast %add3A_355 : i32 to vector<16xi32>
            %add3A_357 = arith.addi %add3A_356, %iota3A : vector<16xi32>
            %add3A_358 = arith.constant 256 : i32
            %add3A_359 = vector.broadcast %add3A_358 : i32 to vector<16xi32>
            %add3A_360 = arith.addi %add3A_359, %add3A_357 : vector<16xi32>
            %gather3A_361 = tpu.vector_load_idx %arg10[%broadcast_in_dim3A_306, %add3A_360] : memref<32x512xf32, #tpu.memory_space<vmem>>[vector<16xi32>, vector<16xi32>], vector<16xf32>,
            tpu.vector_store_idx %arg12[%add3A_357, %broadcast_in_dim3A], %gather3A_361 : memref<256x128xf32, #tpu.memory_space<vmem>>[vector<16xi32>, vector<16xi32>], vector<16xf32>,
            %add3A_362 = arith.constant 128 : i32
            %add3A_363 = vector.broadcast %add3A_362 : i32 to vector<16xi32>
            %add3A_364 = arith.addi %add3A_363, %iota3A : vector<16xi32>
            %add3A_365 = arith.constant 256 : i32
            %add3A_366 = vector.broadcast %add3A_365 : i32 to vector<16xi32>
            %add3A_367 = arith.addi %add3A_366, %add3A_364 : vector<16xi32>
            %gather3A_368 = tpu.vector_load_idx %arg10[%broadcast_in_dim3A_306, %add3A_367] : memref<32x512xf32, #tpu.memory_space<vmem>>[vector<16xi32>, vector<16xi32>], vector<16xf32>,
            tpu.vector_store_idx %arg12[%add3A_364, %broadcast_in_dim3A], %gather3A_368 : memref<256x128xf32, #tpu.memory_space<vmem>>[vector<16xi32>, vector<16xi32>], vector<16xf32>,
            %add3A_369 = arith.constant 144 : i32
            %add3A_370 = vector.broadcast %add3A_369 : i32 to vector<16xi32>
            %add3A_371 = arith.addi %add3A_370, %iota3A : vector<16xi32>
            %add3A_372 = arith.constant 256 : i32
            %add3A_373 = vector.broadcast %add3A_372 : i32 to vector<16xi32>
            %add3A_374 = arith.addi %add3A_373, %add3A_371 : vector<16xi32>
            %gather3A_375 = tpu.vector_load_idx %arg10[%broadcast_in_dim3A_306, %add3A_374] : memref<32x512xf32, #tpu.memory_space<vmem>>[vector<16xi32>, vector<16xi32>], vector<16xf32>,
            tpu.vector_store_idx %arg12[%add3A_371, %broadcast_in_dim3A], %gather3A_375 : memref<256x128xf32, #tpu.memory_space<vmem>>[vector<16xi32>, vector<16xi32>], vector<16xf32>,
            %add3A_376 = arith.constant 160 : i32
            %add3A_377 = vector.broadcast %add3A_376 : i32 to vector<16xi32>
            %add3A_378 = arith.addi %add3A_377, %iota3A : vector<16xi32>
            %add3A_379 = arith.constant 256 : i32
            %add3A_380 = vector.broadcast %add3A_379 : i32 to vector<16xi32>
            %add3A_381 = arith.addi %add3A_380, %add3A_378 : vector<16xi32>
            %gather3A_382 = tpu.vector_load_idx %arg10[%broadcast_in_dim3A_306, %add3A_381] : memref<32x512xf32, #tpu.memory_space<vmem>>[vector<16xi32>, vector<16xi32>], vector<16xf32>,
            tpu.vector_store_idx %arg12[%add3A_378, %broadcast_in_dim3A], %gather3A_382 : memref<256x128xf32, #tpu.memory_space<vmem>>[vector<16xi32>, vector<16xi32>], vector<16xf32>,
            %add3A_383 = arith.constant 176 : i32
            %add3A_384 = vector.broadcast %add3A_383 : i32 to vector<16xi32>
            %add3A_385 = arith.addi %add3A_384, %iota3A : vector<16xi32>
            %add3A_386 = arith.constant 256 : i32
            %add3A_387 = vector.broadcast %add3A_386 : i32 to vector<16xi32>
            %add3A_388 = arith.addi %add3A_387, %add3A_385 : vector<16xi32>
            %gather3A_389 = tpu.vector_load_idx %arg10[%broadcast_in_dim3A_306, %add3A_388] : memref<32x512xf32, #tpu.memory_space<vmem>>[vector<16xi32>, vector<16xi32>], vector<16xf32>,
            tpu.vector_store_idx %arg12[%add3A_385, %broadcast_in_dim3A], %gather3A_389 : memref<256x128xf32, #tpu.memory_space<vmem>>[vector<16xi32>, vector<16xi32>], vector<16xf32>,
            %add3A_390 = arith.constant 192 : i32
            %add3A_391 = vector.broadcast %add3A_390 : i32 to vector<16xi32>
            %add3A_392 = arith.addi %add3A_391, %iota3A : vector<16xi32>
            %add3A_393 = arith.constant 256 : i32
            %add3A_394 = vector.broadcast %add3A_393 : i32 to vector<16xi32>
            %add3A_395 = arith.addi %add3A_394, %add3A_392 : vector<16xi32>
            %gather3A_396 = tpu.vector_load_idx %arg10[%broadcast_in_dim3A_306, %add3A_395] : memref<32x512xf32, #tpu.memory_space<vmem>>[vector<16xi32>, vector<16xi32>], vector<16xf32>,
            tpu.vector_store_idx %arg12[%add3A_392, %broadcast_in_dim3A], %gather3A_396 : memref<256x128xf32, #tpu.memory_space<vmem>>[vector<16xi32>, vector<16xi32>], vector<16xf32>,
            %add3A_397 = arith.constant 208 : i32
            %add3A_398 = vector.broadcast %add3A_397 : i32 to vector<16xi32>
            %add3A_399 = arith.addi %add3A_398, %iota3A : vector<16xi32>
            %add3A_400 = arith.constant 256 : i32
            %add3A_401 = vector.broadcast %add3A_400 : i32 to vector<16xi32>
            %add3A_402 = arith.addi %add3A_401, %add3A_399 : vector<16xi32>
            %gather3A_403 = tpu.vector_load_idx %arg10[%broadcast_in_dim3A_306, %add3A_402] : memref<32x512xf32, #tpu.memory_space<vmem>>[vector<16xi32>, vector<16xi32>], vector<16xf32>,
            tpu.vector_store_idx %arg12[%add3A_399, %broadcast_in_dim3A], %gather3A_403 : memref<256x128xf32, #tpu.memory_space<vmem>>[vector<16xi32>, vector<16xi32>], vector<16xf32>,
            %add3A_404 = arith.constant 224 : i32
            %add3A_405 = vector.broadcast %add3A_404 : i32 to vector<16xi32>
            %add3A_406 = arith.addi %add3A_405, %iota3A : vector<16xi32>
            %add3A_407 = arith.constant 256 : i32
            %add3A_408 = vector.broadcast %add3A_407 : i32 to vector<16xi32>
            %add3A_409 = arith.addi %add3A_408, %add3A_406 : vector<16xi32>
            %gather3A_410 = tpu.vector_load_idx %arg10[%broadcast_in_dim3A_306, %add3A_409] : memref<32x512xf32, #tpu.memory_space<vmem>>[vector<16xi32>, vector<16xi32>], vector<16xf32>,
            tpu.vector_store_idx %arg12[%add3A_406, %broadcast_in_dim3A], %gather3A_410 : memref<256x128xf32, #tpu.memory_space<vmem>>[vector<16xi32>, vector<16xi32>], vector<16xf32>,
            %add3A_411 = arith.constant 240 : i32
            %add3A_412 = vector.broadcast %add3A_411 : i32 to vector<16xi32>
            %add3A_413 = arith.addi %add3A_412, %iota3A : vector<16xi32>
            %add3A_414 = arith.constant 256 : i32
            %add3A_415 = vector.broadcast %add3A_414 : i32 to vector<16xi32>
            %add3A_416 = arith.addi %add3A_415, %add3A_413 : vector<16xi32>
            %gather3A_417 = tpu.vector_load_idx %arg10[%broadcast_in_dim3A_306, %add3A_416] : memref<32x512xf32, #tpu.memory_space<vmem>>[vector<16xi32>, vector<16xi32>], vector<16xf32>,
            tpu.vector_store_idx %arg12[%add3A_413, %broadcast_in_dim3A], %gather3A_417 : memref<256x128xf32, #tpu.memory_space<vmem>>[vector<16xi32>, vector<16xi32>], vector<16xf32>,
          }
        }
      } else {
      }
      %mul3A_185 = arith.constant 128 : i32
      %mul3A_186 = arith.muli %add3A_96, %mul3A_185 : i32
      %multiple_of3A_187 = tpu.assume_multiple %mul3A_186, 128 : i32
      %dma_start3A_188 = arith.constant 256 : i32
      %dma_start3A_189 = tpu.memref_slice %arg5[%dma_start3A_188, %multiple_of3A_187] : memref<512x100000xf32, #tpu.memory_space<hbm>> -> memref<256x128xf32, #tpu.memory_space<hbm>>
      %dma_start3A_190 = arith.constant 256 : i32
      %dma_start3A_191 = tpu.memref_slice %arg5[%dma_start3A_190, %multiple_of3A_187] : memref<512x100000xf32, #tpu.memory_space<hbm>> -> memref<256x128xf32, #tpu.memory_space<hbm>>
      tpu.enqueue_dma source(%arg12 : memref<256x128xf32, #tpu.memory_space<vmem>>) target(%dma_start3A_191 : memref<256x128xf32, #tpu.memory_space<hbm>>) target_semaphore(%arg17 : memref<!tpu.dma_semaphore, #tpu.memory_space<semaphore_mem>>)
      %add3A_192 = arith.constant 1 : i32
      %add3A_193 = arith.addi %while3A_94, %add3A_192 : i32
      %lt3A_194 = arith.cmpi slt, %add3A_193, %select_n3A : i32
      %convert_element_type3A_195 = arith.extui %lt3A_194 : i1 to i32
      %cond3A_196 = arith.constant 0 : i32
      %cond3A_197 = arith.cmpi ne, %convert_element_type3A_195, %cond3A_196 : i32
      scf.if %cond3A_197 {
        %mul3A_198 = arith.constant 128 : i32
        %mul3A_199 = arith.muli %add3A_96, %mul3A_198 : i32
        %multiple_of3A_200 = tpu.assume_multiple %mul3A_199, 128 : i32
        %dma_wait3A_201 = arith.constant 0 : i32
        %dma_wait3A_202 = tpu.memref_slice %arg5[%dma_wait3A_201, %multiple_of3A_200] : memref<512x100000xf32, #tpu.memory_space<hbm>> -> memref<256x128xf32, #tpu.memory_space<hbm>>
        %dma_wait3A_203 = arith.constant 0 : i32
        %dma_wait3A_204 = tpu.memref_slice %arg5[%dma_wait3A_203, %multiple_of3A_200] : memref<512x100000xf32, #tpu.memory_space<hbm>> -> memref<256x128xf32, #tpu.memory_space<hbm>>
        tpu.wait_dma2 semaphore(%arg16 : memref<!tpu.dma_semaphore, #tpu.memory_space<semaphore_mem>>) src(%arg11 : memref<256x128xf32, #tpu.memory_space<vmem>>) dst(%dma_wait3A_204 : memref<256x128xf32, #tpu.memory_space<hbm>>)
        %add3A_205 = arith.constant 1 : i32
        %add3A_206 = arith.addi %add3A_96, %add3A_205 : i32
        %mul3A_207 = arith.constant 128 : i32
        %mul3A_208 = arith.muli %add3A_206, %mul3A_207 : i32
        %multiple_of3A_209 = tpu.assume_multiple %mul3A_208, 128 : i32
        %dma_start3A_210 = arith.constant 0 : i32
        %dma_start3A_211 = tpu.memref_slice %arg4[%dma_start3A_210, %multiple_of3A_209] : memref<512x100000xf32, #tpu.memory_space<hbm>> -> memref<256x128xf32, #tpu.memory_space<hbm>>
        %dma_start3A_212 = arith.constant 0 : i32
        %dma_start3A_213 = tpu.memref_slice %arg4[%dma_start3A_212, %multiple_of3A_209] : memref<512x100000xf32, #tpu.memory_space<hbm>> -> memref<256x128xf32, #tpu.memory_space<hbm>>
        tpu.enqueue_dma source(%dma_start3A_213 : memref<256x128xf32, #tpu.memory_space<hbm>>) target(%arg11 : memref<256x128xf32, #tpu.memory_space<vmem>>) target_semaphore(%arg14 : memref<!tpu.dma_semaphore, #tpu.memory_space<semaphore_mem>>)
        %mul3A_214 = arith.constant 128 : i32
        %mul3A_215 = arith.muli %add3A_96, %mul3A_214 : i32
        %multiple_of3A_216 = tpu.assume_multiple %mul3A_215, 128 : i32
        %dma_wait3A_217 = arith.constant 256 : i32
        %dma_wait3A_218 = tpu.memref_slice %arg5[%dma_wait3A_217, %multiple_of3A_216] : memref<512x100000xf32, #tpu.memory_space<hbm>> -> memref<256x128xf32, #tpu.memory_space<hbm>>
        %dma_wait3A_219 = arith.constant 256 : i32
        %dma_wait3A_220 = tpu.memref_slice %arg5[%dma_wait3A_219, %multiple_of3A_216] : memref<512x100000xf32, #tpu.memory_space<hbm>> -> memref<256x128xf32, #tpu.memory_space<hbm>>
        tpu.wait_dma2 semaphore(%arg17 : memref<!tpu.dma_semaphore, #tpu.memory_space<semaphore_mem>>) src(%arg12 : memref<256x128xf32, #tpu.memory_space<vmem>>) dst(%dma_wait3A_220 : memref<256x128xf32, #tpu.memory_space<hbm>>)
        %add3A_221 = arith.constant 1 : i32
        %add3A_222 = arith.addi %add3A_96, %add3A_221 : i32
        %mul3A_223 = arith.constant 128 : i32
        %mul3A_224 = arith.muli %add3A_222, %mul3A_223 : i32
        %multiple_of3A_225 = tpu.assume_multiple %mul3A_224, 128 : i32
        %dma_start3A_226 = arith.constant 256 : i32
        %dma_start3A_227 = tpu.memref_slice %arg4[%dma_start3A_226, %multiple_of3A_225] : memref<512x100000xf32, #tpu.memory_space<hbm>> -> memref<256x128xf32, #tpu.memory_space<hbm>>
        %dma_start3A_228 = arith.constant 256 : i32
        %dma_start3A_229 = tpu.memref_slice %arg4[%dma_start3A_228, %multiple_of3A_225] : memref<512x100000xf32, #tpu.memory_space<hbm>> -> memref<256x128xf32, #tpu.memory_space<hbm>>
        tpu.enqueue_dma source(%dma_start3A_229 : memref<256x128xf32, #tpu.memory_space<hbm>>) target(%arg12 : memref<256x128xf32, #tpu.memory_space<vmem>>) target_semaphore(%arg15 : memref<!tpu.dma_semaphore, #tpu.memory_space<semaphore_mem>>)
      } else {
      }
      scf.yield %while3A_108 : i32
    }
    %while3A_73 = arith.constant 1 : i32
    %while3A_74 = scf.for %while3A_94 = %while3A_70 to %while3A_66 step %while3A_73 iter_args(%while3A_95 = %while3A_72) -> (i32)  : i32 {
      %add3A_96 = arith.addi %add3A_4, %while3A_94 : i32
      %while3A_97 = arith.constant 0 : i32
      %while3A_98 = arith.constant 0 : i32
      %while3A_99 = arith.subi %select_n3A_51, %while3A_97 : i32
      %while3A_100 = arith.addi %while3A_97, %while3A_99 : i32
      %while3A_101 = arith.constant 1 : i32
      %while3A_102 = arith.divsi %while3A_99, %while3A_101 : i32
      %while3A_103 = arith.muli %while3A_102, %while3A_101 : i32
      %while3A_104 = arith.addi %while3A_97, %while3A_103 : i32
      %while3A_105 = arith.constant 1 : i32
      %while3A_106 = scf.for %while3A_198 = %while3A_97 to %while3A_104 step %while3A_105 iter_args(%while3A_199 = %while3A_98) -> (i32)  : i32 {
        %mul3A_200 = arith.constant 16 : i32
        %mul3A_201 = arith.muli %while3A_198, %mul3A_200 : i32
        %add3A_202 = vector.broadcast %mul3A_201 : i32 to vector<16xi32>
        %add3A_203 = arith.addi %add3A_202, %iota3A : vector<16xi32>
        %lt3A_204 = vector.broadcast %scan3A_28 : i32 to vector<16xi32>
        %lt3A_205 = arith.cmpi slt, %add3A_203, %lt3A_204 : vector<16xi32>
        %mul3A_206 = arith.constant 16 : i32
        %mul3A_207 = arith.muli %while3A_198, %mul3A_206 : i32
        %get3A = arith.index_cast %mul3A_207 : i32 to index
        %get3A_208 = tpu.vector_load %arg8[%get3A] {strides = array<i32>} : memref<3232xi32, #tpu.memory_space<vmem>>, vector<16xi32>,
        %shift_right_logical3A = arith.constant 14 : i32
        %shift_right_logical3A_209 = vector.broadcast %shift_right_logical3A : i32 to vector<16xi32>
        %shift_right_logical3A_210 = arith.shrui %get3A_208, %shift_right_logical3A_209 : vector<16xi32>
        %add3A_211 = arith.constant 1 : i32
        %add3A_212 = arith.addi %add3A_96, %add3A_211 : i32
        %mul3A_213 = arith.constant 128 : i32
        %mul3A_214 = arith.muli %add3A_212, %mul3A_213 : i32
        %lt3A_215 = vector.broadcast %mul3A_214 : i32 to vector<16xi32>
        %lt3A_216 = arith.cmpi slt, %shift_right_logical3A_210, %lt3A_215 : vector<16xi32>
        %and3A_217 = arith.andi %lt3A_205, %lt3A_216 : vector<16xi1>
        %all_reduce_population_count3A = tpu.all_reduce %and3A_217 {dim = 0 : i64, kind = #tpu.reduction_kind<sum>} : vector<16xi1> -> vector<16xi32>
        %slice3A = vector.extract_strided_slice %all_reduce_population_count3A {offsets = [0], sizes = [1], strides = [1]} : vector<16xi32> to vector<1xi32>
        %squeeze3A = vector.extract %slice3A[0] : i32 from vector<1xi32>
        %add3A_218 = arith.addi %while3A_199, %squeeze3A : i32
        scf.yield %add3A_218 : i32
      }
      %while3A_107 = arith.constant 1 : i32
      %while3A_108 = scf.for %while3A_198 = %while3A_104 to %while3A_100 step %while3A_107 iter_args(%while3A_199 = %while3A_106) -> (i32)  : i32 {
        %mul3A_200 = arith.constant 16 : i32
        %mul3A_201 = arith.muli %while3A_198, %mul3A_200 : i32
        %add3A_202 = vector.broadcast %mul3A_201 : i32 to vector<16xi32>
        %add3A_203 = arith.addi %add3A_202, %iota3A : vector<16xi32>
        %lt3A_204 = vector.broadcast %scan3A_28 : i32 to vector<16xi32>
        %lt3A_205 = arith.cmpi slt, %add3A_203, %lt3A_204 : vector<16xi32>
        %mul3A_206 = arith.constant 16 : i32
        %mul3A_207 = arith.muli %while3A_198, %mul3A_206 : i32
        %get3A = arith.index_cast %mul3A_207 : i32 to index
        %get3A_208 = tpu.vector_load %arg8[%get3A] {strides = array<i32>} : memref<3232xi32, #tpu.memory_space<vmem>>, vector<16xi32>,
        %shift_right_logical3A = arith.constant 14 : i32
        %shift_right_logical3A_209 = vector.broadcast %shift_right_logical3A : i32 to vector<16xi32>
        %shift_right_logical3A_210 = arith.shrui %get3A_208, %shift_right_logical3A_209 : vector<16xi32>
        %add3A_211 = arith.constant 1 : i32
        %add3A_212 = arith.addi %add3A_96, %add3A_211 : i32
        %mul3A_213 = arith.constant 128 : i32
        %mul3A_214 = arith.muli %add3A_212, %mul3A_213 : i32
        %lt3A_215 = vector.broadcast %mul3A_214 : i32 to vector<16xi32>
        %lt3A_216 = arith.cmpi slt, %shift_right_logical3A_210, %lt3A_215 : vector<16xi32>
        %and3A_217 = arith.andi %lt3A_205, %lt3A_216 : vector<16xi1>
        %all_reduce_population_count3A = tpu.all_reduce %and3A_217 {dim = 0 : i64, kind = #tpu.reduction_kind<sum>} : vector<16xi1> -> vector<16xi32>
        %slice3A = vector.extract_strided_slice %all_reduce_population_count3A {offsets = [0], sizes = [1], strides = [1]} : vector<16xi32> to vector<1xi32>
        %squeeze3A = vector.extract %slice3A[0] : i32 from vector<1xi32>
        %add3A_218 = arith.addi %while3A_199, %squeeze3A : i32
        scf.yield %add3A_218 : i32
      }
      %mul3A_109 = arith.constant 128 : i32
      %mul3A_110 = arith.muli %add3A_96, %mul3A_109 : i32
      %multiple_of3A_111 = tpu.assume_multiple %mul3A_110, 128 : i32
      %dma_wait3A_112 = arith.constant 0 : i32
      %dma_wait3A_113 = tpu.memref_slice %arg4[%dma_wait3A_112, %multiple_of3A_111] : memref<512x100000xf32, #tpu.memory_space<hbm>> -> memref<256x128xf32, #tpu.memory_space<hbm>>
      %dma_wait3A_114 = arith.constant 0 : i32
      %dma_wait3A_115 = tpu.memref_slice %arg4[%dma_wait3A_114, %multiple_of3A_111] : memref<512x100000xf32, #tpu.memory_space<hbm>> -> memref<256x128xf32, #tpu.memory_space<hbm>>
      tpu.wait_dma2 semaphore(%arg14 : memref<!tpu.dma_semaphore, #tpu.memory_space<semaphore_mem>>) src(%dma_wait3A_115 : memref<256x128xf32, #tpu.memory_space<hbm>>) dst(%arg11 : memref<256x128xf32, #tpu.memory_space<vmem>>)
      %sub3A_116 = arith.subi %while3A_108, %while3A_95 : i32
      %add3A_117 = arith.constant 32 : i32
      %add3A_118 = arith.addi %sub3A_116, %add3A_117 : i32
      %sub3A_119 = arith.constant 1 : i32
      %sub3A_120 = arith.subi %add3A_118, %sub3A_119 : i32
      %jit3A_121 = arith.constant 32 : i32
      %div3A_122 = arith.divsi %sub3A_120, %jit3A_121 : i32
      %sign3A_123 = arith.constant 0 : i32
      %sign3A_124 = arith.cmpi sgt, %sub3A_120, %sign3A_123 : i32
      %sign3A_125 = arith.extui %sign3A_124 : i1 to i32
      %sign3A_126 = arith.constant 0 : i32
      %sign3A_127 = arith.cmpi slt, %sub3A_120, %sign3A_126 : i32
      %sign3A_128 = arith.extui %sign3A_127 : i1 to i32
      %sign3A_129 = arith.subi %sign3A_125, %sign3A_128 : i32
      %sign3A_130 = arith.constant 0 : i32
      %sign3A_131 = arith.cmpi sgt, %jit3A_121, %sign3A_130 : i32
      %sign3A_132 = arith.extui %sign3A_131 : i1 to i32
      %sign3A_133 = arith.constant 0 : i32
      %sign3A_134 = arith.cmpi slt, %jit3A_121, %sign3A_133 : i32
      %sign3A_135 = arith.extui %sign3A_134 : i1 to i32
      %sign3A_136 = arith.subi %sign3A_132, %sign3A_135 : i32
      %ne3A_137 = arith.cmpi ne, %sign3A_129, %sign3A_136 : i32
      %rem3A_138 = arith.remsi %sub3A_120, %jit3A_121 : i32
      %ne3A_139 = arith.constant 0 : i32
      %ne3A_140 = arith.cmpi ne, %rem3A_138, %ne3A_139 : i32
      %and3A_141 = arith.andi %ne3A_137, %ne3A_140 : i1
      %sub3A_142 = arith.constant 1 : i32
      %sub3A_143 = arith.subi %div3A_122, %sub3A_142 : i32
      %select_n3A_144 = arith.select %and3A_141, %sub3A_143, %div3A_122 : i32
      %sub3A_145 = arith.constant 0 : i32
      %sub3A_146 = arith.subi %select_n3A_144, %sub3A_145 : i32
      %sub3A_147 = arith.constant 1 : i32
      %sub3A_148 = arith.constant 1 : i32
      %sub3A_149 = arith.subi %sub3A_147, %sub3A_148 : i32
      %add3A_150 = arith.addi %sub3A_146, %sub3A_149 : i32
      %div3A_151 = arith.constant 1 : i32
      %div3A_152 = arith.divsi %add3A_150, %div3A_151 : i32
      %while3A_153 = arith.constant 1 : i32
      %while3A_154 = arith.constant 0 : i32
      %while3A_155 = arith.constant 0 : i32
      %while3A_156 = arith.subi %div3A_152, %while3A_155 : i32
      %while3A_157 = arith.addi %while3A_155, %while3A_156 : i32
      %while3A_158 = arith.constant 1 : i32
      %while3A_159 = arith.divsi %while3A_156, %while3A_158 : i32
      %while3A_160 = arith.muli %while3A_159, %while3A_158 : i32
      %while3A_161 = arith.addi %while3A_155, %while3A_160 : i32
      %while3A_162 = arith.constant 1 : i32
      scf.for %while3A_198 = %while3A_155 to %while3A_161 step %while3A_162  : i32 {
        %mul3A_199 = arith.muli %while3A_198, %while3A_153 : i32
        %add3A_200 = arith.addi %while3A_154, %mul3A_199 : i32
        %mul3A_201 = arith.constant 32 : i32
        %mul3A_202 = arith.muli %add3A_200, %mul3A_201 : i32
        %add3A_203 = arith.addi %while3A_95, %mul3A_202 : i32
        %add3A_204 = arith.constant 0 : i32
        %add3A_205 = arith.addi %add3A_203, %add3A_204 : i32
        %get3A = arith.index_cast %add3A_205 : i32 to index
        %get3A_206 = tpu.vector_load %arg8[%get3A] {strides = array<i32>} : memref<3232xi32, #tpu.memory_space<vmem>>, vector<16xi32>,
        %and3A_207 = arith.constant 16383 : i32
        %and3A_208 = vector.broadcast %and3A_207 : i32 to vector<16xi32>
        %and3A_209 = arith.andi %get3A_206, %and3A_208 : vector<16xi32>
        %swap3A = arith.constant 0 : index
        %swap3A_210 = tpu.vector_load %arg9[%swap3A] {strides = array<i32>} : memref<32xi32, #tpu.memory_space<vmem>>, vector<16xi32>,
        tpu.vector_store %arg9[%swap3A], %and3A_209 {strides = array<i32>} : memref<32xi32, #tpu.memory_space<vmem>>, vector<16xi32>,
        %add3A_211 = arith.constant 16 : i32
        %add3A_212 = arith.addi %add3A_203, %add3A_211 : i32
        %get3A_213 = arith.index_cast %add3A_212 : i32 to index
        %get3A_214 = tpu.vector_load %arg8[%get3A_213] {strides = array<i32>} : memref<3232xi32, #tpu.memory_space<vmem>>, vector<16xi32>,
        %and3A_215 = arith.constant 16383 : i32
        %and3A_216 = vector.broadcast %and3A_215 : i32 to vector<16xi32>
        %and3A_217 = arith.andi %get3A_214, %and3A_216 : vector<16xi32>
        %swap3A_218 = arith.constant 16 : index
        %swap3A_219 = tpu.vector_load %arg9[%swap3A_218] {strides = array<i32>} : memref<32xi32, #tpu.memory_space<vmem>>, vector<16xi32>,
        tpu.vector_store %arg9[%swap3A_218], %and3A_217 {strides = array<i32>} : memref<32xi32, #tpu.memory_space<vmem>>, vector<16xi32>,
        %dma_start3A_220 = arith.constant 0 : i32
        %dma_start3A_221 = arith.constant 0 : i32
        %dma_start3A_222 = tpu.memref_slice %arg3[%dma_start3A_220, %dma_start3A_221] : memref<16384x512xf32, #tpu.memory_space<hbm>> -> memref<16384x512xf32, #tpu.memory_space<hbm>>
        tpu.enqueue_indirect_dma source(%dma_start3A_222 : memref<16384x512xf32, #tpu.memory_space<hbm>>) target(%arg10 : memref<32x512xf32, #tpu.memory_space<vmem>>) offsets(%arg9 : memref<32xi32, #tpu.memory_space<vmem>>) semaphore(%arg13 : memref<!tpu.dma_semaphore, #tpu.memory_space<semaphore_mem>>)
        %dma_wait3A_223 = arith.constant 0 : i32
        %dma_wait3A_224 = arith.constant 0 : i32
        %dma_wait3A_225 = tpu.memref_slice %arg3[%dma_wait3A_223, %dma_wait3A_224] : memref<16384x512xf32, #tpu.memory_space<hbm>> -> memref<16384x512xf32, #tpu.memory_space<hbm>>
        tpu.wait_indirect_dma semaphore(%arg13 : memref<!tpu.dma_semaphore, #tpu.memory_space<semaphore_mem>>) src(%dma_wait3A_225 : memref<16384x512xf32, #tpu.memory_space<hbm>>) dst(%arg10 : memref<32x512xf32, #tpu.memory_space<vmem>>)
        %sub3A_226 = arith.subi %while3A_108, %add3A_203 : i32
        %min3A_227 = arith.constant 32 : i32
        %min3A_228 = arith.minsi %sub3A_226, %min3A_227 : i32
        %sub3A_229 = arith.constant 0 : i32
        %sub3A_230 = arith.subi %min3A_228, %sub3A_229 : i32
        %sub3A_231 = arith.constant 1 : i32
        %sub3A_232 = arith.constant 1 : i32
        %sub3A_233 = arith.subi %sub3A_231, %sub3A_232 : i32
        %add3A_234 = arith.addi %sub3A_230, %sub3A_233 : i32
        %div3A_235 = arith.constant 1 : i32
        %div3A_236 = arith.divsi %add3A_234, %div3A_235 : i32
        %while3A_237 = arith.constant 1 : i32
        %while3A_238 = arith.constant 0 : i32
        %while3A_239 = arith.constant 0 : i32
        %while3A_240 = arith.subi %div3A_236, %while3A_239 : i32
        %while3A_241 = arith.addi %while3A_239, %while3A_240 : i32
        %while3A_242 = arith.constant 1 : i32
        %while3A_243 = arith.divsi %while3A_240, %while3A_242 : i32
        %while3A_244 = arith.muli %while3A_243, %while3A_242 : i32
        %while3A_245 = arith.addi %while3A_239, %while3A_244 : i32
        %while3A_246 = arith.constant 1 : i32
        scf.for %while3A_248 = %while3A_239 to %while3A_245 step %while3A_246  : i32 {
          %mul3A_249 = arith.muli %while3A_248, %while3A_237 : i32
          %add3A_250 = arith.addi %while3A_238, %mul3A_249 : i32
          %add3A_251 = arith.addi %add3A_203, %add3A_250 : i32
          %get3A_252 = arith.index_cast %add3A_251 : i32 to index
          %get3A_253 = tpu.vector_load %arg8[%get3A_252] {strides = array<i32>} : memref<3232xi32, #tpu.memory_space<vmem>>, vector<16xi32>,
          %slice3A = vector.extract_strided_slice %get3A_253 {offsets = [0], sizes = [1], strides = [1]} : vector<16xi32> to vector<1xi32>
          %squeeze3A = vector.extract %slice3A[0] : i32 from vector<1xi32>
          %shift_right_arithmetic3A = arith.constant 14 : i32
          %shift_right_arithmetic3A_254 = arith.shrsi %squeeze3A, %shift_right_arithmetic3A : i32
          %mul3A_255 = arith.constant 128 : i32
          %mul3A_256 = arith.muli %add3A_96, %mul3A_255 : i32
          %sub3A_257 = arith.subi %shift_right_arithmetic3A_254, %mul3A_256 : i32
          %broadcast_in_dim3A = vector.broadcast %sub3A_257 : i32 to vector<16xi32>
          %broadcast_in_dim3A_258 = vector.broadcast %add3A_250 : i32 to vector<16xi32>
          %add3A_259 = arith.constant 0 : i32
          %add3A_260 = vector.broadcast %add3A_259 : i32 to vector<16xi32>
          %add3A_261 = arith.addi %add3A_260, %iota3A : vector<16xi32>
          %add3A_262 = arith.constant 0 : i32
          %add3A_263 = vector.broadcast %add3A_262 : i32 to vector<16xi32>
          %add3A_264 = arith.addi %add3A_263, %add3A_261 : vector<16xi32>
          %gather3A = tpu.vector_load_idx %arg10[%broadcast_in_dim3A_258, %add3A_264] : memref<32x512xf32, #tpu.memory_space<vmem>>[vector<16xi32>, vector<16xi32>], vector<16xf32>,
          tpu.vector_store_idx %arg11[%add3A_261, %broadcast_in_dim3A], %gather3A : memref<256x128xf32, #tpu.memory_space<vmem>>[vector<16xi32>, vector<16xi32>], vector<16xf32>,
          %add3A_265 = arith.constant 16 : i32
          %add3A_266 = vector.broadcast %add3A_265 : i32 to vector<16xi32>
          %add3A_267 = arith.addi %add3A_266, %iota3A : vector<16xi32>
          %add3A_268 = arith.constant 0 : i32
          %add3A_269 = vector.broadcast %add3A_268 : i32 to vector<16xi32>
          %add3A_270 = arith.addi %add3A_269, %add3A_267 : vector<16xi32>
          %gather3A_271 = tpu.vector_load_idx %arg10[%broadcast_in_dim3A_258, %add3A_270] : memref<32x512xf32, #tpu.memory_space<vmem>>[vector<16xi32>, vector<16xi32>], vector<16xf32>,
          tpu.vector_store_idx %arg11[%add3A_267, %broadcast_in_dim3A], %gather3A_271 : memref<256x128xf32, #tpu.memory_space<vmem>>[vector<16xi32>, vector<16xi32>], vector<16xf32>,
          %add3A_272 = arith.constant 32 : i32
          %add3A_273 = vector.broadcast %add3A_272 : i32 to vector<16xi32>
          %add3A_274 = arith.addi %add3A_273, %iota3A : vector<16xi32>
          %add3A_275 = arith.constant 0 : i32
          %add3A_276 = vector.broadcast %add3A_275 : i32 to vector<16xi32>
          %add3A_277 = arith.addi %add3A_276, %add3A_274 : vector<16xi32>
          %gather3A_278 = tpu.vector_load_idx %arg10[%broadcast_in_dim3A_258, %add3A_277] : memref<32x512xf32, #tpu.memory_space<vmem>>[vector<16xi32>, vector<16xi32>], vector<16xf32>,
          tpu.vector_store_idx %arg11[%add3A_274, %broadcast_in_dim3A], %gather3A_278 : memref<256x128xf32, #tpu.memory_space<vmem>>[vector<16xi32>, vector<16xi32>], vector<16xf32>,
          %add3A_279 = arith.constant 48 : i32
          %add3A_280 = vector.broadcast %add3A_279 : i32 to vector<16xi32>
          %add3A_281 = arith.addi %add3A_280, %iota3A : vector<16xi32>
          %add3A_282 = arith.constant 0 : i32
          %add3A_283 = vector.broadcast %add3A_282 : i32 to vector<16xi32>
          %add3A_284 = arith.addi %add3A_283, %add3A_281 : vector<16xi32>
          %gather3A_285 = tpu.vector_load_idx %arg10[%broadcast_in_dim3A_258, %add3A_284] : memref<32x512xf32, #tpu.memory_space<vmem>>[vector<16xi32>, vector<16xi32>], vector<16xf32>,
          tpu.vector_store_idx %arg11[%add3A_281, %broadcast_in_dim3A], %gather3A_285 : memref<256x128xf32, #tpu.memory_space<vmem>>[vector<16xi32>, vector<16xi32>], vector<16xf32>,
          %add3A_286 = arith.constant 64 : i32
          %add3A_287 = vector.broadcast %add3A_286 : i32 to vector<16xi32>
          %add3A_288 = arith.addi %add3A_287, %iota3A : vector<16xi32>
          %add3A_289 = arith.constant 0 : i32
          %add3A_290 = vector.broadcast %add3A_289 : i32 to vector<16xi32>
          %add3A_291 = arith.addi %add3A_290, %add3A_288 : vector<16xi32>
          %gather3A_292 = tpu.vector_load_idx %arg10[%broadcast_in_dim3A_258, %add3A_291] : memref<32x512xf32, #tpu.memory_space<vmem>>[vector<16xi32>, vector<16xi32>], vector<16xf32>,
          tpu.vector_store_idx %arg11[%add3A_288, %broadcast_in_dim3A], %gather3A_292 : memref<256x128xf32, #tpu.memory_space<vmem>>[vector<16xi32>, vector<16xi32>], vector<16xf32>,
          %add3A_293 = arith.constant 80 : i32
          %add3A_294 = vector.broadcast %add3A_293 : i32 to vector<16xi32>
          %add3A_295 = arith.addi %add3A_294, %iota3A : vector<16xi32>
          %add3A_296 = arith.constant 0 : i32
          %add3A_297 = vector.broadcast %add3A_296 : i32 to vector<16xi32>
          %add3A_298 = arith.addi %add3A_297, %add3A_295 : vector<16xi32>
          %gather3A_299 = tpu.vector_load_idx %arg10[%broadcast_in_dim3A_258, %add3A_298] : memref<32x512xf32, #tpu.memory_space<vmem>>[vector<16xi32>, vector<16xi32>], vector<16xf32>,
          tpu.vector_store_idx %arg11[%add3A_295, %broadcast_in_dim3A], %gather3A_299 : memref<256x128xf32, #tpu.memory_space<vmem>>[vector<16xi32>, vector<16xi32>], vector<16xf32>,
          %add3A_300 = arith.constant 96 : i32
          %add3A_301 = vector.broadcast %add3A_300 : i32 to vector<16xi32>
          %add3A_302 = arith.addi %add3A_301, %iota3A : vector<16xi32>
          %add3A_303 = arith.constant 0 : i32
          %add3A_304 = vector.broadcast %add3A_303 : i32 to vector<16xi32>
          %add3A_305 = arith.addi %add3A_304, %add3A_302 : vector<16xi32>
          %gather3A_306 = tpu.vector_load_idx %arg10[%broadcast_in_dim3A_258, %add3A_305] : memref<32x512xf32, #tpu.memory_space<vmem>>[vector<16xi32>, vector<16xi32>], vector<16xf32>,
          tpu.vector_store_idx %arg11[%add3A_302, %broadcast_in_dim3A], %gather3A_306 : memref<256x128xf32, #tpu.memory_space<vmem>>[vector<16xi32>, vector<16xi32>], vector<16xf32>,
          %add3A_307 = arith.constant 112 : i32
          %add3A_308 = vector.broadcast %add3A_307 : i32 to vector<16xi32>
          %add3A_309 = arith.addi %add3A_308, %iota3A : vector<16xi32>
          %add3A_310 = arith.constant 0 : i32
          %add3A_311 = vector.broadcast %add3A_310 : i32 to vector<16xi32>
          %add3A_312 = arith.addi %add3A_311, %add3A_309 : vector<16xi32>
          %gather3A_313 = tpu.vector_load_idx %arg10[%broadcast_in_dim3A_258, %add3A_312] : memref<32x512xf32, #tpu.memory_space<vmem>>[vector<16xi32>, vector<16xi32>], vector<16xf32>,
          tpu.vector_store_idx %arg11[%add3A_309, %broadcast_in_dim3A], %gather3A_313 : memref<256x128xf32, #tpu.memory_space<vmem>>[vector<16xi32>, vector<16xi32>], vector<16xf32>,
          %add3A_314 = arith.constant 128 : i32
          %add3A_315 = vector.broadcast %add3A_314 : i32 to vector<16xi32>
          %add3A_316 = arith.addi %add3A_315, %iota3A : vector<16xi32>
          %add3A_317 = arith.constant 0 : i32
          %add3A_318 = vector.broadcast %add3A_317 : i32 to vector<16xi32>
          %add3A_319 = arith.addi %add3A_318, %add3A_316 : vector<16xi32>
          %gather3A_320 = tpu.vector_load_idx %arg10[%broadcast_in_dim3A_258, %add3A_319] : memref<32x512xf32, #tpu.memory_space<vmem>>[vector<16xi32>, vector<16xi32>], vector<16xf32>,
          tpu.vector_store_idx %arg11[%add3A_316, %broadcast_in_dim3A], %gather3A_320 : memref<256x128xf32, #tpu.memory_space<vmem>>[vector<16xi32>, vector<16xi32>], vector<16xf32>,
          %add3A_321 = arith.constant 144 : i32
          %add3A_322 = vector.broadcast %add3A_321 : i32 to vector<16xi32>
          %add3A_323 = arith.addi %add3A_322, %iota3A : vector<16xi32>
          %add3A_324 = arith.constant 0 : i32
          %add3A_325 = vector.broadcast %add3A_324 : i32 to vector<16xi32>
          %add3A_326 = arith.addi %add3A_325, %add3A_323 : vector<16xi32>
          %gather3A_327 = tpu.vector_load_idx %arg10[%broadcast_in_dim3A_258, %add3A_326] : memref<32x512xf32, #tpu.memory_space<vmem>>[vector<16xi32>, vector<16xi32>], vector<16xf32>,
          tpu.vector_store_idx %arg11[%add3A_323, %broadcast_in_dim3A], %gather3A_327 : memref<256x128xf32, #tpu.memory_space<vmem>>[vector<16xi32>, vector<16xi32>], vector<16xf32>,
          %add3A_328 = arith.constant 160 : i32
          %add3A_329 = vector.broadcast %add3A_328 : i32 to vector<16xi32>
          %add3A_330 = arith.addi %add3A_329, %iota3A : vector<16xi32>
          %add3A_331 = arith.constant 0 : i32
          %add3A_332 = vector.broadcast %add3A_331 : i32 to vector<16xi32>
          %add3A_333 = arith.addi %add3A_332, %add3A_330 : vector<16xi32>
          %gather3A_334 = tpu.vector_load_idx %arg10[%broadcast_in_dim3A_258, %add3A_333] : memref<32x512xf32, #tpu.memory_space<vmem>>[vector<16xi32>, vector<16xi32>], vector<16xf32>,
          tpu.vector_store_idx %arg11[%add3A_330, %broadcast_in_dim3A], %gather3A_334 : memref<256x128xf32, #tpu.memory_space<vmem>>[vector<16xi32>, vector<16xi32>], vector<16xf32>,
          %add3A_335 = arith.constant 176 : i32
          %add3A_336 = vector.broadcast %add3A_335 : i32 to vector<16xi32>
          %add3A_337 = arith.addi %add3A_336, %iota3A : vector<16xi32>
          %add3A_338 = arith.constant 0 : i32
          %add3A_339 = vector.broadcast %add3A_338 : i32 to vector<16xi32>
          %add3A_340 = arith.addi %add3A_339, %add3A_337 : vector<16xi32>
          %gather3A_341 = tpu.vector_load_idx %arg10[%broadcast_in_dim3A_258, %add3A_340] : memref<32x512xf32, #tpu.memory_space<vmem>>[vector<16xi32>, vector<16xi32>], vector<16xf32>,
          tpu.vector_store_idx %arg11[%add3A_337, %broadcast_in_dim3A], %gather3A_341 : memref<256x128xf32, #tpu.memory_space<vmem>>[vector<16xi32>, vector<16xi32>], vector<16xf32>,
          %add3A_342 = arith.constant 192 : i32
          %add3A_343 = vector.broadcast %add3A_342 : i32 to vector<16xi32>
          %add3A_344 = arith.addi %add3A_343, %iota3A : vector<16xi32>
          %add3A_345 = arith.constant 0 : i32
          %add3A_346 = vector.broadcast %add3A_345 : i32 to vector<16xi32>
          %add3A_347 = arith.addi %add3A_346, %add3A_344 : vector<16xi32>
          %gather3A_348 = tpu.vector_load_idx %arg10[%broadcast_in_dim3A_258, %add3A_347] : memref<32x512xf32, #tpu.memory_space<vmem>>[vector<16xi32>, vector<16xi32>], vector<16xf32>,
          tpu.vector_store_idx %arg11[%add3A_344, %broadcast_in_dim3A], %gather3A_348 : memref<256x128xf32, #tpu.memory_space<vmem>>[vector<16xi32>, vector<16xi32>], vector<16xf32>,
          %add3A_349 = arith.constant 208 : i32
          %add3A_350 = vector.broadcast %add3A_349 : i32 to vector<16xi32>
          %add3A_351 = arith.addi %add3A_350, %iota3A : vector<16xi32>
          %add3A_352 = arith.constant 0 : i32
          %add3A_353 = vector.broadcast %add3A_352 : i32 to vector<16xi32>
          %add3A_354 = arith.addi %add3A_353, %add3A_351 : vector<16xi32>
          %gather3A_355 = tpu.vector_load_idx %arg10[%broadcast_in_dim3A_258, %add3A_354] : memref<32x512xf32, #tpu.memory_space<vmem>>[vector<16xi32>, vector<16xi32>], vector<16xf32>,
          tpu.vector_store_idx %arg11[%add3A_351, %broadcast_in_dim3A], %gather3A_355 : memref<256x128xf32, #tpu.memory_space<vmem>>[vector<16xi32>, vector<16xi32>], vector<16xf32>,
          %add3A_356 = arith.constant 224 : i32
          %add3A_357 = vector.broadcast %add3A_356 : i32 to vector<16xi32>
          %add3A_358 = arith.addi %add3A_357, %iota3A : vector<16xi32>
          %add3A_359 = arith.constant 0 : i32
          %add3A_360 = vector.broadcast %add3A_359 : i32 to vector<16xi32>
          %add3A_361 = arith.addi %add3A_360, %add3A_358 : vector<16xi32>
          %gather3A_362 = tpu.vector_load_idx %arg10[%broadcast_in_dim3A_258, %add3A_361] : memref<32x512xf32, #tpu.memory_space<vmem>>[vector<16xi32>, vector<16xi32>], vector<16xf32>,
          tpu.vector_store_idx %arg11[%add3A_358, %broadcast_in_dim3A], %gather3A_362 : memref<256x128xf32, #tpu.memory_space<vmem>>[vector<16xi32>, vector<16xi32>], vector<16xf32>,
          %add3A_363 = arith.constant 240 : i32
          %add3A_364 = vector.broadcast %add3A_363 : i32 to vector<16xi32>
          %add3A_365 = arith.addi %add3A_364, %iota3A : vector<16xi32>
          %add3A_366 = arith.constant 0 : i32
          %add3A_367 = vector.broadcast %add3A_366 : i32 to vector<16xi32>
          %add3A_368 = arith.addi %add3A_367, %add3A_365 : vector<16xi32>
          %gather3A_369 = tpu.vector_load_idx %arg10[%broadcast_in_dim3A_258, %add3A_368] : memref<32x512xf32, #tpu.memory_space<vmem>>[vector<16xi32>, vector<16xi32>], vector<16xf32>,
          tpu.vector_store_idx %arg11[%add3A_365, %broadcast_in_dim3A], %gather3A_369 : memref<256x128xf32, #tpu.memory_space<vmem>>[vector<16xi32>, vector<16xi32>], vector<16xf32>,
        }
        %while3A_247 = arith.constant 1 : i32
        scf.for %while3A_248 = %while3A_245 to %while3A_241 step %while3A_247  : i32 {
          %mul3A_249 = arith.muli %while3A_248, %while3A_237 : i32
          %add3A_250 = arith.addi %while3A_238, %mul3A_249 : i32
          %add3A_251 = arith.addi %add3A_203, %add3A_250 : i32
          %get3A_252 = arith.index_cast %add3A_251 : i32 to index
          %get3A_253 = tpu.vector_load %arg8[%get3A_252] {strides = array<i32>} : memref<3232xi32, #tpu.memory_space<vmem>>, vector<16xi32>,
          %slice3A = vector.extract_strided_slice %get3A_253 {offsets = [0], sizes = [1], strides = [1]} : vector<16xi32> to vector<1xi32>
          %squeeze3A = vector.extract %slice3A[0] : i32 from vector<1xi32>
          %shift_right_arithmetic3A = arith.constant 14 : i32
          %shift_right_arithmetic3A_254 = arith.shrsi %squeeze3A, %shift_right_arithmetic3A : i32
          %mul3A_255 = arith.constant 128 : i32
          %mul3A_256 = arith.muli %add3A_96, %mul3A_255 : i32
          %sub3A_257 = arith.subi %shift_right_arithmetic3A_254, %mul3A_256 : i32
          %broadcast_in_dim3A = vector.broadcast %sub3A_257 : i32 to vector<16xi32>
          %broadcast_in_dim3A_258 = vector.broadcast %add3A_250 : i32 to vector<16xi32>
          %add3A_259 = arith.constant 0 : i32
          %add3A_260 = vector.broadcast %add3A_259 : i32 to vector<16xi32>
          %add3A_261 = arith.addi %add3A_260, %iota3A : vector<16xi32>
          %add3A_262 = arith.constant 0 : i32
          %add3A_263 = vector.broadcast %add3A_262 : i32 to vector<16xi32>
          %add3A_264 = arith.addi %add3A_263, %add3A_261 : vector<16xi32>
          %gather3A = tpu.vector_load_idx %arg10[%broadcast_in_dim3A_258, %add3A_264] : memref<32x512xf32, #tpu.memory_space<vmem>>[vector<16xi32>, vector<16xi32>], vector<16xf32>,
          tpu.vector_store_idx %arg11[%add3A_261, %broadcast_in_dim3A], %gather3A : memref<256x128xf32, #tpu.memory_space<vmem>>[vector<16xi32>, vector<16xi32>], vector<16xf32>,
          %add3A_265 = arith.constant 16 : i32
          %add3A_266 = vector.broadcast %add3A_265 : i32 to vector<16xi32>
          %add3A_267 = arith.addi %add3A_266, %iota3A : vector<16xi32>
          %add3A_268 = arith.constant 0 : i32
          %add3A_269 = vector.broadcast %add3A_268 : i32 to vector<16xi32>
          %add3A_270 = arith.addi %add3A_269, %add3A_267 : vector<16xi32>
          %gather3A_271 = tpu.vector_load_idx %arg10[%broadcast_in_dim3A_258, %add3A_270] : memref<32x512xf32, #tpu.memory_space<vmem>>[vector<16xi32>, vector<16xi32>], vector<16xf32>,
          tpu.vector_store_idx %arg11[%add3A_267, %broadcast_in_dim3A], %gather3A_271 : memref<256x128xf32, #tpu.memory_space<vmem>>[vector<16xi32>, vector<16xi32>], vector<16xf32>,
          %add3A_272 = arith.constant 32 : i32
          %add3A_273 = vector.broadcast %add3A_272 : i32 to vector<16xi32>
          %add3A_274 = arith.addi %add3A_273, %iota3A : vector<16xi32>
          %add3A_275 = arith.constant 0 : i32
          %add3A_276 = vector.broadcast %add3A_275 : i32 to vector<16xi32>
          %add3A_277 = arith.addi %add3A_276, %add3A_274 : vector<16xi32>
          %gather3A_278 = tpu.vector_load_idx %arg10[%broadcast_in_dim3A_258, %add3A_277] : memref<32x512xf32, #tpu.memory_space<vmem>>[vector<16xi32>, vector<16xi32>], vector<16xf32>,
          tpu.vector_store_idx %arg11[%add3A_274, %broadcast_in_dim3A], %gather3A_278 : memref<256x128xf32, #tpu.memory_space<vmem>>[vector<16xi32>, vector<16xi32>], vector<16xf32>,
          %add3A_279 = arith.constant 48 : i32
          %add3A_280 = vector.broadcast %add3A_279 : i32 to vector<16xi32>
          %add3A_281 = arith.addi %add3A_280, %iota3A : vector<16xi32>
          %add3A_282 = arith.constant 0 : i32
          %add3A_283 = vector.broadcast %add3A_282 : i32 to vector<16xi32>
          %add3A_284 = arith.addi %add3A_283, %add3A_281 : vector<16xi32>
          %gather3A_285 = tpu.vector_load_idx %arg10[%broadcast_in_dim3A_258, %add3A_284] : memref<32x512xf32, #tpu.memory_space<vmem>>[vector<16xi32>, vector<16xi32>], vector<16xf32>,
          tpu.vector_store_idx %arg11[%add3A_281, %broadcast_in_dim3A], %gather3A_285 : memref<256x128xf32, #tpu.memory_space<vmem>>[vector<16xi32>, vector<16xi32>], vector<16xf32>,
          %add3A_286 = arith.constant 64 : i32
          %add3A_287 = vector.broadcast %add3A_286 : i32 to vector<16xi32>
          %add3A_288 = arith.addi %add3A_287, %iota3A : vector<16xi32>
          %add3A_289 = arith.constant 0 : i32
          %add3A_290 = vector.broadcast %add3A_289 : i32 to vector<16xi32>
          %add3A_291 = arith.addi %add3A_290, %add3A_288 : vector<16xi32>
          %gather3A_292 = tpu.vector_load_idx %arg10[%broadcast_in_dim3A_258, %add3A_291] : memref<32x512xf32, #tpu.memory_space<vmem>>[vector<16xi32>, vector<16xi32>], vector<16xf32>,
          tpu.vector_store_idx %arg11[%add3A_288, %broadcast_in_dim3A], %gather3A_292 : memref<256x128xf32, #tpu.memory_space<vmem>>[vector<16xi32>, vector<16xi32>], vector<16xf32>,
          %add3A_293 = arith.constant 80 : i32
          %add3A_294 = vector.broadcast %add3A_293 : i32 to vector<16xi32>
          %add3A_295 = arith.addi %add3A_294, %iota3A : vector<16xi32>
          %add3A_296 = arith.constant 0 : i32
          %add3A_297 = vector.broadcast %add3A_296 : i32 to vector<16xi32>
          %add3A_298 = arith.addi %add3A_297, %add3A_295 : vector<16xi32>
          %gather3A_299 = tpu.vector_load_idx %arg10[%broadcast_in_dim3A_258, %add3A_298] : memref<32x512xf32, #tpu.memory_space<vmem>>[vector<16xi32>, vector<16xi32>], vector<16xf32>,
          tpu.vector_store_idx %arg11[%add3A_295, %broadcast_in_dim3A], %gather3A_299 : memref<256x128xf32, #tpu.memory_space<vmem>>[vector<16xi32>, vector<16xi32>], vector<16xf32>,
          %add3A_300 = arith.constant 96 : i32
          %add3A_301 = vector.broadcast %add3A_300 : i32 to vector<16xi32>
          %add3A_302 = arith.addi %add3A_301, %iota3A : vector<16xi32>
          %add3A_303 = arith.constant 0 : i32
          %add3A_304 = vector.broadcast %add3A_303 : i32 to vector<16xi32>
          %add3A_305 = arith.addi %add3A_304, %add3A_302 : vector<16xi32>
          %gather3A_306 = tpu.vector_load_idx %arg10[%broadcast_in_dim3A_258, %add3A_305] : memref<32x512xf32, #tpu.memory_space<vmem>>[vector<16xi32>, vector<16xi32>], vector<16xf32>,
          tpu.vector_store_idx %arg11[%add3A_302, %broadcast_in_dim3A], %gather3A_306 : memref<256x128xf32, #tpu.memory_space<vmem>>[vector<16xi32>, vector<16xi32>], vector<16xf32>,
          %add3A_307 = arith.constant 112 : i32
          %add3A_308 = vector.broadcast %add3A_307 : i32 to vector<16xi32>
          %add3A_309 = arith.addi %add3A_308, %iota3A : vector<16xi32>
          %add3A_310 = arith.constant 0 : i32
          %add3A_311 = vector.broadcast %add3A_310 : i32 to vector<16xi32>
          %add3A_312 = arith.addi %add3A_311, %add3A_309 : vector<16xi32>
          %gather3A_313 = tpu.vector_load_idx %arg10[%broadcast_in_dim3A_258, %add3A_312] : memref<32x512xf32, #tpu.memory_space<vmem>>[vector<16xi32>, vector<16xi32>], vector<16xf32>,
          tpu.vector_store_idx %arg11[%add3A_309, %broadcast_in_dim3A], %gather3A_313 : memref<256x128xf32, #tpu.memory_space<vmem>>[vector<16xi32>, vector<16xi32>], vector<16xf32>,
          %add3A_314 = arith.constant 128 : i32
          %add3A_315 = vector.broadcast %add3A_314 : i32 to vector<16xi32>
          %add3A_316 = arith.addi %add3A_315, %iota3A : vector<16xi32>
          %add3A_317 = arith.constant 0 : i32
          %add3A_318 = vector.broadcast %add3A_317 : i32 to vector<16xi32>
          %add3A_319 = arith.addi %add3A_318, %add3A_316 : vector<16xi32>
          %gather3A_320 = tpu.vector_load_idx %arg10[%broadcast_in_dim3A_258, %add3A_319] : memref<32x512xf32, #tpu.memory_space<vmem>>[vector<16xi32>, vector<16xi32>], vector<16xf32>,
          tpu.vector_store_idx %arg11[%add3A_316, %broadcast_in_dim3A], %gather3A_320 : memref<256x128xf32, #tpu.memory_space<vmem>>[vector<16xi32>, vector<16xi32>], vector<16xf32>,
          %add3A_321 = arith.constant 144 : i32
          %add3A_322 = vector.broadcast %add3A_321 : i32 to vector<16xi32>
          %add3A_323 = arith.addi %add3A_322, %iota3A : vector<16xi32>
          %add3A_324 = arith.constant 0 : i32
          %add3A_325 = vector.broadcast %add3A_324 : i32 to vector<16xi32>
          %add3A_326 = arith.addi %add3A_325, %add3A_323 : vector<16xi32>
          %gather3A_327 = tpu.vector_load_idx %arg10[%broadcast_in_dim3A_258, %add3A_326] : memref<32x512xf32, #tpu.memory_space<vmem>>[vector<16xi32>, vector<16xi32>], vector<16xf32>,
          tpu.vector_store_idx %arg11[%add3A_323, %broadcast_in_dim3A], %gather3A_327 : memref<256x128xf32, #tpu.memory_space<vmem>>[vector<16xi32>, vector<16xi32>], vector<16xf32>,
          %add3A_328 = arith.constant 160 : i32
          %add3A_329 = vector.broadcast %add3A_328 : i32 to vector<16xi32>
          %add3A_330 = arith.addi %add3A_329, %iota3A : vector<16xi32>
          %add3A_331 = arith.constant 0 : i32
          %add3A_332 = vector.broadcast %add3A_331 : i32 to vector<16xi32>
          %add3A_333 = arith.addi %add3A_332, %add3A_330 : vector<16xi32>
          %gather3A_334 = tpu.vector_load_idx %arg10[%broadcast_in_dim3A_258, %add3A_333] : memref<32x512xf32, #tpu.memory_space<vmem>>[vector<16xi32>, vector<16xi32>], vector<16xf32>,
          tpu.vector_store_idx %arg11[%add3A_330, %broadcast_in_dim3A], %gather3A_334 : memref<256x128xf32, #tpu.memory_space<vmem>>[vector<16xi32>, vector<16xi32>], vector<16xf32>,
          %add3A_335 = arith.constant 176 : i32
          %add3A_336 = vector.broadcast %add3A_335 : i32 to vector<16xi32>
          %add3A_337 = arith.addi %add3A_336, %iota3A : vector<16xi32>
          %add3A_338 = arith.constant 0 : i32
          %add3A_339 = vector.broadcast %add3A_338 : i32 to vector<16xi32>
          %add3A_340 = arith.addi %add3A_339, %add3A_337 : vector<16xi32>
          %gather3A_341 = tpu.vector_load_idx %arg10[%broadcast_in_dim3A_258, %add3A_340] : memref<32x512xf32, #tpu.memory_space<vmem>>[vector<16xi32>, vector<16xi32>], vector<16xf32>,
          tpu.vector_store_idx %arg11[%add3A_337, %broadcast_in_dim3A], %gather3A_341 : memref<256x128xf32, #tpu.memory_space<vmem>>[vector<16xi32>, vector<16xi32>], vector<16xf32>,
          %add3A_342 = arith.constant 192 : i32
          %add3A_343 = vector.broadcast %add3A_342 : i32 to vector<16xi32>
          %add3A_344 = arith.addi %add3A_343, %iota3A : vector<16xi32>
          %add3A_345 = arith.constant 0 : i32
          %add3A_346 = vector.broadcast %add3A_345 : i32 to vector<16xi32>
          %add3A_347 = arith.addi %add3A_346, %add3A_344 : vector<16xi32>
          %gather3A_348 = tpu.vector_load_idx %arg10[%broadcast_in_dim3A_258, %add3A_347] : memref<32x512xf32, #tpu.memory_space<vmem>>[vector<16xi32>, vector<16xi32>], vector<16xf32>,
          tpu.vector_store_idx %arg11[%add3A_344, %broadcast_in_dim3A], %gather3A_348 : memref<256x128xf32, #tpu.memory_space<vmem>>[vector<16xi32>, vector<16xi32>], vector<16xf32>,
          %add3A_349 = arith.constant 208 : i32
          %add3A_350 = vector.broadcast %add3A_349 : i32 to vector<16xi32>
          %add3A_351 = arith.addi %add3A_350, %iota3A : vector<16xi32>
          %add3A_352 = arith.constant 0 : i32
          %add3A_353 = vector.broadcast %add3A_352 : i32 to vector<16xi32>
          %add3A_354 = arith.addi %add3A_353, %add3A_351 : vector<16xi32>
          %gather3A_355 = tpu.vector_load_idx %arg10[%broadcast_in_dim3A_258, %add3A_354] : memref<32x512xf32, #tpu.memory_space<vmem>>[vector<16xi32>, vector<16xi32>], vector<16xf32>,
          tpu.vector_store_idx %arg11[%add3A_351, %broadcast_in_dim3A], %gather3A_355 : memref<256x128xf32, #tpu.memory_space<vmem>>[vector<16xi32>, vector<16xi32>], vector<16xf32>,
          %add3A_356 = arith.constant 224 : i32
          %add3A_357 = vector.broadcast %add3A_356 : i32 to vector<16xi32>
          %add3A_358 = arith.addi %add3A_357, %iota3A : vector<16xi32>
          %add3A_359 = arith.constant 0 : i32
          %add3A_360 = vector.broadcast %add3A_359 : i32 to vector<16xi32>
          %add3A_361 = arith.addi %add3A_360, %add3A_358 : vector<16xi32>
          %gather3A_362 = tpu.vector_load_idx %arg10[%broadcast_in_dim3A_258, %add3A_361] : memref<32x512xf32, #tpu.memory_space<vmem>>[vector<16xi32>, vector<16xi32>], vector<16xf32>,
          tpu.vector_store_idx %arg11[%add3A_358, %broadcast_in_dim3A], %gather3A_362 : memref<256x128xf32, #tpu.memory_space<vmem>>[vector<16xi32>, vector<16xi32>], vector<16xf32>,
          %add3A_363 = arith.constant 240 : i32
          %add3A_364 = vector.broadcast %add3A_363 : i32 to vector<16xi32>
          %add3A_365 = arith.addi %add3A_364, %iota3A : vector<16xi32>
          %add3A_366 = arith.constant 0 : i32
          %add3A_367 = vector.broadcast %add3A_366 : i32 to vector<16xi32>
          %add3A_368 = arith.addi %add3A_367, %add3A_365 : vector<16xi32>
          %gather3A_369 = tpu.vector_load_idx %arg10[%broadcast_in_dim3A_258, %add3A_368] : memref<32x512xf32, #tpu.memory_space<vmem>>[vector<16xi32>, vector<16xi32>], vector<16xf32>,
          tpu.vector_store_idx %arg11[%add3A_365, %broadcast_in_dim3A], %gather3A_369 : memref<256x128xf32, #tpu.memory_space<vmem>>[vector<16xi32>, vector<16xi32>], vector<16xf32>,
        }
      }
      %while3A_163 = arith.constant 1 : i32
      scf.for %while3A_198 = %while3A_161 to %while3A_157 step %while3A_163  : i32 {
        %mul3A_199 = arith.muli %while3A_198, %while3A_153 : i32
        %add3A_200 = arith.addi %while3A_154, %mul3A_199 : i32
        %mul3A_201 = arith.constant 32 : i32
        %mul3A_202 = arith.muli %add3A_200, %mul3A_201 : i32
        %add3A_203 = arith.addi %while3A_95, %mul3A_202 : i32
        %add3A_204 = arith.constant 0 : i32
        %add3A_205 = arith.addi %add3A_203, %add3A_204 : i32
        %get3A = arith.index_cast %add3A_205 : i32 to index
        %get3A_206 = tpu.vector_load %arg8[%get3A] {strides = array<i32>} : memref<3232xi32, #tpu.memory_space<vmem>>, vector<16xi32>,
        %and3A_207 = arith.constant 16383 : i32
        %and3A_208 = vector.broadcast %and3A_207 : i32 to vector<16xi32>
        %and3A_209 = arith.andi %get3A_206, %and3A_208 : vector<16xi32>
        %swap3A = arith.constant 0 : index
        %swap3A_210 = tpu.vector_load %arg9[%swap3A] {strides = array<i32>} : memref<32xi32, #tpu.memory_space<vmem>>, vector<16xi32>,
        tpu.vector_store %arg9[%swap3A], %and3A_209 {strides = array<i32>} : memref<32xi32, #tpu.memory_space<vmem>>, vector<16xi32>,
        %add3A_211 = arith.constant 16 : i32
        %add3A_212 = arith.addi %add3A_203, %add3A_211 : i32
        %get3A_213 = arith.index_cast %add3A_212 : i32 to index
        %get3A_214 = tpu.vector_load %arg8[%get3A_213] {strides = array<i32>} : memref<3232xi32, #tpu.memory_space<vmem>>, vector<16xi32>,
        %and3A_215 = arith.constant 16383 : i32
        %and3A_216 = vector.broadcast %and3A_215 : i32 to vector<16xi32>
        %and3A_217 = arith.andi %get3A_214, %and3A_216 : vector<16xi32>
        %swap3A_218 = arith.constant 16 : index
        %swap3A_219 = tpu.vector_load %arg9[%swap3A_218] {strides = array<i32>} : memref<32xi32, #tpu.memory_space<vmem>>, vector<16xi32>,
        tpu.vector_store %arg9[%swap3A_218], %and3A_217 {strides = array<i32>} : memref<32xi32, #tpu.memory_space<vmem>>, vector<16xi32>,
        %dma_start3A_220 = arith.constant 0 : i32
        %dma_start3A_221 = arith.constant 0 : i32
        %dma_start3A_222 = tpu.memref_slice %arg3[%dma_start3A_220, %dma_start3A_221] : memref<16384x512xf32, #tpu.memory_space<hbm>> -> memref<16384x512xf32, #tpu.memory_space<hbm>>
        tpu.enqueue_indirect_dma source(%dma_start3A_222 : memref<16384x512xf32, #tpu.memory_space<hbm>>) target(%arg10 : memref<32x512xf32, #tpu.memory_space<vmem>>) offsets(%arg9 : memref<32xi32, #tpu.memory_space<vmem>>) semaphore(%arg13 : memref<!tpu.dma_semaphore, #tpu.memory_space<semaphore_mem>>)
        %dma_wait3A_223 = arith.constant 0 : i32
        %dma_wait3A_224 = arith.constant 0 : i32
        %dma_wait3A_225 = tpu.memref_slice %arg3[%dma_wait3A_223, %dma_wait3A_224] : memref<16384x512xf32, #tpu.memory_space<hbm>> -> memref<16384x512xf32, #tpu.memory_space<hbm>>
        tpu.wait_indirect_dma semaphore(%arg13 : memref<!tpu.dma_semaphore, #tpu.memory_space<semaphore_mem>>) src(%dma_wait3A_225 : memref<16384x512xf32, #tpu.memory_space<hbm>>) dst(%arg10 : memref<32x512xf32, #tpu.memory_space<vmem>>)
        %sub3A_226 = arith.subi %while3A_108, %add3A_203 : i32
        %min3A_227 = arith.constant 32 : i32
        %min3A_228 = arith.minsi %sub3A_226, %min3A_227 : i32
        %sub3A_229 = arith.constant 0 : i32
        %sub3A_230 = arith.subi %min3A_228, %sub3A_229 : i32
        %sub3A_231 = arith.constant 1 : i32
        %sub3A_232 = arith.constant 1 : i32
        %sub3A_233 = arith.subi %sub3A_231, %sub3A_232 : i32
        %add3A_234 = arith.addi %sub3A_230, %sub3A_233 : i32
        %div3A_235 = arith.constant 1 : i32
        %div3A_236 = arith.divsi %add3A_234, %div3A_235 : i32
        %while3A_237 = arith.constant 1 : i32
        %while3A_238 = arith.constant 0 : i32
        %while3A_239 = arith.constant 0 : i32
        %while3A_240 = arith.subi %div3A_236, %while3A_239 : i32
        %while3A_241 = arith.addi %while3A_239, %while3A_240 : i32
        %while3A_242 = arith.constant 1 : i32
        %while3A_243 = arith.divsi %while3A_240, %while3A_242 : i32
        %while3A_244 = arith.muli %while3A_243, %while3A_242 : i32
        %while3A_245 = arith.addi %while3A_239, %while3A_244 : i32
        %while3A_246 = arith.constant 1 : i32
        scf.for %while3A_248 = %while3A_239 to %while3A_245 step %while3A_246  : i32 {
          %mul3A_249 = arith.muli %while3A_248, %while3A_237 : i32
          %add3A_250 = arith.addi %while3A_238, %mul3A_249 : i32
          %add3A_251 = arith.addi %add3A_203, %add3A_250 : i32
          %get3A_252 = arith.index_cast %add3A_251 : i32 to index
          %get3A_253 = tpu.vector_load %arg8[%get3A_252] {strides = array<i32>} : memref<3232xi32, #tpu.memory_space<vmem>>, vector<16xi32>,
          %slice3A = vector.extract_strided_slice %get3A_253 {offsets = [0], sizes = [1], strides = [1]} : vector<16xi32> to vector<1xi32>
          %squeeze3A = vector.extract %slice3A[0] : i32 from vector<1xi32>
          %shift_right_arithmetic3A = arith.constant 14 : i32
          %shift_right_arithmetic3A_254 = arith.shrsi %squeeze3A, %shift_right_arithmetic3A : i32
          %mul3A_255 = arith.constant 128 : i32
          %mul3A_256 = arith.muli %add3A_96, %mul3A_255 : i32
          %sub3A_257 = arith.subi %shift_right_arithmetic3A_254, %mul3A_256 : i32
          %broadcast_in_dim3A = vector.broadcast %sub3A_257 : i32 to vector<16xi32>
          %broadcast_in_dim3A_258 = vector.broadcast %add3A_250 : i32 to vector<16xi32>
          %add3A_259 = arith.constant 0 : i32
          %add3A_260 = vector.broadcast %add3A_259 : i32 to vector<16xi32>
          %add3A_261 = arith.addi %add3A_260, %iota3A : vector<16xi32>
          %add3A_262 = arith.constant 0 : i32
          %add3A_263 = vector.broadcast %add3A_262 : i32 to vector<16xi32>
          %add3A_264 = arith.addi %add3A_263, %add3A_261 : vector<16xi32>
          %gather3A = tpu.vector_load_idx %arg10[%broadcast_in_dim3A_258, %add3A_264] : memref<32x512xf32, #tpu.memory_space<vmem>>[vector<16xi32>, vector<16xi32>], vector<16xf32>,
          tpu.vector_store_idx %arg11[%add3A_261, %broadcast_in_dim3A], %gather3A : memref<256x128xf32, #tpu.memory_space<vmem>>[vector<16xi32>, vector<16xi32>], vector<16xf32>,
          %add3A_265 = arith.constant 16 : i32
          %add3A_266 = vector.broadcast %add3A_265 : i32 to vector<16xi32>
          %add3A_267 = arith.addi %add3A_266, %iota3A : vector<16xi32>
          %add3A_268 = arith.constant 0 : i32
          %add3A_269 = vector.broadcast %add3A_268 : i32 to vector<16xi32>
          %add3A_270 = arith.addi %add3A_269, %add3A_267 : vector<16xi32>
          %gather3A_271 = tpu.vector_load_idx %arg10[%broadcast_in_dim3A_258, %add3A_270] : memref<32x512xf32, #tpu.memory_space<vmem>>[vector<16xi32>, vector<16xi32>], vector<16xf32>,
          tpu.vector_store_idx %arg11[%add3A_267, %broadcast_in_dim3A], %gather3A_271 : memref<256x128xf32, #tpu.memory_space<vmem>>[vector<16xi32>, vector<16xi32>], vector<16xf32>,
          %add3A_272 = arith.constant 32 : i32
          %add3A_273 = vector.broadcast %add3A_272 : i32 to vector<16xi32>
          %add3A_274 = arith.addi %add3A_273, %iota3A : vector<16xi32>
          %add3A_275 = arith.constant 0 : i32
          %add3A_276 = vector.broadcast %add3A_275 : i32 to vector<16xi32>
          %add3A_277 = arith.addi %add3A_276, %add3A_274 : vector<16xi32>
          %gather3A_278 = tpu.vector_load_idx %arg10[%broadcast_in_dim3A_258, %add3A_277] : memref<32x512xf32, #tpu.memory_space<vmem>>[vector<16xi32>, vector<16xi32>], vector<16xf32>,
          tpu.vector_store_idx %arg11[%add3A_274, %broadcast_in_dim3A], %gather3A_278 : memref<256x128xf32, #tpu.memory_space<vmem>>[vector<16xi32>, vector<16xi32>], vector<16xf32>,
          %add3A_279 = arith.constant 48 : i32
          %add3A_280 = vector.broadcast %add3A_279 : i32 to vector<16xi32>
          %add3A_281 = arith.addi %add3A_280, %iota3A : vector<16xi32>
          %add3A_282 = arith.constant 0 : i32
          %add3A_283 = vector.broadcast %add3A_282 : i32 to vector<16xi32>
          %add3A_284 = arith.addi %add3A_283, %add3A_281 : vector<16xi32>
          %gather3A_285 = tpu.vector_load_idx %arg10[%broadcast_in_dim3A_258, %add3A_284] : memref<32x512xf32, #tpu.memory_space<vmem>>[vector<16xi32>, vector<16xi32>], vector<16xf32>,
          tpu.vector_store_idx %arg11[%add3A_281, %broadcast_in_dim3A], %gather3A_285 : memref<256x128xf32, #tpu.memory_space<vmem>>[vector<16xi32>, vector<16xi32>], vector<16xf32>,
          %add3A_286 = arith.constant 64 : i32
          %add3A_287 = vector.broadcast %add3A_286 : i32 to vector<16xi32>
          %add3A_288 = arith.addi %add3A_287, %iota3A : vector<16xi32>
          %add3A_289 = arith.constant 0 : i32
          %add3A_290 = vector.broadcast %add3A_289 : i32 to vector<16xi32>
          %add3A_291 = arith.addi %add3A_290, %add3A_288 : vector<16xi32>
          %gather3A_292 = tpu.vector_load_idx %arg10[%broadcast_in_dim3A_258, %add3A_291] : memref<32x512xf32, #tpu.memory_space<vmem>>[vector<16xi32>, vector<16xi32>], vector<16xf32>,
          tpu.vector_store_idx %arg11[%add3A_288, %broadcast_in_dim3A], %gather3A_292 : memref<256x128xf32, #tpu.memory_space<vmem>>[vector<16xi32>, vector<16xi32>], vector<16xf32>,
          %add3A_293 = arith.constant 80 : i32
          %add3A_294 = vector.broadcast %add3A_293 : i32 to vector<16xi32>
          %add3A_295 = arith.addi %add3A_294, %iota3A : vector<16xi32>
          %add3A_296 = arith.constant 0 : i32
          %add3A_297 = vector.broadcast %add3A_296 : i32 to vector<16xi32>
          %add3A_298 = arith.addi %add3A_297, %add3A_295 : vector<16xi32>
          %gather3A_299 = tpu.vector_load_idx %arg10[%broadcast_in_dim3A_258, %add3A_298] : memref<32x512xf32, #tpu.memory_space<vmem>>[vector<16xi32>, vector<16xi32>], vector<16xf32>,
          tpu.vector_store_idx %arg11[%add3A_295, %broadcast_in_dim3A], %gather3A_299 : memref<256x128xf32, #tpu.memory_space<vmem>>[vector<16xi32>, vector<16xi32>], vector<16xf32>,
          %add3A_300 = arith.constant 96 : i32
          %add3A_301 = vector.broadcast %add3A_300 : i32 to vector<16xi32>
          %add3A_302 = arith.addi %add3A_301, %iota3A : vector<16xi32>
          %add3A_303 = arith.constant 0 : i32
          %add3A_304 = vector.broadcast %add3A_303 : i32 to vector<16xi32>
          %add3A_305 = arith.addi %add3A_304, %add3A_302 : vector<16xi32>
          %gather3A_306 = tpu.vector_load_idx %arg10[%broadcast_in_dim3A_258, %add3A_305] : memref<32x512xf32, #tpu.memory_space<vmem>>[vector<16xi32>, vector<16xi32>], vector<16xf32>,
          tpu.vector_store_idx %arg11[%add3A_302, %broadcast_in_dim3A], %gather3A_306 : memref<256x128xf32, #tpu.memory_space<vmem>>[vector<16xi32>, vector<16xi32>], vector<16xf32>,
          %add3A_307 = arith.constant 112 : i32
          %add3A_308 = vector.broadcast %add3A_307 : i32 to vector<16xi32>
          %add3A_309 = arith.addi %add3A_308, %iota3A : vector<16xi32>
          %add3A_310 = arith.constant 0 : i32
          %add3A_311 = vector.broadcast %add3A_310 : i32 to vector<16xi32>
          %add3A_312 = arith.addi %add3A_311, %add3A_309 : vector<16xi32>
          %gather3A_313 = tpu.vector_load_idx %arg10[%broadcast_in_dim3A_258, %add3A_312] : memref<32x512xf32, #tpu.memory_space<vmem>>[vector<16xi32>, vector<16xi32>], vector<16xf32>,
          tpu.vector_store_idx %arg11[%add3A_309, %broadcast_in_dim3A], %gather3A_313 : memref<256x128xf32, #tpu.memory_space<vmem>>[vector<16xi32>, vector<16xi32>], vector<16xf32>,
          %add3A_314 = arith.constant 128 : i32
          %add3A_315 = vector.broadcast %add3A_314 : i32 to vector<16xi32>
          %add3A_316 = arith.addi %add3A_315, %iota3A : vector<16xi32>
          %add3A_317 = arith.constant 0 : i32
          %add3A_318 = vector.broadcast %add3A_317 : i32 to vector<16xi32>
          %add3A_319 = arith.addi %add3A_318, %add3A_316 : vector<16xi32>
          %gather3A_320 = tpu.vector_load_idx %arg10[%broadcast_in_dim3A_258, %add3A_319] : memref<32x512xf32, #tpu.memory_space<vmem>>[vector<16xi32>, vector<16xi32>], vector<16xf32>,
          tpu.vector_store_idx %arg11[%add3A_316, %broadcast_in_dim3A], %gather3A_320 : memref<256x128xf32, #tpu.memory_space<vmem>>[vector<16xi32>, vector<16xi32>], vector<16xf32>,
          %add3A_321 = arith.constant 144 : i32
          %add3A_322 = vector.broadcast %add3A_321 : i32 to vector<16xi32>
          %add3A_323 = arith.addi %add3A_322, %iota3A : vector<16xi32>
          %add3A_324 = arith.constant 0 : i32
          %add3A_325 = vector.broadcast %add3A_324 : i32 to vector<16xi32>
          %add3A_326 = arith.addi %add3A_325, %add3A_323 : vector<16xi32>
          %gather3A_327 = tpu.vector_load_idx %arg10[%broadcast_in_dim3A_258, %add3A_326] : memref<32x512xf32, #tpu.memory_space<vmem>>[vector<16xi32>, vector<16xi32>], vector<16xf32>,
          tpu.vector_store_idx %arg11[%add3A_323, %broadcast_in_dim3A], %gather3A_327 : memref<256x128xf32, #tpu.memory_space<vmem>>[vector<16xi32>, vector<16xi32>], vector<16xf32>,
          %add3A_328 = arith.constant 160 : i32
          %add3A_329 = vector.broadcast %add3A_328 : i32 to vector<16xi32>
          %add3A_330 = arith.addi %add3A_329, %iota3A : vector<16xi32>
          %add3A_331 = arith.constant 0 : i32
          %add3A_332 = vector.broadcast %add3A_331 : i32 to vector<16xi32>
          %add3A_333 = arith.addi %add3A_332, %add3A_330 : vector<16xi32>
          %gather3A_334 = tpu.vector_load_idx %arg10[%broadcast_in_dim3A_258, %add3A_333] : memref<32x512xf32, #tpu.memory_space<vmem>>[vector<16xi32>, vector<16xi32>], vector<16xf32>,
          tpu.vector_store_idx %arg11[%add3A_330, %broadcast_in_dim3A], %gather3A_334 : memref<256x128xf32, #tpu.memory_space<vmem>>[vector<16xi32>, vector<16xi32>], vector<16xf32>,
          %add3A_335 = arith.constant 176 : i32
          %add3A_336 = vector.broadcast %add3A_335 : i32 to vector<16xi32>
          %add3A_337 = arith.addi %add3A_336, %iota3A : vector<16xi32>
          %add3A_338 = arith.constant 0 : i32
          %add3A_339 = vector.broadcast %add3A_338 : i32 to vector<16xi32>
          %add3A_340 = arith.addi %add3A_339, %add3A_337 : vector<16xi32>
          %gather3A_341 = tpu.vector_load_idx %arg10[%broadcast_in_dim3A_258, %add3A_340] : memref<32x512xf32, #tpu.memory_space<vmem>>[vector<16xi32>, vector<16xi32>], vector<16xf32>,
          tpu.vector_store_idx %arg11[%add3A_337, %broadcast_in_dim3A], %gather3A_341 : memref<256x128xf32, #tpu.memory_space<vmem>>[vector<16xi32>, vector<16xi32>], vector<16xf32>,
          %add3A_342 = arith.constant 192 : i32
          %add3A_343 = vector.broadcast %add3A_342 : i32 to vector<16xi32>
          %add3A_344 = arith.addi %add3A_343, %iota3A : vector<16xi32>
          %add3A_345 = arith.constant 0 : i32
          %add3A_346 = vector.broadcast %add3A_345 : i32 to vector<16xi32>
          %add3A_347 = arith.addi %add3A_346, %add3A_344 : vector<16xi32>
          %gather3A_348 = tpu.vector_load_idx %arg10[%broadcast_in_dim3A_258, %add3A_347] : memref<32x512xf32, #tpu.memory_space<vmem>>[vector<16xi32>, vector<16xi32>], vector<16xf32>,
          tpu.vector_store_idx %arg11[%add3A_344, %broadcast_in_dim3A], %gather3A_348 : memref<256x128xf32, #tpu.memory_space<vmem>>[vector<16xi32>, vector<16xi32>], vector<16xf32>,
          %add3A_349 = arith.constant 208 : i32
          %add3A_350 = vector.broadcast %add3A_349 : i32 to vector<16xi32>
          %add3A_351 = arith.addi %add3A_350, %iota3A : vector<16xi32>
          %add3A_352 = arith.constant 0 : i32
          %add3A_353 = vector.broadcast %add3A_352 : i32 to vector<16xi32>
          %add3A_354 = arith.addi %add3A_353, %add3A_351 : vector<16xi32>
          %gather3A_355 = tpu.vector_load_idx %arg10[%broadcast_in_dim3A_258, %add3A_354] : memref<32x512xf32, #tpu.memory_space<vmem>>[vector<16xi32>, vector<16xi32>], vector<16xf32>,
          tpu.vector_store_idx %arg11[%add3A_351, %broadcast_in_dim3A], %gather3A_355 : memref<256x128xf32, #tpu.memory_space<vmem>>[vector<16xi32>, vector<16xi32>], vector<16xf32>,
          %add3A_356 = arith.constant 224 : i32
          %add3A_357 = vector.broadcast %add3A_356 : i32 to vector<16xi32>
          %add3A_358 = arith.addi %add3A_357, %iota3A : vector<16xi32>
          %add3A_359 = arith.constant 0 : i32
          %add3A_360 = vector.broadcast %add3A_359 : i32 to vector<16xi32>
          %add3A_361 = arith.addi %add3A_360, %add3A_358 : vector<16xi32>
          %gather3A_362 = tpu.vector_load_idx %arg10[%broadcast_in_dim3A_258, %add3A_361] : memref<32x512xf32, #tpu.memory_space<vmem>>[vector<16xi32>, vector<16xi32>], vector<16xf32>,
          tpu.vector_store_idx %arg11[%add3A_358, %broadcast_in_dim3A], %gather3A_362 : memref<256x128xf32, #tpu.memory_space<vmem>>[vector<16xi32>, vector<16xi32>], vector<16xf32>,
          %add3A_363 = arith.constant 240 : i32
          %add3A_364 = vector.broadcast %add3A_363 : i32 to vector<16xi32>
          %add3A_365 = arith.addi %add3A_364, %iota3A : vector<16xi32>
          %add3A_366 = arith.constant 0 : i32
          %add3A_367 = vector.broadcast %add3A_366 : i32 to vector<16xi32>
          %add3A_368 = arith.addi %add3A_367, %add3A_365 : vector<16xi32>
          %gather3A_369 = tpu.vector_load_idx %arg10[%broadcast_in_dim3A_258, %add3A_368] : memref<32x512xf32, #tpu.memory_space<vmem>>[vector<16xi32>, vector<16xi32>], vector<16xf32>,
          tpu.vector_store_idx %arg11[%add3A_365, %broadcast_in_dim3A], %gather3A_369 : memref<256x128xf32, #tpu.memory_space<vmem>>[vector<16xi32>, vector<16xi32>], vector<16xf32>,
        }
        %while3A_247 = arith.constant 1 : i32
        scf.for %while3A_248 = %while3A_245 to %while3A_241 step %while3A_247  : i32 {
          %mul3A_249 = arith.muli %while3A_248, %while3A_237 : i32
          %add3A_250 = arith.addi %while3A_238, %mul3A_249 : i32
          %add3A_251 = arith.addi %add3A_203, %add3A_250 : i32
          %get3A_252 = arith.index_cast %add3A_251 : i32 to index
          %get3A_253 = tpu.vector_load %arg8[%get3A_252] {strides = array<i32>} : memref<3232xi32, #tpu.memory_space<vmem>>, vector<16xi32>,
          %slice3A = vector.extract_strided_slice %get3A_253 {offsets = [0], sizes = [1], strides = [1]} : vector<16xi32> to vector<1xi32>
          %squeeze3A = vector.extract %slice3A[0] : i32 from vector<1xi32>
          %shift_right_arithmetic3A = arith.constant 14 : i32
          %shift_right_arithmetic3A_254 = arith.shrsi %squeeze3A, %shift_right_arithmetic3A : i32
          %mul3A_255 = arith.constant 128 : i32
          %mul3A_256 = arith.muli %add3A_96, %mul3A_255 : i32
          %sub3A_257 = arith.subi %shift_right_arithmetic3A_254, %mul3A_256 : i32
          %broadcast_in_dim3A = vector.broadcast %sub3A_257 : i32 to vector<16xi32>
          %broadcast_in_dim3A_258 = vector.broadcast %add3A_250 : i32 to vector<16xi32>
          %add3A_259 = arith.constant 0 : i32
          %add3A_260 = vector.broadcast %add3A_259 : i32 to vector<16xi32>
          %add3A_261 = arith.addi %add3A_260, %iota3A : vector<16xi32>
          %add3A_262 = arith.constant 0 : i32
          %add3A_263 = vector.broadcast %add3A_262 : i32 to vector<16xi32>
          %add3A_264 = arith.addi %add3A_263, %add3A_261 : vector<16xi32>
          %gather3A = tpu.vector_load_idx %arg10[%broadcast_in_dim3A_258, %add3A_264] : memref<32x512xf32, #tpu.memory_space<vmem>>[vector<16xi32>, vector<16xi32>], vector<16xf32>,
          tpu.vector_store_idx %arg11[%add3A_261, %broadcast_in_dim3A], %gather3A : memref<256x128xf32, #tpu.memory_space<vmem>>[vector<16xi32>, vector<16xi32>], vector<16xf32>,
          %add3A_265 = arith.constant 16 : i32
          %add3A_266 = vector.broadcast %add3A_265 : i32 to vector<16xi32>
          %add3A_267 = arith.addi %add3A_266, %iota3A : vector<16xi32>
          %add3A_268 = arith.constant 0 : i32
          %add3A_269 = vector.broadcast %add3A_268 : i32 to vector<16xi32>
          %add3A_270 = arith.addi %add3A_269, %add3A_267 : vector<16xi32>
          %gather3A_271 = tpu.vector_load_idx %arg10[%broadcast_in_dim3A_258, %add3A_270] : memref<32x512xf32, #tpu.memory_space<vmem>>[vector<16xi32>, vector<16xi32>], vector<16xf32>,
          tpu.vector_store_idx %arg11[%add3A_267, %broadcast_in_dim3A], %gather3A_271 : memref<256x128xf32, #tpu.memory_space<vmem>>[vector<16xi32>, vector<16xi32>], vector<16xf32>,
          %add3A_272 = arith.constant 32 : i32
          %add3A_273 = vector.broadcast %add3A_272 : i32 to vector<16xi32>
          %add3A_274 = arith.addi %add3A_273, %iota3A : vector<16xi32>
          %add3A_275 = arith.constant 0 : i32
          %add3A_276 = vector.broadcast %add3A_275 : i32 to vector<16xi32>
          %add3A_277 = arith.addi %add3A_276, %add3A_274 : vector<16xi32>
          %gather3A_278 = tpu.vector_load_idx %arg10[%broadcast_in_dim3A_258, %add3A_277] : memref<32x512xf32, #tpu.memory_space<vmem>>[vector<16xi32>, vector<16xi32>], vector<16xf32>,
          tpu.vector_store_idx %arg11[%add3A_274, %broadcast_in_dim3A], %gather3A_278 : memref<256x128xf32, #tpu.memory_space<vmem>>[vector<16xi32>, vector<16xi32>], vector<16xf32>,
          %add3A_279 = arith.constant 48 : i32
          %add3A_280 = vector.broadcast %add3A_279 : i32 to vector<16xi32>
          %add3A_281 = arith.addi %add3A_280, %iota3A : vector<16xi32>
          %add3A_282 = arith.constant 0 : i32
          %add3A_283 = vector.broadcast %add3A_282 : i32 to vector<16xi32>
          %add3A_284 = arith.addi %add3A_283, %add3A_281 : vector<16xi32>
          %gather3A_285 = tpu.vector_load_idx %arg10[%broadcast_in_dim3A_258, %add3A_284] : memref<32x512xf32, #tpu.memory_space<vmem>>[vector<16xi32>, vector<16xi32>], vector<16xf32>,
          tpu.vector_store_idx %arg11[%add3A_281, %broadcast_in_dim3A], %gather3A_285 : memref<256x128xf32, #tpu.memory_space<vmem>>[vector<16xi32>, vector<16xi32>], vector<16xf32>,
          %add3A_286 = arith.constant 64 : i32
          %add3A_287 = vector.broadcast %add3A_286 : i32 to vector<16xi32>
          %add3A_288 = arith.addi %add3A_287, %iota3A : vector<16xi32>
          %add3A_289 = arith.constant 0 : i32
          %add3A_290 = vector.broadcast %add3A_289 : i32 to vector<16xi32>
          %add3A_291 = arith.addi %add3A_290, %add3A_288 : vector<16xi32>
          %gather3A_292 = tpu.vector_load_idx %arg10[%broadcast_in_dim3A_258, %add3A_291] : memref<32x512xf32, #tpu.memory_space<vmem>>[vector<16xi32>, vector<16xi32>], vector<16xf32>,
          tpu.vector_store_idx %arg11[%add3A_288, %broadcast_in_dim3A], %gather3A_292 : memref<256x128xf32, #tpu.memory_space<vmem>>[vector<16xi32>, vector<16xi32>], vector<16xf32>,
          %add3A_293 = arith.constant 80 : i32
          %add3A_294 = vector.broadcast %add3A_293 : i32 to vector<16xi32>
          %add3A_295 = arith.addi %add3A_294, %iota3A : vector<16xi32>
          %add3A_296 = arith.constant 0 : i32
          %add3A_297 = vector.broadcast %add3A_296 : i32 to vector<16xi32>
          %add3A_298 = arith.addi %add3A_297, %add3A_295 : vector<16xi32>
          %gather3A_299 = tpu.vector_load_idx %arg10[%broadcast_in_dim3A_258, %add3A_298] : memref<32x512xf32, #tpu.memory_space<vmem>>[vector<16xi32>, vector<16xi32>], vector<16xf32>,
          tpu.vector_store_idx %arg11[%add3A_295, %broadcast_in_dim3A], %gather3A_299 : memref<256x128xf32, #tpu.memory_space<vmem>>[vector<16xi32>, vector<16xi32>], vector<16xf32>,
          %add3A_300 = arith.constant 96 : i32
          %add3A_301 = vector.broadcast %add3A_300 : i32 to vector<16xi32>
          %add3A_302 = arith.addi %add3A_301, %iota3A : vector<16xi32>
          %add3A_303 = arith.constant 0 : i32
          %add3A_304 = vector.broadcast %add3A_303 : i32 to vector<16xi32>
          %add3A_305 = arith.addi %add3A_304, %add3A_302 : vector<16xi32>
          %gather3A_306 = tpu.vector_load_idx %arg10[%broadcast_in_dim3A_258, %add3A_305] : memref<32x512xf32, #tpu.memory_space<vmem>>[vector<16xi32>, vector<16xi32>], vector<16xf32>,
          tpu.vector_store_idx %arg11[%add3A_302, %broadcast_in_dim3A], %gather3A_306 : memref<256x128xf32, #tpu.memory_space<vmem>>[vector<16xi32>, vector<16xi32>], vector<16xf32>,
          %add3A_307 = arith.constant 112 : i32
          %add3A_308 = vector.broadcast %add3A_307 : i32 to vector<16xi32>
          %add3A_309 = arith.addi %add3A_308, %iota3A : vector<16xi32>
          %add3A_310 = arith.constant 0 : i32
          %add3A_311 = vector.broadcast %add3A_310 : i32 to vector<16xi32>
          %add3A_312 = arith.addi %add3A_311, %add3A_309 : vector<16xi32>
          %gather3A_313 = tpu.vector_load_idx %arg10[%broadcast_in_dim3A_258, %add3A_312] : memref<32x512xf32, #tpu.memory_space<vmem>>[vector<16xi32>, vector<16xi32>], vector<16xf32>,
          tpu.vector_store_idx %arg11[%add3A_309, %broadcast_in_dim3A], %gather3A_313 : memref<256x128xf32, #tpu.memory_space<vmem>>[vector<16xi32>, vector<16xi32>], vector<16xf32>,
          %add3A_314 = arith.constant 128 : i32
          %add3A_315 = vector.broadcast %add3A_314 : i32 to vector<16xi32>
          %add3A_316 = arith.addi %add3A_315, %iota3A : vector<16xi32>
          %add3A_317 = arith.constant 0 : i32
          %add3A_318 = vector.broadcast %add3A_317 : i32 to vector<16xi32>
          %add3A_319 = arith.addi %add3A_318, %add3A_316 : vector<16xi32>
          %gather3A_320 = tpu.vector_load_idx %arg10[%broadcast_in_dim3A_258, %add3A_319] : memref<32x512xf32, #tpu.memory_space<vmem>>[vector<16xi32>, vector<16xi32>], vector<16xf32>,
          tpu.vector_store_idx %arg11[%add3A_316, %broadcast_in_dim3A], %gather3A_320 : memref<256x128xf32, #tpu.memory_space<vmem>>[vector<16xi32>, vector<16xi32>], vector<16xf32>,
          %add3A_321 = arith.constant 144 : i32
          %add3A_322 = vector.broadcast %add3A_321 : i32 to vector<16xi32>
          %add3A_323 = arith.addi %add3A_322, %iota3A : vector<16xi32>
          %add3A_324 = arith.constant 0 : i32
          %add3A_325 = vector.broadcast %add3A_324 : i32 to vector<16xi32>
          %add3A_326 = arith.addi %add3A_325, %add3A_323 : vector<16xi32>
          %gather3A_327 = tpu.vector_load_idx %arg10[%broadcast_in_dim3A_258, %add3A_326] : memref<32x512xf32, #tpu.memory_space<vmem>>[vector<16xi32>, vector<16xi32>], vector<16xf32>,
          tpu.vector_store_idx %arg11[%add3A_323, %broadcast_in_dim3A], %gather3A_327 : memref<256x128xf32, #tpu.memory_space<vmem>>[vector<16xi32>, vector<16xi32>], vector<16xf32>,
          %add3A_328 = arith.constant 160 : i32
          %add3A_329 = vector.broadcast %add3A_328 : i32 to vector<16xi32>
          %add3A_330 = arith.addi %add3A_329, %iota3A : vector<16xi32>
          %add3A_331 = arith.constant 0 : i32
          %add3A_332 = vector.broadcast %add3A_331 : i32 to vector<16xi32>
          %add3A_333 = arith.addi %add3A_332, %add3A_330 : vector<16xi32>
          %gather3A_334 = tpu.vector_load_idx %arg10[%broadcast_in_dim3A_258, %add3A_333] : memref<32x512xf32, #tpu.memory_space<vmem>>[vector<16xi32>, vector<16xi32>], vector<16xf32>,
          tpu.vector_store_idx %arg11[%add3A_330, %broadcast_in_dim3A], %gather3A_334 : memref<256x128xf32, #tpu.memory_space<vmem>>[vector<16xi32>, vector<16xi32>], vector<16xf32>,
          %add3A_335 = arith.constant 176 : i32
          %add3A_336 = vector.broadcast %add3A_335 : i32 to vector<16xi32>
          %add3A_337 = arith.addi %add3A_336, %iota3A : vector<16xi32>
          %add3A_338 = arith.constant 0 : i32
          %add3A_339 = vector.broadcast %add3A_338 : i32 to vector<16xi32>
          %add3A_340 = arith.addi %add3A_339, %add3A_337 : vector<16xi32>
          %gather3A_341 = tpu.vector_load_idx %arg10[%broadcast_in_dim3A_258, %add3A_340] : memref<32x512xf32, #tpu.memory_space<vmem>>[vector<16xi32>, vector<16xi32>], vector<16xf32>,
          tpu.vector_store_idx %arg11[%add3A_337, %broadcast_in_dim3A], %gather3A_341 : memref<256x128xf32, #tpu.memory_space<vmem>>[vector<16xi32>, vector<16xi32>], vector<16xf32>,
          %add3A_342 = arith.constant 192 : i32
          %add3A_343 = vector.broadcast %add3A_342 : i32 to vector<16xi32>
          %add3A_344 = arith.addi %add3A_343, %iota3A : vector<16xi32>
          %add3A_345 = arith.constant 0 : i32
          %add3A_346 = vector.broadcast %add3A_345 : i32 to vector<16xi32>
          %add3A_347 = arith.addi %add3A_346, %add3A_344 : vector<16xi32>
          %gather3A_348 = tpu.vector_load_idx %arg10[%broadcast_in_dim3A_258, %add3A_347] : memref<32x512xf32, #tpu.memory_space<vmem>>[vector<16xi32>, vector<16xi32>], vector<16xf32>,
          tpu.vector_store_idx %arg11[%add3A_344, %broadcast_in_dim3A], %gather3A_348 : memref<256x128xf32, #tpu.memory_space<vmem>>[vector<16xi32>, vector<16xi32>], vector<16xf32>,
          %add3A_349 = arith.constant 208 : i32
          %add3A_350 = vector.broadcast %add3A_349 : i32 to vector<16xi32>
          %add3A_351 = arith.addi %add3A_350, %iota3A : vector<16xi32>
          %add3A_352 = arith.constant 0 : i32
          %add3A_353 = vector.broadcast %add3A_352 : i32 to vector<16xi32>
          %add3A_354 = arith.addi %add3A_353, %add3A_351 : vector<16xi32>
          %gather3A_355 = tpu.vector_load_idx %arg10[%broadcast_in_dim3A_258, %add3A_354] : memref<32x512xf32, #tpu.memory_space<vmem>>[vector<16xi32>, vector<16xi32>], vector<16xf32>,
          tpu.vector_store_idx %arg11[%add3A_351, %broadcast_in_dim3A], %gather3A_355 : memref<256x128xf32, #tpu.memory_space<vmem>>[vector<16xi32>, vector<16xi32>], vector<16xf32>,
          %add3A_356 = arith.constant 224 : i32
          %add3A_357 = vector.broadcast %add3A_356 : i32 to vector<16xi32>
          %add3A_358 = arith.addi %add3A_357, %iota3A : vector<16xi32>
          %add3A_359 = arith.constant 0 : i32
          %add3A_360 = vector.broadcast %add3A_359 : i32 to vector<16xi32>
          %add3A_361 = arith.addi %add3A_360, %add3A_358 : vector<16xi32>
          %gather3A_362 = tpu.vector_load_idx %arg10[%broadcast_in_dim3A_258, %add3A_361] : memref<32x512xf32, #tpu.memory_space<vmem>>[vector<16xi32>, vector<16xi32>], vector<16xf32>,
          tpu.vector_store_idx %arg11[%add3A_358, %broadcast_in_dim3A], %gather3A_362 : memref<256x128xf32, #tpu.memory_space<vmem>>[vector<16xi32>, vector<16xi32>], vector<16xf32>,
          %add3A_363 = arith.constant 240 : i32
          %add3A_364 = vector.broadcast %add3A_363 : i32 to vector<16xi32>
          %add3A_365 = arith.addi %add3A_364, %iota3A : vector<16xi32>
          %add3A_366 = arith.constant 0 : i32
          %add3A_367 = vector.broadcast %add3A_366 : i32 to vector<16xi32>
          %add3A_368 = arith.addi %add3A_367, %add3A_365 : vector<16xi32>
          %gather3A_369 = tpu.vector_load_idx %arg10[%broadcast_in_dim3A_258, %add3A_368] : memref<32x512xf32, #tpu.memory_space<vmem>>[vector<16xi32>, vector<16xi32>], vector<16xf32>,
          tpu.vector_store_idx %arg11[%add3A_365, %broadcast_in_dim3A], %gather3A_369 : memref<256x128xf32, #tpu.memory_space<vmem>>[vector<16xi32>, vector<16xi32>], vector<16xf32>,
        }
      }
      %mul3A_164 = arith.constant 128 : i32
      %mul3A_165 = arith.muli %add3A_96, %mul3A_164 : i32
      %multiple_of3A_166 = tpu.assume_multiple %mul3A_165, 128 : i32
      %dma_start3A_167 = arith.constant 0 : i32
      %dma_start3A_168 = tpu.memref_slice %arg5[%dma_start3A_167, %multiple_of3A_166] : memref<512x100000xf32, #tpu.memory_space<hbm>> -> memref<256x128xf32, #tpu.memory_space<hbm>>
      %dma_start3A_169 = arith.constant 0 : i32
      %dma_start3A_170 = tpu.memref_slice %arg5[%dma_start3A_169, %multiple_of3A_166] : memref<512x100000xf32, #tpu.memory_space<hbm>> -> memref<256x128xf32, #tpu.memory_space<hbm>>
      tpu.enqueue_dma source(%arg11 : memref<256x128xf32, #tpu.memory_space<vmem>>) target(%dma_start3A_170 : memref<256x128xf32, #tpu.memory_space<hbm>>) target_semaphore(%arg16 : memref<!tpu.dma_semaphore, #tpu.memory_space<semaphore_mem>>)
      %mul3A_171 = arith.constant 128 : i32
      %mul3A_172 = arith.muli %add3A_96, %mul3A_171 : i32
      %multiple_of3A_173 = tpu.assume_multiple %mul3A_172, 128 : i32
      %dma_wait3A_174 = arith.constant 256 : i32
      %dma_wait3A_175 = tpu.memref_slice %arg4[%dma_wait3A_174, %multiple_of3A_173] : memref<512x100000xf32, #tpu.memory_space<hbm>> -> memref<256x128xf32, #tpu.memory_space<hbm>>
      %dma_wait3A_176 = arith.constant 256 : i32
      %dma_wait3A_177 = tpu.memref_slice %arg4[%dma_wait3A_176, %multiple_of3A_173] : memref<512x100000xf32, #tpu.memory_space<hbm>> -> memref<256x128xf32, #tpu.memory_space<hbm>>
      tpu.wait_dma2 semaphore(%arg15 : memref<!tpu.dma_semaphore, #tpu.memory_space<semaphore_mem>>) src(%dma_wait3A_177 : memref<256x128xf32, #tpu.memory_space<hbm>>) dst(%arg12 : memref<256x128xf32, #tpu.memory_space<vmem>>)
      %sub3A_178 = arith.subi %while3A_108, %while3A_95 : i32
      %le3A = arith.constant 32 : i32
      %le3A_179 = arith.cmpi sle, %sub3A_178, %le3A : i32
      %convert_element_type3A = arith.extui %le3A_179 : i1 to i32
      %cond3A = arith.constant 0 : i32
      %cond3A_180 = arith.cmpi ne, %convert_element_type3A, %cond3A : i32
      scf.if %cond3A_180 {
        %sub3A_198 = arith.subi %while3A_108, %while3A_95 : i32
        %add3A_199 = arith.constant 32 : i32
        %add3A_200 = arith.addi %sub3A_198, %add3A_199 : i32
        %sub3A_201 = arith.constant 1 : i32
        %sub3A_202 = arith.subi %add3A_200, %sub3A_201 : i32
        %jit3A_203 = arith.constant 32 : i32
        %div3A_204 = arith.divsi %sub3A_202, %jit3A_203 : i32
        %sign3A_205 = arith.constant 0 : i32
        %sign3A_206 = arith.cmpi sgt, %sub3A_202, %sign3A_205 : i32
        %sign3A_207 = arith.extui %sign3A_206 : i1 to i32
        %sign3A_208 = arith.constant 0 : i32
        %sign3A_209 = arith.cmpi slt, %sub3A_202, %sign3A_208 : i32
        %sign3A_210 = arith.extui %sign3A_209 : i1 to i32
        %sign3A_211 = arith.subi %sign3A_207, %sign3A_210 : i32
        %sign3A_212 = arith.constant 0 : i32
        %sign3A_213 = arith.cmpi sgt, %jit3A_203, %sign3A_212 : i32
        %sign3A_214 = arith.extui %sign3A_213 : i1 to i32
        %sign3A_215 = arith.constant 0 : i32
        %sign3A_216 = arith.cmpi slt, %jit3A_203, %sign3A_215 : i32
        %sign3A_217 = arith.extui %sign3A_216 : i1 to i32
        %sign3A_218 = arith.subi %sign3A_214, %sign3A_217 : i32
        %ne3A_219 = arith.cmpi ne, %sign3A_211, %sign3A_218 : i32
        %rem3A_220 = arith.remsi %sub3A_202, %jit3A_203 : i32
        %ne3A_221 = arith.constant 0 : i32
        %ne3A_222 = arith.cmpi ne, %rem3A_220, %ne3A_221 : i32
        %and3A_223 = arith.andi %ne3A_219, %ne3A_222 : i1
        %sub3A_224 = arith.constant 1 : i32
        %sub3A_225 = arith.subi %div3A_204, %sub3A_224 : i32
        %select_n3A_226 = arith.select %and3A_223, %sub3A_225, %div3A_204 : i32
        %sub3A_227 = arith.constant 0 : i32
        %sub3A_228 = arith.subi %select_n3A_226, %sub3A_227 : i32
        %sub3A_229 = arith.constant 1 : i32
        %sub3A_230 = arith.constant 1 : i32
        %sub3A_231 = arith.subi %sub3A_229, %sub3A_230 : i32
        %add3A_232 = arith.addi %sub3A_228, %sub3A_231 : i32
        %div3A_233 = arith.constant 1 : i32
        %div3A_234 = arith.divsi %add3A_232, %div3A_233 : i32
        %while3A_235 = arith.constant 1 : i32
        %while3A_236 = arith.constant 0 : i32
        %while3A_237 = arith.constant 0 : i32
        %while3A_238 = arith.subi %div3A_234, %while3A_237 : i32
        %while3A_239 = arith.addi %while3A_237, %while3A_238 : i32
        %while3A_240 = arith.constant 1 : i32
        %while3A_241 = arith.divsi %while3A_238, %while3A_240 : i32
        %while3A_242 = arith.muli %while3A_241, %while3A_240 : i32
        %while3A_243 = arith.addi %while3A_237, %while3A_242 : i32
        %while3A_244 = arith.constant 1 : i32
        scf.for %while3A_246 = %while3A_237 to %while3A_243 step %while3A_244  : i32 {
          %mul3A_247 = arith.muli %while3A_246, %while3A_235 : i32
          %add3A_248 = arith.addi %while3A_236, %mul3A_247 : i32
          %mul3A_249 = arith.constant 32 : i32
          %mul3A_250 = arith.muli %add3A_248, %mul3A_249 : i32
          %add3A_251 = arith.addi %while3A_95, %mul3A_250 : i32
          %sub3A_252 = arith.subi %while3A_108, %add3A_251 : i32
          %min3A_253 = arith.constant 32 : i32
          %min3A_254 = arith.minsi %sub3A_252, %min3A_253 : i32
          %sub3A_255 = arith.constant 0 : i32
          %sub3A_256 = arith.subi %min3A_254, %sub3A_255 : i32
          %sub3A_257 = arith.constant 1 : i32
          %sub3A_258 = arith.constant 1 : i32
          %sub3A_259 = arith.subi %sub3A_257, %sub3A_258 : i32
          %add3A_260 = arith.addi %sub3A_256, %sub3A_259 : i32
          %div3A_261 = arith.constant 1 : i32
          %div3A_262 = arith.divsi %add3A_260, %div3A_261 : i32
          %while3A_263 = arith.constant 1 : i32
          %while3A_264 = arith.constant 0 : i32
          %while3A_265 = arith.constant 0 : i32
          %while3A_266 = arith.subi %div3A_262, %while3A_265 : i32
          %while3A_267 = arith.addi %while3A_265, %while3A_266 : i32
          %while3A_268 = arith.constant 1 : i32
          %while3A_269 = arith.divsi %while3A_266, %while3A_268 : i32
          %while3A_270 = arith.muli %while3A_269, %while3A_268 : i32
          %while3A_271 = arith.addi %while3A_265, %while3A_270 : i32
          %while3A_272 = arith.constant 1 : i32
          scf.for %while3A_274 = %while3A_265 to %while3A_271 step %while3A_272  : i32 {
            %mul3A_275 = arith.muli %while3A_274, %while3A_263 : i32
            %add3A_276 = arith.addi %while3A_264, %mul3A_275 : i32
            %add3A_277 = arith.addi %add3A_251, %add3A_276 : i32
            %get3A = arith.index_cast %add3A_277 : i32 to index
            %get3A_278 = tpu.vector_load %arg8[%get3A] {strides = array<i32>} : memref<3232xi32, #tpu.memory_space<vmem>>, vector<16xi32>,
            %slice3A = vector.extract_strided_slice %get3A_278 {offsets = [0], sizes = [1], strides = [1]} : vector<16xi32> to vector<1xi32>
            %squeeze3A = vector.extract %slice3A[0] : i32 from vector<1xi32>
            %shift_right_arithmetic3A = arith.constant 14 : i32
            %shift_right_arithmetic3A_279 = arith.shrsi %squeeze3A, %shift_right_arithmetic3A : i32
            %mul3A_280 = arith.constant 128 : i32
            %mul3A_281 = arith.muli %add3A_96, %mul3A_280 : i32
            %sub3A_282 = arith.subi %shift_right_arithmetic3A_279, %mul3A_281 : i32
            %broadcast_in_dim3A = vector.broadcast %sub3A_282 : i32 to vector<16xi32>
            %broadcast_in_dim3A_283 = vector.broadcast %add3A_276 : i32 to vector<16xi32>
            %add3A_284 = arith.constant 0 : i32
            %add3A_285 = vector.broadcast %add3A_284 : i32 to vector<16xi32>
            %add3A_286 = arith.addi %add3A_285, %iota3A : vector<16xi32>
            %add3A_287 = arith.constant 256 : i32
            %add3A_288 = vector.broadcast %add3A_287 : i32 to vector<16xi32>
            %add3A_289 = arith.addi %add3A_288, %add3A_286 : vector<16xi32>
            %gather3A = tpu.vector_load_idx %arg10[%broadcast_in_dim3A_283, %add3A_289] : memref<32x512xf32, #tpu.memory_space<vmem>>[vector<16xi32>, vector<16xi32>], vector<16xf32>,
            tpu.vector_store_idx %arg12[%add3A_286, %broadcast_in_dim3A], %gather3A : memref<256x128xf32, #tpu.memory_space<vmem>>[vector<16xi32>, vector<16xi32>], vector<16xf32>,
            %add3A_290 = arith.constant 16 : i32
            %add3A_291 = vector.broadcast %add3A_290 : i32 to vector<16xi32>
            %add3A_292 = arith.addi %add3A_291, %iota3A : vector<16xi32>
            %add3A_293 = arith.constant 256 : i32
            %add3A_294 = vector.broadcast %add3A_293 : i32 to vector<16xi32>
            %add3A_295 = arith.addi %add3A_294, %add3A_292 : vector<16xi32>
            %gather3A_296 = tpu.vector_load_idx %arg10[%broadcast_in_dim3A_283, %add3A_295] : memref<32x512xf32, #tpu.memory_space<vmem>>[vector<16xi32>, vector<16xi32>], vector<16xf32>,
            tpu.vector_store_idx %arg12[%add3A_292, %broadcast_in_dim3A], %gather3A_296 : memref<256x128xf32, #tpu.memory_space<vmem>>[vector<16xi32>, vector<16xi32>], vector<16xf32>,
            %add3A_297 = arith.constant 32 : i32
            %add3A_298 = vector.broadcast %add3A_297 : i32 to vector<16xi32>
            %add3A_299 = arith.addi %add3A_298, %iota3A : vector<16xi32>
            %add3A_300 = arith.constant 256 : i32
            %add3A_301 = vector.broadcast %add3A_300 : i32 to vector<16xi32>
            %add3A_302 = arith.addi %add3A_301, %add3A_299 : vector<16xi32>
            %gather3A_303 = tpu.vector_load_idx %arg10[%broadcast_in_dim3A_283, %add3A_302] : memref<32x512xf32, #tpu.memory_space<vmem>>[vector<16xi32>, vector<16xi32>], vector<16xf32>,
            tpu.vector_store_idx %arg12[%add3A_299, %broadcast_in_dim3A], %gather3A_303 : memref<256x128xf32, #tpu.memory_space<vmem>>[vector<16xi32>, vector<16xi32>], vector<16xf32>,
            %add3A_304 = arith.constant 48 : i32
            %add3A_305 = vector.broadcast %add3A_304 : i32 to vector<16xi32>
            %add3A_306 = arith.addi %add3A_305, %iota3A : vector<16xi32>
            %add3A_307 = arith.constant 256 : i32
            %add3A_308 = vector.broadcast %add3A_307 : i32 to vector<16xi32>
            %add3A_309 = arith.addi %add3A_308, %add3A_306 : vector<16xi32>
            %gather3A_310 = tpu.vector_load_idx %arg10[%broadcast_in_dim3A_283, %add3A_309] : memref<32x512xf32, #tpu.memory_space<vmem>>[vector<16xi32>, vector<16xi32>], vector<16xf32>,
            tpu.vector_store_idx %arg12[%add3A_306, %broadcast_in_dim3A], %gather3A_310 : memref<256x128xf32, #tpu.memory_space<vmem>>[vector<16xi32>, vector<16xi32>], vector<16xf32>,
            %add3A_311 = arith.constant 64 : i32
            %add3A_312 = vector.broadcast %add3A_311 : i32 to vector<16xi32>
            %add3A_313 = arith.addi %add3A_312, %iota3A : vector<16xi32>
            %add3A_314 = arith.constant 256 : i32
            %add3A_315 = vector.broadcast %add3A_314 : i32 to vector<16xi32>
            %add3A_316 = arith.addi %add3A_315, %add3A_313 : vector<16xi32>
            %gather3A_317 = tpu.vector_load_idx %arg10[%broadcast_in_dim3A_283, %add3A_316] : memref<32x512xf32, #tpu.memory_space<vmem>>[vector<16xi32>, vector<16xi32>], vector<16xf32>,
            tpu.vector_store_idx %arg12[%add3A_313, %broadcast_in_dim3A], %gather3A_317 : memref<256x128xf32, #tpu.memory_space<vmem>>[vector<16xi32>, vector<16xi32>], vector<16xf32>,
            %add3A_318 = arith.constant 80 : i32
            %add3A_319 = vector.broadcast %add3A_318 : i32 to vector<16xi32>
            %add3A_320 = arith.addi %add3A_319, %iota3A : vector<16xi32>
            %add3A_321 = arith.constant 256 : i32
            %add3A_322 = vector.broadcast %add3A_321 : i32 to vector<16xi32>
            %add3A_323 = arith.addi %add3A_322, %add3A_320 : vector<16xi32>
            %gather3A_324 = tpu.vector_load_idx %arg10[%broadcast_in_dim3A_283, %add3A_323] : memref<32x512xf32, #tpu.memory_space<vmem>>[vector<16xi32>, vector<16xi32>], vector<16xf32>,
            tpu.vector_store_idx %arg12[%add3A_320, %broadcast_in_dim3A], %gather3A_324 : memref<256x128xf32, #tpu.memory_space<vmem>>[vector<16xi32>, vector<16xi32>], vector<16xf32>,
            %add3A_325 = arith.constant 96 : i32
            %add3A_326 = vector.broadcast %add3A_325 : i32 to vector<16xi32>
            %add3A_327 = arith.addi %add3A_326, %iota3A : vector<16xi32>
            %add3A_328 = arith.constant 256 : i32
            %add3A_329 = vector.broadcast %add3A_328 : i32 to vector<16xi32>
            %add3A_330 = arith.addi %add3A_329, %add3A_327 : vector<16xi32>
            %gather3A_331 = tpu.vector_load_idx %arg10[%broadcast_in_dim3A_283, %add3A_330] : memref<32x512xf32, #tpu.memory_space<vmem>>[vector<16xi32>, vector<16xi32>], vector<16xf32>,
            tpu.vector_store_idx %arg12[%add3A_327, %broadcast_in_dim3A], %gather3A_331 : memref<256x128xf32, #tpu.memory_space<vmem>>[vector<16xi32>, vector<16xi32>], vector<16xf32>,
            %add3A_332 = arith.constant 112 : i32
            %add3A_333 = vector.broadcast %add3A_332 : i32 to vector<16xi32>
            %add3A_334 = arith.addi %add3A_333, %iota3A : vector<16xi32>
            %add3A_335 = arith.constant 256 : i32
            %add3A_336 = vector.broadcast %add3A_335 : i32 to vector<16xi32>
            %add3A_337 = arith.addi %add3A_336, %add3A_334 : vector<16xi32>
            %gather3A_338 = tpu.vector_load_idx %arg10[%broadcast_in_dim3A_283, %add3A_337] : memref<32x512xf32, #tpu.memory_space<vmem>>[vector<16xi32>, vector<16xi32>], vector<16xf32>,
            tpu.vector_store_idx %arg12[%add3A_334, %broadcast_in_dim3A], %gather3A_338 : memref<256x128xf32, #tpu.memory_space<vmem>>[vector<16xi32>, vector<16xi32>], vector<16xf32>,
            %add3A_339 = arith.constant 128 : i32
            %add3A_340 = vector.broadcast %add3A_339 : i32 to vector<16xi32>
            %add3A_341 = arith.addi %add3A_340, %iota3A : vector<16xi32>
            %add3A_342 = arith.constant 256 : i32
            %add3A_343 = vector.broadcast %add3A_342 : i32 to vector<16xi32>
            %add3A_344 = arith.addi %add3A_343, %add3A_341 : vector<16xi32>
            %gather3A_345 = tpu.vector_load_idx %arg10[%broadcast_in_dim3A_283, %add3A_344] : memref<32x512xf32, #tpu.memory_space<vmem>>[vector<16xi32>, vector<16xi32>], vector<16xf32>,
            tpu.vector_store_idx %arg12[%add3A_341, %broadcast_in_dim3A], %gather3A_345 : memref<256x128xf32, #tpu.memory_space<vmem>>[vector<16xi32>, vector<16xi32>], vector<16xf32>,
            %add3A_346 = arith.constant 144 : i32
            %add3A_347 = vector.broadcast %add3A_346 : i32 to vector<16xi32>
            %add3A_348 = arith.addi %add3A_347, %iota3A : vector<16xi32>
            %add3A_349 = arith.constant 256 : i32
            %add3A_350 = vector.broadcast %add3A_349 : i32 to vector<16xi32>
            %add3A_351 = arith.addi %add3A_350, %add3A_348 : vector<16xi32>
            %gather3A_352 = tpu.vector_load_idx %arg10[%broadcast_in_dim3A_283, %add3A_351] : memref<32x512xf32, #tpu.memory_space<vmem>>[vector<16xi32>, vector<16xi32>], vector<16xf32>,
            tpu.vector_store_idx %arg12[%add3A_348, %broadcast_in_dim3A], %gather3A_352 : memref<256x128xf32, #tpu.memory_space<vmem>>[vector<16xi32>, vector<16xi32>], vector<16xf32>,
            %add3A_353 = arith.constant 160 : i32
            %add3A_354 = vector.broadcast %add3A_353 : i32 to vector<16xi32>
            %add3A_355 = arith.addi %add3A_354, %iota3A : vector<16xi32>
            %add3A_356 = arith.constant 256 : i32
            %add3A_357 = vector.broadcast %add3A_356 : i32 to vector<16xi32>
            %add3A_358 = arith.addi %add3A_357, %add3A_355 : vector<16xi32>
            %gather3A_359 = tpu.vector_load_idx %arg10[%broadcast_in_dim3A_283, %add3A_358] : memref<32x512xf32, #tpu.memory_space<vmem>>[vector<16xi32>, vector<16xi32>], vector<16xf32>,
            tpu.vector_store_idx %arg12[%add3A_355, %broadcast_in_dim3A], %gather3A_359 : memref<256x128xf32, #tpu.memory_space<vmem>>[vector<16xi32>, vector<16xi32>], vector<16xf32>,
            %add3A_360 = arith.constant 176 : i32
            %add3A_361 = vector.broadcast %add3A_360 : i32 to vector<16xi32>
            %add3A_362 = arith.addi %add3A_361, %iota3A : vector<16xi32>
            %add3A_363 = arith.constant 256 : i32
            %add3A_364 = vector.broadcast %add3A_363 : i32 to vector<16xi32>
            %add3A_365 = arith.addi %add3A_364, %add3A_362 : vector<16xi32>
            %gather3A_366 = tpu.vector_load_idx %arg10[%broadcast_in_dim3A_283, %add3A_365] : memref<32x512xf32, #tpu.memory_space<vmem>>[vector<16xi32>, vector<16xi32>], vector<16xf32>,
            tpu.vector_store_idx %arg12[%add3A_362, %broadcast_in_dim3A], %gather3A_366 : memref<256x128xf32, #tpu.memory_space<vmem>>[vector<16xi32>, vector<16xi32>], vector<16xf32>,
            %add3A_367 = arith.constant 192 : i32
            %add3A_368 = vector.broadcast %add3A_367 : i32 to vector<16xi32>
            %add3A_369 = arith.addi %add3A_368, %iota3A : vector<16xi32>
            %add3A_370 = arith.constant 256 : i32
            %add3A_371 = vector.broadcast %add3A_370 : i32 to vector<16xi32>
            %add3A_372 = arith.addi %add3A_371, %add3A_369 : vector<16xi32>
            %gather3A_373 = tpu.vector_load_idx %arg10[%broadcast_in_dim3A_283, %add3A_372] : memref<32x512xf32, #tpu.memory_space<vmem>>[vector<16xi32>, vector<16xi32>], vector<16xf32>,
            tpu.vector_store_idx %arg12[%add3A_369, %broadcast_in_dim3A], %gather3A_373 : memref<256x128xf32, #tpu.memory_space<vmem>>[vector<16xi32>, vector<16xi32>], vector<16xf32>,
            %add3A_374 = arith.constant 208 : i32
            %add3A_375 = vector.broadcast %add3A_374 : i32 to vector<16xi32>
            %add3A_376 = arith.addi %add3A_375, %iota3A : vector<16xi32>
            %add3A_377 = arith.constant 256 : i32
            %add3A_378 = vector.broadcast %add3A_377 : i32 to vector<16xi32>
            %add3A_379 = arith.addi %add3A_378, %add3A_376 : vector<16xi32>
            %gather3A_380 = tpu.vector_load_idx %arg10[%broadcast_in_dim3A_283, %add3A_379] : memref<32x512xf32, #tpu.memory_space<vmem>>[vector<16xi32>, vector<16xi32>], vector<16xf32>,
            tpu.vector_store_idx %arg12[%add3A_376, %broadcast_in_dim3A], %gather3A_380 : memref<256x128xf32, #tpu.memory_space<vmem>>[vector<16xi32>, vector<16xi32>], vector<16xf32>,
            %add3A_381 = arith.constant 224 : i32
            %add3A_382 = vector.broadcast %add3A_381 : i32 to vector<16xi32>
            %add3A_383 = arith.addi %add3A_382, %iota3A : vector<16xi32>
            %add3A_384 = arith.constant 256 : i32
            %add3A_385 = vector.broadcast %add3A_384 : i32 to vector<16xi32>
            %add3A_386 = arith.addi %add3A_385, %add3A_383 : vector<16xi32>
            %gather3A_387 = tpu.vector_load_idx %arg10[%broadcast_in_dim3A_283, %add3A_386] : memref<32x512xf32, #tpu.memory_space<vmem>>[vector<16xi32>, vector<16xi32>], vector<16xf32>,
            tpu.vector_store_idx %arg12[%add3A_383, %broadcast_in_dim3A], %gather3A_387 : memref<256x128xf32, #tpu.memory_space<vmem>>[vector<16xi32>, vector<16xi32>], vector<16xf32>,
            %add3A_388 = arith.constant 240 : i32
            %add3A_389 = vector.broadcast %add3A_388 : i32 to vector<16xi32>
            %add3A_390 = arith.addi %add3A_389, %iota3A : vector<16xi32>
            %add3A_391 = arith.constant 256 : i32
            %add3A_392 = vector.broadcast %add3A_391 : i32 to vector<16xi32>
            %add3A_393 = arith.addi %add3A_392, %add3A_390 : vector<16xi32>
            %gather3A_394 = tpu.vector_load_idx %arg10[%broadcast_in_dim3A_283, %add3A_393] : memref<32x512xf32, #tpu.memory_space<vmem>>[vector<16xi32>, vector<16xi32>], vector<16xf32>,
            tpu.vector_store_idx %arg12[%add3A_390, %broadcast_in_dim3A], %gather3A_394 : memref<256x128xf32, #tpu.memory_space<vmem>>[vector<16xi32>, vector<16xi32>], vector<16xf32>,
          }
          %while3A_273 = arith.constant 1 : i32
          scf.for %while3A_274 = %while3A_271 to %while3A_267 step %while3A_273  : i32 {
            %mul3A_275 = arith.muli %while3A_274, %while3A_263 : i32
            %add3A_276 = arith.addi %while3A_264, %mul3A_275 : i32
            %add3A_277 = arith.addi %add3A_251, %add3A_276 : i32
            %get3A = arith.index_cast %add3A_277 : i32 to index
            %get3A_278 = tpu.vector_load %arg8[%get3A] {strides = array<i32>} : memref<3232xi32, #tpu.memory_space<vmem>>, vector<16xi32>,
            %slice3A = vector.extract_strided_slice %get3A_278 {offsets = [0], sizes = [1], strides = [1]} : vector<16xi32> to vector<1xi32>
            %squeeze3A = vector.extract %slice3A[0] : i32 from vector<1xi32>
            %shift_right_arithmetic3A = arith.constant 14 : i32
            %shift_right_arithmetic3A_279 = arith.shrsi %squeeze3A, %shift_right_arithmetic3A : i32
            %mul3A_280 = arith.constant 128 : i32
            %mul3A_281 = arith.muli %add3A_96, %mul3A_280 : i32
            %sub3A_282 = arith.subi %shift_right_arithmetic3A_279, %mul3A_281 : i32
            %broadcast_in_dim3A = vector.broadcast %sub3A_282 : i32 to vector<16xi32>
            %broadcast_in_dim3A_283 = vector.broadcast %add3A_276 : i32 to vector<16xi32>
            %add3A_284 = arith.constant 0 : i32
            %add3A_285 = vector.broadcast %add3A_284 : i32 to vector<16xi32>
            %add3A_286 = arith.addi %add3A_285, %iota3A : vector<16xi32>
            %add3A_287 = arith.constant 256 : i32
            %add3A_288 = vector.broadcast %add3A_287 : i32 to vector<16xi32>
            %add3A_289 = arith.addi %add3A_288, %add3A_286 : vector<16xi32>
            %gather3A = tpu.vector_load_idx %arg10[%broadcast_in_dim3A_283, %add3A_289] : memref<32x512xf32, #tpu.memory_space<vmem>>[vector<16xi32>, vector<16xi32>], vector<16xf32>,
            tpu.vector_store_idx %arg12[%add3A_286, %broadcast_in_dim3A], %gather3A : memref<256x128xf32, #tpu.memory_space<vmem>>[vector<16xi32>, vector<16xi32>], vector<16xf32>,
            %add3A_290 = arith.constant 16 : i32
            %add3A_291 = vector.broadcast %add3A_290 : i32 to vector<16xi32>
            %add3A_292 = arith.addi %add3A_291, %iota3A : vector<16xi32>
            %add3A_293 = arith.constant 256 : i32
            %add3A_294 = vector.broadcast %add3A_293 : i32 to vector<16xi32>
            %add3A_295 = arith.addi %add3A_294, %add3A_292 : vector<16xi32>
            %gather3A_296 = tpu.vector_load_idx %arg10[%broadcast_in_dim3A_283, %add3A_295] : memref<32x512xf32, #tpu.memory_space<vmem>>[vector<16xi32>, vector<16xi32>], vector<16xf32>,
            tpu.vector_store_idx %arg12[%add3A_292, %broadcast_in_dim3A], %gather3A_296 : memref<256x128xf32, #tpu.memory_space<vmem>>[vector<16xi32>, vector<16xi32>], vector<16xf32>,
            %add3A_297 = arith.constant 32 : i32
            %add3A_298 = vector.broadcast %add3A_297 : i32 to vector<16xi32>
            %add3A_299 = arith.addi %add3A_298, %iota3A : vector<16xi32>
            %add3A_300 = arith.constant 256 : i32
            %add3A_301 = vector.broadcast %add3A_300 : i32 to vector<16xi32>
            %add3A_302 = arith.addi %add3A_301, %add3A_299 : vector<16xi32>
            %gather3A_303 = tpu.vector_load_idx %arg10[%broadcast_in_dim3A_283, %add3A_302] : memref<32x512xf32, #tpu.memory_space<vmem>>[vector<16xi32>, vector<16xi32>], vector<16xf32>,
            tpu.vector_store_idx %arg12[%add3A_299, %broadcast_in_dim3A], %gather3A_303 : memref<256x128xf32, #tpu.memory_space<vmem>>[vector<16xi32>, vector<16xi32>], vector<16xf32>,
            %add3A_304 = arith.constant 48 : i32
            %add3A_305 = vector.broadcast %add3A_304 : i32 to vector<16xi32>
            %add3A_306 = arith.addi %add3A_305, %iota3A : vector<16xi32>
            %add3A_307 = arith.constant 256 : i32
            %add3A_308 = vector.broadcast %add3A_307 : i32 to vector<16xi32>
            %add3A_309 = arith.addi %add3A_308, %add3A_306 : vector<16xi32>
            %gather3A_310 = tpu.vector_load_idx %arg10[%broadcast_in_dim3A_283, %add3A_309] : memref<32x512xf32, #tpu.memory_space<vmem>>[vector<16xi32>, vector<16xi32>], vector<16xf32>,
            tpu.vector_store_idx %arg12[%add3A_306, %broadcast_in_dim3A], %gather3A_310 : memref<256x128xf32, #tpu.memory_space<vmem>>[vector<16xi32>, vector<16xi32>], vector<16xf32>,
            %add3A_311 = arith.constant 64 : i32
            %add3A_312 = vector.broadcast %add3A_311 : i32 to vector<16xi32>
            %add3A_313 = arith.addi %add3A_312, %iota3A : vector<16xi32>
            %add3A_314 = arith.constant 256 : i32
            %add3A_315 = vector.broadcast %add3A_314 : i32 to vector<16xi32>
            %add3A_316 = arith.addi %add3A_315, %add3A_313 : vector<16xi32>
            %gather3A_317 = tpu.vector_load_idx %arg10[%broadcast_in_dim3A_283, %add3A_316] : memref<32x512xf32, #tpu.memory_space<vmem>>[vector<16xi32>, vector<16xi32>], vector<16xf32>,
            tpu.vector_store_idx %arg12[%add3A_313, %broadcast_in_dim3A], %gather3A_317 : memref<256x128xf32, #tpu.memory_space<vmem>>[vector<16xi32>, vector<16xi32>], vector<16xf32>,
            %add3A_318 = arith.constant 80 : i32
            %add3A_319 = vector.broadcast %add3A_318 : i32 to vector<16xi32>
            %add3A_320 = arith.addi %add3A_319, %iota3A : vector<16xi32>
            %add3A_321 = arith.constant 256 : i32
            %add3A_322 = vector.broadcast %add3A_321 : i32 to vector<16xi32>
            %add3A_323 = arith.addi %add3A_322, %add3A_320 : vector<16xi32>
            %gather3A_324 = tpu.vector_load_idx %arg10[%broadcast_in_dim3A_283, %add3A_323] : memref<32x512xf32, #tpu.memory_space<vmem>>[vector<16xi32>, vector<16xi32>], vector<16xf32>,
            tpu.vector_store_idx %arg12[%add3A_320, %broadcast_in_dim3A], %gather3A_324 : memref<256x128xf32, #tpu.memory_space<vmem>>[vector<16xi32>, vector<16xi32>], vector<16xf32>,
            %add3A_325 = arith.constant 96 : i32
            %add3A_326 = vector.broadcast %add3A_325 : i32 to vector<16xi32>
            %add3A_327 = arith.addi %add3A_326, %iota3A : vector<16xi32>
            %add3A_328 = arith.constant 256 : i32
            %add3A_329 = vector.broadcast %add3A_328 : i32 to vector<16xi32>
            %add3A_330 = arith.addi %add3A_329, %add3A_327 : vector<16xi32>
            %gather3A_331 = tpu.vector_load_idx %arg10[%broadcast_in_dim3A_283, %add3A_330] : memref<32x512xf32, #tpu.memory_space<vmem>>[vector<16xi32>, vector<16xi32>], vector<16xf32>,
            tpu.vector_store_idx %arg12[%add3A_327, %broadcast_in_dim3A], %gather3A_331 : memref<256x128xf32, #tpu.memory_space<vmem>>[vector<16xi32>, vector<16xi32>], vector<16xf32>,
            %add3A_332 = arith.constant 112 : i32
            %add3A_333 = vector.broadcast %add3A_332 : i32 to vector<16xi32>
            %add3A_334 = arith.addi %add3A_333, %iota3A : vector<16xi32>
            %add3A_335 = arith.constant 256 : i32
            %add3A_336 = vector.broadcast %add3A_335 : i32 to vector<16xi32>
            %add3A_337 = arith.addi %add3A_336, %add3A_334 : vector<16xi32>
            %gather3A_338 = tpu.vector_load_idx %arg10[%broadcast_in_dim3A_283, %add3A_337] : memref<32x512xf32, #tpu.memory_space<vmem>>[vector<16xi32>, vector<16xi32>], vector<16xf32>,
            tpu.vector_store_idx %arg12[%add3A_334, %broadcast_in_dim3A], %gather3A_338 : memref<256x128xf32, #tpu.memory_space<vmem>>[vector<16xi32>, vector<16xi32>], vector<16xf32>,
            %add3A_339 = arith.constant 128 : i32
            %add3A_340 = vector.broadcast %add3A_339 : i32 to vector<16xi32>
            %add3A_341 = arith.addi %add3A_340, %iota3A : vector<16xi32>
            %add3A_342 = arith.constant 256 : i32
            %add3A_343 = vector.broadcast %add3A_342 : i32 to vector<16xi32>
            %add3A_344 = arith.addi %add3A_343, %add3A_341 : vector<16xi32>
            %gather3A_345 = tpu.vector_load_idx %arg10[%broadcast_in_dim3A_283, %add3A_344] : memref<32x512xf32, #tpu.memory_space<vmem>>[vector<16xi32>, vector<16xi32>], vector<16xf32>,
            tpu.vector_store_idx %arg12[%add3A_341, %broadcast_in_dim3A], %gather3A_345 : memref<256x128xf32, #tpu.memory_space<vmem>>[vector<16xi32>, vector<16xi32>], vector<16xf32>,
            %add3A_346 = arith.constant 144 : i32
            %add3A_347 = vector.broadcast %add3A_346 : i32 to vector<16xi32>
            %add3A_348 = arith.addi %add3A_347, %iota3A : vector<16xi32>
            %add3A_349 = arith.constant 256 : i32
            %add3A_350 = vector.broadcast %add3A_349 : i32 to vector<16xi32>
            %add3A_351 = arith.addi %add3A_350, %add3A_348 : vector<16xi32>
            %gather3A_352 = tpu.vector_load_idx %arg10[%broadcast_in_dim3A_283, %add3A_351] : memref<32x512xf32, #tpu.memory_space<vmem>>[vector<16xi32>, vector<16xi32>], vector<16xf32>,
            tpu.vector_store_idx %arg12[%add3A_348, %broadcast_in_dim3A], %gather3A_352 : memref<256x128xf32, #tpu.memory_space<vmem>>[vector<16xi32>, vector<16xi32>], vector<16xf32>,
            %add3A_353 = arith.constant 160 : i32
            %add3A_354 = vector.broadcast %add3A_353 : i32 to vector<16xi32>
            %add3A_355 = arith.addi %add3A_354, %iota3A : vector<16xi32>
            %add3A_356 = arith.constant 256 : i32
            %add3A_357 = vector.broadcast %add3A_356 : i32 to vector<16xi32>
            %add3A_358 = arith.addi %add3A_357, %add3A_355 : vector<16xi32>
            %gather3A_359 = tpu.vector_load_idx %arg10[%broadcast_in_dim3A_283, %add3A_358] : memref<32x512xf32, #tpu.memory_space<vmem>>[vector<16xi32>, vector<16xi32>], vector<16xf32>,
            tpu.vector_store_idx %arg12[%add3A_355, %broadcast_in_dim3A], %gather3A_359 : memref<256x128xf32, #tpu.memory_space<vmem>>[vector<16xi32>, vector<16xi32>], vector<16xf32>,
            %add3A_360 = arith.constant 176 : i32
            %add3A_361 = vector.broadcast %add3A_360 : i32 to vector<16xi32>
            %add3A_362 = arith.addi %add3A_361, %iota3A : vector<16xi32>
            %add3A_363 = arith.constant 256 : i32
            %add3A_364 = vector.broadcast %add3A_363 : i32 to vector<16xi32>
            %add3A_365 = arith.addi %add3A_364, %add3A_362 : vector<16xi32>
            %gather3A_366 = tpu.vector_load_idx %arg10[%broadcast_in_dim3A_283, %add3A_365] : memref<32x512xf32, #tpu.memory_space<vmem>>[vector<16xi32>, vector<16xi32>], vector<16xf32>,
            tpu.vector_store_idx %arg12[%add3A_362, %broadcast_in_dim3A], %gather3A_366 : memref<256x128xf32, #tpu.memory_space<vmem>>[vector<16xi32>, vector<16xi32>], vector<16xf32>,
            %add3A_367 = arith.constant 192 : i32
            %add3A_368 = vector.broadcast %add3A_367 : i32 to vector<16xi32>
            %add3A_369 = arith.addi %add3A_368, %iota3A : vector<16xi32>
            %add3A_370 = arith.constant 256 : i32
            %add3A_371 = vector.broadcast %add3A_370 : i32 to vector<16xi32>
            %add3A_372 = arith.addi %add3A_371, %add3A_369 : vector<16xi32>
            %gather3A_373 = tpu.vector_load_idx %arg10[%broadcast_in_dim3A_283, %add3A_372] : memref<32x512xf32, #tpu.memory_space<vmem>>[vector<16xi32>, vector<16xi32>], vector<16xf32>,
            tpu.vector_store_idx %arg12[%add3A_369, %broadcast_in_dim3A], %gather3A_373 : memref<256x128xf32, #tpu.memory_space<vmem>>[vector<16xi32>, vector<16xi32>], vector<16xf32>,
            %add3A_374 = arith.constant 208 : i32
            %add3A_375 = vector.broadcast %add3A_374 : i32 to vector<16xi32>
            %add3A_376 = arith.addi %add3A_375, %iota3A : vector<16xi32>
            %add3A_377 = arith.constant 256 : i32
            %add3A_378 = vector.broadcast %add3A_377 : i32 to vector<16xi32>
            %add3A_379 = arith.addi %add3A_378, %add3A_376 : vector<16xi32>
            %gather3A_380 = tpu.vector_load_idx %arg10[%broadcast_in_dim3A_283, %add3A_379] : memref<32x512xf32, #tpu.memory_space<vmem>>[vector<16xi32>, vector<16xi32>], vector<16xf32>,
            tpu.vector_store_idx %arg12[%add3A_376, %broadcast_in_dim3A], %gather3A_380 : memref<256x128xf32, #tpu.memory_space<vmem>>[vector<16xi32>, vector<16xi32>], vector<16xf32>,
            %add3A_381 = arith.constant 224 : i32
            %add3A_382 = vector.broadcast %add3A_381 : i32 to vector<16xi32>
            %add3A_383 = arith.addi %add3A_382, %iota3A : vector<16xi32>
            %add3A_384 = arith.constant 256 : i32
            %add3A_385 = vector.broadcast %add3A_384 : i32 to vector<16xi32>
            %add3A_386 = arith.addi %add3A_385, %add3A_383 : vector<16xi32>
            %gather3A_387 = tpu.vector_load_idx %arg10[%broadcast_in_dim3A_283, %add3A_386] : memref<32x512xf32, #tpu.memory_space<vmem>>[vector<16xi32>, vector<16xi32>], vector<16xf32>,
            tpu.vector_store_idx %arg12[%add3A_383, %broadcast_in_dim3A], %gather3A_387 : memref<256x128xf32, #tpu.memory_space<vmem>>[vector<16xi32>, vector<16xi32>], vector<16xf32>,
            %add3A_388 = arith.constant 240 : i32
            %add3A_389 = vector.broadcast %add3A_388 : i32 to vector<16xi32>
            %add3A_390 = arith.addi %add3A_389, %iota3A : vector<16xi32>
            %add3A_391 = arith.constant 256 : i32
            %add3A_392 = vector.broadcast %add3A_391 : i32 to vector<16xi32>
            %add3A_393 = arith.addi %add3A_392, %add3A_390 : vector<16xi32>
            %gather3A_394 = tpu.vector_load_idx %arg10[%broadcast_in_dim3A_283, %add3A_393] : memref<32x512xf32, #tpu.memory_space<vmem>>[vector<16xi32>, vector<16xi32>], vector<16xf32>,
            tpu.vector_store_idx %arg12[%add3A_390, %broadcast_in_dim3A], %gather3A_394 : memref<256x128xf32, #tpu.memory_space<vmem>>[vector<16xi32>, vector<16xi32>], vector<16xf32>,
          }
        }
        %while3A_245 = arith.constant 1 : i32
        scf.for %while3A_246 = %while3A_243 to %while3A_239 step %while3A_245  : i32 {
          %mul3A_247 = arith.muli %while3A_246, %while3A_235 : i32
          %add3A_248 = arith.addi %while3A_236, %mul3A_247 : i32
          %mul3A_249 = arith.constant 32 : i32
          %mul3A_250 = arith.muli %add3A_248, %mul3A_249 : i32
          %add3A_251 = arith.addi %while3A_95, %mul3A_250 : i32
          %sub3A_252 = arith.subi %while3A_108, %add3A_251 : i32
          %min3A_253 = arith.constant 32 : i32
          %min3A_254 = arith.minsi %sub3A_252, %min3A_253 : i32
          %sub3A_255 = arith.constant 0 : i32
          %sub3A_256 = arith.subi %min3A_254, %sub3A_255 : i32
          %sub3A_257 = arith.constant 1 : i32
          %sub3A_258 = arith.constant 1 : i32
          %sub3A_259 = arith.subi %sub3A_257, %sub3A_258 : i32
          %add3A_260 = arith.addi %sub3A_256, %sub3A_259 : i32
          %div3A_261 = arith.constant 1 : i32
          %div3A_262 = arith.divsi %add3A_260, %div3A_261 : i32
          %while3A_263 = arith.constant 1 : i32
          %while3A_264 = arith.constant 0 : i32
          %while3A_265 = arith.constant 0 : i32
          %while3A_266 = arith.subi %div3A_262, %while3A_265 : i32
          %while3A_267 = arith.addi %while3A_265, %while3A_266 : i32
          %while3A_268 = arith.constant 1 : i32
          %while3A_269 = arith.divsi %while3A_266, %while3A_268 : i32
          %while3A_270 = arith.muli %while3A_269, %while3A_268 : i32
          %while3A_271 = arith.addi %while3A_265, %while3A_270 : i32
          %while3A_272 = arith.constant 1 : i32
          scf.for %while3A_274 = %while3A_265 to %while3A_271 step %while3A_272  : i32 {
            %mul3A_275 = arith.muli %while3A_274, %while3A_263 : i32
            %add3A_276 = arith.addi %while3A_264, %mul3A_275 : i32
            %add3A_277 = arith.addi %add3A_251, %add3A_276 : i32
            %get3A = arith.index_cast %add3A_277 : i32 to index
            %get3A_278 = tpu.vector_load %arg8[%get3A] {strides = array<i32>} : memref<3232xi32, #tpu.memory_space<vmem>>, vector<16xi32>,
            %slice3A = vector.extract_strided_slice %get3A_278 {offsets = [0], sizes = [1], strides = [1]} : vector<16xi32> to vector<1xi32>
            %squeeze3A = vector.extract %slice3A[0] : i32 from vector<1xi32>
            %shift_right_arithmetic3A = arith.constant 14 : i32
            %shift_right_arithmetic3A_279 = arith.shrsi %squeeze3A, %shift_right_arithmetic3A : i32
            %mul3A_280 = arith.constant 128 : i32
            %mul3A_281 = arith.muli %add3A_96, %mul3A_280 : i32
            %sub3A_282 = arith.subi %shift_right_arithmetic3A_279, %mul3A_281 : i32
            %broadcast_in_dim3A = vector.broadcast %sub3A_282 : i32 to vector<16xi32>
            %broadcast_in_dim3A_283 = vector.broadcast %add3A_276 : i32 to vector<16xi32>
            %add3A_284 = arith.constant 0 : i32
            %add3A_285 = vector.broadcast %add3A_284 : i32 to vector<16xi32>
            %add3A_286 = arith.addi %add3A_285, %iota3A : vector<16xi32>
            %add3A_287 = arith.constant 256 : i32
            %add3A_288 = vector.broadcast %add3A_287 : i32 to vector<16xi32>
            %add3A_289 = arith.addi %add3A_288, %add3A_286 : vector<16xi32>
            %gather3A = tpu.vector_load_idx %arg10[%broadcast_in_dim3A_283, %add3A_289] : memref<32x512xf32, #tpu.memory_space<vmem>>[vector<16xi32>, vector<16xi32>], vector<16xf32>,
            tpu.vector_store_idx %arg12[%add3A_286, %broadcast_in_dim3A], %gather3A : memref<256x128xf32, #tpu.memory_space<vmem>>[vector<16xi32>, vector<16xi32>], vector<16xf32>,
            %add3A_290 = arith.constant 16 : i32
            %add3A_291 = vector.broadcast %add3A_290 : i32 to vector<16xi32>
            %add3A_292 = arith.addi %add3A_291, %iota3A : vector<16xi32>
            %add3A_293 = arith.constant 256 : i32
            %add3A_294 = vector.broadcast %add3A_293 : i32 to vector<16xi32>
            %add3A_295 = arith.addi %add3A_294, %add3A_292 : vector<16xi32>
            %gather3A_296 = tpu.vector_load_idx %arg10[%broadcast_in_dim3A_283, %add3A_295] : memref<32x512xf32, #tpu.memory_space<vmem>>[vector<16xi32>, vector<16xi32>], vector<16xf32>,
            tpu.vector_store_idx %arg12[%add3A_292, %broadcast_in_dim3A], %gather3A_296 : memref<256x128xf32, #tpu.memory_space<vmem>>[vector<16xi32>, vector<16xi32>], vector<16xf32>,
            %add3A_297 = arith.constant 32 : i32
            %add3A_298 = vector.broadcast %add3A_297 : i32 to vector<16xi32>
            %add3A_299 = arith.addi %add3A_298, %iota3A : vector<16xi32>
            %add3A_300 = arith.constant 256 : i32
            %add3A_301 = vector.broadcast %add3A_300 : i32 to vector<16xi32>
            %add3A_302 = arith.addi %add3A_301, %add3A_299 : vector<16xi32>
            %gather3A_303 = tpu.vector_load_idx %arg10[%broadcast_in_dim3A_283, %add3A_302] : memref<32x512xf32, #tpu.memory_space<vmem>>[vector<16xi32>, vector<16xi32>], vector<16xf32>,
            tpu.vector_store_idx %arg12[%add3A_299, %broadcast_in_dim3A], %gather3A_303 : memref<256x128xf32, #tpu.memory_space<vmem>>[vector<16xi32>, vector<16xi32>], vector<16xf32>,
            %add3A_304 = arith.constant 48 : i32
            %add3A_305 = vector.broadcast %add3A_304 : i32 to vector<16xi32>
            %add3A_306 = arith.addi %add3A_305, %iota3A : vector<16xi32>
            %add3A_307 = arith.constant 256 : i32
            %add3A_308 = vector.broadcast %add3A_307 : i32 to vector<16xi32>
            %add3A_309 = arith.addi %add3A_308, %add3A_306 : vector<16xi32>
            %gather3A_310 = tpu.vector_load_idx %arg10[%broadcast_in_dim3A_283, %add3A_309] : memref<32x512xf32, #tpu.memory_space<vmem>>[vector<16xi32>, vector<16xi32>], vector<16xf32>,
            tpu.vector_store_idx %arg12[%add3A_306, %broadcast_in_dim3A], %gather3A_310 : memref<256x128xf32, #tpu.memory_space<vmem>>[vector<16xi32>, vector<16xi32>], vector<16xf32>,
            %add3A_311 = arith.constant 64 : i32
            %add3A_312 = vector.broadcast %add3A_311 : i32 to vector<16xi32>
            %add3A_313 = arith.addi %add3A_312, %iota3A : vector<16xi32>
            %add3A_314 = arith.constant 256 : i32
            %add3A_315 = vector.broadcast %add3A_314 : i32 to vector<16xi32>
            %add3A_316 = arith.addi %add3A_315, %add3A_313 : vector<16xi32>
            %gather3A_317 = tpu.vector_load_idx %arg10[%broadcast_in_dim3A_283, %add3A_316] : memref<32x512xf32, #tpu.memory_space<vmem>>[vector<16xi32>, vector<16xi32>], vector<16xf32>,
            tpu.vector_store_idx %arg12[%add3A_313, %broadcast_in_dim3A], %gather3A_317 : memref<256x128xf32, #tpu.memory_space<vmem>>[vector<16xi32>, vector<16xi32>], vector<16xf32>,
            %add3A_318 = arith.constant 80 : i32
            %add3A_319 = vector.broadcast %add3A_318 : i32 to vector<16xi32>
            %add3A_320 = arith.addi %add3A_319, %iota3A : vector<16xi32>
            %add3A_321 = arith.constant 256 : i32
            %add3A_322 = vector.broadcast %add3A_321 : i32 to vector<16xi32>
            %add3A_323 = arith.addi %add3A_322, %add3A_320 : vector<16xi32>
            %gather3A_324 = tpu.vector_load_idx %arg10[%broadcast_in_dim3A_283, %add3A_323] : memref<32x512xf32, #tpu.memory_space<vmem>>[vector<16xi32>, vector<16xi32>], vector<16xf32>,
            tpu.vector_store_idx %arg12[%add3A_320, %broadcast_in_dim3A], %gather3A_324 : memref<256x128xf32, #tpu.memory_space<vmem>>[vector<16xi32>, vector<16xi32>], vector<16xf32>,
            %add3A_325 = arith.constant 96 : i32
            %add3A_326 = vector.broadcast %add3A_325 : i32 to vector<16xi32>
            %add3A_327 = arith.addi %add3A_326, %iota3A : vector<16xi32>
            %add3A_328 = arith.constant 256 : i32
            %add3A_329 = vector.broadcast %add3A_328 : i32 to vector<16xi32>
            %add3A_330 = arith.addi %add3A_329, %add3A_327 : vector<16xi32>
            %gather3A_331 = tpu.vector_load_idx %arg10[%broadcast_in_dim3A_283, %add3A_330] : memref<32x512xf32, #tpu.memory_space<vmem>>[vector<16xi32>, vector<16xi32>], vector<16xf32>,
            tpu.vector_store_idx %arg12[%add3A_327, %broadcast_in_dim3A], %gather3A_331 : memref<256x128xf32, #tpu.memory_space<vmem>>[vector<16xi32>, vector<16xi32>], vector<16xf32>,
            %add3A_332 = arith.constant 112 : i32
            %add3A_333 = vector.broadcast %add3A_332 : i32 to vector<16xi32>
            %add3A_334 = arith.addi %add3A_333, %iota3A : vector<16xi32>
            %add3A_335 = arith.constant 256 : i32
            %add3A_336 = vector.broadcast %add3A_335 : i32 to vector<16xi32>
            %add3A_337 = arith.addi %add3A_336, %add3A_334 : vector<16xi32>
            %gather3A_338 = tpu.vector_load_idx %arg10[%broadcast_in_dim3A_283, %add3A_337] : memref<32x512xf32, #tpu.memory_space<vmem>>[vector<16xi32>, vector<16xi32>], vector<16xf32>,
            tpu.vector_store_idx %arg12[%add3A_334, %broadcast_in_dim3A], %gather3A_338 : memref<256x128xf32, #tpu.memory_space<vmem>>[vector<16xi32>, vector<16xi32>], vector<16xf32>,
            %add3A_339 = arith.constant 128 : i32
            %add3A_340 = vector.broadcast %add3A_339 : i32 to vector<16xi32>
            %add3A_341 = arith.addi %add3A_340, %iota3A : vector<16xi32>
            %add3A_342 = arith.constant 256 : i32
            %add3A_343 = vector.broadcast %add3A_342 : i32 to vector<16xi32>
            %add3A_344 = arith.addi %add3A_343, %add3A_341 : vector<16xi32>
            %gather3A_345 = tpu.vector_load_idx %arg10[%broadcast_in_dim3A_283, %add3A_344] : memref<32x512xf32, #tpu.memory_space<vmem>>[vector<16xi32>, vector<16xi32>], vector<16xf32>,
            tpu.vector_store_idx %arg12[%add3A_341, %broadcast_in_dim3A], %gather3A_345 : memref<256x128xf32, #tpu.memory_space<vmem>>[vector<16xi32>, vector<16xi32>], vector<16xf32>,
            %add3A_346 = arith.constant 144 : i32
            %add3A_347 = vector.broadcast %add3A_346 : i32 to vector<16xi32>
            %add3A_348 = arith.addi %add3A_347, %iota3A : vector<16xi32>
            %add3A_349 = arith.constant 256 : i32
            %add3A_350 = vector.broadcast %add3A_349 : i32 to vector<16xi32>
            %add3A_351 = arith.addi %add3A_350, %add3A_348 : vector<16xi32>
            %gather3A_352 = tpu.vector_load_idx %arg10[%broadcast_in_dim3A_283, %add3A_351] : memref<32x512xf32, #tpu.memory_space<vmem>>[vector<16xi32>, vector<16xi32>], vector<16xf32>,
            tpu.vector_store_idx %arg12[%add3A_348, %broadcast_in_dim3A], %gather3A_352 : memref<256x128xf32, #tpu.memory_space<vmem>>[vector<16xi32>, vector<16xi32>], vector<16xf32>,
            %add3A_353 = arith.constant 160 : i32
            %add3A_354 = vector.broadcast %add3A_353 : i32 to vector<16xi32>
            %add3A_355 = arith.addi %add3A_354, %iota3A : vector<16xi32>
            %add3A_356 = arith.constant 256 : i32
            %add3A_357 = vector.broadcast %add3A_356 : i32 to vector<16xi32>
            %add3A_358 = arith.addi %add3A_357, %add3A_355 : vector<16xi32>
            %gather3A_359 = tpu.vector_load_idx %arg10[%broadcast_in_dim3A_283, %add3A_358] : memref<32x512xf32, #tpu.memory_space<vmem>>[vector<16xi32>, vector<16xi32>], vector<16xf32>,
            tpu.vector_store_idx %arg12[%add3A_355, %broadcast_in_dim3A], %gather3A_359 : memref<256x128xf32, #tpu.memory_space<vmem>>[vector<16xi32>, vector<16xi32>], vector<16xf32>,
            %add3A_360 = arith.constant 176 : i32
            %add3A_361 = vector.broadcast %add3A_360 : i32 to vector<16xi32>
            %add3A_362 = arith.addi %add3A_361, %iota3A : vector<16xi32>
            %add3A_363 = arith.constant 256 : i32
            %add3A_364 = vector.broadcast %add3A_363 : i32 to vector<16xi32>
            %add3A_365 = arith.addi %add3A_364, %add3A_362 : vector<16xi32>
            %gather3A_366 = tpu.vector_load_idx %arg10[%broadcast_in_dim3A_283, %add3A_365] : memref<32x512xf32, #tpu.memory_space<vmem>>[vector<16xi32>, vector<16xi32>], vector<16xf32>,
            tpu.vector_store_idx %arg12[%add3A_362, %broadcast_in_dim3A], %gather3A_366 : memref<256x128xf32, #tpu.memory_space<vmem>>[vector<16xi32>, vector<16xi32>], vector<16xf32>,
            %add3A_367 = arith.constant 192 : i32
            %add3A_368 = vector.broadcast %add3A_367 : i32 to vector<16xi32>
            %add3A_369 = arith.addi %add3A_368, %iota3A : vector<16xi32>
            %add3A_370 = arith.constant 256 : i32
            %add3A_371 = vector.broadcast %add3A_370 : i32 to vector<16xi32>
            %add3A_372 = arith.addi %add3A_371, %add3A_369 : vector<16xi32>
            %gather3A_373 = tpu.vector_load_idx %arg10[%broadcast_in_dim3A_283, %add3A_372] : memref<32x512xf32, #tpu.memory_space<vmem>>[vector<16xi32>, vector<16xi32>], vector<16xf32>,
            tpu.vector_store_idx %arg12[%add3A_369, %broadcast_in_dim3A], %gather3A_373 : memref<256x128xf32, #tpu.memory_space<vmem>>[vector<16xi32>, vector<16xi32>], vector<16xf32>,
            %add3A_374 = arith.constant 208 : i32
            %add3A_375 = vector.broadcast %add3A_374 : i32 to vector<16xi32>
            %add3A_376 = arith.addi %add3A_375, %iota3A : vector<16xi32>
            %add3A_377 = arith.constant 256 : i32
            %add3A_378 = vector.broadcast %add3A_377 : i32 to vector<16xi32>
            %add3A_379 = arith.addi %add3A_378, %add3A_376 : vector<16xi32>
            %gather3A_380 = tpu.vector_load_idx %arg10[%broadcast_in_dim3A_283, %add3A_379] : memref<32x512xf32, #tpu.memory_space<vmem>>[vector<16xi32>, vector<16xi32>], vector<16xf32>,
            tpu.vector_store_idx %arg12[%add3A_376, %broadcast_in_dim3A], %gather3A_380 : memref<256x128xf32, #tpu.memory_space<vmem>>[vector<16xi32>, vector<16xi32>], vector<16xf32>,
            %add3A_381 = arith.constant 224 : i32
            %add3A_382 = vector.broadcast %add3A_381 : i32 to vector<16xi32>
            %add3A_383 = arith.addi %add3A_382, %iota3A : vector<16xi32>
            %add3A_384 = arith.constant 256 : i32
            %add3A_385 = vector.broadcast %add3A_384 : i32 to vector<16xi32>
            %add3A_386 = arith.addi %add3A_385, %add3A_383 : vector<16xi32>
            %gather3A_387 = tpu.vector_load_idx %arg10[%broadcast_in_dim3A_283, %add3A_386] : memref<32x512xf32, #tpu.memory_space<vmem>>[vector<16xi32>, vector<16xi32>], vector<16xf32>,
            tpu.vector_store_idx %arg12[%add3A_383, %broadcast_in_dim3A], %gather3A_387 : memref<256x128xf32, #tpu.memory_space<vmem>>[vector<16xi32>, vector<16xi32>], vector<16xf32>,
            %add3A_388 = arith.constant 240 : i32
            %add3A_389 = vector.broadcast %add3A_388 : i32 to vector<16xi32>
            %add3A_390 = arith.addi %add3A_389, %iota3A : vector<16xi32>
            %add3A_391 = arith.constant 256 : i32
            %add3A_392 = vector.broadcast %add3A_391 : i32 to vector<16xi32>
            %add3A_393 = arith.addi %add3A_392, %add3A_390 : vector<16xi32>
            %gather3A_394 = tpu.vector_load_idx %arg10[%broadcast_in_dim3A_283, %add3A_393] : memref<32x512xf32, #tpu.memory_space<vmem>>[vector<16xi32>, vector<16xi32>], vector<16xf32>,
            tpu.vector_store_idx %arg12[%add3A_390, %broadcast_in_dim3A], %gather3A_394 : memref<256x128xf32, #tpu.memory_space<vmem>>[vector<16xi32>, vector<16xi32>], vector<16xf32>,
          }
          %while3A_273 = arith.constant 1 : i32
          scf.for %while3A_274 = %while3A_271 to %while3A_267 step %while3A_273  : i32 {
            %mul3A_275 = arith.muli %while3A_274, %while3A_263 : i32
            %add3A_276 = arith.addi %while3A_264, %mul3A_275 : i32
            %add3A_277 = arith.addi %add3A_251, %add3A_276 : i32
            %get3A = arith.index_cast %add3A_277 : i32 to index
            %get3A_278 = tpu.vector_load %arg8[%get3A] {strides = array<i32>} : memref<3232xi32, #tpu.memory_space<vmem>>, vector<16xi32>,
            %slice3A = vector.extract_strided_slice %get3A_278 {offsets = [0], sizes = [1], strides = [1]} : vector<16xi32> to vector<1xi32>
            %squeeze3A = vector.extract %slice3A[0] : i32 from vector<1xi32>
            %shift_right_arithmetic3A = arith.constant 14 : i32
            %shift_right_arithmetic3A_279 = arith.shrsi %squeeze3A, %shift_right_arithmetic3A : i32
            %mul3A_280 = arith.constant 128 : i32
            %mul3A_281 = arith.muli %add3A_96, %mul3A_280 : i32
            %sub3A_282 = arith.subi %shift_right_arithmetic3A_279, %mul3A_281 : i32
            %broadcast_in_dim3A = vector.broadcast %sub3A_282 : i32 to vector<16xi32>
            %broadcast_in_dim3A_283 = vector.broadcast %add3A_276 : i32 to vector<16xi32>
            %add3A_284 = arith.constant 0 : i32
            %add3A_285 = vector.broadcast %add3A_284 : i32 to vector<16xi32>
            %add3A_286 = arith.addi %add3A_285, %iota3A : vector<16xi32>
            %add3A_287 = arith.constant 256 : i32
            %add3A_288 = vector.broadcast %add3A_287 : i32 to vector<16xi32>
            %add3A_289 = arith.addi %add3A_288, %add3A_286 : vector<16xi32>
            %gather3A = tpu.vector_load_idx %arg10[%broadcast_in_dim3A_283, %add3A_289] : memref<32x512xf32, #tpu.memory_space<vmem>>[vector<16xi32>, vector<16xi32>], vector<16xf32>,
            tpu.vector_store_idx %arg12[%add3A_286, %broadcast_in_dim3A], %gather3A : memref<256x128xf32, #tpu.memory_space<vmem>>[vector<16xi32>, vector<16xi32>], vector<16xf32>,
            %add3A_290 = arith.constant 16 : i32
            %add3A_291 = vector.broadcast %add3A_290 : i32 to vector<16xi32>
            %add3A_292 = arith.addi %add3A_291, %iota3A : vector<16xi32>
            %add3A_293 = arith.constant 256 : i32
            %add3A_294 = vector.broadcast %add3A_293 : i32 to vector<16xi32>
            %add3A_295 = arith.addi %add3A_294, %add3A_292 : vector<16xi32>
            %gather3A_296 = tpu.vector_load_idx %arg10[%broadcast_in_dim3A_283, %add3A_295] : memref<32x512xf32, #tpu.memory_space<vmem>>[vector<16xi32>, vector<16xi32>], vector<16xf32>,
            tpu.vector_store_idx %arg12[%add3A_292, %broadcast_in_dim3A], %gather3A_296 : memref<256x128xf32, #tpu.memory_space<vmem>>[vector<16xi32>, vector<16xi32>], vector<16xf32>,
            %add3A_297 = arith.constant 32 : i32
            %add3A_298 = vector.broadcast %add3A_297 : i32 to vector<16xi32>
            %add3A_299 = arith.addi %add3A_298, %iota3A : vector<16xi32>
            %add3A_300 = arith.constant 256 : i32
            %add3A_301 = vector.broadcast %add3A_300 : i32 to vector<16xi32>
            %add3A_302 = arith.addi %add3A_301, %add3A_299 : vector<16xi32>
            %gather3A_303 = tpu.vector_load_idx %arg10[%broadcast_in_dim3A_283, %add3A_302] : memref<32x512xf32, #tpu.memory_space<vmem>>[vector<16xi32>, vector<16xi32>], vector<16xf32>,
            tpu.vector_store_idx %arg12[%add3A_299, %broadcast_in_dim3A], %gather3A_303 : memref<256x128xf32, #tpu.memory_space<vmem>>[vector<16xi32>, vector<16xi32>], vector<16xf32>,
            %add3A_304 = arith.constant 48 : i32
            %add3A_305 = vector.broadcast %add3A_304 : i32 to vector<16xi32>
            %add3A_306 = arith.addi %add3A_305, %iota3A : vector<16xi32>
            %add3A_307 = arith.constant 256 : i32
            %add3A_308 = vector.broadcast %add3A_307 : i32 to vector<16xi32>
            %add3A_309 = arith.addi %add3A_308, %add3A_306 : vector<16xi32>
            %gather3A_310 = tpu.vector_load_idx %arg10[%broadcast_in_dim3A_283, %add3A_309] : memref<32x512xf32, #tpu.memory_space<vmem>>[vector<16xi32>, vector<16xi32>], vector<16xf32>,
            tpu.vector_store_idx %arg12[%add3A_306, %broadcast_in_dim3A], %gather3A_310 : memref<256x128xf32, #tpu.memory_space<vmem>>[vector<16xi32>, vector<16xi32>], vector<16xf32>,
            %add3A_311 = arith.constant 64 : i32
            %add3A_312 = vector.broadcast %add3A_311 : i32 to vector<16xi32>
            %add3A_313 = arith.addi %add3A_312, %iota3A : vector<16xi32>
            %add3A_314 = arith.constant 256 : i32
            %add3A_315 = vector.broadcast %add3A_314 : i32 to vector<16xi32>
            %add3A_316 = arith.addi %add3A_315, %add3A_313 : vector<16xi32>
            %gather3A_317 = tpu.vector_load_idx %arg10[%broadcast_in_dim3A_283, %add3A_316] : memref<32x512xf32, #tpu.memory_space<vmem>>[vector<16xi32>, vector<16xi32>], vector<16xf32>,
            tpu.vector_store_idx %arg12[%add3A_313, %broadcast_in_dim3A], %gather3A_317 : memref<256x128xf32, #tpu.memory_space<vmem>>[vector<16xi32>, vector<16xi32>], vector<16xf32>,
            %add3A_318 = arith.constant 80 : i32
            %add3A_319 = vector.broadcast %add3A_318 : i32 to vector<16xi32>
            %add3A_320 = arith.addi %add3A_319, %iota3A : vector<16xi32>
            %add3A_321 = arith.constant 256 : i32
            %add3A_322 = vector.broadcast %add3A_321 : i32 to vector<16xi32>
            %add3A_323 = arith.addi %add3A_322, %add3A_320 : vector<16xi32>
            %gather3A_324 = tpu.vector_load_idx %arg10[%broadcast_in_dim3A_283, %add3A_323] : memref<32x512xf32, #tpu.memory_space<vmem>>[vector<16xi32>, vector<16xi32>], vector<16xf32>,
            tpu.vector_store_idx %arg12[%add3A_320, %broadcast_in_dim3A], %gather3A_324 : memref<256x128xf32, #tpu.memory_space<vmem>>[vector<16xi32>, vector<16xi32>], vector<16xf32>,
            %add3A_325 = arith.constant 96 : i32
            %add3A_326 = vector.broadcast %add3A_325 : i32 to vector<16xi32>
            %add3A_327 = arith.addi %add3A_326, %iota3A : vector<16xi32>
            %add3A_328 = arith.constant 256 : i32
            %add3A_329 = vector.broadcast %add3A_328 : i32 to vector<16xi32>
            %add3A_330 = arith.addi %add3A_329, %add3A_327 : vector<16xi32>
            %gather3A_331 = tpu.vector_load_idx %arg10[%broadcast_in_dim3A_283, %add3A_330] : memref<32x512xf32, #tpu.memory_space<vmem>>[vector<16xi32>, vector<16xi32>], vector<16xf32>,
            tpu.vector_store_idx %arg12[%add3A_327, %broadcast_in_dim3A], %gather3A_331 : memref<256x128xf32, #tpu.memory_space<vmem>>[vector<16xi32>, vector<16xi32>], vector<16xf32>,
            %add3A_332 = arith.constant 112 : i32
            %add3A_333 = vector.broadcast %add3A_332 : i32 to vector<16xi32>
            %add3A_334 = arith.addi %add3A_333, %iota3A : vector<16xi32>
            %add3A_335 = arith.constant 256 : i32
            %add3A_336 = vector.broadcast %add3A_335 : i32 to vector<16xi32>
            %add3A_337 = arith.addi %add3A_336, %add3A_334 : vector<16xi32>
            %gather3A_338 = tpu.vector_load_idx %arg10[%broadcast_in_dim3A_283, %add3A_337] : memref<32x512xf32, #tpu.memory_space<vmem>>[vector<16xi32>, vector<16xi32>], vector<16xf32>,
            tpu.vector_store_idx %arg12[%add3A_334, %broadcast_in_dim3A], %gather3A_338 : memref<256x128xf32, #tpu.memory_space<vmem>>[vector<16xi32>, vector<16xi32>], vector<16xf32>,
            %add3A_339 = arith.constant 128 : i32
            %add3A_340 = vector.broadcast %add3A_339 : i32 to vector<16xi32>
            %add3A_341 = arith.addi %add3A_340, %iota3A : vector<16xi32>
            %add3A_342 = arith.constant 256 : i32
            %add3A_343 = vector.broadcast %add3A_342 : i32 to vector<16xi32>
            %add3A_344 = arith.addi %add3A_343, %add3A_341 : vector<16xi32>
            %gather3A_345 = tpu.vector_load_idx %arg10[%broadcast_in_dim3A_283, %add3A_344] : memref<32x512xf32, #tpu.memory_space<vmem>>[vector<16xi32>, vector<16xi32>], vector<16xf32>,
            tpu.vector_store_idx %arg12[%add3A_341, %broadcast_in_dim3A], %gather3A_345 : memref<256x128xf32, #tpu.memory_space<vmem>>[vector<16xi32>, vector<16xi32>], vector<16xf32>,
            %add3A_346 = arith.constant 144 : i32
            %add3A_347 = vector.broadcast %add3A_346 : i32 to vector<16xi32>
            %add3A_348 = arith.addi %add3A_347, %iota3A : vector<16xi32>
            %add3A_349 = arith.constant 256 : i32
            %add3A_350 = vector.broadcast %add3A_349 : i32 to vector<16xi32>
            %add3A_351 = arith.addi %add3A_350, %add3A_348 : vector<16xi32>
            %gather3A_352 = tpu.vector_load_idx %arg10[%broadcast_in_dim3A_283, %add3A_351] : memref<32x512xf32, #tpu.memory_space<vmem>>[vector<16xi32>, vector<16xi32>], vector<16xf32>,
            tpu.vector_store_idx %arg12[%add3A_348, %broadcast_in_dim3A], %gather3A_352 : memref<256x128xf32, #tpu.memory_space<vmem>>[vector<16xi32>, vector<16xi32>], vector<16xf32>,
            %add3A_353 = arith.constant 160 : i32
            %add3A_354 = vector.broadcast %add3A_353 : i32 to vector<16xi32>
            %add3A_355 = arith.addi %add3A_354, %iota3A : vector<16xi32>
            %add3A_356 = arith.constant 256 : i32
            %add3A_357 = vector.broadcast %add3A_356 : i32 to vector<16xi32>
            %add3A_358 = arith.addi %add3A_357, %add3A_355 : vector<16xi32>
            %gather3A_359 = tpu.vector_load_idx %arg10[%broadcast_in_dim3A_283, %add3A_358] : memref<32x512xf32, #tpu.memory_space<vmem>>[vector<16xi32>, vector<16xi32>], vector<16xf32>,
            tpu.vector_store_idx %arg12[%add3A_355, %broadcast_in_dim3A], %gather3A_359 : memref<256x128xf32, #tpu.memory_space<vmem>>[vector<16xi32>, vector<16xi32>], vector<16xf32>,
            %add3A_360 = arith.constant 176 : i32
            %add3A_361 = vector.broadcast %add3A_360 : i32 to vector<16xi32>
            %add3A_362 = arith.addi %add3A_361, %iota3A : vector<16xi32>
            %add3A_363 = arith.constant 256 : i32
            %add3A_364 = vector.broadcast %add3A_363 : i32 to vector<16xi32>
            %add3A_365 = arith.addi %add3A_364, %add3A_362 : vector<16xi32>
            %gather3A_366 = tpu.vector_load_idx %arg10[%broadcast_in_dim3A_283, %add3A_365] : memref<32x512xf32, #tpu.memory_space<vmem>>[vector<16xi32>, vector<16xi32>], vector<16xf32>,
            tpu.vector_store_idx %arg12[%add3A_362, %broadcast_in_dim3A], %gather3A_366 : memref<256x128xf32, #tpu.memory_space<vmem>>[vector<16xi32>, vector<16xi32>], vector<16xf32>,
            %add3A_367 = arith.constant 192 : i32
            %add3A_368 = vector.broadcast %add3A_367 : i32 to vector<16xi32>
            %add3A_369 = arith.addi %add3A_368, %iota3A : vector<16xi32>
            %add3A_370 = arith.constant 256 : i32
            %add3A_371 = vector.broadcast %add3A_370 : i32 to vector<16xi32>
            %add3A_372 = arith.addi %add3A_371, %add3A_369 : vector<16xi32>
            %gather3A_373 = tpu.vector_load_idx %arg10[%broadcast_in_dim3A_283, %add3A_372] : memref<32x512xf32, #tpu.memory_space<vmem>>[vector<16xi32>, vector<16xi32>], vector<16xf32>,
            tpu.vector_store_idx %arg12[%add3A_369, %broadcast_in_dim3A], %gather3A_373 : memref<256x128xf32, #tpu.memory_space<vmem>>[vector<16xi32>, vector<16xi32>], vector<16xf32>,
            %add3A_374 = arith.constant 208 : i32
            %add3A_375 = vector.broadcast %add3A_374 : i32 to vector<16xi32>
            %add3A_376 = arith.addi %add3A_375, %iota3A : vector<16xi32>
            %add3A_377 = arith.constant 256 : i32
            %add3A_378 = vector.broadcast %add3A_377 : i32 to vector<16xi32>
            %add3A_379 = arith.addi %add3A_378, %add3A_376 : vector<16xi32>
            %gather3A_380 = tpu.vector_load_idx %arg10[%broadcast_in_dim3A_283, %add3A_379] : memref<32x512xf32, #tpu.memory_space<vmem>>[vector<16xi32>, vector<16xi32>], vector<16xf32>,
            tpu.vector_store_idx %arg12[%add3A_376, %broadcast_in_dim3A], %gather3A_380 : memref<256x128xf32, #tpu.memory_space<vmem>>[vector<16xi32>, vector<16xi32>], vector<16xf32>,
            %add3A_381 = arith.constant 224 : i32
            %add3A_382 = vector.broadcast %add3A_381 : i32 to vector<16xi32>
            %add3A_383 = arith.addi %add3A_382, %iota3A : vector<16xi32>
            %add3A_384 = arith.constant 256 : i32
            %add3A_385 = vector.broadcast %add3A_384 : i32 to vector<16xi32>
            %add3A_386 = arith.addi %add3A_385, %add3A_383 : vector<16xi32>
            %gather3A_387 = tpu.vector_load_idx %arg10[%broadcast_in_dim3A_283, %add3A_386] : memref<32x512xf32, #tpu.memory_space<vmem>>[vector<16xi32>, vector<16xi32>], vector<16xf32>,
            tpu.vector_store_idx %arg12[%add3A_383, %broadcast_in_dim3A], %gather3A_387 : memref<256x128xf32, #tpu.memory_space<vmem>>[vector<16xi32>, vector<16xi32>], vector<16xf32>,
            %add3A_388 = arith.constant 240 : i32
            %add3A_389 = vector.broadcast %add3A_388 : i32 to vector<16xi32>
            %add3A_390 = arith.addi %add3A_389, %iota3A : vector<16xi32>
            %add3A_391 = arith.constant 256 : i32
            %add3A_392 = vector.broadcast %add3A_391 : i32 to vector<16xi32>
            %add3A_393 = arith.addi %add3A_392, %add3A_390 : vector<16xi32>
            %gather3A_394 = tpu.vector_load_idx %arg10[%broadcast_in_dim3A_283, %add3A_393] : memref<32x512xf32, #tpu.memory_space<vmem>>[vector<16xi32>, vector<16xi32>], vector<16xf32>,
            tpu.vector_store_idx %arg12[%add3A_390, %broadcast_in_dim3A], %gather3A_394 : memref<256x128xf32, #tpu.memory_space<vmem>>[vector<16xi32>, vector<16xi32>], vector<16xf32>,
          }
        }
      } else {
      }
      %not3A = arith.constant true
      %not3A_181 = arith.xori %le3A_179, %not3A : i1
      %convert_element_type3A_182 = arith.extui %not3A_181 : i1 to i32
      %cond3A_183 = arith.constant 0 : i32
      %cond3A_184 = arith.cmpi ne, %convert_element_type3A_182, %cond3A_183 : i32
      scf.if %cond3A_184 {
        %sub3A_198 = arith.subi %while3A_108, %while3A_95 : i32
        %add3A_199 = arith.constant 32 : i32
        %add3A_200 = arith.addi %sub3A_198, %add3A_199 : i32
        %sub3A_201 = arith.constant 1 : i32
        %sub3A_202 = arith.subi %add3A_200, %sub3A_201 : i32
        %jit3A_203 = arith.constant 32 : i32
        %div3A_204 = arith.divsi %sub3A_202, %jit3A_203 : i32
        %sign3A_205 = arith.constant 0 : i32
        %sign3A_206 = arith.cmpi sgt, %sub3A_202, %sign3A_205 : i32
        %sign3A_207 = arith.extui %sign3A_206 : i1 to i32
        %sign3A_208 = arith.constant 0 : i32
        %sign3A_209 = arith.cmpi slt, %sub3A_202, %sign3A_208 : i32
        %sign3A_210 = arith.extui %sign3A_209 : i1 to i32
        %sign3A_211 = arith.subi %sign3A_207, %sign3A_210 : i32
        %sign3A_212 = arith.constant 0 : i32
        %sign3A_213 = arith.cmpi sgt, %jit3A_203, %sign3A_212 : i32
        %sign3A_214 = arith.extui %sign3A_213 : i1 to i32
        %sign3A_215 = arith.constant 0 : i32
        %sign3A_216 = arith.cmpi slt, %jit3A_203, %sign3A_215 : i32
        %sign3A_217 = arith.extui %sign3A_216 : i1 to i32
        %sign3A_218 = arith.subi %sign3A_214, %sign3A_217 : i32
        %ne3A_219 = arith.cmpi ne, %sign3A_211, %sign3A_218 : i32
        %rem3A_220 = arith.remsi %sub3A_202, %jit3A_203 : i32
        %ne3A_221 = arith.constant 0 : i32
        %ne3A_222 = arith.cmpi ne, %rem3A_220, %ne3A_221 : i32
        %and3A_223 = arith.andi %ne3A_219, %ne3A_222 : i1
        %sub3A_224 = arith.constant 1 : i32
        %sub3A_225 = arith.subi %div3A_204, %sub3A_224 : i32
        %select_n3A_226 = arith.select %and3A_223, %sub3A_225, %div3A_204 : i32
        %sub3A_227 = arith.constant 0 : i32
        %sub3A_228 = arith.subi %select_n3A_226, %sub3A_227 : i32
        %sub3A_229 = arith.constant 1 : i32
        %sub3A_230 = arith.constant 1 : i32
        %sub3A_231 = arith.subi %sub3A_229, %sub3A_230 : i32
        %add3A_232 = arith.addi %sub3A_228, %sub3A_231 : i32
        %div3A_233 = arith.constant 1 : i32
        %div3A_234 = arith.divsi %add3A_232, %div3A_233 : i32
        %while3A_235 = arith.constant 1 : i32
        %while3A_236 = arith.constant 0 : i32
        %while3A_237 = arith.constant 0 : i32
        %while3A_238 = arith.subi %div3A_234, %while3A_237 : i32
        %while3A_239 = arith.addi %while3A_237, %while3A_238 : i32
        %while3A_240 = arith.constant 1 : i32
        %while3A_241 = arith.divsi %while3A_238, %while3A_240 : i32
        %while3A_242 = arith.muli %while3A_241, %while3A_240 : i32
        %while3A_243 = arith.addi %while3A_237, %while3A_242 : i32
        %while3A_244 = arith.constant 1 : i32
        scf.for %while3A_246 = %while3A_237 to %while3A_243 step %while3A_244  : i32 {
          %mul3A_247 = arith.muli %while3A_246, %while3A_235 : i32
          %add3A_248 = arith.addi %while3A_236, %mul3A_247 : i32
          %mul3A_249 = arith.constant 32 : i32
          %mul3A_250 = arith.muli %add3A_248, %mul3A_249 : i32
          %add3A_251 = arith.addi %while3A_95, %mul3A_250 : i32
          %add3A_252 = arith.constant 0 : i32
          %add3A_253 = arith.addi %add3A_251, %add3A_252 : i32
          %get3A = arith.index_cast %add3A_253 : i32 to index
          %get3A_254 = tpu.vector_load %arg8[%get3A] {strides = array<i32>} : memref<3232xi32, #tpu.memory_space<vmem>>, vector<16xi32>,
          %and3A_255 = arith.constant 16383 : i32
          %and3A_256 = vector.broadcast %and3A_255 : i32 to vector<16xi32>
          %and3A_257 = arith.andi %get3A_254, %and3A_256 : vector<16xi32>
          %swap3A = arith.constant 0 : index
          %swap3A_258 = tpu.vector_load %arg9[%swap3A] {strides = array<i32>} : memref<32xi32, #tpu.memory_space<vmem>>, vector<16xi32>,
          tpu.vector_store %arg9[%swap3A], %and3A_257 {strides = array<i32>} : memref<32xi32, #tpu.memory_space<vmem>>, vector<16xi32>,
          %add3A_259 = arith.constant 16 : i32
          %add3A_260 = arith.addi %add3A_251, %add3A_259 : i32
          %get3A_261 = arith.index_cast %add3A_260 : i32 to index
          %get3A_262 = tpu.vector_load %arg8[%get3A_261] {strides = array<i32>} : memref<3232xi32, #tpu.memory_space<vmem>>, vector<16xi32>,
          %and3A_263 = arith.constant 16383 : i32
          %and3A_264 = vector.broadcast %and3A_263 : i32 to vector<16xi32>
          %and3A_265 = arith.andi %get3A_262, %and3A_264 : vector<16xi32>
          %swap3A_266 = arith.constant 16 : index
          %swap3A_267 = tpu.vector_load %arg9[%swap3A_266] {strides = array<i32>} : memref<32xi32, #tpu.memory_space<vmem>>, vector<16xi32>,
          tpu.vector_store %arg9[%swap3A_266], %and3A_265 {strides = array<i32>} : memref<32xi32, #tpu.memory_space<vmem>>, vector<16xi32>,
          %dma_start3A_268 = arith.constant 0 : i32
          %dma_start3A_269 = arith.constant 0 : i32
          %dma_start3A_270 = tpu.memref_slice %arg3[%dma_start3A_268, %dma_start3A_269] : memref<16384x512xf32, #tpu.memory_space<hbm>> -> memref<16384x512xf32, #tpu.memory_space<hbm>>
          tpu.enqueue_indirect_dma source(%dma_start3A_270 : memref<16384x512xf32, #tpu.memory_space<hbm>>) target(%arg10 : memref<32x512xf32, #tpu.memory_space<vmem>>) offsets(%arg9 : memref<32xi32, #tpu.memory_space<vmem>>) semaphore(%arg13 : memref<!tpu.dma_semaphore, #tpu.memory_space<semaphore_mem>>)
          %dma_wait3A_271 = arith.constant 0 : i32
          %dma_wait3A_272 = arith.constant 0 : i32
          %dma_wait3A_273 = tpu.memref_slice %arg3[%dma_wait3A_271, %dma_wait3A_272] : memref<16384x512xf32, #tpu.memory_space<hbm>> -> memref<16384x512xf32, #tpu.memory_space<hbm>>
          tpu.wait_indirect_dma semaphore(%arg13 : memref<!tpu.dma_semaphore, #tpu.memory_space<semaphore_mem>>) src(%dma_wait3A_273 : memref<16384x512xf32, #tpu.memory_space<hbm>>) dst(%arg10 : memref<32x512xf32, #tpu.memory_space<vmem>>)
          %sub3A_274 = arith.subi %while3A_108, %add3A_251 : i32
          %min3A_275 = arith.constant 32 : i32
          %min3A_276 = arith.minsi %sub3A_274, %min3A_275 : i32
          %sub3A_277 = arith.constant 0 : i32
          %sub3A_278 = arith.subi %min3A_276, %sub3A_277 : i32
          %sub3A_279 = arith.constant 1 : i32
          %sub3A_280 = arith.constant 1 : i32
          %sub3A_281 = arith.subi %sub3A_279, %sub3A_280 : i32
          %add3A_282 = arith.addi %sub3A_278, %sub3A_281 : i32
          %div3A_283 = arith.constant 1 : i32
          %div3A_284 = arith.divsi %add3A_282, %div3A_283 : i32
          %while3A_285 = arith.constant 1 : i32
          %while3A_286 = arith.constant 0 : i32
          %while3A_287 = arith.constant 0 : i32
          %while3A_288 = arith.subi %div3A_284, %while3A_287 : i32
          %while3A_289 = arith.addi %while3A_287, %while3A_288 : i32
          %while3A_290 = arith.constant 1 : i32
          %while3A_291 = arith.divsi %while3A_288, %while3A_290 : i32
          %while3A_292 = arith.muli %while3A_291, %while3A_290 : i32
          %while3A_293 = arith.addi %while3A_287, %while3A_292 : i32
          %while3A_294 = arith.constant 1 : i32
          scf.for %while3A_296 = %while3A_287 to %while3A_293 step %while3A_294  : i32 {
            %mul3A_297 = arith.muli %while3A_296, %while3A_285 : i32
            %add3A_298 = arith.addi %while3A_286, %mul3A_297 : i32
            %add3A_299 = arith.addi %add3A_251, %add3A_298 : i32
            %get3A_300 = arith.index_cast %add3A_299 : i32 to index
            %get3A_301 = tpu.vector_load %arg8[%get3A_300] {strides = array<i32>} : memref<3232xi32, #tpu.memory_space<vmem>>, vector<16xi32>,
            %slice3A = vector.extract_strided_slice %get3A_301 {offsets = [0], sizes = [1], strides = [1]} : vector<16xi32> to vector<1xi32>
            %squeeze3A = vector.extract %slice3A[0] : i32 from vector<1xi32>
            %shift_right_arithmetic3A = arith.constant 14 : i32
            %shift_right_arithmetic3A_302 = arith.shrsi %squeeze3A, %shift_right_arithmetic3A : i32
            %mul3A_303 = arith.constant 128 : i32
            %mul3A_304 = arith.muli %add3A_96, %mul3A_303 : i32
            %sub3A_305 = arith.subi %shift_right_arithmetic3A_302, %mul3A_304 : i32
            %broadcast_in_dim3A = vector.broadcast %sub3A_305 : i32 to vector<16xi32>
            %broadcast_in_dim3A_306 = vector.broadcast %add3A_298 : i32 to vector<16xi32>
            %add3A_307 = arith.constant 0 : i32
            %add3A_308 = vector.broadcast %add3A_307 : i32 to vector<16xi32>
            %add3A_309 = arith.addi %add3A_308, %iota3A : vector<16xi32>
            %add3A_310 = arith.constant 256 : i32
            %add3A_311 = vector.broadcast %add3A_310 : i32 to vector<16xi32>
            %add3A_312 = arith.addi %add3A_311, %add3A_309 : vector<16xi32>
            %gather3A = tpu.vector_load_idx %arg10[%broadcast_in_dim3A_306, %add3A_312] : memref<32x512xf32, #tpu.memory_space<vmem>>[vector<16xi32>, vector<16xi32>], vector<16xf32>,
            tpu.vector_store_idx %arg12[%add3A_309, %broadcast_in_dim3A], %gather3A : memref<256x128xf32, #tpu.memory_space<vmem>>[vector<16xi32>, vector<16xi32>], vector<16xf32>,
            %add3A_313 = arith.constant 16 : i32
            %add3A_314 = vector.broadcast %add3A_313 : i32 to vector<16xi32>
            %add3A_315 = arith.addi %add3A_314, %iota3A : vector<16xi32>
            %add3A_316 = arith.constant 256 : i32
            %add3A_317 = vector.broadcast %add3A_316 : i32 to vector<16xi32>
            %add3A_318 = arith.addi %add3A_317, %add3A_315 : vector<16xi32>
            %gather3A_319 = tpu.vector_load_idx %arg10[%broadcast_in_dim3A_306, %add3A_318] : memref<32x512xf32, #tpu.memory_space<vmem>>[vector<16xi32>, vector<16xi32>], vector<16xf32>,
            tpu.vector_store_idx %arg12[%add3A_315, %broadcast_in_dim3A], %gather3A_319 : memref<256x128xf32, #tpu.memory_space<vmem>>[vector<16xi32>, vector<16xi32>], vector<16xf32>,
            %add3A_320 = arith.constant 32 : i32
            %add3A_321 = vector.broadcast %add3A_320 : i32 to vector<16xi32>
            %add3A_322 = arith.addi %add3A_321, %iota3A : vector<16xi32>
            %add3A_323 = arith.constant 256 : i32
            %add3A_324 = vector.broadcast %add3A_323 : i32 to vector<16xi32>
            %add3A_325 = arith.addi %add3A_324, %add3A_322 : vector<16xi32>
            %gather3A_326 = tpu.vector_load_idx %arg10[%broadcast_in_dim3A_306, %add3A_325] : memref<32x512xf32, #tpu.memory_space<vmem>>[vector<16xi32>, vector<16xi32>], vector<16xf32>,
            tpu.vector_store_idx %arg12[%add3A_322, %broadcast_in_dim3A], %gather3A_326 : memref<256x128xf32, #tpu.memory_space<vmem>>[vector<16xi32>, vector<16xi32>], vector<16xf32>,
            %add3A_327 = arith.constant 48 : i32
            %add3A_328 = vector.broadcast %add3A_327 : i32 to vector<16xi32>
            %add3A_329 = arith.addi %add3A_328, %iota3A : vector<16xi32>
            %add3A_330 = arith.constant 256 : i32
            %add3A_331 = vector.broadcast %add3A_330 : i32 to vector<16xi32>
            %add3A_332 = arith.addi %add3A_331, %add3A_329 : vector<16xi32>
            %gather3A_333 = tpu.vector_load_idx %arg10[%broadcast_in_dim3A_306, %add3A_332] : memref<32x512xf32, #tpu.memory_space<vmem>>[vector<16xi32>, vector<16xi32>], vector<16xf32>,
            tpu.vector_store_idx %arg12[%add3A_329, %broadcast_in_dim3A], %gather3A_333 : memref<256x128xf32, #tpu.memory_space<vmem>>[vector<16xi32>, vector<16xi32>], vector<16xf32>,
            %add3A_334 = arith.constant 64 : i32
            %add3A_335 = vector.broadcast %add3A_334 : i32 to vector<16xi32>
            %add3A_336 = arith.addi %add3A_335, %iota3A : vector<16xi32>
            %add3A_337 = arith.constant 256 : i32
            %add3A_338 = vector.broadcast %add3A_337 : i32 to vector<16xi32>
            %add3A_339 = arith.addi %add3A_338, %add3A_336 : vector<16xi32>
            %gather3A_340 = tpu.vector_load_idx %arg10[%broadcast_in_dim3A_306, %add3A_339] : memref<32x512xf32, #tpu.memory_space<vmem>>[vector<16xi32>, vector<16xi32>], vector<16xf32>,
            tpu.vector_store_idx %arg12[%add3A_336, %broadcast_in_dim3A], %gather3A_340 : memref<256x128xf32, #tpu.memory_space<vmem>>[vector<16xi32>, vector<16xi32>], vector<16xf32>,
            %add3A_341 = arith.constant 80 : i32
            %add3A_342 = vector.broadcast %add3A_341 : i32 to vector<16xi32>
            %add3A_343 = arith.addi %add3A_342, %iota3A : vector<16xi32>
            %add3A_344 = arith.constant 256 : i32
            %add3A_345 = vector.broadcast %add3A_344 : i32 to vector<16xi32>
            %add3A_346 = arith.addi %add3A_345, %add3A_343 : vector<16xi32>
            %gather3A_347 = tpu.vector_load_idx %arg10[%broadcast_in_dim3A_306, %add3A_346] : memref<32x512xf32, #tpu.memory_space<vmem>>[vector<16xi32>, vector<16xi32>], vector<16xf32>,
            tpu.vector_store_idx %arg12[%add3A_343, %broadcast_in_dim3A], %gather3A_347 : memref<256x128xf32, #tpu.memory_space<vmem>>[vector<16xi32>, vector<16xi32>], vector<16xf32>,
            %add3A_348 = arith.constant 96 : i32
            %add3A_349 = vector.broadcast %add3A_348 : i32 to vector<16xi32>
            %add3A_350 = arith.addi %add3A_349, %iota3A : vector<16xi32>
            %add3A_351 = arith.constant 256 : i32
            %add3A_352 = vector.broadcast %add3A_351 : i32 to vector<16xi32>
            %add3A_353 = arith.addi %add3A_352, %add3A_350 : vector<16xi32>
            %gather3A_354 = tpu.vector_load_idx %arg10[%broadcast_in_dim3A_306, %add3A_353] : memref<32x512xf32, #tpu.memory_space<vmem>>[vector<16xi32>, vector<16xi32>], vector<16xf32>,
            tpu.vector_store_idx %arg12[%add3A_350, %broadcast_in_dim3A], %gather3A_354 : memref<256x128xf32, #tpu.memory_space<vmem>>[vector<16xi32>, vector<16xi32>], vector<16xf32>,
            %add3A_355 = arith.constant 112 : i32
            %add3A_356 = vector.broadcast %add3A_355 : i32 to vector<16xi32>
            %add3A_357 = arith.addi %add3A_356, %iota3A : vector<16xi32>
            %add3A_358 = arith.constant 256 : i32
            %add3A_359 = vector.broadcast %add3A_358 : i32 to vector<16xi32>
            %add3A_360 = arith.addi %add3A_359, %add3A_357 : vector<16xi32>
            %gather3A_361 = tpu.vector_load_idx %arg10[%broadcast_in_dim3A_306, %add3A_360] : memref<32x512xf32, #tpu.memory_space<vmem>>[vector<16xi32>, vector<16xi32>], vector<16xf32>,
            tpu.vector_store_idx %arg12[%add3A_357, %broadcast_in_dim3A], %gather3A_361 : memref<256x128xf32, #tpu.memory_space<vmem>>[vector<16xi32>, vector<16xi32>], vector<16xf32>,
            %add3A_362 = arith.constant 128 : i32
            %add3A_363 = vector.broadcast %add3A_362 : i32 to vector<16xi32>
            %add3A_364 = arith.addi %add3A_363, %iota3A : vector<16xi32>
            %add3A_365 = arith.constant 256 : i32
            %add3A_366 = vector.broadcast %add3A_365 : i32 to vector<16xi32>
            %add3A_367 = arith.addi %add3A_366, %add3A_364 : vector<16xi32>
            %gather3A_368 = tpu.vector_load_idx %arg10[%broadcast_in_dim3A_306, %add3A_367] : memref<32x512xf32, #tpu.memory_space<vmem>>[vector<16xi32>, vector<16xi32>], vector<16xf32>,
            tpu.vector_store_idx %arg12[%add3A_364, %broadcast_in_dim3A], %gather3A_368 : memref<256x128xf32, #tpu.memory_space<vmem>>[vector<16xi32>, vector<16xi32>], vector<16xf32>,
            %add3A_369 = arith.constant 144 : i32
            %add3A_370 = vector.broadcast %add3A_369 : i32 to vector<16xi32>
            %add3A_371 = arith.addi %add3A_370, %iota3A : vector<16xi32>
            %add3A_372 = arith.constant 256 : i32
            %add3A_373 = vector.broadcast %add3A_372 : i32 to vector<16xi32>
            %add3A_374 = arith.addi %add3A_373, %add3A_371 : vector<16xi32>
            %gather3A_375 = tpu.vector_load_idx %arg10[%broadcast_in_dim3A_306, %add3A_374] : memref<32x512xf32, #tpu.memory_space<vmem>>[vector<16xi32>, vector<16xi32>], vector<16xf32>,
            tpu.vector_store_idx %arg12[%add3A_371, %broadcast_in_dim3A], %gather3A_375 : memref<256x128xf32, #tpu.memory_space<vmem>>[vector<16xi32>, vector<16xi32>], vector<16xf32>,
            %add3A_376 = arith.constant 160 : i32
            %add3A_377 = vector.broadcast %add3A_376 : i32 to vector<16xi32>
            %add3A_378 = arith.addi %add3A_377, %iota3A : vector<16xi32>
            %add3A_379 = arith.constant 256 : i32
            %add3A_380 = vector.broadcast %add3A_379 : i32 to vector<16xi32>
            %add3A_381 = arith.addi %add3A_380, %add3A_378 : vector<16xi32>
            %gather3A_382 = tpu.vector_load_idx %arg10[%broadcast_in_dim3A_306, %add3A_381] : memref<32x512xf32, #tpu.memory_space<vmem>>[vector<16xi32>, vector<16xi32>], vector<16xf32>,
            tpu.vector_store_idx %arg12[%add3A_378, %broadcast_in_dim3A], %gather3A_382 : memref<256x128xf32, #tpu.memory_space<vmem>>[vector<16xi32>, vector<16xi32>], vector<16xf32>,
            %add3A_383 = arith.constant 176 : i32
            %add3A_384 = vector.broadcast %add3A_383 : i32 to vector<16xi32>
            %add3A_385 = arith.addi %add3A_384, %iota3A : vector<16xi32>
            %add3A_386 = arith.constant 256 : i32
            %add3A_387 = vector.broadcast %add3A_386 : i32 to vector<16xi32>
            %add3A_388 = arith.addi %add3A_387, %add3A_385 : vector<16xi32>
            %gather3A_389 = tpu.vector_load_idx %arg10[%broadcast_in_dim3A_306, %add3A_388] : memref<32x512xf32, #tpu.memory_space<vmem>>[vector<16xi32>, vector<16xi32>], vector<16xf32>,
            tpu.vector_store_idx %arg12[%add3A_385, %broadcast_in_dim3A], %gather3A_389 : memref<256x128xf32, #tpu.memory_space<vmem>>[vector<16xi32>, vector<16xi32>], vector<16xf32>,
            %add3A_390 = arith.constant 192 : i32
            %add3A_391 = vector.broadcast %add3A_390 : i32 to vector<16xi32>
            %add3A_392 = arith.addi %add3A_391, %iota3A : vector<16xi32>
            %add3A_393 = arith.constant 256 : i32
            %add3A_394 = vector.broadcast %add3A_393 : i32 to vector<16xi32>
            %add3A_395 = arith.addi %add3A_394, %add3A_392 : vector<16xi32>
            %gather3A_396 = tpu.vector_load_idx %arg10[%broadcast_in_dim3A_306, %add3A_395] : memref<32x512xf32, #tpu.memory_space<vmem>>[vector<16xi32>, vector<16xi32>], vector<16xf32>,
            tpu.vector_store_idx %arg12[%add3A_392, %broadcast_in_dim3A], %gather3A_396 : memref<256x128xf32, #tpu.memory_space<vmem>>[vector<16xi32>, vector<16xi32>], vector<16xf32>,
            %add3A_397 = arith.constant 208 : i32
            %add3A_398 = vector.broadcast %add3A_397 : i32 to vector<16xi32>
            %add3A_399 = arith.addi %add3A_398, %iota3A : vector<16xi32>
            %add3A_400 = arith.constant 256 : i32
            %add3A_401 = vector.broadcast %add3A_400 : i32 to vector<16xi32>
            %add3A_402 = arith.addi %add3A_401, %add3A_399 : vector<16xi32>
            %gather3A_403 = tpu.vector_load_idx %arg10[%broadcast_in_dim3A_306, %add3A_402] : memref<32x512xf32, #tpu.memory_space<vmem>>[vector<16xi32>, vector<16xi32>], vector<16xf32>,
            tpu.vector_store_idx %arg12[%add3A_399, %broadcast_in_dim3A], %gather3A_403 : memref<256x128xf32, #tpu.memory_space<vmem>>[vector<16xi32>, vector<16xi32>], vector<16xf32>,
            %add3A_404 = arith.constant 224 : i32
            %add3A_405 = vector.broadcast %add3A_404 : i32 to vector<16xi32>
            %add3A_406 = arith.addi %add3A_405, %iota3A : vector<16xi32>
            %add3A_407 = arith.constant 256 : i32
            %add3A_408 = vector.broadcast %add3A_407 : i32 to vector<16xi32>
            %add3A_409 = arith.addi %add3A_408, %add3A_406 : vector<16xi32>
            %gather3A_410 = tpu.vector_load_idx %arg10[%broadcast_in_dim3A_306, %add3A_409] : memref<32x512xf32, #tpu.memory_space<vmem>>[vector<16xi32>, vector<16xi32>], vector<16xf32>,
            tpu.vector_store_idx %arg12[%add3A_406, %broadcast_in_dim3A], %gather3A_410 : memref<256x128xf32, #tpu.memory_space<vmem>>[vector<16xi32>, vector<16xi32>], vector<16xf32>,
            %add3A_411 = arith.constant 240 : i32
            %add3A_412 = vector.broadcast %add3A_411 : i32 to vector<16xi32>
            %add3A_413 = arith.addi %add3A_412, %iota3A : vector<16xi32>
            %add3A_414 = arith.constant 256 : i32
            %add3A_415 = vector.broadcast %add3A_414 : i32 to vector<16xi32>
            %add3A_416 = arith.addi %add3A_415, %add3A_413 : vector<16xi32>
            %gather3A_417 = tpu.vector_load_idx %arg10[%broadcast_in_dim3A_306, %add3A_416] : memref<32x512xf32, #tpu.memory_space<vmem>>[vector<16xi32>, vector<16xi32>], vector<16xf32>,
            tpu.vector_store_idx %arg12[%add3A_413, %broadcast_in_dim3A], %gather3A_417 : memref<256x128xf32, #tpu.memory_space<vmem>>[vector<16xi32>, vector<16xi32>], vector<16xf32>,
          }
          %while3A_295 = arith.constant 1 : i32
          scf.for %while3A_296 = %while3A_293 to %while3A_289 step %while3A_295  : i32 {
            %mul3A_297 = arith.muli %while3A_296, %while3A_285 : i32
            %add3A_298 = arith.addi %while3A_286, %mul3A_297 : i32
            %add3A_299 = arith.addi %add3A_251, %add3A_298 : i32
            %get3A_300 = arith.index_cast %add3A_299 : i32 to index
            %get3A_301 = tpu.vector_load %arg8[%get3A_300] {strides = array<i32>} : memref<3232xi32, #tpu.memory_space<vmem>>, vector<16xi32>,
            %slice3A = vector.extract_strided_slice %get3A_301 {offsets = [0], sizes = [1], strides = [1]} : vector<16xi32> to vector<1xi32>
            %squeeze3A = vector.extract %slice3A[0] : i32 from vector<1xi32>
            %shift_right_arithmetic3A = arith.constant 14 : i32
            %shift_right_arithmetic3A_302 = arith.shrsi %squeeze3A, %shift_right_arithmetic3A : i32
            %mul3A_303 = arith.constant 128 : i32
            %mul3A_304 = arith.muli %add3A_96, %mul3A_303 : i32
            %sub3A_305 = arith.subi %shift_right_arithmetic3A_302, %mul3A_304 : i32
            %broadcast_in_dim3A = vector.broadcast %sub3A_305 : i32 to vector<16xi32>
            %broadcast_in_dim3A_306 = vector.broadcast %add3A_298 : i32 to vector<16xi32>
            %add3A_307 = arith.constant 0 : i32
            %add3A_308 = vector.broadcast %add3A_307 : i32 to vector<16xi32>
            %add3A_309 = arith.addi %add3A_308, %iota3A : vector<16xi32>
            %add3A_310 = arith.constant 256 : i32
            %add3A_311 = vector.broadcast %add3A_310 : i32 to vector<16xi32>
            %add3A_312 = arith.addi %add3A_311, %add3A_309 : vector<16xi32>
            %gather3A = tpu.vector_load_idx %arg10[%broadcast_in_dim3A_306, %add3A_312] : memref<32x512xf32, #tpu.memory_space<vmem>>[vector<16xi32>, vector<16xi32>], vector<16xf32>,
            tpu.vector_store_idx %arg12[%add3A_309, %broadcast_in_dim3A], %gather3A : memref<256x128xf32, #tpu.memory_space<vmem>>[vector<16xi32>, vector<16xi32>], vector<16xf32>,
            %add3A_313 = arith.constant 16 : i32
            %add3A_314 = vector.broadcast %add3A_313 : i32 to vector<16xi32>
            %add3A_315 = arith.addi %add3A_314, %iota3A : vector<16xi32>
            %add3A_316 = arith.constant 256 : i32
            %add3A_317 = vector.broadcast %add3A_316 : i32 to vector<16xi32>
            %add3A_318 = arith.addi %add3A_317, %add3A_315 : vector<16xi32>
            %gather3A_319 = tpu.vector_load_idx %arg10[%broadcast_in_dim3A_306, %add3A_318] : memref<32x512xf32, #tpu.memory_space<vmem>>[vector<16xi32>, vector<16xi32>], vector<16xf32>,
            tpu.vector_store_idx %arg12[%add3A_315, %broadcast_in_dim3A], %gather3A_319 : memref<256x128xf32, #tpu.memory_space<vmem>>[vector<16xi32>, vector<16xi32>], vector<16xf32>,
            %add3A_320 = arith.constant 32 : i32
            %add3A_321 = vector.broadcast %add3A_320 : i32 to vector<16xi32>
            %add3A_322 = arith.addi %add3A_321, %iota3A : vector<16xi32>
            %add3A_323 = arith.constant 256 : i32
            %add3A_324 = vector.broadcast %add3A_323 : i32 to vector<16xi32>
            %add3A_325 = arith.addi %add3A_324, %add3A_322 : vector<16xi32>
            %gather3A_326 = tpu.vector_load_idx %arg10[%broadcast_in_dim3A_306, %add3A_325] : memref<32x512xf32, #tpu.memory_space<vmem>>[vector<16xi32>, vector<16xi32>], vector<16xf32>,
            tpu.vector_store_idx %arg12[%add3A_322, %broadcast_in_dim3A], %gather3A_326 : memref<256x128xf32, #tpu.memory_space<vmem>>[vector<16xi32>, vector<16xi32>], vector<16xf32>,
            %add3A_327 = arith.constant 48 : i32
            %add3A_328 = vector.broadcast %add3A_327 : i32 to vector<16xi32>
            %add3A_329 = arith.addi %add3A_328, %iota3A : vector<16xi32>
            %add3A_330 = arith.constant 256 : i32
            %add3A_331 = vector.broadcast %add3A_330 : i32 to vector<16xi32>
            %add3A_332 = arith.addi %add3A_331, %add3A_329 : vector<16xi32>
            %gather3A_333 = tpu.vector_load_idx %arg10[%broadcast_in_dim3A_306, %add3A_332] : memref<32x512xf32, #tpu.memory_space<vmem>>[vector<16xi32>, vector<16xi32>], vector<16xf32>,
            tpu.vector_store_idx %arg12[%add3A_329, %broadcast_in_dim3A], %gather3A_333 : memref<256x128xf32, #tpu.memory_space<vmem>>[vector<16xi32>, vector<16xi32>], vector<16xf32>,
            %add3A_334 = arith.constant 64 : i32
            %add3A_335 = vector.broadcast %add3A_334 : i32 to vector<16xi32>
            %add3A_336 = arith.addi %add3A_335, %iota3A : vector<16xi32>
            %add3A_337 = arith.constant 256 : i32
            %add3A_338 = vector.broadcast %add3A_337 : i32 to vector<16xi32>
            %add3A_339 = arith.addi %add3A_338, %add3A_336 : vector<16xi32>
            %gather3A_340 = tpu.vector_load_idx %arg10[%broadcast_in_dim3A_306, %add3A_339] : memref<32x512xf32, #tpu.memory_space<vmem>>[vector<16xi32>, vector<16xi32>], vector<16xf32>,
            tpu.vector_store_idx %arg12[%add3A_336, %broadcast_in_dim3A], %gather3A_340 : memref<256x128xf32, #tpu.memory_space<vmem>>[vector<16xi32>, vector<16xi32>], vector<16xf32>,
            %add3A_341 = arith.constant 80 : i32
            %add3A_342 = vector.broadcast %add3A_341 : i32 to vector<16xi32>
            %add3A_343 = arith.addi %add3A_342, %iota3A : vector<16xi32>
            %add3A_344 = arith.constant 256 : i32
            %add3A_345 = vector.broadcast %add3A_344 : i32 to vector<16xi32>
            %add3A_346 = arith.addi %add3A_345, %add3A_343 : vector<16xi32>
            %gather3A_347 = tpu.vector_load_idx %arg10[%broadcast_in_dim3A_306, %add3A_346] : memref<32x512xf32, #tpu.memory_space<vmem>>[vector<16xi32>, vector<16xi32>], vector<16xf32>,
            tpu.vector_store_idx %arg12[%add3A_343, %broadcast_in_dim3A], %gather3A_347 : memref<256x128xf32, #tpu.memory_space<vmem>>[vector<16xi32>, vector<16xi32>], vector<16xf32>,
            %add3A_348 = arith.constant 96 : i32
            %add3A_349 = vector.broadcast %add3A_348 : i32 to vector<16xi32>
            %add3A_350 = arith.addi %add3A_349, %iota3A : vector<16xi32>
            %add3A_351 = arith.constant 256 : i32
            %add3A_352 = vector.broadcast %add3A_351 : i32 to vector<16xi32>
            %add3A_353 = arith.addi %add3A_352, %add3A_350 : vector<16xi32>
            %gather3A_354 = tpu.vector_load_idx %arg10[%broadcast_in_dim3A_306, %add3A_353] : memref<32x512xf32, #tpu.memory_space<vmem>>[vector<16xi32>, vector<16xi32>], vector<16xf32>,
            tpu.vector_store_idx %arg12[%add3A_350, %broadcast_in_dim3A], %gather3A_354 : memref<256x128xf32, #tpu.memory_space<vmem>>[vector<16xi32>, vector<16xi32>], vector<16xf32>,
            %add3A_355 = arith.constant 112 : i32
            %add3A_356 = vector.broadcast %add3A_355 : i32 to vector<16xi32>
            %add3A_357 = arith.addi %add3A_356, %iota3A : vector<16xi32>
            %add3A_358 = arith.constant 256 : i32
            %add3A_359 = vector.broadcast %add3A_358 : i32 to vector<16xi32>
            %add3A_360 = arith.addi %add3A_359, %add3A_357 : vector<16xi32>
            %gather3A_361 = tpu.vector_load_idx %arg10[%broadcast_in_dim3A_306, %add3A_360] : memref<32x512xf32, #tpu.memory_space<vmem>>[vector<16xi32>, vector<16xi32>], vector<16xf32>,
            tpu.vector_store_idx %arg12[%add3A_357, %broadcast_in_dim3A], %gather3A_361 : memref<256x128xf32, #tpu.memory_space<vmem>>[vector<16xi32>, vector<16xi32>], vector<16xf32>,
            %add3A_362 = arith.constant 128 : i32
            %add3A_363 = vector.broadcast %add3A_362 : i32 to vector<16xi32>
            %add3A_364 = arith.addi %add3A_363, %iota3A : vector<16xi32>
            %add3A_365 = arith.constant 256 : i32
            %add3A_366 = vector.broadcast %add3A_365 : i32 to vector<16xi32>
            %add3A_367 = arith.addi %add3A_366, %add3A_364 : vector<16xi32>
            %gather3A_368 = tpu.vector_load_idx %arg10[%broadcast_in_dim3A_306, %add3A_367] : memref<32x512xf32, #tpu.memory_space<vmem>>[vector<16xi32>, vector<16xi32>], vector<16xf32>,
            tpu.vector_store_idx %arg12[%add3A_364, %broadcast_in_dim3A], %gather3A_368 : memref<256x128xf32, #tpu.memory_space<vmem>>[vector<16xi32>, vector<16xi32>], vector<16xf32>,
            %add3A_369 = arith.constant 144 : i32
            %add3A_370 = vector.broadcast %add3A_369 : i32 to vector<16xi32>
            %add3A_371 = arith.addi %add3A_370, %iota3A : vector<16xi32>
            %add3A_372 = arith.constant 256 : i32
            %add3A_373 = vector.broadcast %add3A_372 : i32 to vector<16xi32>
            %add3A_374 = arith.addi %add3A_373, %add3A_371 : vector<16xi32>
            %gather3A_375 = tpu.vector_load_idx %arg10[%broadcast_in_dim3A_306, %add3A_374] : memref<32x512xf32, #tpu.memory_space<vmem>>[vector<16xi32>, vector<16xi32>], vector<16xf32>,
            tpu.vector_store_idx %arg12[%add3A_371, %broadcast_in_dim3A], %gather3A_375 : memref<256x128xf32, #tpu.memory_space<vmem>>[vector<16xi32>, vector<16xi32>], vector<16xf32>,
            %add3A_376 = arith.constant 160 : i32
            %add3A_377 = vector.broadcast %add3A_376 : i32 to vector<16xi32>
            %add3A_378 = arith.addi %add3A_377, %iota3A : vector<16xi32>
            %add3A_379 = arith.constant 256 : i32
            %add3A_380 = vector.broadcast %add3A_379 : i32 to vector<16xi32>
            %add3A_381 = arith.addi %add3A_380, %add3A_378 : vector<16xi32>
            %gather3A_382 = tpu.vector_load_idx %arg10[%broadcast_in_dim3A_306, %add3A_381] : memref<32x512xf32, #tpu.memory_space<vmem>>[vector<16xi32>, vector<16xi32>], vector<16xf32>,
            tpu.vector_store_idx %arg12[%add3A_378, %broadcast_in_dim3A], %gather3A_382 : memref<256x128xf32, #tpu.memory_space<vmem>>[vector<16xi32>, vector<16xi32>], vector<16xf32>,
            %add3A_383 = arith.constant 176 : i32
            %add3A_384 = vector.broadcast %add3A_383 : i32 to vector<16xi32>
            %add3A_385 = arith.addi %add3A_384, %iota3A : vector<16xi32>
            %add3A_386 = arith.constant 256 : i32
            %add3A_387 = vector.broadcast %add3A_386 : i32 to vector<16xi32>
            %add3A_388 = arith.addi %add3A_387, %add3A_385 : vector<16xi32>
            %gather3A_389 = tpu.vector_load_idx %arg10[%broadcast_in_dim3A_306, %add3A_388] : memref<32x512xf32, #tpu.memory_space<vmem>>[vector<16xi32>, vector<16xi32>], vector<16xf32>,
            tpu.vector_store_idx %arg12[%add3A_385, %broadcast_in_dim3A], %gather3A_389 : memref<256x128xf32, #tpu.memory_space<vmem>>[vector<16xi32>, vector<16xi32>], vector<16xf32>,
            %add3A_390 = arith.constant 192 : i32
            %add3A_391 = vector.broadcast %add3A_390 : i32 to vector<16xi32>
            %add3A_392 = arith.addi %add3A_391, %iota3A : vector<16xi32>
            %add3A_393 = arith.constant 256 : i32
            %add3A_394 = vector.broadcast %add3A_393 : i32 to vector<16xi32>
            %add3A_395 = arith.addi %add3A_394, %add3A_392 : vector<16xi32>
            %gather3A_396 = tpu.vector_load_idx %arg10[%broadcast_in_dim3A_306, %add3A_395] : memref<32x512xf32, #tpu.memory_space<vmem>>[vector<16xi32>, vector<16xi32>], vector<16xf32>,
            tpu.vector_store_idx %arg12[%add3A_392, %broadcast_in_dim3A], %gather3A_396 : memref<256x128xf32, #tpu.memory_space<vmem>>[vector<16xi32>, vector<16xi32>], vector<16xf32>,
            %add3A_397 = arith.constant 208 : i32
            %add3A_398 = vector.broadcast %add3A_397 : i32 to vector<16xi32>
            %add3A_399 = arith.addi %add3A_398, %iota3A : vector<16xi32>
            %add3A_400 = arith.constant 256 : i32
            %add3A_401 = vector.broadcast %add3A_400 : i32 to vector<16xi32>
            %add3A_402 = arith.addi %add3A_401, %add3A_399 : vector<16xi32>
            %gather3A_403 = tpu.vector_load_idx %arg10[%broadcast_in_dim3A_306, %add3A_402] : memref<32x512xf32, #tpu.memory_space<vmem>>[vector<16xi32>, vector<16xi32>], vector<16xf32>,
            tpu.vector_store_idx %arg12[%add3A_399, %broadcast_in_dim3A], %gather3A_403 : memref<256x128xf32, #tpu.memory_space<vmem>>[vector<16xi32>, vector<16xi32>], vector<16xf32>,
            %add3A_404 = arith.constant 224 : i32
            %add3A_405 = vector.broadcast %add3A_404 : i32 to vector<16xi32>
            %add3A_406 = arith.addi %add3A_405, %iota3A : vector<16xi32>
            %add3A_407 = arith.constant 256 : i32
            %add3A_408 = vector.broadcast %add3A_407 : i32 to vector<16xi32>
            %add3A_409 = arith.addi %add3A_408, %add3A_406 : vector<16xi32>
            %gather3A_410 = tpu.vector_load_idx %arg10[%broadcast_in_dim3A_306, %add3A_409] : memref<32x512xf32, #tpu.memory_space<vmem>>[vector<16xi32>, vector<16xi32>], vector<16xf32>,
            tpu.vector_store_idx %arg12[%add3A_406, %broadcast_in_dim3A], %gather3A_410 : memref<256x128xf32, #tpu.memory_space<vmem>>[vector<16xi32>, vector<16xi32>], vector<16xf32>,
            %add3A_411 = arith.constant 240 : i32
            %add3A_412 = vector.broadcast %add3A_411 : i32 to vector<16xi32>
            %add3A_413 = arith.addi %add3A_412, %iota3A : vector<16xi32>
            %add3A_414 = arith.constant 256 : i32
            %add3A_415 = vector.broadcast %add3A_414 : i32 to vector<16xi32>
            %add3A_416 = arith.addi %add3A_415, %add3A_413 : vector<16xi32>
            %gather3A_417 = tpu.vector_load_idx %arg10[%broadcast_in_dim3A_306, %add3A_416] : memref<32x512xf32, #tpu.memory_space<vmem>>[vector<16xi32>, vector<16xi32>], vector<16xf32>,
            tpu.vector_store_idx %arg12[%add3A_413, %broadcast_in_dim3A], %gather3A_417 : memref<256x128xf32, #tpu.memory_space<vmem>>[vector<16xi32>, vector<16xi32>], vector<16xf32>,
          }
        }
        %while3A_245 = arith.constant 1 : i32
        scf.for %while3A_246 = %while3A_243 to %while3A_239 step %while3A_245  : i32 {
          %mul3A_247 = arith.muli %while3A_246, %while3A_235 : i32
          %add3A_248 = arith.addi %while3A_236, %mul3A_247 : i32
          %mul3A_249 = arith.constant 32 : i32
          %mul3A_250 = arith.muli %add3A_248, %mul3A_249 : i32
          %add3A_251 = arith.addi %while3A_95, %mul3A_250 : i32
          %add3A_252 = arith.constant 0 : i32
          %add3A_253 = arith.addi %add3A_251, %add3A_252 : i32
          %get3A = arith.index_cast %add3A_253 : i32 to index
          %get3A_254 = tpu.vector_load %arg8[%get3A] {strides = array<i32>} : memref<3232xi32, #tpu.memory_space<vmem>>, vector<16xi32>,
          %and3A_255 = arith.constant 16383 : i32
          %and3A_256 = vector.broadcast %and3A_255 : i32 to vector<16xi32>
          %and3A_257 = arith.andi %get3A_254, %and3A_256 : vector<16xi32>
          %swap3A = arith.constant 0 : index
          %swap3A_258 = tpu.vector_load %arg9[%swap3A] {strides = array<i32>} : memref<32xi32, #tpu.memory_space<vmem>>, vector<16xi32>,
          tpu.vector_store %arg9[%swap3A], %and3A_257 {strides = array<i32>} : memref<32xi32, #tpu.memory_space<vmem>>, vector<16xi32>,
          %add3A_259 = arith.constant 16 : i32
          %add3A_260 = arith.addi %add3A_251, %add3A_259 : i32
          %get3A_261 = arith.index_cast %add3A_260 : i32 to index
          %get3A_262 = tpu.vector_load %arg8[%get3A_261] {strides = array<i32>} : memref<3232xi32, #tpu.memory_space<vmem>>, vector<16xi32>,
          %and3A_263 = arith.constant 16383 : i32
          %and3A_264 = vector.broadcast %and3A_263 : i32 to vector<16xi32>
          %and3A_265 = arith.andi %get3A_262, %and3A_264 : vector<16xi32>
          %swap3A_266 = arith.constant 16 : index
          %swap3A_267 = tpu.vector_load %arg9[%swap3A_266] {strides = array<i32>} : memref<32xi32, #tpu.memory_space<vmem>>, vector<16xi32>,
          tpu.vector_store %arg9[%swap3A_266], %and3A_265 {strides = array<i32>} : memref<32xi32, #tpu.memory_space<vmem>>, vector<16xi32>,
          %dma_start3A_268 = arith.constant 0 : i32
          %dma_start3A_269 = arith.constant 0 : i32
          %dma_start3A_270 = tpu.memref_slice %arg3[%dma_start3A_268, %dma_start3A_269] : memref<16384x512xf32, #tpu.memory_space<hbm>> -> memref<16384x512xf32, #tpu.memory_space<hbm>>
          tpu.enqueue_indirect_dma source(%dma_start3A_270 : memref<16384x512xf32, #tpu.memory_space<hbm>>) target(%arg10 : memref<32x512xf32, #tpu.memory_space<vmem>>) offsets(%arg9 : memref<32xi32, #tpu.memory_space<vmem>>) semaphore(%arg13 : memref<!tpu.dma_semaphore, #tpu.memory_space<semaphore_mem>>)
          %dma_wait3A_271 = arith.constant 0 : i32
          %dma_wait3A_272 = arith.constant 0 : i32
          %dma_wait3A_273 = tpu.memref_slice %arg3[%dma_wait3A_271, %dma_wait3A_272] : memref<16384x512xf32, #tpu.memory_space<hbm>> -> memref<16384x512xf32, #tpu.memory_space<hbm>>
          tpu.wait_indirect_dma semaphore(%arg13 : memref<!tpu.dma_semaphore, #tpu.memory_space<semaphore_mem>>) src(%dma_wait3A_273 : memref<16384x512xf32, #tpu.memory_space<hbm>>) dst(%arg10 : memref<32x512xf32, #tpu.memory_space<vmem>>)
          %sub3A_274 = arith.subi %while3A_108, %add3A_251 : i32
          %min3A_275 = arith.constant 32 : i32
          %min3A_276 = arith.minsi %sub3A_274, %min3A_275 : i32
          %sub3A_277 = arith.constant 0 : i32
          %sub3A_278 = arith.subi %min3A_276, %sub3A_277 : i32
          %sub3A_279 = arith.constant 1 : i32
          %sub3A_280 = arith.constant 1 : i32
          %sub3A_281 = arith.subi %sub3A_279, %sub3A_280 : i32
          %add3A_282 = arith.addi %sub3A_278, %sub3A_281 : i32
          %div3A_283 = arith.constant 1 : i32
          %div3A_284 = arith.divsi %add3A_282, %div3A_283 : i32
          %while3A_285 = arith.constant 1 : i32
          %while3A_286 = arith.constant 0 : i32
          %while3A_287 = arith.constant 0 : i32
          %while3A_288 = arith.subi %div3A_284, %while3A_287 : i32
          %while3A_289 = arith.addi %while3A_287, %while3A_288 : i32
          %while3A_290 = arith.constant 1 : i32
          %while3A_291 = arith.divsi %while3A_288, %while3A_290 : i32
          %while3A_292 = arith.muli %while3A_291, %while3A_290 : i32
          %while3A_293 = arith.addi %while3A_287, %while3A_292 : i32
          %while3A_294 = arith.constant 1 : i32
          scf.for %while3A_296 = %while3A_287 to %while3A_293 step %while3A_294  : i32 {
            %mul3A_297 = arith.muli %while3A_296, %while3A_285 : i32
            %add3A_298 = arith.addi %while3A_286, %mul3A_297 : i32
            %add3A_299 = arith.addi %add3A_251, %add3A_298 : i32
            %get3A_300 = arith.index_cast %add3A_299 : i32 to index
            %get3A_301 = tpu.vector_load %arg8[%get3A_300] {strides = array<i32>} : memref<3232xi32, #tpu.memory_space<vmem>>, vector<16xi32>,
            %slice3A = vector.extract_strided_slice %get3A_301 {offsets = [0], sizes = [1], strides = [1]} : vector<16xi32> to vector<1xi32>
            %squeeze3A = vector.extract %slice3A[0] : i32 from vector<1xi32>
            %shift_right_arithmetic3A = arith.constant 14 : i32
            %shift_right_arithmetic3A_302 = arith.shrsi %squeeze3A, %shift_right_arithmetic3A : i32
            %mul3A_303 = arith.constant 128 : i32
            %mul3A_304 = arith.muli %add3A_96, %mul3A_303 : i32
            %sub3A_305 = arith.subi %shift_right_arithmetic3A_302, %mul3A_304 : i32
            %broadcast_in_dim3A = vector.broadcast %sub3A_305 : i32 to vector<16xi32>
            %broadcast_in_dim3A_306 = vector.broadcast %add3A_298 : i32 to vector<16xi32>
            %add3A_307 = arith.constant 0 : i32
            %add3A_308 = vector.broadcast %add3A_307 : i32 to vector<16xi32>
            %add3A_309 = arith.addi %add3A_308, %iota3A : vector<16xi32>
            %add3A_310 = arith.constant 256 : i32
            %add3A_311 = vector.broadcast %add3A_310 : i32 to vector<16xi32>
            %add3A_312 = arith.addi %add3A_311, %add3A_309 : vector<16xi32>
            %gather3A = tpu.vector_load_idx %arg10[%broadcast_in_dim3A_306, %add3A_312] : memref<32x512xf32, #tpu.memory_space<vmem>>[vector<16xi32>, vector<16xi32>], vector<16xf32>,
            tpu.vector_store_idx %arg12[%add3A_309, %broadcast_in_dim3A], %gather3A : memref<256x128xf32, #tpu.memory_space<vmem>>[vector<16xi32>, vector<16xi32>], vector<16xf32>,
            %add3A_313 = arith.constant 16 : i32
            %add3A_314 = vector.broadcast %add3A_313 : i32 to vector<16xi32>
            %add3A_315 = arith.addi %add3A_314, %iota3A : vector<16xi32>
            %add3A_316 = arith.constant 256 : i32
            %add3A_317 = vector.broadcast %add3A_316 : i32 to vector<16xi32>
            %add3A_318 = arith.addi %add3A_317, %add3A_315 : vector<16xi32>
            %gather3A_319 = tpu.vector_load_idx %arg10[%broadcast_in_dim3A_306, %add3A_318] : memref<32x512xf32, #tpu.memory_space<vmem>>[vector<16xi32>, vector<16xi32>], vector<16xf32>,
            tpu.vector_store_idx %arg12[%add3A_315, %broadcast_in_dim3A], %gather3A_319 : memref<256x128xf32, #tpu.memory_space<vmem>>[vector<16xi32>, vector<16xi32>], vector<16xf32>,
            %add3A_320 = arith.constant 32 : i32
            %add3A_321 = vector.broadcast %add3A_320 : i32 to vector<16xi32>
            %add3A_322 = arith.addi %add3A_321, %iota3A : vector<16xi32>
            %add3A_323 = arith.constant 256 : i32
            %add3A_324 = vector.broadcast %add3A_323 : i32 to vector<16xi32>
            %add3A_325 = arith.addi %add3A_324, %add3A_322 : vector<16xi32>
            %gather3A_326 = tpu.vector_load_idx %arg10[%broadcast_in_dim3A_306, %add3A_325] : memref<32x512xf32, #tpu.memory_space<vmem>>[vector<16xi32>, vector<16xi32>], vector<16xf32>,
            tpu.vector_store_idx %arg12[%add3A_322, %broadcast_in_dim3A], %gather3A_326 : memref<256x128xf32, #tpu.memory_space<vmem>>[vector<16xi32>, vector<16xi32>], vector<16xf32>,
            %add3A_327 = arith.constant 48 : i32
            %add3A_328 = vector.broadcast %add3A_327 : i32 to vector<16xi32>
            %add3A_329 = arith.addi %add3A_328, %iota3A : vector<16xi32>
            %add3A_330 = arith.constant 256 : i32
            %add3A_331 = vector.broadcast %add3A_330 : i32 to vector<16xi32>
            %add3A_332 = arith.addi %add3A_331, %add3A_329 : vector<16xi32>
            %gather3A_333 = tpu.vector_load_idx %arg10[%broadcast_in_dim3A_306, %add3A_332] : memref<32x512xf32, #tpu.memory_space<vmem>>[vector<16xi32>, vector<16xi32>], vector<16xf32>,
            tpu.vector_store_idx %arg12[%add3A_329, %broadcast_in_dim3A], %gather3A_333 : memref<256x128xf32, #tpu.memory_space<vmem>>[vector<16xi32>, vector<16xi32>], vector<16xf32>,
            %add3A_334 = arith.constant 64 : i32
            %add3A_335 = vector.broadcast %add3A_334 : i32 to vector<16xi32>
            %add3A_336 = arith.addi %add3A_335, %iota3A : vector<16xi32>
            %add3A_337 = arith.constant 256 : i32
            %add3A_338 = vector.broadcast %add3A_337 : i32 to vector<16xi32>
            %add3A_339 = arith.addi %add3A_338, %add3A_336 : vector<16xi32>
            %gather3A_340 = tpu.vector_load_idx %arg10[%broadcast_in_dim3A_306, %add3A_339] : memref<32x512xf32, #tpu.memory_space<vmem>>[vector<16xi32>, vector<16xi32>], vector<16xf32>,
            tpu.vector_store_idx %arg12[%add3A_336, %broadcast_in_dim3A], %gather3A_340 : memref<256x128xf32, #tpu.memory_space<vmem>>[vector<16xi32>, vector<16xi32>], vector<16xf32>,
            %add3A_341 = arith.constant 80 : i32
            %add3A_342 = vector.broadcast %add3A_341 : i32 to vector<16xi32>
            %add3A_343 = arith.addi %add3A_342, %iota3A : vector<16xi32>
            %add3A_344 = arith.constant 256 : i32
            %add3A_345 = vector.broadcast %add3A_344 : i32 to vector<16xi32>
            %add3A_346 = arith.addi %add3A_345, %add3A_343 : vector<16xi32>
            %gather3A_347 = tpu.vector_load_idx %arg10[%broadcast_in_dim3A_306, %add3A_346] : memref<32x512xf32, #tpu.memory_space<vmem>>[vector<16xi32>, vector<16xi32>], vector<16xf32>,
            tpu.vector_store_idx %arg12[%add3A_343, %broadcast_in_dim3A], %gather3A_347 : memref<256x128xf32, #tpu.memory_space<vmem>>[vector<16xi32>, vector<16xi32>], vector<16xf32>,
            %add3A_348 = arith.constant 96 : i32
            %add3A_349 = vector.broadcast %add3A_348 : i32 to vector<16xi32>
            %add3A_350 = arith.addi %add3A_349, %iota3A : vector<16xi32>
            %add3A_351 = arith.constant 256 : i32
            %add3A_352 = vector.broadcast %add3A_351 : i32 to vector<16xi32>
            %add3A_353 = arith.addi %add3A_352, %add3A_350 : vector<16xi32>
            %gather3A_354 = tpu.vector_load_idx %arg10[%broadcast_in_dim3A_306, %add3A_353] : memref<32x512xf32, #tpu.memory_space<vmem>>[vector<16xi32>, vector<16xi32>], vector<16xf32>,
            tpu.vector_store_idx %arg12[%add3A_350, %broadcast_in_dim3A], %gather3A_354 : memref<256x128xf32, #tpu.memory_space<vmem>>[vector<16xi32>, vector<16xi32>], vector<16xf32>,
            %add3A_355 = arith.constant 112 : i32
            %add3A_356 = vector.broadcast %add3A_355 : i32 to vector<16xi32>
            %add3A_357 = arith.addi %add3A_356, %iota3A : vector<16xi32>
            %add3A_358 = arith.constant 256 : i32
            %add3A_359 = vector.broadcast %add3A_358 : i32 to vector<16xi32>
            %add3A_360 = arith.addi %add3A_359, %add3A_357 : vector<16xi32>
            %gather3A_361 = tpu.vector_load_idx %arg10[%broadcast_in_dim3A_306, %add3A_360] : memref<32x512xf32, #tpu.memory_space<vmem>>[vector<16xi32>, vector<16xi32>], vector<16xf32>,
            tpu.vector_store_idx %arg12[%add3A_357, %broadcast_in_dim3A], %gather3A_361 : memref<256x128xf32, #tpu.memory_space<vmem>>[vector<16xi32>, vector<16xi32>], vector<16xf32>,
            %add3A_362 = arith.constant 128 : i32
            %add3A_363 = vector.broadcast %add3A_362 : i32 to vector<16xi32>
            %add3A_364 = arith.addi %add3A_363, %iota3A : vector<16xi32>
            %add3A_365 = arith.constant 256 : i32
            %add3A_366 = vector.broadcast %add3A_365 : i32 to vector<16xi32>
            %add3A_367 = arith.addi %add3A_366, %add3A_364 : vector<16xi32>
            %gather3A_368 = tpu.vector_load_idx %arg10[%broadcast_in_dim3A_306, %add3A_367] : memref<32x512xf32, #tpu.memory_space<vmem>>[vector<16xi32>, vector<16xi32>], vector<16xf32>,
            tpu.vector_store_idx %arg12[%add3A_364, %broadcast_in_dim3A], %gather3A_368 : memref<256x128xf32, #tpu.memory_space<vmem>>[vector<16xi32>, vector<16xi32>], vector<16xf32>,
            %add3A_369 = arith.constant 144 : i32
            %add3A_370 = vector.broadcast %add3A_369 : i32 to vector<16xi32>
            %add3A_371 = arith.addi %add3A_370, %iota3A : vector<16xi32>
            %add3A_372 = arith.constant 256 : i32
            %add3A_373 = vector.broadcast %add3A_372 : i32 to vector<16xi32>
            %add3A_374 = arith.addi %add3A_373, %add3A_371 : vector<16xi32>
            %gather3A_375 = tpu.vector_load_idx %arg10[%broadcast_in_dim3A_306, %add3A_374] : memref<32x512xf32, #tpu.memory_space<vmem>>[vector<16xi32>, vector<16xi32>], vector<16xf32>,
            tpu.vector_store_idx %arg12[%add3A_371, %broadcast_in_dim3A], %gather3A_375 : memref<256x128xf32, #tpu.memory_space<vmem>>[vector<16xi32>, vector<16xi32>], vector<16xf32>,
            %add3A_376 = arith.constant 160 : i32
            %add3A_377 = vector.broadcast %add3A_376 : i32 to vector<16xi32>
            %add3A_378 = arith.addi %add3A_377, %iota3A : vector<16xi32>
            %add3A_379 = arith.constant 256 : i32
            %add3A_380 = vector.broadcast %add3A_379 : i32 to vector<16xi32>
            %add3A_381 = arith.addi %add3A_380, %add3A_378 : vector<16xi32>
            %gather3A_382 = tpu.vector_load_idx %arg10[%broadcast_in_dim3A_306, %add3A_381] : memref<32x512xf32, #tpu.memory_space<vmem>>[vector<16xi32>, vector<16xi32>], vector<16xf32>,
            tpu.vector_store_idx %arg12[%add3A_378, %broadcast_in_dim3A], %gather3A_382 : memref<256x128xf32, #tpu.memory_space<vmem>>[vector<16xi32>, vector<16xi32>], vector<16xf32>,
            %add3A_383 = arith.constant 176 : i32
            %add3A_384 = vector.broadcast %add3A_383 : i32 to vector<16xi32>
            %add3A_385 = arith.addi %add3A_384, %iota3A : vector<16xi32>
            %add3A_386 = arith.constant 256 : i32
            %add3A_387 = vector.broadcast %add3A_386 : i32 to vector<16xi32>
            %add3A_388 = arith.addi %add3A_387, %add3A_385 : vector<16xi32>
            %gather3A_389 = tpu.vector_load_idx %arg10[%broadcast_in_dim3A_306, %add3A_388] : memref<32x512xf32, #tpu.memory_space<vmem>>[vector<16xi32>, vector<16xi32>], vector<16xf32>,
            tpu.vector_store_idx %arg12[%add3A_385, %broadcast_in_dim3A], %gather3A_389 : memref<256x128xf32, #tpu.memory_space<vmem>>[vector<16xi32>, vector<16xi32>], vector<16xf32>,
            %add3A_390 = arith.constant 192 : i32
            %add3A_391 = vector.broadcast %add3A_390 : i32 to vector<16xi32>
            %add3A_392 = arith.addi %add3A_391, %iota3A : vector<16xi32>
            %add3A_393 = arith.constant 256 : i32
            %add3A_394 = vector.broadcast %add3A_393 : i32 to vector<16xi32>
            %add3A_395 = arith.addi %add3A_394, %add3A_392 : vector<16xi32>
            %gather3A_396 = tpu.vector_load_idx %arg10[%broadcast_in_dim3A_306, %add3A_395] : memref<32x512xf32, #tpu.memory_space<vmem>>[vector<16xi32>, vector<16xi32>], vector<16xf32>,
            tpu.vector_store_idx %arg12[%add3A_392, %broadcast_in_dim3A], %gather3A_396 : memref<256x128xf32, #tpu.memory_space<vmem>>[vector<16xi32>, vector<16xi32>], vector<16xf32>,
            %add3A_397 = arith.constant 208 : i32
            %add3A_398 = vector.broadcast %add3A_397 : i32 to vector<16xi32>
            %add3A_399 = arith.addi %add3A_398, %iota3A : vector<16xi32>
            %add3A_400 = arith.constant 256 : i32
            %add3A_401 = vector.broadcast %add3A_400 : i32 to vector<16xi32>
            %add3A_402 = arith.addi %add3A_401, %add3A_399 : vector<16xi32>
            %gather3A_403 = tpu.vector_load_idx %arg10[%broadcast_in_dim3A_306, %add3A_402] : memref<32x512xf32, #tpu.memory_space<vmem>>[vector<16xi32>, vector<16xi32>], vector<16xf32>,
            tpu.vector_store_idx %arg12[%add3A_399, %broadcast_in_dim3A], %gather3A_403 : memref<256x128xf32, #tpu.memory_space<vmem>>[vector<16xi32>, vector<16xi32>], vector<16xf32>,
            %add3A_404 = arith.constant 224 : i32
            %add3A_405 = vector.broadcast %add3A_404 : i32 to vector<16xi32>
            %add3A_406 = arith.addi %add3A_405, %iota3A : vector<16xi32>
            %add3A_407 = arith.constant 256 : i32
            %add3A_408 = vector.broadcast %add3A_407 : i32 to vector<16xi32>
            %add3A_409 = arith.addi %add3A_408, %add3A_406 : vector<16xi32>
            %gather3A_410 = tpu.vector_load_idx %arg10[%broadcast_in_dim3A_306, %add3A_409] : memref<32x512xf32, #tpu.memory_space<vmem>>[vector<16xi32>, vector<16xi32>], vector<16xf32>,
            tpu.vector_store_idx %arg12[%add3A_406, %broadcast_in_dim3A], %gather3A_410 : memref<256x128xf32, #tpu.memory_space<vmem>>[vector<16xi32>, vector<16xi32>], vector<16xf32>,
            %add3A_411 = arith.constant 240 : i32
            %add3A_412 = vector.broadcast %add3A_411 : i32 to vector<16xi32>
            %add3A_413 = arith.addi %add3A_412, %iota3A : vector<16xi32>
            %add3A_414 = arith.constant 256 : i32
            %add3A_415 = vector.broadcast %add3A_414 : i32 to vector<16xi32>
            %add3A_416 = arith.addi %add3A_415, %add3A_413 : vector<16xi32>
            %gather3A_417 = tpu.vector_load_idx %arg10[%broadcast_in_dim3A_306, %add3A_416] : memref<32x512xf32, #tpu.memory_space<vmem>>[vector<16xi32>, vector<16xi32>], vector<16xf32>,
            tpu.vector_store_idx %arg12[%add3A_413, %broadcast_in_dim3A], %gather3A_417 : memref<256x128xf32, #tpu.memory_space<vmem>>[vector<16xi32>, vector<16xi32>], vector<16xf32>,
          }
          %while3A_295 = arith.constant 1 : i32
          scf.for %while3A_296 = %while3A_293 to %while3A_289 step %while3A_295  : i32 {
            %mul3A_297 = arith.muli %while3A_296, %while3A_285 : i32
            %add3A_298 = arith.addi %while3A_286, %mul3A_297 : i32
            %add3A_299 = arith.addi %add3A_251, %add3A_298 : i32
            %get3A_300 = arith.index_cast %add3A_299 : i32 to index
            %get3A_301 = tpu.vector_load %arg8[%get3A_300] {strides = array<i32>} : memref<3232xi32, #tpu.memory_space<vmem>>, vector<16xi32>,
            %slice3A = vector.extract_strided_slice %get3A_301 {offsets = [0], sizes = [1], strides = [1]} : vector<16xi32> to vector<1xi32>
            %squeeze3A = vector.extract %slice3A[0] : i32 from vector<1xi32>
            %shift_right_arithmetic3A = arith.constant 14 : i32
            %shift_right_arithmetic3A_302 = arith.shrsi %squeeze3A, %shift_right_arithmetic3A : i32
            %mul3A_303 = arith.constant 128 : i32
            %mul3A_304 = arith.muli %add3A_96, %mul3A_303 : i32
            %sub3A_305 = arith.subi %shift_right_arithmetic3A_302, %mul3A_304 : i32
            %broadcast_in_dim3A = vector.broadcast %sub3A_305 : i32 to vector<16xi32>
            %broadcast_in_dim3A_306 = vector.broadcast %add3A_298 : i32 to vector<16xi32>
            %add3A_307 = arith.constant 0 : i32
            %add3A_308 = vector.broadcast %add3A_307 : i32 to vector<16xi32>
            %add3A_309 = arith.addi %add3A_308, %iota3A : vector<16xi32>
            %add3A_310 = arith.constant 256 : i32
            %add3A_311 = vector.broadcast %add3A_310 : i32 to vector<16xi32>
            %add3A_312 = arith.addi %add3A_311, %add3A_309 : vector<16xi32>
            %gather3A = tpu.vector_load_idx %arg10[%broadcast_in_dim3A_306, %add3A_312] : memref<32x512xf32, #tpu.memory_space<vmem>>[vector<16xi32>, vector<16xi32>], vector<16xf32>,
            tpu.vector_store_idx %arg12[%add3A_309, %broadcast_in_dim3A], %gather3A : memref<256x128xf32, #tpu.memory_space<vmem>>[vector<16xi32>, vector<16xi32>], vector<16xf32>,
            %add3A_313 = arith.constant 16 : i32
            %add3A_314 = vector.broadcast %add3A_313 : i32 to vector<16xi32>
            %add3A_315 = arith.addi %add3A_314, %iota3A : vector<16xi32>
            %add3A_316 = arith.constant 256 : i32
            %add3A_317 = vector.broadcast %add3A_316 : i32 to vector<16xi32>
            %add3A_318 = arith.addi %add3A_317, %add3A_315 : vector<16xi32>
            %gather3A_319 = tpu.vector_load_idx %arg10[%broadcast_in_dim3A_306, %add3A_318] : memref<32x512xf32, #tpu.memory_space<vmem>>[vector<16xi32>, vector<16xi32>], vector<16xf32>,
            tpu.vector_store_idx %arg12[%add3A_315, %broadcast_in_dim3A], %gather3A_319 : memref<256x128xf32, #tpu.memory_space<vmem>>[vector<16xi32>, vector<16xi32>], vector<16xf32>,
            %add3A_320 = arith.constant 32 : i32
            %add3A_321 = vector.broadcast %add3A_320 : i32 to vector<16xi32>
            %add3A_322 = arith.addi %add3A_321, %iota3A : vector<16xi32>
            %add3A_323 = arith.constant 256 : i32
            %add3A_324 = vector.broadcast %add3A_323 : i32 to vector<16xi32>
            %add3A_325 = arith.addi %add3A_324, %add3A_322 : vector<16xi32>
            %gather3A_326 = tpu.vector_load_idx %arg10[%broadcast_in_dim3A_306, %add3A_325] : memref<32x512xf32, #tpu.memory_space<vmem>>[vector<16xi32>, vector<16xi32>], vector<16xf32>,
            tpu.vector_store_idx %arg12[%add3A_322, %broadcast_in_dim3A], %gather3A_326 : memref<256x128xf32, #tpu.memory_space<vmem>>[vector<16xi32>, vector<16xi32>], vector<16xf32>,
            %add3A_327 = arith.constant 48 : i32
            %add3A_328 = vector.broadcast %add3A_327 : i32 to vector<16xi32>
            %add3A_329 = arith.addi %add3A_328, %iota3A : vector<16xi32>
            %add3A_330 = arith.constant 256 : i32
            %add3A_331 = vector.broadcast %add3A_330 : i32 to vector<16xi32>
            %add3A_332 = arith.addi %add3A_331, %add3A_329 : vector<16xi32>
            %gather3A_333 = tpu.vector_load_idx %arg10[%broadcast_in_dim3A_306, %add3A_332] : memref<32x512xf32, #tpu.memory_space<vmem>>[vector<16xi32>, vector<16xi32>], vector<16xf32>,
            tpu.vector_store_idx %arg12[%add3A_329, %broadcast_in_dim3A], %gather3A_333 : memref<256x128xf32, #tpu.memory_space<vmem>>[vector<16xi32>, vector<16xi32>], vector<16xf32>,
            %add3A_334 = arith.constant 64 : i32
            %add3A_335 = vector.broadcast %add3A_334 : i32 to vector<16xi32>
            %add3A_336 = arith.addi %add3A_335, %iota3A : vector<16xi32>
            %add3A_337 = arith.constant 256 : i32
            %add3A_338 = vector.broadcast %add3A_337 : i32 to vector<16xi32>
            %add3A_339 = arith.addi %add3A_338, %add3A_336 : vector<16xi32>
            %gather3A_340 = tpu.vector_load_idx %arg10[%broadcast_in_dim3A_306, %add3A_339] : memref<32x512xf32, #tpu.memory_space<vmem>>[vector<16xi32>, vector<16xi32>], vector<16xf32>,
            tpu.vector_store_idx %arg12[%add3A_336, %broadcast_in_dim3A], %gather3A_340 : memref<256x128xf32, #tpu.memory_space<vmem>>[vector<16xi32>, vector<16xi32>], vector<16xf32>,
            %add3A_341 = arith.constant 80 : i32
            %add3A_342 = vector.broadcast %add3A_341 : i32 to vector<16xi32>
            %add3A_343 = arith.addi %add3A_342, %iota3A : vector<16xi32>
            %add3A_344 = arith.constant 256 : i32
            %add3A_345 = vector.broadcast %add3A_344 : i32 to vector<16xi32>
            %add3A_346 = arith.addi %add3A_345, %add3A_343 : vector<16xi32>
            %gather3A_347 = tpu.vector_load_idx %arg10[%broadcast_in_dim3A_306, %add3A_346] : memref<32x512xf32, #tpu.memory_space<vmem>>[vector<16xi32>, vector<16xi32>], vector<16xf32>,
            tpu.vector_store_idx %arg12[%add3A_343, %broadcast_in_dim3A], %gather3A_347 : memref<256x128xf32, #tpu.memory_space<vmem>>[vector<16xi32>, vector<16xi32>], vector<16xf32>,
            %add3A_348 = arith.constant 96 : i32
            %add3A_349 = vector.broadcast %add3A_348 : i32 to vector<16xi32>
            %add3A_350 = arith.addi %add3A_349, %iota3A : vector<16xi32>
            %add3A_351 = arith.constant 256 : i32
            %add3A_352 = vector.broadcast %add3A_351 : i32 to vector<16xi32>
            %add3A_353 = arith.addi %add3A_352, %add3A_350 : vector<16xi32>
            %gather3A_354 = tpu.vector_load_idx %arg10[%broadcast_in_dim3A_306, %add3A_353] : memref<32x512xf32, #tpu.memory_space<vmem>>[vector<16xi32>, vector<16xi32>], vector<16xf32>,
            tpu.vector_store_idx %arg12[%add3A_350, %broadcast_in_dim3A], %gather3A_354 : memref<256x128xf32, #tpu.memory_space<vmem>>[vector<16xi32>, vector<16xi32>], vector<16xf32>,
            %add3A_355 = arith.constant 112 : i32
            %add3A_356 = vector.broadcast %add3A_355 : i32 to vector<16xi32>
            %add3A_357 = arith.addi %add3A_356, %iota3A : vector<16xi32>
            %add3A_358 = arith.constant 256 : i32
            %add3A_359 = vector.broadcast %add3A_358 : i32 to vector<16xi32>
            %add3A_360 = arith.addi %add3A_359, %add3A_357 : vector<16xi32>
            %gather3A_361 = tpu.vector_load_idx %arg10[%broadcast_in_dim3A_306, %add3A_360] : memref<32x512xf32, #tpu.memory_space<vmem>>[vector<16xi32>, vector<16xi32>], vector<16xf32>,
            tpu.vector_store_idx %arg12[%add3A_357, %broadcast_in_dim3A], %gather3A_361 : memref<256x128xf32, #tpu.memory_space<vmem>>[vector<16xi32>, vector<16xi32>], vector<16xf32>,
            %add3A_362 = arith.constant 128 : i32
            %add3A_363 = vector.broadcast %add3A_362 : i32 to vector<16xi32>
            %add3A_364 = arith.addi %add3A_363, %iota3A : vector<16xi32>
            %add3A_365 = arith.constant 256 : i32
            %add3A_366 = vector.broadcast %add3A_365 : i32 to vector<16xi32>
            %add3A_367 = arith.addi %add3A_366, %add3A_364 : vector<16xi32>
            %gather3A_368 = tpu.vector_load_idx %arg10[%broadcast_in_dim3A_306, %add3A_367] : memref<32x512xf32, #tpu.memory_space<vmem>>[vector<16xi32>, vector<16xi32>], vector<16xf32>,
            tpu.vector_store_idx %arg12[%add3A_364, %broadcast_in_dim3A], %gather3A_368 : memref<256x128xf32, #tpu.memory_space<vmem>>[vector<16xi32>, vector<16xi32>], vector<16xf32>,
            %add3A_369 = arith.constant 144 : i32
            %add3A_370 = vector.broadcast %add3A_369 : i32 to vector<16xi32>
            %add3A_371 = arith.addi %add3A_370, %iota3A : vector<16xi32>
            %add3A_372 = arith.constant 256 : i32
            %add3A_373 = vector.broadcast %add3A_372 : i32 to vector<16xi32>
            %add3A_374 = arith.addi %add3A_373, %add3A_371 : vector<16xi32>
            %gather3A_375 = tpu.vector_load_idx %arg10[%broadcast_in_dim3A_306, %add3A_374] : memref<32x512xf32, #tpu.memory_space<vmem>>[vector<16xi32>, vector<16xi32>], vector<16xf32>,
            tpu.vector_store_idx %arg12[%add3A_371, %broadcast_in_dim3A], %gather3A_375 : memref<256x128xf32, #tpu.memory_space<vmem>>[vector<16xi32>, vector<16xi32>], vector<16xf32>,
            %add3A_376 = arith.constant 160 : i32
            %add3A_377 = vector.broadcast %add3A_376 : i32 to vector<16xi32>
            %add3A_378 = arith.addi %add3A_377, %iota3A : vector<16xi32>
            %add3A_379 = arith.constant 256 : i32
            %add3A_380 = vector.broadcast %add3A_379 : i32 to vector<16xi32>
            %add3A_381 = arith.addi %add3A_380, %add3A_378 : vector<16xi32>
            %gather3A_382 = tpu.vector_load_idx %arg10[%broadcast_in_dim3A_306, %add3A_381] : memref<32x512xf32, #tpu.memory_space<vmem>>[vector<16xi32>, vector<16xi32>], vector<16xf32>,
            tpu.vector_store_idx %arg12[%add3A_378, %broadcast_in_dim3A], %gather3A_382 : memref<256x128xf32, #tpu.memory_space<vmem>>[vector<16xi32>, vector<16xi32>], vector<16xf32>,
            %add3A_383 = arith.constant 176 : i32
            %add3A_384 = vector.broadcast %add3A_383 : i32 to vector<16xi32>
            %add3A_385 = arith.addi %add3A_384, %iota3A : vector<16xi32>
            %add3A_386 = arith.constant 256 : i32
            %add3A_387 = vector.broadcast %add3A_386 : i32 to vector<16xi32>
            %add3A_388 = arith.addi %add3A_387, %add3A_385 : vector<16xi32>
            %gather3A_389 = tpu.vector_load_idx %arg10[%broadcast_in_dim3A_306, %add3A_388] : memref<32x512xf32, #tpu.memory_space<vmem>>[vector<16xi32>, vector<16xi32>], vector<16xf32>,
            tpu.vector_store_idx %arg12[%add3A_385, %broadcast_in_dim3A], %gather3A_389 : memref<256x128xf32, #tpu.memory_space<vmem>>[vector<16xi32>, vector<16xi32>], vector<16xf32>,
            %add3A_390 = arith.constant 192 : i32
            %add3A_391 = vector.broadcast %add3A_390 : i32 to vector<16xi32>
            %add3A_392 = arith.addi %add3A_391, %iota3A : vector<16xi32>
            %add3A_393 = arith.constant 256 : i32
            %add3A_394 = vector.broadcast %add3A_393 : i32 to vector<16xi32>
            %add3A_395 = arith.addi %add3A_394, %add3A_392 : vector<16xi32>
            %gather3A_396 = tpu.vector_load_idx %arg10[%broadcast_in_dim3A_306, %add3A_395] : memref<32x512xf32, #tpu.memory_space<vmem>>[vector<16xi32>, vector<16xi32>], vector<16xf32>,
            tpu.vector_store_idx %arg12[%add3A_392, %broadcast_in_dim3A], %gather3A_396 : memref<256x128xf32, #tpu.memory_space<vmem>>[vector<16xi32>, vector<16xi32>], vector<16xf32>,
            %add3A_397 = arith.constant 208 : i32
            %add3A_398 = vector.broadcast %add3A_397 : i32 to vector<16xi32>
            %add3A_399 = arith.addi %add3A_398, %iota3A : vector<16xi32>
            %add3A_400 = arith.constant 256 : i32
            %add3A_401 = vector.broadcast %add3A_400 : i32 to vector<16xi32>
            %add3A_402 = arith.addi %add3A_401, %add3A_399 : vector<16xi32>
            %gather3A_403 = tpu.vector_load_idx %arg10[%broadcast_in_dim3A_306, %add3A_402] : memref<32x512xf32, #tpu.memory_space<vmem>>[vector<16xi32>, vector<16xi32>], vector<16xf32>,
            tpu.vector_store_idx %arg12[%add3A_399, %broadcast_in_dim3A], %gather3A_403 : memref<256x128xf32, #tpu.memory_space<vmem>>[vector<16xi32>, vector<16xi32>], vector<16xf32>,
            %add3A_404 = arith.constant 224 : i32
            %add3A_405 = vector.broadcast %add3A_404 : i32 to vector<16xi32>
            %add3A_406 = arith.addi %add3A_405, %iota3A : vector<16xi32>
            %add3A_407 = arith.constant 256 : i32
            %add3A_408 = vector.broadcast %add3A_407 : i32 to vector<16xi32>
            %add3A_409 = arith.addi %add3A_408, %add3A_406 : vector<16xi32>
            %gather3A_410 = tpu.vector_load_idx %arg10[%broadcast_in_dim3A_306, %add3A_409] : memref<32x512xf32, #tpu.memory_space<vmem>>[vector<16xi32>, vector<16xi32>], vector<16xf32>,
            tpu.vector_store_idx %arg12[%add3A_406, %broadcast_in_dim3A], %gather3A_410 : memref<256x128xf32, #tpu.memory_space<vmem>>[vector<16xi32>, vector<16xi32>], vector<16xf32>,
            %add3A_411 = arith.constant 240 : i32
            %add3A_412 = vector.broadcast %add3A_411 : i32 to vector<16xi32>
            %add3A_413 = arith.addi %add3A_412, %iota3A : vector<16xi32>
            %add3A_414 = arith.constant 256 : i32
            %add3A_415 = vector.broadcast %add3A_414 : i32 to vector<16xi32>
            %add3A_416 = arith.addi %add3A_415, %add3A_413 : vector<16xi32>
            %gather3A_417 = tpu.vector_load_idx %arg10[%broadcast_in_dim3A_306, %add3A_416] : memref<32x512xf32, #tpu.memory_space<vmem>>[vector<16xi32>, vector<16xi32>], vector<16xf32>,
            tpu.vector_store_idx %arg12[%add3A_413, %broadcast_in_dim3A], %gather3A_417 : memref<256x128xf32, #tpu.memory_space<vmem>>[vector<16xi32>, vector<16xi32>], vector<16xf32>,
          }
        }
      } else {
      }
      %mul3A_185 = arith.constant 128 : i32
      %mul3A_186 = arith.muli %add3A_96, %mul3A_185 : i32
      %multiple_of3A_187 = tpu.assume_multiple %mul3A_186, 128 : i32
      %dma_start3A_188 = arith.constant 256 : i32
      %dma_start3A_189 = tpu.memref_slice %arg5[%dma_start3A_188, %multiple_of3A_187] : memref<512x100000xf32, #tpu.memory_space<hbm>> -> memref<256x128xf32, #tpu.memory_space<hbm>>
      %dma_start3A_190 = arith.constant 256 : i32
      %dma_start3A_191 = tpu.memref_slice %arg5[%dma_start3A_190, %multiple_of3A_187] : memref<512x100000xf32, #tpu.memory_space<hbm>> -> memref<256x128xf32, #tpu.memory_space<hbm>>
      tpu.enqueue_dma source(%arg12 : memref<256x128xf32, #tpu.memory_space<vmem>>) target(%dma_start3A_191 : memref<256x128xf32, #tpu.memory_space<hbm>>) target_semaphore(%arg17 : memref<!tpu.dma_semaphore, #tpu.memory_space<semaphore_mem>>)
      %add3A_192 = arith.constant 1 : i32
      %add3A_193 = arith.addi %while3A_94, %add3A_192 : i32
      %lt3A_194 = arith.cmpi slt, %add3A_193, %select_n3A : i32
      %convert_element_type3A_195 = arith.extui %lt3A_194 : i1 to i32
      %cond3A_196 = arith.constant 0 : i32
      %cond3A_197 = arith.cmpi ne, %convert_element_type3A_195, %cond3A_196 : i32
      scf.if %cond3A_197 {
        %mul3A_198 = arith.constant 128 : i32
        %mul3A_199 = arith.muli %add3A_96, %mul3A_198 : i32
        %multiple_of3A_200 = tpu.assume_multiple %mul3A_199, 128 : i32
        %dma_wait3A_201 = arith.constant 0 : i32
        %dma_wait3A_202 = tpu.memref_slice %arg5[%dma_wait3A_201, %multiple_of3A_200] : memref<512x100000xf32, #tpu.memory_space<hbm>> -> memref<256x128xf32, #tpu.memory_space<hbm>>
        %dma_wait3A_203 = arith.constant 0 : i32
        %dma_wait3A_204 = tpu.memref_slice %arg5[%dma_wait3A_203, %multiple_of3A_200] : memref<512x100000xf32, #tpu.memory_space<hbm>> -> memref<256x128xf32, #tpu.memory_space<hbm>>
        tpu.wait_dma2 semaphore(%arg16 : memref<!tpu.dma_semaphore, #tpu.memory_space<semaphore_mem>>) src(%arg11 : memref<256x128xf32, #tpu.memory_space<vmem>>) dst(%dma_wait3A_204 : memref<256x128xf32, #tpu.memory_space<hbm>>)
        %add3A_205 = arith.constant 1 : i32
        %add3A_206 = arith.addi %add3A_96, %add3A_205 : i32
        %mul3A_207 = arith.constant 128 : i32
        %mul3A_208 = arith.muli %add3A_206, %mul3A_207 : i32
        %multiple_of3A_209 = tpu.assume_multiple %mul3A_208, 128 : i32
        %dma_start3A_210 = arith.constant 0 : i32
        %dma_start3A_211 = tpu.memref_slice %arg4[%dma_start3A_210, %multiple_of3A_209] : memref<512x100000xf32, #tpu.memory_space<hbm>> -> memref<256x128xf32, #tpu.memory_space<hbm>>
        %dma_start3A_212 = arith.constant 0 : i32
        %dma_start3A_213 = tpu.memref_slice %arg4[%dma_start3A_212, %multiple_of3A_209] : memref<512x100000xf32, #tpu.memory_space<hbm>> -> memref<256x128xf32, #tpu.memory_space<hbm>>
        tpu.enqueue_dma source(%dma_start3A_213 : memref<256x128xf32, #tpu.memory_space<hbm>>) target(%arg11 : memref<256x128xf32, #tpu.memory_space<vmem>>) target_semaphore(%arg14 : memref<!tpu.dma_semaphore, #tpu.memory_space<semaphore_mem>>)
        %mul3A_214 = arith.constant 128 : i32
        %mul3A_215 = arith.muli %add3A_96, %mul3A_214 : i32
        %multiple_of3A_216 = tpu.assume_multiple %mul3A_215, 128 : i32
        %dma_wait3A_217 = arith.constant 256 : i32
        %dma_wait3A_218 = tpu.memref_slice %arg5[%dma_wait3A_217, %multiple_of3A_216] : memref<512x100000xf32, #tpu.memory_space<hbm>> -> memref<256x128xf32, #tpu.memory_space<hbm>>
        %dma_wait3A_219 = arith.constant 256 : i32
        %dma_wait3A_220 = tpu.memref_slice %arg5[%dma_wait3A_219, %multiple_of3A_216] : memref<512x100000xf32, #tpu.memory_space<hbm>> -> memref<256x128xf32, #tpu.memory_space<hbm>>
        tpu.wait_dma2 semaphore(%arg17 : memref<!tpu.dma_semaphore, #tpu.memory_space<semaphore_mem>>) src(%arg12 : memref<256x128xf32, #tpu.memory_space<vmem>>) dst(%dma_wait3A_220 : memref<256x128xf32, #tpu.memory_space<hbm>>)
        %add3A_221 = arith.constant 1 : i32
        %add3A_222 = arith.addi %add3A_96, %add3A_221 : i32
        %mul3A_223 = arith.constant 128 : i32
        %mul3A_224 = arith.muli %add3A_222, %mul3A_223 : i32
        %multiple_of3A_225 = tpu.assume_multiple %mul3A_224, 128 : i32
        %dma_start3A_226 = arith.constant 256 : i32
        %dma_start3A_227 = tpu.memref_slice %arg4[%dma_start3A_226, %multiple_of3A_225] : memref<512x100000xf32, #tpu.memory_space<hbm>> -> memref<256x128xf32, #tpu.memory_space<hbm>>
        %dma_start3A_228 = arith.constant 256 : i32
        %dma_start3A_229 = tpu.memref_slice %arg4[%dma_start3A_228, %multiple_of3A_225] : memref<512x100000xf32, #tpu.memory_space<hbm>> -> memref<256x128xf32, #tpu.memory_space<hbm>>
        tpu.enqueue_dma source(%dma_start3A_229 : memref<256x128xf32, #tpu.memory_space<hbm>>) target(%arg12 : memref<256x128xf32, #tpu.memory_space<vmem>>) target_semaphore(%arg15 : memref<!tpu.dma_semaphore, #tpu.memory_space<semaphore_mem>>)
      } else {
      }
      scf.yield %while3A_108 : i32
    }
    %add3A_75 = arith.addi %add3A_4, %select_n3A : i32
    %sub3A_76 = arith.constant 1 : i32
    %sub3A_77 = arith.subi %add3A_75, %sub3A_76 : i32
    %mul3A_78 = arith.constant 128 : i32
    %mul3A_79 = arith.muli %sub3A_77, %mul3A_78 : i32
    %multiple_of3A_80 = tpu.assume_multiple %mul3A_79, 128 : i32
    %dma_wait3A = arith.constant 0 : i32
    %dma_wait3A_81 = tpu.memref_slice %arg5[%dma_wait3A, %multiple_of3A_80] : memref<512x100000xf32, #tpu.memory_space<hbm>> -> memref<256x128xf32, #tpu.memory_space<hbm>>
    %dma_wait3A_82 = arith.constant 0 : i32
    %dma_wait3A_83 = tpu.memref_slice %arg5[%dma_wait3A_82, %multiple_of3A_80] : memref<512x100000xf32, #tpu.memory_space<hbm>> -> memref<256x128xf32, #tpu.memory_space<hbm>>
    tpu.wait_dma2 semaphore(%arg16 : memref<!tpu.dma_semaphore, #tpu.memory_space<semaphore_mem>>) src(%arg11 : memref<256x128xf32, #tpu.memory_space<vmem>>) dst(%dma_wait3A_83 : memref<256x128xf32, #tpu.memory_space<hbm>>)
    %add3A_84 = arith.addi %add3A_4, %select_n3A : i32
    %sub3A_85 = arith.constant 1 : i32
    %sub3A_86 = arith.subi %add3A_84, %sub3A_85 : i32
    %mul3A_87 = arith.constant 128 : i32
    %mul3A_88 = arith.muli %sub3A_86, %mul3A_87 : i32
    %multiple_of3A_89 = tpu.assume_multiple %mul3A_88, 128 : i32
    %dma_wait3A_90 = arith.constant 256 : i32
    %dma_wait3A_91 = tpu.memref_slice %arg5[%dma_wait3A_90, %multiple_of3A_89] : memref<512x100000xf32, #tpu.memory_space<hbm>> -> memref<256x128xf32, #tpu.memory_space<hbm>>
    %dma_wait3A_92 = arith.constant 256 : i32
    %dma_wait3A_93 = tpu.memref_slice %arg5[%dma_wait3A_92, %multiple_of3A_89] : memref<512x100000xf32, #tpu.memory_space<hbm>> -> memref<256x128xf32, #tpu.memory_space<hbm>>
    tpu.wait_dma2 semaphore(%arg17 : memref<!tpu.dma_semaphore, #tpu.memory_space<semaphore_mem>>) src(%arg12 : memref<256x128xf32, #tpu.memory_space<vmem>>) dst(%dma_wait3A_93 : memref<256x128xf32, #tpu.memory_space<hbm>>)
    return
  }
}

</mosaic_0001>

<sc_bundles>
// kernel: kernel.3.cloned.1.call-start
scs
__scs_entry_jumppad:
0x0: {  	(pc) =	sbr.rel $0x88, $3  }
0x1: {  	(tag) =	ssettag $0x0;
	lr =	simm.s32 $0x1  }
0x2: {  	[smem:$0x3F9E] =	sst lr;
	_ =	strace $0xD0000000  }
0x3: {  	_ = 	snop  }
0x4: {  	_ = 	snop  }
0x5: {  	_ = 	snop  }
0x6: {  	_ = 	snop  }
0x7: {  	_ = 	snop  }
__scs_overlays_trampoline_lowered:
0x8: {  	[smem:$0x3FAD] =	sst s0  }
0x9: {  	[smem:$0x3FAE] =	sst s1  }
0xa: {  	[smem:$0x3FAF] =	sst s2  }
0xb: {  	[smem:$0x3FB0] =	sst s3  }
0xc: {  	[smem:$0x3FB1] =	sst s4  }
0xd: {  	[smem:$0x3FB2] =	sst s5  }
0xe: {  	[smem:$0x3FB3] =	sst s6  }
0xf: {  	[smem:$0x3FB4] =	sst s7  }
0x10: {  	[smem:$0x3FB5] =	sst s8  }
0x11: {  	[smem:$0x3FB6] =	sst s9;
	s0 =	simm.s32 @!p0 $0x0  }
0x12: {  	s1 =	sld [smem:$0x3F9C];
	s0 =	simm.s32 @p0 $0x1  }
0x13: {  	[smem:$0x3FB7] =	sst s0;
	s0 =	simm.s32 @!p1 $0x0  }
0x14: {  	s2 =	sld [smem:$0x3F9B];
	s0 =	simm.s32 @p1 $0x1  }
0x15: {  	[smem:$0x3FB8] =	sst s0;
	s0 =	simm.s32 @!p2 $0x0  }
0x16: {  	s3 =	sld [smem:$0x3FDB];
	s0 =	simm.s32 @p2 $0x1  }
0x17: {  	s4 =	simm.s32 $0x1BF5;
	[smem:$0x3FBA] =	sst s0  }
0x18: {  	s0 =	sld [smem:$0x3F9D];
	_ =	swait.ge [sflag:s4], $0x0  }
0x19: {  	s7 =	sld [smem:$0x3F9E]  }
0x1a: {  	s8 =	sadd.s32 $0xFFFFE003, lr  }
0x1b: {  	s9 =	sadd.s32 $0xFFFFFEF7, lr;
	s5 =	simm.s32 $0xFFFFFFFF;
	p2 =	slt.u32 s8, $0xFFFFF086  }
0x1c: {  	p1 =	slt.u32 s9, $0xF7A;
	s5 =	simm.s32 @!p2 $0x0  }
0x1d: {  	s5 =	simm.s32 @p1 $0x1;
	p0 =	seq.s32 s7, s2  }
0x1e: {  	s7 =	smul.u32 @!p0 $0xF7A, s2;
	p2 =	seq.s32 @!p0 s5, $0x0  }
0x1f: {  	s9 =	smul.u32 $0xF7A, s1;
	s8 =	simm.s32 @!p0 $0x1BF5;
	p2 =	por !p2, p0  }
0x20: {  	[sflag:s8] =	ssyncset.s32 @!p0 $0xFFFFF086;
	s6 =	sadd.s32 @!p0 s3, s7;
	s7 =	simm.s32 @!p0 $0x108  }
0x21: {  	s3 =	sadd.s32 s3, s9;
	s6 =	sadd.s32 @!p0 $0x88, s6;
	s7 =	simm.s32 @p2 $0x1082  }
0x22: {  	[simem:s7], [sflag:s8] =	dma.local @!p0 [hbm:s6], $0xF7A  }
0x23: {  	s9 =	sor.u32 $0xD0000000, s2;
	s6 =	simm.s32 $0x108;
	_ =	swait.ge @!p0 [sflag:s8], $0x0  }
0x24: {  	s3 =	sadd.s32 $0x88, s3;
	s6 =	simm.s32 @!p1 $0x1082;
	[sflag:s4] =	ssyncset.s32 $0xFFFFF086  }
0x25: {  	[simem:s6], [sflag:s4] =	dma.local [hbm:s3], $0xF7A  }
0x26: {  	[smem:$0x3F9E] =	sst s1;
	(tag) =	ssettag s2;
	_ =	strace s9  }
0x27: {  	s1 =	sld [smem:$0x3FAE]  }
0x28: {  	s2 =	sld [smem:$0x3FAF]  }
0x29: {  	s4 =	sld [smem:$0x3FB1]  }
0x2a: {  	p0 =	seq.s32 s5, $0x0;
	s5 =	sld [smem:$0x3FB2]  }
0x2b: {  	s6 =	sld [smem:$0x3FB3]  }
0x2c: {  	s7 =	sld [smem:$0x3FB4]  }
0x2d: {  	s3 =	simm.s32 $0x108;
	s8 =	sld [smem:$0x3FB5]  }
0x2e: {  	s3 =	simm.s32 @!p0 $0x1082;
	s9 =	sld [smem:$0x3FB6]  }
0x2f: {  	lr =	sadd.s32 s0, s3;
	s0 =	sld [smem:$0x3FAD]  }
0x30: {  	s3 =	sld [smem:$0x3FB0]  }
0x31: {  	[smem:$0x3FB9] =	sst s10  }
0x32: {  	s10 =	sld [smem:$0x3FB7];
	_ =	sdelay $0x3  }
0x33: {  	p0 =	seq.s32 s10, $0x1;
	s10 =	sld [smem:$0x3FB9];
	_ =	sdelay $0x3  }
0x34: {  	[smem:$0x3FB9] =	sst s10  }
0x35: {  	s10 =	sld [smem:$0x3FB8];
	_ =	sdelay $0x3  }
0x36: {  	p1 =	seq.s32 s10, $0x1;
	s10 =	sld [smem:$0x3FB9];
	_ =	sdelay $0x3  }
0x37: {  	[smem:$0x3FB9] =	sst s10  }
0x38: {  	s10 =	sld [smem:$0x3FBA]  }
0x39: {  	_ = 	snop;
	(pc) =	sbr.ind lr, $3  }
0x3a: {  	_ = 	snop  }
0x3b: {  	_ = 	snop  }
0x3c: {  	p2 =	seq.s32 s10, $0x1;
	s10 =	sld [smem:$0x3FB9]  }
0x3d: {  	_ =	shalt  }
0x3e: {  	_ =	shalt  }
0x3f: {  	_ =	shalt  }
0x40: {  	_ =	shalt  }
0x41: {  	_ =	shalt  }
0x42: {  	_ =	shalt  }
0x43: {  	_ =	shalt  }
0x44: {  	_ =	shalt  }
0x45: {  	_ =	shalt  }
0x46: {  	_ =	shalt  }
0x47: {  	_ =	shalt  }
0x48: {  	_ =	shalt  }
0x49: {  	_ =	shalt  }
0x4a: {  	_ =	shalt  }
0x4b: {  	_ =	shalt  }
0x4c: {  	_ =	shalt  }
0x4d: {  	_ =	shalt  }
0x4e: {  	_ =	shalt  }
0x4f: {  	_ =	shalt  }
0x50: {  	_ =	shalt  }
0x51: {  	_ =	shalt  }
0x52: {  	_ =	shalt  }
0x53: {  	_ =	shalt  }
0x54: {  	_ =	shalt  }
0x55: {  	_ =	shalt  }
0x56: {  	_ =	shalt  }
0x57: {  	_ =	shalt  }
0x58: {  	_ =	shalt  }
0x59: {  	_ =	shalt  }
0x5a: {  	_ =	shalt  }
0x5b: {  	_ =	shalt  }
0x5c: {  	_ =	shalt  }
0x5d: {  	_ =	shalt  }
0x5e: {  	_ =	shalt  }
0x5f: {  	_ =	shalt  }
0x60: {  	_ =	shalt  }
0x61: {  	_ =	shalt  }
0x62: {  	_ =	shalt  }
0x63: {  	_ =	shalt  }
0x64: {  	_ =	shalt  }
0x65: {  	_ =	shalt  }
0x66: {  	_ =	shalt  }
0x67: {  	_ =	shalt  }
0x68: {  	_ =	shalt  }
0x69: {  	_ =	shalt  }
0x6a: {  	_ =	shalt  }
0x6b: {  	_ =	shalt  }
0x6c: {  	_ =	shalt  }
0x6d: {  	_ =	shalt  }
0x6e: {  	_ =	shalt  }
0x6f: {  	_ =	shalt  }
0x70: {  	_ =	shalt  }
0x71: {  	_ =	shalt  }
0x72: {  	_ =	shalt  }
0x73: {  	_ =	shalt  }
0x74: {  	_ =	shalt  }
0x75: {  	_ =	shalt  }
0x76: {  	_ =	shalt  }
0x77: {  	_ =	shalt  }
0x78: {  	_ =	shalt  }
0x79: {  	_ =	shalt  }
0x7a: {  	_ =	shalt  }
0x7b: {  	_ =	shalt  }
0x7c: {  	_ =	shalt  }
0x7d: {  	_ =	shalt  }
0x7e: {  	_ =	shalt  }
0x7f: {  	_ =	shalt  }
0x80: {  	_ =	shalt  }
0x81: {  	_ =	shalt  }
0x82: {  	_ =	shalt  }
0x83: {  	_ =	shalt  }
0x84: {  	_ =	shalt  }
0x85: {  	_ =	shalt  }
0x86: {  	_ =	shalt  }
0x87: {  	_ =	shalt  }
.Lfunc_end0:
.L_simem_size_0:
called_computation_lowered:
.L_overlay_start_0:
0x88: {  	s2 =	sld [smem:$0x3FD9]  }
0x89: {  	s3 =	sld [smem:$0x3FFE];
	_ =	sdelay $0x1  }
0x8a: {  	s1 =	srdreg.scid  }
0x8b: {  	s0 =	sand.u32 $0x1, s1  }
0x8c: {  	s17 =	sshll.u32 s0, $0xA;
	s2 =	sadd.s32 s3, s2  }
0x8d: {  	s2 =	sadd.s32 s2, s17  }
0x8e: {  	[smem:$0x3FC5] =	sst s2  }
0x8f: {  	_ = 	snop  }
0x90: {  	s2 =	sld [smem:$0x3FC9]  }
0x91: {  	s18 =	sld [smem:$0x3FC8]  }
0x92: {  	s4 =	sld [smem:$0x3FD0];
	(tm) =	ssettm $0x1  }
0x93: {  	s5 =	sld [smem:$0x3FFB];
	_ =	sdelay $0x3  }
0x94: {  	_ =	strace s5  }
0x95: {  	s5 =	sld [smem:$0x3FFC];
	_ =	sdelay $0x3  }
0x96: {  	_ =	strace s5  }
0x97: {  	s5 =	sld [smem:$0x3FFD];
	_ =	sdelay $0x3  }
0x98: {  	_ =	strace s5  }
0x99: {  	_ =	strace $0x8FFFFFFF  }
0x9a: {  	s19 =	sld [smem:$0x3FDB];
	_ =	sdelay $0x1  }
0x9b: {  	s6 =	simm.s32 $_scs_section_size  }
0x9c: {  	s7 =	simm.s32 $_size__tile_overlayer_lowered;
	s8 =	simm.s32 $_tile_overlayer_lowered  }
0x9d: {  	s22 =	simm.s32 $0x1BFF;
	s21 =	sshll.u32 s8, $0x1;
	s5 =	sadd.s32 s6, s19  }
0x9e: {  	s9 =	simm.s32 $0x0;
	s20 =	sshll.u32 s7, $0x1;
	s7 =	sadd.s32 s21, s5  }
0x9f: {  	[timem:s9], [sflag:s22] =	dma.local [hbm:s7], s20  }
0xa0: {  	_ =	swait.ge [sflag:s22], s20  }
0xa1: {  	s6 =	ssub.s32 $0x0, s20;
	[sflag:s22] =	ssyncset.done $0x0  }
0xa2: {  	[sflag:s22] =	ssyncadd.s32 s6;
	_ =	sdelay $0x1  }
0xa3: {  	s23 =	simm.s32 $0x1B8B  }
0xa4: {  	_ =	swait.ge [sflag:s23], $0x1  }
0xa5: {  	[sflag:s23] =	ssyncset.done $0x0  }
0xa6: {  	s25 =	simm.s32 $0x1B8E;
	s24 =	sld [smem:$0x3FFE];
	[sflag:s23] =	ssyncadd.s32 $0xFFFFFFFF  }
0xa7: {  	s26 =	simm.s32 $execute0_lowered;
	[smem:$0x3FD2] =	sst s25  }
0xa8: {  	s7 =	sshll.u32 s26, $0x1;
	_ =	strace $0x80000046;
	[dreg:$0x1] =	wrdreg $0xFFFFFFFF  }
0xa9: {  	s28 =	simm.s32 $_size_execute0_lowered;
	s5 =	sadd.s32 s5, s7;
	[dreg:$0x0] =	wrdreg $0x0  }
0xaa: {  	s7 =	sshll.u32 s28, $0x1;
	[dreg:$0x2] =	wrdreg s5  }
0xab: {  	[dreg:$0x3] =	wrdreg s7  }
0xac: {  	[dreg:$0x4] =	wrdreg $0xC0  }
0xad: {  	_ =	task [dreg:s9], $0x5FFFF  }
0xae: {  	[dreg:$0x1] =	wrdreg $0xFFFFFFFF  }
0xaf: {  	[dreg:$0x0] =	wrdreg $0x60  }
0xb0: {  	[dreg:$0x2] =	wrdreg s18  }
0xb1: {  	[dreg:$0x3] =	wrdreg s24  }
0xb2: {  	[dreg:$0x4] =	wrdreg s2  }
0xb3: {  	[dreg:$0x5] =	wrdreg s4  }
0xb4: {  	[dreg:$0x6] =	wrdreg $0x9  }
0xb5: {  	_ =	task.clear_ibuf [dreg:s9], $0x7FFFF;
	_ =	strace $0x90000046  }
0xb6: {  	s29 =	simm.s32 $0x9;
	_ =	strace $0x80000048  }
0xb7: {  	_ =	swait.ge [sflag:s29], $0x1  }
0xb8: {  	[sflag:s29] =	ssyncadd.s32 $0xFFFFFFFF  }
0xb9: {  	_ =	strace $0x90000048  }
0xba: {  	_ =	sfence  }
0xbb: {  	s30 =	sld [smem:$0x0];
	_ =	sdelay $0x2  }
0xbc: {  	s31 =	sshll.u32 s1, $0xD;
	s1 =	sshrl.u32 s1, $0x2  }
0xbd: {  	s3 =	sand.u32 $0x4000, s31;
	s1 =	sadd.s32 s1, s30  }
0xbe: {  	s0 =	sor.u32 s3, s0;
	s1 =	sshll.u32 s1, $0x11  }
0xbf: {  	s0 =	sor.u32 s1, s0  }
0xc0: {  	s0 =	sadd.s32 $0x8F2B, s0  }
0xc1: {  	[sflag:s0] =	ssyncadd.remote.s32 $0x1  }
0xc2: {  	_ =	sfence.sel $0xFFFF  }
0xc3: {  	[dreg:$0x0] =	wrdreg $0xFFFFFFFF;
	(pc) =	sbr.abs _section_cstart, $3  }
0xc4: {  	[dreg:$0x1] =	wrdreg $0xFFFFFFFF  }
0xc5: {  	_ =	task.clear_ibuf [dreg:s9], $0x2FFFF;
	_ =	strace $0x9FFFFFFF  }
0xc6: {  	(tm) =	ssettm $0x7FFFFFFF  }
0xc7: {  	_ =	shalt  }
tec
execute0_lowered:
.L_overlay_start_1:
0x0: {  	(tag) =	ssettag $0x1  }
0x1: {  	v2 =	vimm.s32 $0xFFFFFFFF  }
0x2: {  	v3 =	vlaneseq.u32;
	v4 =	vimm.f32 $0.0e+00;
	vm0 =	vmmov $0xffff  }
0x3: {  	s0 =	srdreg.scid;
	v5 =	vmul.u32 $0x4000, v3;
	v7 =	vshrl.u32 v3, $0x3;
	v6 =	vand.u32 $0x7, v3  }
0x4: {  	s5 =	stileid.u32;
	s3 =	simm.s32 $0x19;
	s25 =	rddreg [dreg:$0x1];
	v8 =	vmul.u32 $0x80, v3;
	v9 =	vor.u32 $0x8, v3;
	v10 =	vor.u32 $0x10, v3  }
0x5: {  	s7 =	rddreg [dreg:$0x2];
	s9 =	simm.s32 $0x0;
	s15 =	simm.s32 $0x4000;
	v12 =	vor.u32 $0x20, v3;
	v14 =	vor.u32 $0x30, v3;
	v16 =	vor.u32 $0x40, v3  }
0x6: {  	s16 =	simm.s32 $0x1;
	s19 =	simm.s32 $0x9A00;
	s20 =	simm.s32 $0x11A00;
	v18 =	vor.u32 $0x50, v3;
	v20 =	vor.u32 $0x60, v3;
	v22 =	vor.u32 $0x70, v3  }
0x7: {  	s22 =	simm.s32 $0x5A00;
	s23 =	simm.s32 $0x6200;
	s28 =	simm.s32 $0x8200;
	v24 =	vor.u32 $0x400, v3;
	v26 =	vor.u32 $0x410, v3;
	v28 =	vor.u32 $0x420, v3  }
0x8: {  	s29 =	simm.s32 $0x8A00;
	s30 =	simm.s32 $0x9200;
	s0 =	sand.u32 $0x1, s0;
	v30 =	vor.u32 $0x430, v3;
	v32 =	vor.u32 $0x440, v3;
	v34 =	vor.u32 $0x450, v3  }
0x9: {  	s1 =	sshll.u32 s5, $0x1;
	p0 =	slt.u32 s5, $0x7;
	[smem:$0x7FF] =	sst s9;
	v36 =	vor.u32 $0x460, v3;
	v38 =	vor.u32 $0x470, v3;
	v40 =	vor.u32 $0x800, v3  }
0xa: {  	s5 =	smul.u32 $0x30, s5;
	s8 =	sadd.s32 $0x400, s25;
	v41 =	vor.u32 $0x810, v3;
	v42 =	vor.u32 $0x820, v3;
	v43 =	vor.u32 $0x830, v3;
	s1 =	sor.u32 s0, s1  }
0xb: {  	s11 =	sadd.s32 $0x500, s25;
	v44 =	vor.u32 $0x840, v3;
	v45 =	vor.u32 $0x850, v3;
	v46 =	vor.u32 $0x860, v3;
	s25 =	simm.s32 $0x7200;
	s2 =	smul.u32 $0x18, s1  }
0xc: {  	v47 =	vor.u32 $0x870, v3;
	v48 =	vor.u32 $0xC00, v3;
	v49 =	vor.u32 $0xC10, v3;
	s3 =	simm.s32 @!p0 $0x18;
	s26 =	ssub.s32 $0x2, s0;
	s1 =	smin.u32 s1, $0xE  }
0xd: {  	v50 =	vor.u32 $0xC20, v3;
	v51 =	vor.u32 $0xC30, v3;
	v52 =	vor.u32 $0xC40, v3;
	s0 =	smul.u32 $0x18, s0;
	[dreg:$0x5] =	wrdreg s3;
	s4 =	sadd.s32 s1, s2  }
0xe: {  	v53 =	vor.u32 $0xC50, v3;
	v54 =	vor.u32 $0xC60, v3;
	v55 =	vor.u32 $0xC70, v3;
	s6 =	sshrl.u32 s26, $0x1;
	s1 =	sor.u32 s5, s1;
	s2 =	sadd.s32 s3, s4  }
0xf: {  	v7 =	vmul.u32 $0x8, v7;
	v11 =	vor.u32 $0x800, v8;
	v13 =	vor.u32 $0x1000, v8;
	[dreg:$0x6] =	wrdreg s4;
	s24 =	sshll.u32 s4, $0x7;
	s4 =	ssub.s32 s26, s6  }
.Ltmp0:
0x10: {  	v15 =	vor.u32 $0x1800, v8;
	v17 =	vor.u32 $0x2000, v8;
	v19 =	vor.u32 $0x2800, v8;
	s0 =	sadd.s32 s0, s1;
	s3 =	sadd.s32 s7, s24;
	(pc) =	sbr.rel .LBB2_1-.Ltmp0, $4  }
0x11: {  	v21 =	vor.u32 $0x3000, v8;
	v23 =	vor.u32 $0x3800, v8;
	v25 =	vor.u32 $0x4000, v8;
	_ =	strace $0x80000047;
	s31 =	smax.u32 s4, $0x1;
	[dreg:$0x8] =	wrdreg s3  }
0x12: {  	v27 =	vor.u32 $0x4800, v8;
	v29 =	vor.u32 $0x5000, v8;
	v31 =	vor.u32 $0x5800, v8;
	s2 =	sshll.u32 s2, $0x7;
	s0 =	sshll.u32 s0, $0x7;
	[dreg:$0xa] =	wrdreg s31  }
0x13: {  	v33 =	vor.u32 $0x6000, v8;
	v35 =	vor.u32 $0x6800, v8;
	v37 =	vor.u32 $0x7000, v8;
	s2 =	smin.u32 s2, $0x186A0;
	s3 =	sadd.s32 $0x30E000, s3;
	[dreg:$0xb] =	wrdreg s0  }
0x14: {  	v39 =	vor.u32 $0x7800, v8;
	s26 =	simm.s32 $0x7A00;
	v0 =	vmov s24;
	s24 =	simm.s32 $0x6A00;
	v1 =	vmov s2;
	[dreg:$0x9] =	wrdreg s3  }
.LBB2_43:
0x15: {  	s0 =	simm.s32 $0x4  }
0x16: {  	_ =	swait.ge [sflag:s0], $0x8000  }
0x17: {  	[sflag:s0] =	ssyncset.done $0x0  }
0x18: {  	s1 =	simm.s32 $0x5;
	[sflag:s0] =	ssyncadd.s32 $0xFFFF8000  }
0x19: {  	_ =	swait.ge [sflag:s1], $0x8000  }
0x1a: {  	s9 =	rddreg [dreg:$0x7]  }
0x1b: {  	s31 =	rddreg [dreg:$0xa];
	s9 =	sadd.s32 $0x1, s9  }
0x1c: {  	p0 =	sne.s32 s9, s31  }
.Ltmp1:
0x1d: {  	_ = 	snop;
	(pc) =	sbr.rel @!p0 .LBB2_44-.Ltmp1, $3  }
0x1e: {  	_ =	sdelay $0x1  }
0x1f: {  	[sflag:s1] =	ssyncset.done $0x0  }
0x20: {  	[sflag:s1] =	ssyncadd.s32 $0xFFFF8000  }
.LBB2_1:
0x21: {  	s0 =	simm.s32 $0x40;
	s1 =	simm.s32 $0x0  }
.LBB2_2:
0x22: {  	p0 =	sne.s32 s0, $0x31C0;
	[tilespmem:s1+$0x4000] =	vst v2;
	s1 =	smov.u32 s0;
	s0 =	sadd.s32 $0x40, s0  }
.Ltmp2:
0x23: {  	(pc) =	sbr.rel @p0 .LBB2_2-.Ltmp2, $2  }
0x24: {  	_ =	sdelay $0x2  }
0x25: {  	s1 =	sshra.s32 s1, $0x2  }
0x26: {  	s0 =	simm.s32 $0x0  }
.Ltmp3:
0x27: {  	[tilespmem:s1+$0x4000] =	vst v2;
	s21 =	rddreg [dreg:$0x0];
	s31 =	simm.s32 $0x6;
	(pc) =	sbr.rel .LBB2_4-.Ltmp3, $4  }
0x28: {  	[tilespmem:s0], [sflag:$0x6] =	stream.linear.gather [hbm4b:s21+s0], $0x4000, $0x38;
	[tilespmem:$0x19A00] =	vst v63  }
0x29: {  	_ =	swait.ge [sflag:s31], $0x4000  }
0x2a: {  	[sflag:s31] =	ssyncset.done $0x0  }
0x2b: {  	[sflag:s31] =	ssyncadd.s32 $0xFFFFC000  }
.LBB2_6:
0x2c: {  	s0 =	sadd.s32 $0x1, s0  }
0x2d: {  	p0 =	sne.s32 s0, $0x400  }
.Ltmp4:
0x2e: {  	_ = 	snop;
	(pc) =	sbr.rel @!p0 .LBB2_7-.Ltmp4, $1  }
0x2f: {  	_ =	sdelay $0x3  }
.LBB2_4:
0x30: {  	s1 =	sshll.u32 s0, $0x4  }
0x31: {  	v56 =	vld [tilespmem:s1+$0x0];
	_ =	sdelay $0x4  }
0x32: {  	vm1 =	vge.s32 v56, v0;
	vm2 =	vlt.s32 v56, v1  }
0x33: {  	vm1 =	vmand vm1, vm2  }
0x34: {  	v57 =	vsel vm1, $0x3F800000, v4  }
0x35: {  	(xrf0) =	vmax.scan.msk.f32 $0xffff, v57;
	_ =	sdelay $0x5  }
0x36: {  	v57, _, _ =	vpop (xrf0)  }
0x37: {  	(v2sf) =	vpush v57, $0xF;
	_ =	sdelay $0xc  }
0x38: {  	v56 =	vsub.s32 v56, v0  }
0x39: {  	vm2 =	vgt.s32 v56, $0x0  }
0x3a: {  	v56 =	vnsel vm2, $0x0, v56;
	s2 =	spop (v2sf)  }
0x3b: {  	v56 =	vmin.u32 v56, $0xC7F;
	p0 =	sgt.f32 s2, $0.0e+00  }
.Ltmp5:
0x3c: {  	_ = 	snop;
	(pc) =	sbr.rel @!p0 .LBB2_6-.Ltmp5, $3  }
0x3d: {  	_ =	sdelay $0x1  }
0x3e: {  	v57 =	vor.u32 s1, v3  }
0x3f: {  	[tilespmem:v56+s15+$0x0] =	vst.idx.msk vm1, v57  }
.LBB2_5:
0x40: {  	v58 =	vld.idx.msk [tilespmem:v56+s15+$0x0], vm1;
	_ =	sdelay $0x4  }
0x41: {  	vm2 =	vlt.s32 v58, v57  }
0x42: {  	vm2 =	vmand vm1, vm2  }
0x43: {  	v63 =	vsel vm2, $0x3F800000, v4  }
0x44: {  	(xrf0) =	vmax.scan.msk.f32 $0xffff, v63;
	_ =	sdelay $0x5  }
0x45: {  	v58, _, _ =	vpop (xrf0)  }
0x46: {  	(v2sf) =	vpush v58, $0xF;
	_ =	sdelay $0xe  }
0x47: {  	s1 =	spop (v2sf)  }
0x48: {  	p0 =	sgt.f32 s1, $0.0e+00  }
.Ltmp6:
0x49: {  	_ = 	snop;
	(pc) =	sbr.rel @p0 .LBB2_5-.Ltmp6, $2  }
0x4a: {  	_ =	sdelay $0x2  }
0x4b: {  	[tilespmem:v56+s15+$0x0] =	vst.idx.msk vm2, v57  }
.Ltmp7:
0x4c: {  	_ = 	snop;
	(pc) =	sbr.rel .LBB2_6-.Ltmp7, $1  }
0x4d: {  	_ =	sdelay $0x3  }
.LBB2_7:
0x4e: {  	s0 =	simm.s32 $0x0  }
0x4f: {  	v56 =	vld [tilespmem:s0+$0x4000];
	_ =	sdelay $0x4  }
0x50: {  	vm1 =	vgt.s32 v56, $0xFFFFFFFF  }
0x51: {  	v58 =	vmpcnt.ones.xlane vm1;
	_ =	sdelay $0x1  }
0x52: {  	(v2sf) =	vpush v58, $0x0;
	_ =	sdelay $0x1  }
0x53: {  	s1 =	rddreg [dreg:$0xb]  }
0x54: {  	v57 =	vmov s1  }
0x55: {  	v57 =	vshll.u32 v57, $0xE  }
0x56: {  	v57 =	vor.u32 v5, v57  }
0x57: {  	s0 =	simm.s32 $0x0;
	v56 =	vor.u32 v57, v56  }
0x58: {  	[dreg:$0x7] =	wrdreg s9;
	s3 =	simm.s32 $0x10;
	s2 =	simm.s32 $0x80;
	[tilespmem:s0+$0x4C80] =	vst.msk vm1, v56  }
.LBB2_8:
0x59: {  	p0 =	sne.s32 s2, $0x31C0;
	v56 =	vld [tilespmem:s3+$0x4000]  }
0x5a: {  	s1 =	sadd.s32 $0x10, s1  }
0x5b: {  	v57 =	vmov s1  }
0x5c: {  	v57 =	vshll.u32 v57, $0xE  }
0x5d: {  	v57 =	vor.u32 v5, v57  }
0x5e: {  	vm1 =	vgt.s32 v56, $0xFFFFFFFF;
	v56 =	vor.u32 v57, v56  }
0x5f: {  	v57 =	vmpcnt.ones.xlane vm1  }
0x60: {  	s3 =	spop (v2sf)  }
0x61: {  	(v2sf) =	vpush v57, $0x0;
	s0 =	sadd.s32 s0, s3  }
0x62: {  	[tilespmem:s0+$0x4C80] =	vst.msk vm1, v56;
	_ =	sdelay $0x1  }
.Ltmp8:
0x63: {  	(pc) =	sbr.rel @p0 .LBB2_8-.Ltmp8, $2  }
0x64: {  	_ =	sdelay $0x2  }
0x65: {  	s3 =	sshra.s32 s2, $0x2;
	s2 =	sadd.s32 $0x40, s2  }
0x66: {  	v56 =	vld [tilespmem:s3+$0x4000];
	_ =	sdelay $0x4  }
0x67: {  	vm1 =	vgt.s32 v56, $0xFFFFFFFF  }
0x68: {  	v57 =	vmpcnt.ones.xlane vm1;
	_ =	sdelay $0x1  }
0x69: {  	(v2sf) =	vpush v57, $0x0;
	_ =	sdelay $0x5  }
0x6a: {  	s1 =	sadd.s32 $0x10, s1  }
0x6b: {  	v63 =	vmov s1  }
0x6c: {  	v57 =	vshll.u32 v63, $0xE  }
0x6d: {  	s2 =	spop (v2sf);
	v57 =	vor.u32 v5, v57  }
0x6e: {  	s0 =	sadd.s32 s0, s2;
	v56 =	vor.u32 v57, v56  }
0x6f: {  	s21 =	rddreg [dreg:$0x8];
	s4 =	simm.s32 $0x400;
	s5 =	simm.s32 $0xC3800;
	[tilespmem:s0+$0x4C80] =	vst.msk vm1, v56  }
0x70: {  	[tilespmem:s19], [sflag:$0x2] =	stream.strided.gather [hbm4b:s21+s4], $0x8000, s5, s4, $0x38;
	[tilespmem:$0x19A00] =	vst v63  }
0x71: {  	s31 =	rddreg [dreg:$0x9]  }
0x72: {  	[tilespmem:s20], [sflag:$0x3] =	stream.strided.gather [hbm4b:s31+s4], $0x8000, s5, s4, $0x38;
	[tilespmem:$0x19A00] =	vst v63  }
0x73: {  	s12 =	spop (v2sf)  }
0x74: {  	s2 =	sadd.s32 s0, s12  }
0x75: {  	s13 =	sadd.s32 $0xF, s2  }
0x76: {  	s14 =	sand.u32 $0xF, s13  }
0x77: {  	s17 =	sshra.s32 s13, $0x1F;
	p1 =	slt.s32 s13, $0x1;
	p0 =	sne.s32 s14, $0x0  }
.Ltmp9:
0x78: {  	s3 =	sshrl.u32 s17, $0x1C;
	p0 =	por !p1, !p0;
	(pc) =	sbr.rel .LBB2_10-.Ltmp9, $4  }
0x79: {  	s1 =	simm.s32 $0x1;
	s18 =	sadd.s32 s3, s13;
	p0 =	por !p0, !p0  }
0x7a: {  	s0 =	sshra.s32 s18, $0x4;
	s1 =	simm.s32 @!p0 $0x0  }
0x7b: {  	s10 =	simm.s32 $0x0;
	s0 =	ssub.s32 s0, s1  }
0x7c: {  	v56 =	vmov s2;
	s14 =	simm.s32 $0x0;
	[dreg:$0xc] =	wrdreg s0;
	p0 =	slt.s32 s0, $0x1  }
.LBB2_42:
0x7d: {  	s0 =	sadd.s32 $0x30E000, s4;
	s1 =	simm.s32 $0x400  }
0x7e: {  	s2 =	simm.s32 $0xC3800;
	s10 =	sadd.s32 $0x1, s10;
	s5 =	rddreg [dreg:$0x5]  }
0x7f: {  	[hbm4b:s0+s1] =	stream.strided.scatter [tilespmem:s20], [sflag:$0x5], $0x8000, s2, s1, $0x38;
	[tilespmem:$0x19A00] =	vst v63  }
0x80: {  	p1 =	sge.u32 s10, s5  }
0x81: {  	s0 =	simm.s32 @!p1 $0x4  }
0x82: {  	_ =	swait.ge @!p1 [sflag:s0], $0x8000  }
0x83: {  	[sflag:s0] =	ssyncset.done @!p1 $0x0  }
0x84: {  	s1 =	sshrl.u32 @!p1 s13, $0x3;
	s2 =	rddreg [dreg:$0x2]  }
0x85: {  	s3 =	simm.s32 @!p1 $0xC3800;
	s4 =	simm.s32 @!p1 $0x9A00;
	s1 =	sadd.s32 @!p1 s2, s1  }
0x86: {  	[sflag:s0] =	ssyncadd.s32 @!p1 $0xFFFF8000;
	s2 =	simm.s32 @!p1 $0x400;
	s0 =	sadd.s32 @!p1 $0x80, s1  }
0x87: {  	[tilespmem:s4], [sflag:$0x2] =	stream.strided.gather @!p1 [hbm4b:s0+s2], $0x8000, s3, s2, $0x38;
	[tilespmem:$0x19A00] =	vst v63  }
0x88: {  	s0 =	simm.s32 @!p1 $0x5  }
0x89: {  	_ =	swait.ge @!p1 [sflag:s0], $0x8000  }
0x8a: {  	[sflag:s0] =	ssyncset.done @!p1 $0x0  }
0x8b: {  	[sflag:s0] =	ssyncadd.s32 @!p1 $0xFFFF8000;
	s0 =	sadd.s32 @!p1 $0x30E080, s1;
	s1 =	simm.s32 @!p1 $0x11A00  }
0x8c: {  	[tilespmem:s1], [sflag:$0x3] =	stream.strided.gather @!p1 [hbm4b:s0+s2], $0x8000, s3, s2, $0x38;
	[tilespmem:$0x19A00] =	vst v63  }
0x8d: {  	p1 =	sne.s32 s10, s5  }
.Ltmp10:
0x8e: {  	_ = 	snop;
	(pc) =	sbr.rel @!p1 .LBB2_43-.Ltmp10, $2  }
0x8f: {  	_ =	sdelay $0x2  }
0x90: {  	s14 =	smov.u32 s12  }
.LBB2_10:
.Ltmp11:
0x91: {  	(pc) =	sbr.rel @p0 .LBB2_21-.Ltmp11, $4  }
0x92: {  	_ = 	snop  }
0x93: {  	s0 =	rddreg [dreg:$0x6]  }
0x94: {  	s4 =	sadd.s32 s0, s10  }
0x95: {  	s12 =	simm.s32 $0x0;
	s9 =	sshll.u32 s4, $0x7  }
0x96: {  	s0 =	simm.s32 $0x4C80;
	s1 =	rddreg [dreg:$0xc]  }
0x97: {  	v59 =	vld [tilespmem:s0+$0x0];
	p4 =	sne.s32 s1, $0x1  }
.Ltmp12:
0x98: {  	_ = 	snop;
	(pc) =	sbr.rel @!p4 .LBB2_12-.Ltmp12, $4  }
0x99: {  	_ = 	snop  }
0x9a: {  	s3 =	sadd.s32 $0x80, s9  }
0x9b: {  	s2 =	simm.s32 $0x4C90;
	p1 =	por $0x0, $0x0;
	s0 =	simm.s32 $0x0  }
0x9c: {  	p2 =	por $0x0, $0x0;
	p3 =	por $0x0, $0x0;
	s1 =	sadd.s32 $0xFFFFFFFF, s1;
	v57 =	vmov s3;
	v58 =	vor.u32 s0, v3;
	v59 =	vshrl.u32 v59, $0xE  }
0x9d: {  	vm1 =	vlt.s32 v58, v56;
	vm2 =	vlt.s32 v59, v57  }
0x9e: {  	vm1 =	vmand vm1, vm2  }
0x9f: {  	v63 =	vmpcnt.ones.xlane vm1;
	_ =	sdelay $0x1  }
0xa0: {  	(v2sf) =	vpush v63, $0x0;
	_ =	sdelay $0x7  }
0xa1: {  	v60 =	vld [tilespmem:s2+$0x0];
	p4 =	sne.s32 s1, $0x1  }
.Ltmp13:
0xa2: {  	_ = 	snop;
	(pc) =	sbr.rel @!p4 .LBB2_14-.Ltmp13, $3  }
0xa3: {  	_ =	sdelay $0x1  }
0xa4: {  	s31 =	simm.s32 $0x10  }
0xa5: {  	s1 =	sadd.s32 $0xFFFFFFFF, s1;
	s2 =	simm.s32 $0x4CA0;
	p1 =	por $0x1, $0x1;
	v58 =	vor.u32 s31, v3;
	v59 =	vshrl.u32 v60, $0xE  }
0xa6: {  	vm1 =	vlt.s32 v58, v56;
	vm2 =	vlt.s32 v59, v57  }
0xa7: {  	vm1 =	vmand vm1, vm2  }
0xa8: {  	v63 =	vmpcnt.ones.xlane vm1;
	_ =	sdelay $0x1  }
0xa9: {  	(v2sf) =	vpush v63, $0x0;
	_ =	sdelay $0x3  }
0xaa: {  	v60 =	vld [tilespmem:s2+$0x0];
	p4 =	sne.s32 s1, $0x1  }
.Ltmp14:
0xab: {  	_ = 	snop;
	(pc) =	sbr.rel @!p4 .LBB2_16-.Ltmp14, $3  }
0xac: {  	_ =	sdelay $0x1  }
0xad: {  	s31 =	simm.s32 $0x20  }
0xae: {  	s1 =	sadd.s32 $0xFFFFFFFF, s1;
	s2 =	simm.s32 $0x4CB0;
	p2 =	por $0x1, $0x1;
	v58 =	vor.u32 s31, v3;
	v59 =	vshrl.u32 v60, $0xE  }
0xaf: {  	vm1 =	vlt.s32 v58, v56;
	vm2 =	vlt.s32 v59, v57  }
0xb0: {  	vm1 =	vmand vm1, vm2  }
0xb1: {  	v63 =	vmpcnt.ones.xlane vm1;
	_ =	sdelay $0x1  }
0xb2: {  	(v2sf) =	vpush v63, $0x0;
	_ =	sdelay $0x3  }
0xb3: {  	v60 =	vld [tilespmem:s2+$0x0];
	p4 =	sne.s32 s1, $0x1  }
.Ltmp15:
0xb4: {  	_ = 	snop;
	(pc) =	sbr.rel @!p4 .LBB2_18-.Ltmp15, $3  }
0xb5: {  	_ =	sdelay $0x1  }
0xb6: {  	s2 =	sadd.s32 $0xFFFFFFFF, s1;
	s3 =	simm.s32 $0x30  }
0xb7: {  	s5 =	simm.s32 $0x4CC0;
	p3 =	por $0x1, $0x1;
	s1 =	simm.s32 $0x0;
	v58 =	vor.u32 s3, v3;
	v59 =	vshrl.u32 v60, $0xE  }
.LBB2_19:
0xb8: {  	v60 =	vld [tilespmem:s5+$0x0];
	p4 =	sne.s32 s2, $0x1;
	s2 =	sadd.s32 $0xFFFFFFFF, s2;
	vm1 =	vlt.s32 v58, v56;
	vm2 =	vlt.s32 v59, v57  }
.Ltmp16:
0xb9: {  	vm1 =	vmand vm1, vm2;
	s6 =	spop (v2sf);
	(pc) =	sbr.rel @p4 .LBB2_19-.Ltmp16, $3  }
0xba: {  	v58 =	vmpcnt.ones.xlane vm1;
	s1 =	sadd.s32 s1, s6;
	_ =	sdelay $0x1  }
0xbb: {  	s3 =	sadd.s32 $0x10, s3;
	(v2sf) =	vpush v58, $0x0  }
0xbc: {  	s5 =	sadd.s32 $0x10, s5;
	v58 =	vor.u32 s3, v3;
	v59 =	vshrl.u32 v60, $0xE  }
.LBB2_20:
0xbd: {  	vm1 =	vlt.s32 v58, v56;
	vm2 =	vlt.s32 v59, v57  }
0xbe: {  	vm1 =	vmand vm1, vm2  }
0xbf: {  	v63 =	vmpcnt.ones.xlane vm1;
	_ =	sdelay $0x1  }
0xc0: {  	(v2sf) =	vpush v63, $0x0;
	_ =	sdelay $0x8  }
0xc1: {  	s2 =	spop @p3 (v2sf)  }
0xc2: {  	s1 =	sadd.s32 @p3 s1, s2;
	s2 =	simm.s32 $0x0  }
0xc3: {  	s2 =	smov.u32 @p3 s1;
	s1 =	spop @p2 (v2sf)  }
0xc4: {  	s1 =	sadd.s32 @p2 s2, s1;
	s2 =	simm.s32 $0x0  }
0xc5: {  	s2 =	smov.u32 @p2 s1;
	s1 =	spop @p1 (v2sf)  }
0xc6: {  	s1 =	sadd.s32 @p1 s2, s1  }
0xc7: {  	s0 =	smov.u32 @p1 s1;
	s31 =	spop (v2sf)  }
0xc8: {  	s12 =	sadd.s32 s0, s31  }
.LBB2_21:
0xc9: {  	s2 =	ssub.s32 s12, s14  }
0xca: {  	s0 =	sadd.s32 $0x1F, s2  }
0xcb: {  	s1 =	sand.u32 $0x1F, s0  }
0xcc: {  	s21 =	sshra.s32 s0, $0x1F;
	p2 =	slt.s32 s0, $0x1;
	p1 =	sne.s32 s1, $0x0  }
0xcd: {  	s1 =	sshrl.u32 s21, $0x1B;
	p1 =	por !p2, !p1  }
0xce: {  	s0 =	sadd.s32 s1, s0;
	s1 =	simm.s32 $0x1;
	p1 =	por !p1, !p1  }
0xcf: {  	s0 =	sshra.s32 s0, $0x5;
	s1 =	simm.s32 @!p1 $0x0  }
0xd0: {  	s0 =	ssub.s32 s0, s1  }
0xd1: {  	p1 =	slt.s32 s0, $0x1  }
.Ltmp17:
0xd2: {  	_ = 	snop;
	(pc) =	sbr.rel @p1 .LBB2_28-.Ltmp17, $4  }
0xd3: {  	s3 =	simm.s32 $0x2  }
0xd4: {  	_ =	swait.ge [sflag:s3], $0x8000  }
0xd5: {  	s31 =	sshll.u32 s14, $0x2;
	[sflag:s3] =	ssyncset.done $0x0  }
0xd6: {  	v57 =	vmov s14;
	s7 =	sshra.s32 s31, $0x2;
	[sflag:s3] =	ssyncadd.s32 $0xFFFF8000  }
.Ltmp18:
0xd7: {  	(pc) =	sbr.rel .LBB2_23-.Ltmp18, $3  }
0xd8: {  	_ =	sdelay $0x1  }
0xd9: {  	s13 =	sadd.s32 $0x4C80, s7  }
0xda: {  	s6 =	simm.s32 $0x0;
	s5 =	smov.u32 s2;
	s17 =	simm.s32 $0x0  }
.LBB2_26:
0xdb: {  	_ =	sdelay $0x3  }
0xdc: {  	[tilespmem:v59+s19+$0x0] =	vst.idx.msk $0xffff, v58  }
.LBB2_27:
0xdd: {  	s17 =	sadd.s32 $0x1, s17  }
0xde: {  	p1 =	sne.s32 s17, s0  }
.Ltmp19:
0xdf: {  	_ = 	snop;
	(pc) =	sbr.rel @!p1 .LBB2_28-.Ltmp19, $2  }
0xe0: {  	_ =	sdelay $0x2  }
0xe1: {  	s5 =	sadd.s32 $0xFFFFFFE0, s5;
	s13 =	sadd.s32 $0x20, s13  }
.LBB2_23:
0xe2: {  	_ =	sdelay $0x2  }
0xe3: {  	s1 =	sshll.u32 s17, $0x5  }
0xe4: {  	v58 =	vld.idx.msk [tilespmem:v57+s1+$0x4C80 ss:$0x1], $0xffff;
	_ =	sdelay $0x4  }
0xe5: {  	v59 =	vshll.u32 v58, $0x2  }
0xe6: {  	v60 =	vand.u32 $0x3FFF, v58;
	v58 =	vand.u32 $0x7, v58;
	v59 =	vand.u32 $0xFFE0, v59  }
0xe7: {  	[tilespmem:$0x5980] =	vst v60;
	v58 =	vor.u32 v58, v59  }
0xe8: {  	v59 =	vld.idx.msk [tilespmem:v57+s1+$0x4C90 ss:$0x1], $0xffff;
	v60 =	vperm.xlane v58, v6;
	_ =	sdelay $0x1  }
0xe9: {  	v60 =	vadd.s32 v7, v60;
	_ =	sdelay $0x1  }
0xea: {  	v58 =	vperm.xlane v58, v9  }
0xeb: {  	v59 =	vand.u32 $0x3FFF, v59  }
0xec: {  	v58 =	vadd.s32 v7, v58;
	[tilespmem:$0x5990] =	vst v59  }
0xed: {  	[tilespmem:s22], [sflag:$0x1] =	stream.indirect_vreg.gather [hbm4b:s8+s6], $0x80, v60, vm0, $0xb8;
	[tilespmem:$0x19A00] =	vst v63  }
0xee: {  	_ = 	snop  }
0xef: {  	[tilespmem:s23], [sflag:$0x1] =	stream.indirect_vreg.gather [hbm4b:s11+s6], $0x80, v60, vm0, $0xb8;
	[tilespmem:$0x19A00] =	vst v63  }
0xf0: {  	_ = 	snop  }
0xf1: {  	[tilespmem:s24], [sflag:$0x1] =	stream.indirect_vreg.gather [hbm4b:s8+s6], $0x80, v58, vm0, $0xb8;
	[tilespmem:$0x19A00] =	vst v63  }
0xf2: {  	_ = 	snop  }
0xf3: {  	[tilespmem:s25], [sflag:$0x1] =	stream.indirect_vreg.gather [hbm4b:s11+s6], $0x80, v58, vm0, $0xb8;
	[tilespmem:$0x19A00] =	vst v63  }
0xf4: {  	v58 =	vld [tilespmem:$0x5990];
	_ =	sdelay $0x4  }
0xf5: {  	v63 =	vshll.u32 v58, $0x2  }
0xf6: {  	v58 =	vand.u32 $0x7, v58;
	v59 =	vand.u32 $0xFFFFFFE0, v63  }
0xf7: {  	v58 =	vor.u32 v58, v59  }
0xf8: {  	v59 =	vperm.xlane v58, v6;
	_ =	sdelay $0x1  }
0xf9: {  	v59 =	vadd.s32 v7, v59;
	_ =	sdelay $0x1  }
0xfa: {  	v58 =	vperm.xlane v58, v9;
	_ =	sdelay $0x1  }
0xfb: {  	s1 =	sadd.s32 s14, s1;
	v58 =	vadd.s32 v7, v58  }
0xfc: {  	[tilespmem:s26], [sflag:$0x1] =	stream.indirect_vreg.gather [hbm4b:s8+s6], $0x80, v59, vm0, $0xb8;
	[tilespmem:$0x19A00] =	vst v63  }
0xfd: {  	s1 =	ssub.s32 s12, s1  }
0xfe: {  	[tilespmem:s28], [sflag:$0x1] =	stream.indirect_vreg.gather [hbm4b:s11+s6], $0x80, v59, vm0, $0xb8;
	[tilespmem:$0x19A00] =	vst v63  }
0xff: {  	p1 =	slt.s32 s1, $0x1  }
0x100: {  	[tilespmem:s29], [sflag:$0x1] =	stream.indirect_vreg.gather [hbm4b:s8+s6], $0x80, v58, vm0, $0xb8;
	[tilespmem:$0x19A00] =	vst v63  }
.Ltmp20:
0x101: {  	_ = 	snop;
	(pc) =	sbr.rel @p1 .LBB2_27-.Ltmp20, $4  }
0x102: {  	[tilespmem:s30], [sflag:$0x1] =	stream.indirect_vreg.gather [hbm4b:s11+s6], $0x80, v58, vm0, $0xb8;
	[tilespmem:$0x19A00] =	vst v63  }
0x103: {  	_ =	swait.ge [sflag:s16], $0x4000  }
0x104: {  	[sflag:s16] =	ssyncset.done $0x0  }
0x105: {  	[sflag:s16] =	ssyncadd.s32 $0xFFFFC000  }
0x106: {  	v58 =	vld [tilespmem:s13+$0x0];
	_ =	sdelay $0x4  }
0x107: {  	(v2sf) =	vpush v58, $0x0;
	_ =	sdelay $0x8  }
0x108: {  	v63 =	vmov s6  }
0x109: {  	v59 =	vshll.u32 v63, $0x9;
	v58 =	vshll.u32 v63, $0x7  }
0x10a: {  	v59 =	vand.u32 $0xFFFFF000, v59;
	v58 =	vand.u32 $0x380, v58  }
0x10b: {  	v58 =	vor.u32 v58, v59  }
0x10c: {  	v59 =	vor.u32 v3, v58;
	_ =	sdelay $0x1  }
0x10d: {  	s1 =	spop (v2sf)  }
0x10e: {  	s1 =	sshra.s32 s1, $0xE  }
0x10f: {  	s1 =	ssub.s32 s1, s9  }
0x110: {  	v59 =	vld.idx.msk [tilespmem:v59+s22+$0x0], $0xffff;
	v60 =	vadd.s32 s1, v8  }
0x111: {  	v61 =	vor.u32 v10, v58;
	_ =	sdelay $0x3  }
0x112: {  	[tilespmem:v60+s19+$0x0] =	vst.idx.msk $0xffff, v59  }
0x113: {  	v60 =	vadd.s32 s1, v11;
	v59 =	vld.idx.msk [tilespmem:v61+s22+$0x0], $0xffff  }
0x114: {  	v61 =	vor.u32 v12, v58;
	_ =	sdelay $0x3  }
0x115: {  	[tilespmem:v60+s19+$0x0] =	vst.idx.msk $0xffff, v59  }
0x116: {  	v60 =	vadd.s32 s1, v13;
	v59 =	vld.idx.msk [tilespmem:v61+s22+$0x0], $0xffff  }
0x117: {  	v61 =	vor.u32 v14, v58;
	_ =	sdelay $0x3  }
0x118: {  	[tilespmem:v60+s19+$0x0] =	vst.idx.msk $0xffff, v59  }
0x119: {  	v60 =	vadd.s32 s1, v15;
	v59 =	vld.idx.msk [tilespmem:v61+s22+$0x0], $0xffff  }
0x11a: {  	v61 =	vor.u32 v16, v58;
	_ =	sdelay $0x3  }
0x11b: {  	[tilespmem:v60+s19+$0x0] =	vst.idx.msk $0xffff, v59  }
0x11c: {  	v60 =	vadd.s32 s1, v17;
	v59 =	vld.idx.msk [tilespmem:v61+s22+$0x0], $0xffff  }
0x11d: {  	v61 =	vor.u32 v18, v58;
	_ =	sdelay $0x3  }
0x11e: {  	[tilespmem:v60+s19+$0x0] =	vst.idx.msk $0xffff, v59  }
0x11f: {  	v60 =	vadd.s32 s1, v19;
	v59 =	vld.idx.msk [tilespmem:v61+s22+$0x0], $0xffff  }
0x120: {  	v61 =	vor.u32 v20, v58;
	_ =	sdelay $0x3  }
0x121: {  	[tilespmem:v60+s19+$0x0] =	vst.idx.msk $0xffff, v59  }
0x122: {  	v60 =	vadd.s32 s1, v21;
	v59 =	vld.idx.msk [tilespmem:v61+s22+$0x0], $0xffff  }
0x123: {  	v61 =	vor.u32 v22, v58;
	_ =	sdelay $0x3  }
0x124: {  	[tilespmem:v60+s19+$0x0] =	vst.idx.msk $0xffff, v59  }
0x125: {  	v60 =	vadd.s32 s1, v23;
	v59 =	vld.idx.msk [tilespmem:v61+s22+$0x0], $0xffff  }
0x126: {  	v61 =	vor.u32 v24, v58;
	_ =	sdelay $0x3  }
0x127: {  	[tilespmem:v60+s19+$0x0] =	vst.idx.msk $0xffff, v59  }
0x128: {  	v60 =	vadd.s32 s1, v25;
	v59 =	vld.idx.msk [tilespmem:v61+s22+$0x0], $0xffff  }
0x129: {  	v61 =	vor.u32 v26, v58;
	_ =	sdelay $0x3  }
0x12a: {  	[tilespmem:v60+s19+$0x0] =	vst.idx.msk $0xffff, v59  }
0x12b: {  	v60 =	vadd.s32 s1, v27;
	v59 =	vld.idx.msk [tilespmem:v61+s22+$0x0], $0xffff  }
0x12c: {  	v61 =	vor.u32 v28, v58;
	_ =	sdelay $0x3  }
0x12d: {  	[tilespmem:v60+s19+$0x0] =	vst.idx.msk $0xffff, v59  }
0x12e: {  	v60 =	vadd.s32 s1, v29;
	v59 =	vld.idx.msk [tilespmem:v61+s22+$0x0], $0xffff  }
0x12f: {  	v61 =	vor.u32 v30, v58;
	_ =	sdelay $0x3  }
0x130: {  	[tilespmem:v60+s19+$0x0] =	vst.idx.msk $0xffff, v59  }
0x131: {  	v60 =	vadd.s32 s1, v31;
	v59 =	vld.idx.msk [tilespmem:v61+s22+$0x0], $0xffff  }
0x132: {  	v61 =	vor.u32 v32, v58;
	_ =	sdelay $0x3  }
0x133: {  	[tilespmem:v60+s19+$0x0] =	vst.idx.msk $0xffff, v59  }
0x134: {  	v60 =	vadd.s32 s1, v33;
	v59 =	vld.idx.msk [tilespmem:v61+s22+$0x0], $0xffff  }
0x135: {  	v61 =	vor.u32 v34, v58;
	_ =	sdelay $0x3  }
0x136: {  	[tilespmem:v60+s19+$0x0] =	vst.idx.msk $0xffff, v59  }
0x137: {  	v60 =	vadd.s32 s1, v35;
	v59 =	vld.idx.msk [tilespmem:v61+s22+$0x0], $0xffff  }
0x138: {  	v61 =	vor.u32 v36, v58;
	_ =	sdelay $0x3  }
0x139: {  	[tilespmem:v60+s19+$0x0] =	vst.idx.msk $0xffff, v59  }
0x13a: {  	v60 =	vadd.s32 s1, v37;
	v59 =	vld.idx.msk [tilespmem:v61+s22+$0x0], $0xffff  }
0x13b: {  	v58 =	vor.u32 v38, v58  }
0x13c: {  	p1 =	sgt.s32 s5, $0x1;
	s3 =	smov.u32 s5  }
0x13d: {  	s3 =	simm.s32 @!p1 $0x1  }
0x13e: {  	s18 =	smin.u32 s3, $0x20  }
0x13f: {  	p1 =	sne.s32 s18, $0x1;
	[tilespmem:v60+s19+$0x0] =	vst.idx.msk $0xffff, v59  }
.Ltmp21:
0x140: {  	v59 =	vadd.s32 s1, v39;
	v58 =	vld.idx.msk [tilespmem:v58+s22+$0x0], $0xffff;
	(pc) =	sbr.rel @!p1 .LBB2_26-.Ltmp21, $2  }
0x141: {  	_ =	sdelay $0x2  }
0x142: {  	s21 =	smov.u32 s13;
	s3 =	simm.s32 $0x1  }
.LBB2_25:
0x143: {  	[tilespmem:v59+s19+$0x0] =	vst.idx.msk $0xffff, v58;
	s21 =	sadd.s32 $0x1, s21;
	s1 =	smov.u32 s3;
	s3 =	sadd.s32 $0x1, s3  }
0x144: {  	v58 =	vld [tilespmem:s21+$0x0];
	p1 =	sne.s32 s18, s3;
	_ =	sdelay $0x4  }
0x145: {  	(v2sf) =	vpush v58, $0x0;
	_ =	sdelay $0x7  }
0x146: {  	v58 =	vmov s1  }
0x147: {  	v59 =	vshll.u32 v58, $0x9;
	v58 =	vshll.u32 v58, $0x7  }
0x148: {  	v59 =	vand.u32 $0xFFFFF000, v59;
	v58 =	vand.u32 $0x380, v58  }
0x149: {  	v58 =	vor.u32 v58, v59  }
0x14a: {  	v59 =	vor.u32 v3, v58;
	_ =	sdelay $0x2  }
0x14b: {  	s1 =	spop (v2sf)  }
0x14c: {  	s1 =	sshra.s32 s1, $0xE  }
0x14d: {  	s31 =	ssub.s32 s1, s9;
	v59 =	vld.idx.msk [tilespmem:v59+s22+$0x0], $0xffff  }
0x14e: {  	v60 =	vadd.s32 s31, v8  }
0x14f: {  	v61 =	vor.u32 v10, v58;
	_ =	sdelay $0x3  }
0x150: {  	[tilespmem:v60+s19+$0x0] =	vst.idx.msk $0xffff, v59  }
0x151: {  	v59 =	vld.idx.msk [tilespmem:v61+s22+$0x0], $0xffff  }
0x152: {  	v60 =	vadd.s32 s31, v11  }
0x153: {  	v61 =	vor.u32 v12, v58;
	_ =	sdelay $0x3  }
0x154: {  	[tilespmem:v60+s19+$0x0] =	vst.idx.msk $0xffff, v59  }
0x155: {  	v59 =	vld.idx.msk [tilespmem:v61+s22+$0x0], $0xffff  }
0x156: {  	v60 =	vadd.s32 s31, v13  }
0x157: {  	v61 =	vor.u32 v14, v58;
	_ =	sdelay $0x3  }
0x158: {  	[tilespmem:v60+s19+$0x0] =	vst.idx.msk $0xffff, v59  }
0x159: {  	v59 =	vld.idx.msk [tilespmem:v61+s22+$0x0], $0xffff  }
0x15a: {  	v60 =	vadd.s32 s31, v15  }
0x15b: {  	v61 =	vor.u32 v16, v58;
	_ =	sdelay $0x3  }
0x15c: {  	[tilespmem:v60+s19+$0x0] =	vst.idx.msk $0xffff, v59  }
0x15d: {  	v59 =	vld.idx.msk [tilespmem:v61+s22+$0x0], $0xffff  }
0x15e: {  	v60 =	vadd.s32 s31, v17  }
0x15f: {  	v61 =	vor.u32 v18, v58;
	_ =	sdelay $0x3  }
0x160: {  	[tilespmem:v60+s19+$0x0] =	vst.idx.msk $0xffff, v59  }
0x161: {  	v59 =	vld.idx.msk [tilespmem:v61+s22+$0x0], $0xffff  }
0x162: {  	v60 =	vadd.s32 s31, v19  }
0x163: {  	v61 =	vor.u32 v20, v58;
	_ =	sdelay $0x3  }
0x164: {  	[tilespmem:v60+s19+$0x0] =	vst.idx.msk $0xffff, v59  }
0x165: {  	v59 =	vld.idx.msk [tilespmem:v61+s22+$0x0], $0xffff  }
0x166: {  	v60 =	vadd.s32 s31, v21  }
0x167: {  	v61 =	vor.u32 v22, v58;
	_ =	sdelay $0x3  }
0x168: {  	[tilespmem:v60+s19+$0x0] =	vst.idx.msk $0xffff, v59  }
0x169: {  	v59 =	vld.idx.msk [tilespmem:v61+s22+$0x0], $0xffff  }
0x16a: {  	v60 =	vadd.s32 s31, v23  }
0x16b: {  	v61 =	vor.u32 v24, v58;
	_ =	sdelay $0x3  }
0x16c: {  	[tilespmem:v60+s19+$0x0] =	vst.idx.msk $0xffff, v59  }
0x16d: {  	v59 =	vld.idx.msk [tilespmem:v61+s22+$0x0], $0xffff  }
0x16e: {  	v60 =	vadd.s32 s31, v25  }
0x16f: {  	v61 =	vor.u32 v26, v58;
	_ =	sdelay $0x3  }
0x170: {  	[tilespmem:v60+s19+$0x0] =	vst.idx.msk $0xffff, v59  }
0x171: {  	v59 =	vld.idx.msk [tilespmem:v61+s22+$0x0], $0xffff  }
0x172: {  	v60 =	vadd.s32 s31, v27  }
0x173: {  	v61 =	vor.u32 v28, v58;
	_ =	sdelay $0x3  }
0x174: {  	[tilespmem:v60+s19+$0x0] =	vst.idx.msk $0xffff, v59  }
0x175: {  	v59 =	vld.idx.msk [tilespmem:v61+s22+$0x0], $0xffff  }
0x176: {  	v60 =	vadd.s32 s31, v29  }
0x177: {  	v61 =	vor.u32 v30, v58;
	_ =	sdelay $0x3  }
0x178: {  	[tilespmem:v60+s19+$0x0] =	vst.idx.msk $0xffff, v59  }
0x179: {  	v59 =	vld.idx.msk [tilespmem:v61+s22+$0x0], $0xffff  }
0x17a: {  	v60 =	vadd.s32 s31, v31  }
0x17b: {  	v61 =	vor.u32 v32, v58;
	_ =	sdelay $0x3  }
0x17c: {  	[tilespmem:v60+s19+$0x0] =	vst.idx.msk $0xffff, v59  }
0x17d: {  	v59 =	vld.idx.msk [tilespmem:v61+s22+$0x0], $0xffff  }
0x17e: {  	v60 =	vadd.s32 s31, v33  }
0x17f: {  	v61 =	vor.u32 v34, v58;
	_ =	sdelay $0x3  }
0x180: {  	[tilespmem:v60+s19+$0x0] =	vst.idx.msk $0xffff, v59  }
0x181: {  	v59 =	vld.idx.msk [tilespmem:v61+s22+$0x0], $0xffff  }
0x182: {  	v60 =	vadd.s32 s31, v35  }
0x183: {  	v61 =	vor.u32 v36, v58;
	_ =	sdelay $0x3  }
0x184: {  	[tilespmem:v60+s19+$0x0] =	vst.idx.msk $0xffff, v59  }
0x185: {  	v59 =	vld.idx.msk [tilespmem:v61+s22+$0x0], $0xffff  }
0x186: {  	v60 =	vadd.s32 s31, v37  }
0x187: {  	v58 =	vor.u32 v38, v58;
	_ =	sdelay $0x1  }
.Ltmp22:
0x188: {  	(pc) =	sbr.rel @p1 .LBB2_25-.Ltmp22, $4  }
0x189: {  	_ = 	snop  }
0x18a: {  	[tilespmem:v60+s19+$0x0] =	vst.idx.msk $0xffff, v59  }
0x18b: {  	v58 =	vld.idx.msk [tilespmem:v58+s22+$0x0], $0xffff  }
0x18c: {  	v59 =	vadd.s32 s31, v39  }
.Ltmp23:
0x18d: {  	_ = 	snop;
	(pc) =	sbr.rel .LBB2_26-.Ltmp23, $1  }
0x18e: {  	_ =	sdelay $0x3  }
.LBB2_28:
0x18f: {  	s13 =	sshll.u32 s4, $0xA;
	p1 =	sgt.s32 s2, $0x20  }
0x190: {  	s3 =	rddreg [dreg:$0x3];
	s18 =	simm.s32 $0x400;
	p2 =	slt.s32 @!p1 s0, $0x1  }
0x191: {  	s21 =	simm.s32 $0xC3800;
	s1 =	sshrl.u32 s13, $0x3;
	p1 =	por p1, p2  }
.Ltmp24:
0x192: {  	s31 =	simm.s32 $0x3;
	s4 =	sadd.s32 s3, s1;
	(pc) =	sbr.rel @p1 .LBB2_35-.Ltmp24, $4  }
0x193: {  	[hbm4b:s4+s18] =	stream.strided.scatter [tilespmem:s19], [sflag:$0x4], $0x8000, s21, s18, $0x38;
	[tilespmem:$0x19A00] =	vst v63  }
0x194: {  	_ =	swait.ge [sflag:s31], $0x8000  }
0x195: {  	[sflag:s31] =	ssyncset.done $0x0  }
0x196: {  	[sflag:s31] =	ssyncadd.s32 $0xFFFF8000  }
.Ltmp25:
0x197: {  	(pc) =	sbr.rel .LBB2_30-.Ltmp25, $3  }
0x198: {  	_ =	sdelay $0x1  }
0x199: {  	s31 =	sadd.s32 $0x4C80, s7  }
0x19a: {  	s6 =	simm.s32 $0x0;
	s17 =	smov.u32 s2;
	s18 =	simm.s32 $0x0  }
.LBB2_33:
0x19b: {  	_ =	sdelay $0x3  }
0x19c: {  	[tilespmem:v59+s20+$0x0] =	vst.idx.msk $0xffff, v58  }
.LBB2_34:
0x19d: {  	s18 =	sadd.s32 $0x1, s18  }
0x19e: {  	p1 =	sne.s32 s18, s0  }
.Ltmp26:
0x19f: {  	_ = 	snop;
	(pc) =	sbr.rel @!p1 .LBB2_35-.Ltmp26, $2  }
0x1a0: {  	_ =	sdelay $0x2  }
0x1a1: {  	s17 =	sadd.s32 $0xFFFFFFE0, s17;
	s31 =	sadd.s32 $0x20, s31  }
.LBB2_30:
0x1a2: {  	s1 =	sshll.u32 s18, $0x5  }
0x1a3: {  	s1 =	sadd.s32 s14, s1  }
0x1a4: {  	s1 =	ssub.s32 s12, s1  }
0x1a5: {  	p1 =	slt.s32 s1, $0x1  }
.Ltmp27:
0x1a6: {  	_ = 	snop;
	(pc) =	sbr.rel @p1 .LBB2_34-.Ltmp27, $1  }
0x1a7: {  	_ =	sdelay $0x3  }
0x1a8: {  	v58 =	vld [tilespmem:s31+$0x0];
	_ =	sdelay $0x4  }
0x1a9: {  	(v2sf) =	vpush v58, $0x0;
	_ =	sdelay $0x8  }
0x1aa: {  	v63 =	vmov s6  }
0x1ab: {  	v59 =	vshll.u32 v63, $0x9;
	v58 =	vshll.u32 v63, $0x7  }
0x1ac: {  	v59 =	vand.u32 $0xFFFFF000, v59;
	v58 =	vand.u32 $0x380, v58  }
0x1ad: {  	v58 =	vor.u32 v59, v58  }
0x1ae: {  	v59 =	vor.u32 v40, v58;
	_ =	sdelay $0x1  }
0x1af: {  	s1 =	spop (v2sf)  }
0x1b0: {  	s1 =	sshra.s32 s1, $0xE  }
0x1b1: {  	s1 =	ssub.s32 s1, s9  }
0x1b2: {  	v59 =	vld.idx.msk [tilespmem:v59+s22+$0x0], $0xffff;
	v60 =	vadd.s32 s1, v8  }
0x1b3: {  	v61 =	vor.u32 v41, v58;
	_ =	sdelay $0x3  }
0x1b4: {  	[tilespmem:v60+s20+$0x0] =	vst.idx.msk $0xffff, v59  }
0x1b5: {  	v60 =	vadd.s32 s1, v11;
	v59 =	vld.idx.msk [tilespmem:v61+s22+$0x0], $0xffff  }
0x1b6: {  	v61 =	vor.u32 v42, v58;
	_ =	sdelay $0x3  }
0x1b7: {  	[tilespmem:v60+s20+$0x0] =	vst.idx.msk $0xffff, v59  }
0x1b8: {  	v60 =	vadd.s32 s1, v13;
	v59 =	vld.idx.msk [tilespmem:v61+s22+$0x0], $0xffff  }
0x1b9: {  	v61 =	vor.u32 v43, v58;
	_ =	sdelay $0x3  }
0x1ba: {  	[tilespmem:v60+s20+$0x0] =	vst.idx.msk $0xffff, v59  }
0x1bb: {  	v60 =	vadd.s32 s1, v15;
	v59 =	vld.idx.msk [tilespmem:v61+s22+$0x0], $0xffff  }
0x1bc: {  	v61 =	vor.u32 v44, v58;
	_ =	sdelay $0x3  }
0x1bd: {  	[tilespmem:v60+s20+$0x0] =	vst.idx.msk $0xffff, v59  }
0x1be: {  	v60 =	vadd.s32 s1, v17;
	v59 =	vld.idx.msk [tilespmem:v61+s22+$0x0], $0xffff  }
0x1bf: {  	v61 =	vor.u32 v45, v58;
	_ =	sdelay $0x3  }
0x1c0: {  	[tilespmem:v60+s20+$0x0] =	vst.idx.msk $0xffff, v59  }
0x1c1: {  	v60 =	vadd.s32 s1, v19;
	v59 =	vld.idx.msk [tilespmem:v61+s22+$0x0], $0xffff  }
0x1c2: {  	v61 =	vor.u32 v46, v58;
	_ =	sdelay $0x3  }
0x1c3: {  	[tilespmem:v60+s20+$0x0] =	vst.idx.msk $0xffff, v59  }
0x1c4: {  	v60 =	vadd.s32 s1, v21;
	v59 =	vld.idx.msk [tilespmem:v61+s22+$0x0], $0xffff  }
0x1c5: {  	v61 =	vor.u32 v47, v58;
	_ =	sdelay $0x3  }
0x1c6: {  	[tilespmem:v60+s20+$0x0] =	vst.idx.msk $0xffff, v59  }
0x1c7: {  	v60 =	vadd.s32 s1, v23;
	v59 =	vld.idx.msk [tilespmem:v61+s22+$0x0], $0xffff  }
0x1c8: {  	v61 =	vor.u32 v48, v58;
	_ =	sdelay $0x3  }
0x1c9: {  	[tilespmem:v60+s20+$0x0] =	vst.idx.msk $0xffff, v59  }
0x1ca: {  	v60 =	vadd.s32 s1, v25;
	v59 =	vld.idx.msk [tilespmem:v61+s22+$0x0], $0xffff  }
0x1cb: {  	v61 =	vor.u32 v49, v58;
	_ =	sdelay $0x3  }
0x1cc: {  	[tilespmem:v60+s20+$0x0] =	vst.idx.msk $0xffff, v59  }
0x1cd: {  	v60 =	vadd.s32 s1, v27;
	v59 =	vld.idx.msk [tilespmem:v61+s22+$0x0], $0xffff  }
0x1ce: {  	v61 =	vor.u32 v50, v58;
	_ =	sdelay $0x3  }
0x1cf: {  	[tilespmem:v60+s20+$0x0] =	vst.idx.msk $0xffff, v59  }
0x1d0: {  	v60 =	vadd.s32 s1, v29;
	v59 =	vld.idx.msk [tilespmem:v61+s22+$0x0], $0xffff  }
0x1d1: {  	v61 =	vor.u32 v51, v58;
	_ =	sdelay $0x3  }
0x1d2: {  	[tilespmem:v60+s20+$0x0] =	vst.idx.msk $0xffff, v59  }
0x1d3: {  	v60 =	vadd.s32 s1, v31;
	v59 =	vld.idx.msk [tilespmem:v61+s22+$0x0], $0xffff  }
0x1d4: {  	v61 =	vor.u32 v52, v58;
	_ =	sdelay $0x3  }
0x1d5: {  	[tilespmem:v60+s20+$0x0] =	vst.idx.msk $0xffff, v59  }
0x1d6: {  	v60 =	vadd.s32 s1, v33;
	v59 =	vld.idx.msk [tilespmem:v61+s22+$0x0], $0xffff  }
0x1d7: {  	v61 =	vor.u32 v53, v58;
	_ =	sdelay $0x3  }
0x1d8: {  	[tilespmem:v60+s20+$0x0] =	vst.idx.msk $0xffff, v59  }
0x1d9: {  	v60 =	vadd.s32 s1, v35;
	v59 =	vld.idx.msk [tilespmem:v61+s22+$0x0], $0xffff  }
0x1da: {  	v61 =	vor.u32 v54, v58;
	_ =	sdelay $0x3  }
0x1db: {  	[tilespmem:v60+s20+$0x0] =	vst.idx.msk $0xffff, v59  }
0x1dc: {  	v60 =	vadd.s32 s1, v37;
	v59 =	vld.idx.msk [tilespmem:v61+s22+$0x0], $0xffff  }
0x1dd: {  	v58 =	vor.u32 v55, v58  }
0x1de: {  	p1 =	sgt.s32 s17, $0x1;
	s3 =	smov.u32 s17  }
0x1df: {  	s3 =	simm.s32 @!p1 $0x1  }
0x1e0: {  	s3 =	smin.u32 s3, $0x20  }
0x1e1: {  	p1 =	sne.s32 s3, $0x1;
	[tilespmem:v60+s20+$0x0] =	vst.idx.msk $0xffff, v59  }
.Ltmp28:
0x1e2: {  	v59 =	vadd.s32 s1, v39;
	v58 =	vld.idx.msk [tilespmem:v58+s22+$0x0], $0xffff;
	(pc) =	sbr.rel @!p1 .LBB2_33-.Ltmp28, $2  }
0x1e3: {  	_ =	sdelay $0x2  }
0x1e4: {  	s21 =	simm.s32 $0x1;
	s5 =	smov.u32 s31  }
.LBB2_32:
0x1e5: {  	[tilespmem:v59+s20+$0x0] =	vst.idx.msk $0xffff, v58;
	s5 =	sadd.s32 $0x1, s5;
	s1 =	smov.u32 s21;
	s21 =	sadd.s32 $0x1, s21  }
0x1e6: {  	v58 =	vld [tilespmem:s5+$0x0];
	p1 =	sne.s32 s3, s21;
	_ =	sdelay $0x4  }
0x1e7: {  	(v2sf) =	vpush v58, $0x0;
	_ =	sdelay $0x7  }
0x1e8: {  	v58 =	vmov s1  }
0x1e9: {  	v59 =	vshll.u32 v58, $0x9;
	v58 =	vshll.u32 v58, $0x7  }
0x1ea: {  	v59 =	vand.u32 $0xFFFFF000, v59;
	v58 =	vand.u32 $0x380, v58  }
0x1eb: {  	v58 =	vor.u32 v59, v58  }
0x1ec: {  	v59 =	vor.u32 v40, v58;
	_ =	sdelay $0x2  }
0x1ed: {  	s1 =	spop (v2sf)  }
0x1ee: {  	s1 =	sshra.s32 s1, $0xE  }
0x1ef: {  	s1 =	ssub.s32 s1, s9;
	v59 =	vld.idx.msk [tilespmem:v59+s22+$0x0], $0xffff  }
0x1f0: {  	v60 =	vadd.s32 s1, v8  }
0x1f1: {  	v61 =	vor.u32 v41, v58;
	_ =	sdelay $0x3  }
0x1f2: {  	[tilespmem:v60+s20+$0x0] =	vst.idx.msk $0xffff, v59  }
0x1f3: {  	v59 =	vld.idx.msk [tilespmem:v61+s22+$0x0], $0xffff  }
0x1f4: {  	v60 =	vadd.s32 s1, v11  }
0x1f5: {  	v61 =	vor.u32 v42, v58;
	_ =	sdelay $0x3  }
0x1f6: {  	[tilespmem:v60+s20+$0x0] =	vst.idx.msk $0xffff, v59  }
0x1f7: {  	v59 =	vld.idx.msk [tilespmem:v61+s22+$0x0], $0xffff  }
0x1f8: {  	v60 =	vadd.s32 s1, v13  }
0x1f9: {  	v61 =	vor.u32 v43, v58;
	_ =	sdelay $0x3  }
0x1fa: {  	[tilespmem:v60+s20+$0x0] =	vst.idx.msk $0xffff, v59  }
0x1fb: {  	v59 =	vld.idx.msk [tilespmem:v61+s22+$0x0], $0xffff  }
0x1fc: {  	v60 =	vadd.s32 s1, v15  }
0x1fd: {  	v61 =	vor.u32 v44, v58;
	_ =	sdelay $0x3  }
0x1fe: {  	[tilespmem:v60+s20+$0x0] =	vst.idx.msk $0xffff, v59  }
0x1ff: {  	v59 =	vld.idx.msk [tilespmem:v61+s22+$0x0], $0xffff  }
0x200: {  	v60 =	vadd.s32 s1, v17  }
0x201: {  	v61 =	vor.u32 v45, v58;
	_ =	sdelay $0x3  }
0x202: {  	[tilespmem:v60+s20+$0x0] =	vst.idx.msk $0xffff, v59  }
0x203: {  	v59 =	vld.idx.msk [tilespmem:v61+s22+$0x0], $0xffff  }
0x204: {  	v60 =	vadd.s32 s1, v19  }
0x205: {  	v61 =	vor.u32 v46, v58;
	_ =	sdelay $0x3  }
0x206: {  	[tilespmem:v60+s20+$0x0] =	vst.idx.msk $0xffff, v59  }
0x207: {  	v59 =	vld.idx.msk [tilespmem:v61+s22+$0x0], $0xffff  }
0x208: {  	v60 =	vadd.s32 s1, v21  }
0x209: {  	v61 =	vor.u32 v47, v58;
	_ =	sdelay $0x3  }
0x20a: {  	[tilespmem:v60+s20+$0x0] =	vst.idx.msk $0xffff, v59  }
0x20b: {  	v59 =	vld.idx.msk [tilespmem:v61+s22+$0x0], $0xffff  }
0x20c: {  	v60 =	vadd.s32 s1, v23  }
0x20d: {  	v61 =	vor.u32 v48, v58;
	_ =	sdelay $0x3  }
0x20e: {  	[tilespmem:v60+s20+$0x0] =	vst.idx.msk $0xffff, v59  }
0x20f: {  	v59 =	vld.idx.msk [tilespmem:v61+s22+$0x0], $0xffff  }
0x210: {  	v60 =	vadd.s32 s1, v25  }
0x211: {  	v61 =	vor.u32 v49, v58;
	_ =	sdelay $0x3  }
0x212: {  	[tilespmem:v60+s20+$0x0] =	vst.idx.msk $0xffff, v59  }
0x213: {  	v59 =	vld.idx.msk [tilespmem:v61+s22+$0x0], $0xffff  }
0x214: {  	v60 =	vadd.s32 s1, v27  }
0x215: {  	v61 =	vor.u32 v50, v58;
	_ =	sdelay $0x3  }
0x216: {  	[tilespmem:v60+s20+$0x0] =	vst.idx.msk $0xffff, v59  }
0x217: {  	v59 =	vld.idx.msk [tilespmem:v61+s22+$0x0], $0xffff  }
0x218: {  	v60 =	vadd.s32 s1, v29  }
0x219: {  	v61 =	vor.u32 v51, v58;
	_ =	sdelay $0x3  }
0x21a: {  	[tilespmem:v60+s20+$0x0] =	vst.idx.msk $0xffff, v59  }
0x21b: {  	v59 =	vld.idx.msk [tilespmem:v61+s22+$0x0], $0xffff  }
0x21c: {  	v60 =	vadd.s32 s1, v31  }
0x21d: {  	v61 =	vor.u32 v52, v58;
	_ =	sdelay $0x3  }
0x21e: {  	[tilespmem:v60+s20+$0x0] =	vst.idx.msk $0xffff, v59  }
0x21f: {  	v59 =	vld.idx.msk [tilespmem:v61+s22+$0x0], $0xffff  }
0x220: {  	v60 =	vadd.s32 s1, v33  }
0x221: {  	v61 =	vor.u32 v53, v58;
	_ =	sdelay $0x3  }
0x222: {  	[tilespmem:v60+s20+$0x0] =	vst.idx.msk $0xffff, v59  }
0x223: {  	v59 =	vld.idx.msk [tilespmem:v61+s22+$0x0], $0xffff  }
0x224: {  	v60 =	vadd.s32 s1, v35  }
0x225: {  	v61 =	vor.u32 v54, v58;
	_ =	sdelay $0x3  }
0x226: {  	[tilespmem:v60+s20+$0x0] =	vst.idx.msk $0xffff, v59  }
0x227: {  	v59 =	vld.idx.msk [tilespmem:v61+s22+$0x0], $0xffff  }
0x228: {  	v60 =	vadd.s32 s1, v37  }
0x229: {  	v58 =	vor.u32 v55, v58;
	_ =	sdelay $0x1  }
.Ltmp29:
0x22a: {  	(pc) =	sbr.rel @p1 .LBB2_32-.Ltmp29, $4  }
0x22b: {  	_ = 	snop  }
0x22c: {  	[tilespmem:v60+s20+$0x0] =	vst.idx.msk $0xffff, v59  }
0x22d: {  	v58 =	vld.idx.msk [tilespmem:v58+s22+$0x0], $0xffff  }
0x22e: {  	v59 =	vadd.s32 s1, v39  }
.Ltmp30:
0x22f: {  	_ = 	snop;
	(pc) =	sbr.rel .LBB2_33-.Ltmp30, $1  }
0x230: {  	_ =	sdelay $0x3  }
.LBB2_35:
0x231: {  	p1 =	slt.s32 s2, $0x21  }
0x232: {  	p2 =	slt.s32 @!p1 s0, $0x1  }
0x233: {  	p1 =	por p1, p2  }
.Ltmp31:
0x234: {  	_ = 	snop;
	(pc) =	sbr.rel @p1 .LBB2_42-.Ltmp31, $1  }
0x235: {  	_ =	sdelay $0x3  }
.Ltmp32:
0x236: {  	(pc) =	sbr.rel .LBB2_37-.Ltmp32, $2  }
0x237: {  	_ =	sdelay $0x2  }
0x238: {  	s6 =	sadd.s32 $0x4C80, s7;
	s7 =	simm.s32 $0x0;
	s5 =	simm.s32 $0x0  }
.LBB2_40:
0x239: {  	_ =	sdelay $0x3  }
0x23a: {  	[tilespmem:v59+s20+$0x0] =	vst.idx.msk $0xffff, v58  }
.LBB2_41:
0x23b: {  	s5 =	sadd.s32 $0x1, s5  }
0x23c: {  	p1 =	sne.s32 s5, s0  }
.Ltmp33:
0x23d: {  	_ = 	snop;
	(pc) =	sbr.rel @!p1 .LBB2_42-.Ltmp33, $2  }
0x23e: {  	_ =	sdelay $0x2  }
0x23f: {  	s2 =	sadd.s32 $0xFFFFFFE0, s2;
	s6 =	sadd.s32 $0x20, s6  }
.LBB2_37:
0x240: {  	_ =	sdelay $0x2  }
0x241: {  	s1 =	sshll.u32 s5, $0x5  }
0x242: {  	v58 =	vld.idx.msk [tilespmem:v57+s1+$0x4C80 ss:$0x1], $0xffff;
	_ =	sdelay $0x4  }
0x243: {  	v59 =	vshll.u32 v58, $0x2  }
0x244: {  	v60 =	vand.u32 $0x3FFF, v58;
	v58 =	vand.u32 $0x7, v58;
	v59 =	vand.u32 $0xFFE0, v59  }
0x245: {  	[tilespmem:$0x5980] =	vst v60;
	v58 =	vor.u32 v58, v59  }
0x246: {  	v59 =	vld.idx.msk [tilespmem:v57+s1+$0x4C90 ss:$0x1], $0xffff;
	v60 =	vperm.xlane v58, v6;
	_ =	sdelay $0x1  }
0x247: {  	v60 =	vadd.s32 v7, v60;
	_ =	sdelay $0x1  }
0x248: {  	v58 =	vperm.xlane v58, v9  }
0x249: {  	v59 =	vand.u32 $0x3FFF, v59  }
0x24a: {  	v58 =	vadd.s32 v7, v58;
	[tilespmem:$0x5990] =	vst v59  }
0x24b: {  	[tilespmem:s22], [sflag:$0x1] =	stream.indirect_vreg.gather [hbm4b:s8+s7], $0x80, v60, vm0, $0xb8;
	[tilespmem:$0x19A00] =	vst v63  }
0x24c: {  	_ = 	snop  }
0x24d: {  	[tilespmem:s23], [sflag:$0x1] =	stream.indirect_vreg.gather [hbm4b:s11+s7], $0x80, v60, vm0, $0xb8;
	[tilespmem:$0x19A00] =	vst v63  }
0x24e: {  	_ = 	snop  }
0x24f: {  	[tilespmem:s24], [sflag:$0x1] =	stream.indirect_vreg.gather [hbm4b:s8+s7], $0x80, v58, vm0, $0xb8;
	[tilespmem:$0x19A00] =	vst v63  }
0x250: {  	_ = 	snop  }
0x251: {  	[tilespmem:s25], [sflag:$0x1] =	stream.indirect_vreg.gather [hbm4b:s11+s7], $0x80, v58, vm0, $0xb8;
	[tilespmem:$0x19A00] =	vst v63  }
0x252: {  	v58 =	vld [tilespmem:$0x5990];
	_ =	sdelay $0x4  }
0x253: {  	v63 =	vshll.u32 v58, $0x2  }
0x254: {  	v58 =	vand.u32 $0x7, v58;
	v59 =	vand.u32 $0xFFFFFFE0, v63  }
0x255: {  	v58 =	vor.u32 v58, v59  }
0x256: {  	v59 =	vperm.xlane v58, v6;
	_ =	sdelay $0x1  }
0x257: {  	v59 =	vadd.s32 v7, v59;
	_ =	sdelay $0x1  }
0x258: {  	v58 =	vperm.xlane v58, v9;
	_ =	sdelay $0x1  }
0x259: {  	s1 =	sadd.s32 s14, s1;
	v58 =	vadd.s32 v7, v58  }
0x25a: {  	[tilespmem:s26], [sflag:$0x1] =	stream.indirect_vreg.gather [hbm4b:s8+s7], $0x80, v59, vm0, $0xb8;
	[tilespmem:$0x19A00] =	vst v63  }
0x25b: {  	s1 =	ssub.s32 s12, s1  }
0x25c: {  	[tilespmem:s28], [sflag:$0x1] =	stream.indirect_vreg.gather [hbm4b:s11+s7], $0x80, v59, vm0, $0xb8;
	[tilespmem:$0x19A00] =	vst v63  }
0x25d: {  	p1 =	slt.s32 s1, $0x1  }
0x25e: {  	[tilespmem:s29], [sflag:$0x1] =	stream.indirect_vreg.gather [hbm4b:s8+s7], $0x80, v58, vm0, $0xb8;
	[tilespmem:$0x19A00] =	vst v63  }
.Ltmp34:
0x25f: {  	_ = 	snop;
	(pc) =	sbr.rel @p1 .LBB2_41-.Ltmp34, $4  }
0x260: {  	[tilespmem:s30], [sflag:$0x1] =	stream.indirect_vreg.gather [hbm4b:s11+s7], $0x80, v58, vm0, $0xb8;
	[tilespmem:$0x19A00] =	vst v63  }
0x261: {  	_ =	swait.ge [sflag:s16], $0x4000  }
0x262: {  	[sflag:s16] =	ssyncset.done $0x0  }
0x263: {  	[sflag:s16] =	ssyncadd.s32 $0xFFFFC000  }
0x264: {  	v58 =	vld [tilespmem:s6+$0x0];
	_ =	sdelay $0x4  }
0x265: {  	(v2sf) =	vpush v58, $0x0;
	_ =	sdelay $0x8  }
0x266: {  	v63 =	vmov s7  }
0x267: {  	v59 =	vshll.u32 v63, $0x9;
	v58 =	vshll.u32 v63, $0x7  }
0x268: {  	v59 =	vand.u32 $0xFFFFF000, v59;
	v58 =	vand.u32 $0x380, v58  }
0x269: {  	v58 =	vor.u32 v59, v58  }
0x26a: {  	v59 =	vor.u32 v40, v58;
	_ =	sdelay $0x1  }
0x26b: {  	s1 =	spop (v2sf)  }
0x26c: {  	s1 =	sshra.s32 s1, $0xE  }
0x26d: {  	s1 =	ssub.s32 s1, s9  }
0x26e: {  	v59 =	vld.idx.msk [tilespmem:v59+s22+$0x0], $0xffff;
	v60 =	vadd.s32 s1, v8  }
0x26f: {  	v61 =	vor.u32 v41, v58;
	_ =	sdelay $0x3  }
0x270: {  	[tilespmem:v60+s20+$0x0] =	vst.idx.msk $0xffff, v59  }
0x271: {  	v60 =	vadd.s32 s1, v11;
	v59 =	vld.idx.msk [tilespmem:v61+s22+$0x0], $0xffff  }
0x272: {  	v61 =	vor.u32 v42, v58;
	_ =	sdelay $0x3  }
0x273: {  	[tilespmem:v60+s20+$0x0] =	vst.idx.msk $0xffff, v59  }
0x274: {  	v60 =	vadd.s32 s1, v13;
	v59 =	vld.idx.msk [tilespmem:v61+s22+$0x0], $0xffff  }
0x275: {  	v61 =	vor.u32 v43, v58;
	_ =	sdelay $0x3  }
0x276: {  	[tilespmem:v60+s20+$0x0] =	vst.idx.msk $0xffff, v59  }
0x277: {  	v60 =	vadd.s32 s1, v15;
	v59 =	vld.idx.msk [tilespmem:v61+s22+$0x0], $0xffff  }
0x278: {  	v61 =	vor.u32 v44, v58;
	_ =	sdelay $0x3  }
0x279: {  	[tilespmem:v60+s20+$0x0] =	vst.idx.msk $0xffff, v59  }
0x27a: {  	v60 =	vadd.s32 s1, v17;
	v59 =	vld.idx.msk [tilespmem:v61+s22+$0x0], $0xffff  }
0x27b: {  	v61 =	vor.u32 v45, v58;
	_ =	sdelay $0x3  }
0x27c: {  	[tilespmem:v60+s20+$0x0] =	vst.idx.msk $0xffff, v59  }
0x27d: {  	v60 =	vadd.s32 s1, v19;
	v59 =	vld.idx.msk [tilespmem:v61+s22+$0x0], $0xffff  }
0x27e: {  	v61 =	vor.u32 v46, v58;
	_ =	sdelay $0x3  }
0x27f: {  	[tilespmem:v60+s20+$0x0] =	vst.idx.msk $0xffff, v59  }
0x280: {  	v60 =	vadd.s32 s1, v21;
	v59 =	vld.idx.msk [tilespmem:v61+s22+$0x0], $0xffff  }
0x281: {  	v61 =	vor.u32 v47, v58;
	_ =	sdelay $0x3  }
0x282: {  	[tilespmem:v60+s20+$0x0] =	vst.idx.msk $0xffff, v59  }
0x283: {  	v60 =	vadd.s32 s1, v23;
	v59 =	vld.idx.msk [tilespmem:v61+s22+$0x0], $0xffff  }
0x284: {  	v61 =	vor.u32 v48, v58;
	_ =	sdelay $0x3  }
0x285: {  	[tilespmem:v60+s20+$0x0] =	vst.idx.msk $0xffff, v59  }
0x286: {  	v60 =	vadd.s32 s1, v25;
	v59 =	vld.idx.msk [tilespmem:v61+s22+$0x0], $0xffff  }
0x287: {  	v61 =	vor.u32 v49, v58;
	_ =	sdelay $0x3  }
0x288: {  	[tilespmem:v60+s20+$0x0] =	vst.idx.msk $0xffff, v59  }
0x289: {  	v60 =	vadd.s32 s1, v27;
	v59 =	vld.idx.msk [tilespmem:v61+s22+$0x0], $0xffff  }
0x28a: {  	v61 =	vor.u32 v50, v58;
	_ =	sdelay $0x3  }
0x28b: {  	[tilespmem:v60+s20+$0x0] =	vst.idx.msk $0xffff, v59  }
0x28c: {  	v60 =	vadd.s32 s1, v29;
	v59 =	vld.idx.msk [tilespmem:v61+s22+$0x0], $0xffff  }
0x28d: {  	v61 =	vor.u32 v51, v58;
	_ =	sdelay $0x3  }
0x28e: {  	[tilespmem:v60+s20+$0x0] =	vst.idx.msk $0xffff, v59  }
0x28f: {  	v60 =	vadd.s32 s1, v31;
	v59 =	vld.idx.msk [tilespmem:v61+s22+$0x0], $0xffff  }
0x290: {  	v61 =	vor.u32 v52, v58;
	_ =	sdelay $0x3  }
0x291: {  	[tilespmem:v60+s20+$0x0] =	vst.idx.msk $0xffff, v59  }
0x292: {  	v60 =	vadd.s32 s1, v33;
	v59 =	vld.idx.msk [tilespmem:v61+s22+$0x0], $0xffff  }
0x293: {  	v61 =	vor.u32 v53, v58;
	_ =	sdelay $0x3  }
0x294: {  	[tilespmem:v60+s20+$0x0] =	vst.idx.msk $0xffff, v59  }
0x295: {  	v60 =	vadd.s32 s1, v35;
	v59 =	vld.idx.msk [tilespmem:v61+s22+$0x0], $0xffff  }
0x296: {  	v61 =	vor.u32 v54, v58;
	_ =	sdelay $0x3  }
0x297: {  	[tilespmem:v60+s20+$0x0] =	vst.idx.msk $0xffff, v59  }
0x298: {  	v60 =	vadd.s32 s1, v37;
	v59 =	vld.idx.msk [tilespmem:v61+s22+$0x0], $0xffff  }
0x299: {  	v58 =	vor.u32 v55, v58  }
0x29a: {  	p1 =	sgt.s32 s2, $0x1;
	s3 =	smov.u32 s2  }
0x29b: {  	s3 =	simm.s32 @!p1 $0x1  }
0x29c: {  	s3 =	smin.u32 s3, $0x20  }
0x29d: {  	p1 =	sne.s32 s3, $0x1;
	[tilespmem:v60+s20+$0x0] =	vst.idx.msk $0xffff, v59  }
.Ltmp35:
0x29e: {  	v59 =	vadd.s32 s1, v39;
	v58 =	vld.idx.msk [tilespmem:v58+s22+$0x0], $0xffff;
	(pc) =	sbr.rel @!p1 .LBB2_40-.Ltmp35, $2  }
0x29f: {  	_ =	sdelay $0x2  }
0x2a0: {  	s17 =	simm.s32 $0x1;
	s18 =	smov.u32 s6  }
.LBB2_39:
0x2a1: {  	[tilespmem:v59+s20+$0x0] =	vst.idx.msk $0xffff, v58;
	s18 =	sadd.s32 $0x1, s18;
	s1 =	smov.u32 s17;
	s17 =	sadd.s32 $0x1, s17  }
0x2a2: {  	v58 =	vld [tilespmem:s18+$0x0];
	p1 =	sne.s32 s3, s17;
	_ =	sdelay $0x4  }
0x2a3: {  	(v2sf) =	vpush v58, $0x0;
	_ =	sdelay $0x7  }
0x2a4: {  	v58 =	vmov s1  }
0x2a5: {  	v59 =	vshll.u32 v58, $0x9;
	v58 =	vshll.u32 v58, $0x7  }
0x2a6: {  	v59 =	vand.u32 $0xFFFFF000, v59;
	v58 =	vand.u32 $0x380, v58  }
0x2a7: {  	v58 =	vor.u32 v59, v58  }
0x2a8: {  	v59 =	vor.u32 v40, v58;
	_ =	sdelay $0x2  }
0x2a9: {  	s1 =	spop (v2sf)  }
0x2aa: {  	s1 =	sshra.s32 s1, $0xE  }
0x2ab: {  	s1 =	ssub.s32 s1, s9;
	v59 =	vld.idx.msk [tilespmem:v59+s22+$0x0], $0xffff  }
0x2ac: {  	v60 =	vadd.s32 s1, v8  }
0x2ad: {  	v61 =	vor.u32 v41, v58;
	_ =	sdelay $0x3  }
0x2ae: {  	[tilespmem:v60+s20+$0x0] =	vst.idx.msk $0xffff, v59  }
0x2af: {  	v59 =	vld.idx.msk [tilespmem:v61+s22+$0x0], $0xffff  }
0x2b0: {  	v60 =	vadd.s32 s1, v11  }
0x2b1: {  	v61 =	vor.u32 v42, v58;
	_ =	sdelay $0x3  }
0x2b2: {  	[tilespmem:v60+s20+$0x0] =	vst.idx.msk $0xffff, v59  }
0x2b3: {  	v59 =	vld.idx.msk [tilespmem:v61+s22+$0x0], $0xffff  }
0x2b4: {  	v60 =	vadd.s32 s1, v13  }
0x2b5: {  	v61 =	vor.u32 v43, v58;
	_ =	sdelay $0x3  }
0x2b6: {  	[tilespmem:v60+s20+$0x0] =	vst.idx.msk $0xffff, v59  }
0x2b7: {  	v59 =	vld.idx.msk [tilespmem:v61+s22+$0x0], $0xffff  }
0x2b8: {  	v60 =	vadd.s32 s1, v15  }
0x2b9: {  	v61 =	vor.u32 v44, v58;
	_ =	sdelay $0x3  }
0x2ba: {  	[tilespmem:v60+s20+$0x0] =	vst.idx.msk $0xffff, v59  }
0x2bb: {  	v59 =	vld.idx.msk [tilespmem:v61+s22+$0x0], $0xffff  }
0x2bc: {  	v60 =	vadd.s32 s1, v17  }
0x2bd: {  	v61 =	vor.u32 v45, v58;
	_ =	sdelay $0x3  }
0x2be: {  	[tilespmem:v60+s20+$0x0] =	vst.idx.msk $0xffff, v59  }
0x2bf: {  	v59 =	vld.idx.msk [tilespmem:v61+s22+$0x0], $0xffff  }
0x2c0: {  	v60 =	vadd.s32 s1, v19  }
0x2c1: {  	v61 =	vor.u32 v46, v58;
	_ =	sdelay $0x3  }
0x2c2: {  	[tilespmem:v60+s20+$0x0] =	vst.idx.msk $0xffff, v59  }
0x2c3: {  	v59 =	vld.idx.msk [tilespmem:v61+s22+$0x0], $0xffff  }
0x2c4: {  	v60 =	vadd.s32 s1, v21  }
0x2c5: {  	v61 =	vor.u32 v47, v58;
	_ =	sdelay $0x3  }
0x2c6: {  	[tilespmem:v60+s20+$0x0] =	vst.idx.msk $0xffff, v59  }
0x2c7: {  	v59 =	vld.idx.msk [tilespmem:v61+s22+$0x0], $0xffff  }
0x2c8: {  	v60 =	vadd.s32 s1, v23  }
0x2c9: {  	v61 =	vor.u32 v48, v58;
	_ =	sdelay $0x3  }
0x2ca: {  	[tilespmem:v60+s20+$0x0] =	vst.idx.msk $0xffff, v59  }
0x2cb: {  	v59 =	vld.idx.msk [tilespmem:v61+s22+$0x0], $0xffff  }
0x2cc: {  	v60 =	vadd.s32 s1, v25  }
0x2cd: {  	v61 =	vor.u32 v49, v58;
	_ =	sdelay $0x3  }
0x2ce: {  	[tilespmem:v60+s20+$0x0] =	vst.idx.msk $0xffff, v59  }
0x2cf: {  	v59 =	vld.idx.msk [tilespmem:v61+s22+$0x0], $0xffff  }
0x2d0: {  	v60 =	vadd.s32 s1, v27  }
0x2d1: {  	v61 =	vor.u32 v50, v58;
	_ =	sdelay $0x3  }
0x2d2: {  	[tilespmem:v60+s20+$0x0] =	vst.idx.msk $0xffff, v59  }
0x2d3: {  	v59 =	vld.idx.msk [tilespmem:v61+s22+$0x0], $0xffff  }
0x2d4: {  	v60 =	vadd.s32 s1, v29  }
0x2d5: {  	v61 =	vor.u32 v51, v58;
	_ =	sdelay $0x3  }
0x2d6: {  	[tilespmem:v60+s20+$0x0] =	vst.idx.msk $0xffff, v59  }
0x2d7: {  	v59 =	vld.idx.msk [tilespmem:v61+s22+$0x0], $0xffff  }
0x2d8: {  	v60 =	vadd.s32 s1, v31  }
0x2d9: {  	v61 =	vor.u32 v52, v58;
	_ =	sdelay $0x3  }
0x2da: {  	[tilespmem:v60+s20+$0x0] =	vst.idx.msk $0xffff, v59  }
0x2db: {  	v59 =	vld.idx.msk [tilespmem:v61+s22+$0x0], $0xffff  }
0x2dc: {  	v60 =	vadd.s32 s1, v33  }
0x2dd: {  	v61 =	vor.u32 v53, v58;
	_ =	sdelay $0x3  }
0x2de: {  	[tilespmem:v60+s20+$0x0] =	vst.idx.msk $0xffff, v59  }
0x2df: {  	v59 =	vld.idx.msk [tilespmem:v61+s22+$0x0], $0xffff  }
0x2e0: {  	v60 =	vadd.s32 s1, v35  }
0x2e1: {  	v61 =	vor.u32 v54, v58;
	_ =	sdelay $0x3  }
0x2e2: {  	[tilespmem:v60+s20+$0x0] =	vst.idx.msk $0xffff, v59  }
0x2e3: {  	v59 =	vld.idx.msk [tilespmem:v61+s22+$0x0], $0xffff  }
0x2e4: {  	v60 =	vadd.s32 s1, v37  }
0x2e5: {  	v58 =	vor.u32 v55, v58;
	_ =	sdelay $0x1  }
.Ltmp36:
0x2e6: {  	(pc) =	sbr.rel @p1 .LBB2_39-.Ltmp36, $4  }
0x2e7: {  	_ = 	snop  }
0x2e8: {  	[tilespmem:v60+s20+$0x0] =	vst.idx.msk $0xffff, v59  }
0x2e9: {  	v58 =	vld.idx.msk [tilespmem:v58+s22+$0x0], $0xffff  }
0x2ea: {  	v59 =	vadd.s32 s1, v39  }
.Ltmp37:
0x2eb: {  	_ = 	snop;
	(pc) =	sbr.rel .LBB2_40-.Ltmp37, $1  }
0x2ec: {  	_ =	sdelay $0x3  }
.LBB2_12:
.Ltmp38:
0x2ed: {  	(pc) =	sbr.rel .LBB2_20-.Ltmp38, $2  }
0x2ee: {  	_ =	sdelay $0x2  }
0x2ef: {  	s1 =	simm.s32 $0x0  }
.LBB2_14:
.Ltmp39:
0x2f0: {  	(pc) =	sbr.rel .LBB2_20-.Ltmp39, $2  }
0x2f1: {  	_ =	sdelay $0x2  }
0x2f2: {  	s1 =	simm.s32 $0x0  }
.LBB2_16:
.Ltmp40:
0x2f3: {  	(pc) =	sbr.rel .LBB2_20-.Ltmp40, $2  }
0x2f4: {  	_ =	sdelay $0x3  }
0x2f5: {  	s1 =	simm.s32 $0x0  }
.LBB2_18:
.Ltmp41:
0x2f6: {  	(pc) =	sbr.rel .LBB2_20-.Ltmp41, $2  }
0x2f7: {  	_ =	sdelay $0x2  }
0x2f8: {  	s1 =	simm.s32 $0x0  }
.LBB2_44:
0x2f9: {  	_ =	sfence.sel $0x180000  }
0x2fa: {  	[bflag:$0x0] =	sbarrier.arrive $0xFFFF  }
0x2fb: {  	_ =	strace $0x90000047  }
0x2fc: {  	s0 =	stileid.u32;
	[bflag:$0x2] =	sbarrier.arrive $0xFFFF  }
0x2fd: {  	p0 =	sne.s32 s0, $0x0;
	s0 =	rddreg [dreg:$0x4]  }
0x2fe: {  	s0 =	sadd.s32 @!p0 $0x100000, s0  }
0x2ff: {  	[sflag:s0] =	ssyncadd.tile.s32 @!p0 $0x1;
	_ =	shalt  }
.Lfunc_end2:
_tile_overlayer_lowered:
.L_overlay_start_2:
0x300: {  	(tag) =	ssettag $0x2  }
0x301: {  	s0 =	rddreg [dreg:$0x0];
	s2 =	stileid.u32  }
0x302: {  	s1 =	rddreg [dreg:$0x1];
	p0 =	sne.s32 s2, $0x0  }
0x303: {  	s3 =	rddreg [dreg:$0x2];
	[bflag:$0x3] =	sbarrier.arrive $0xFFFF;
	s2 =	simm.s32 @!p0 $0x1C06  }
0x304: {  	[timem:s3], [sflag:s2] =	dma.local @!p0 [hbm:s0], s1  }
0x305: {  	s0 =	simm.s32 @!p0 $0x6  }
0x306: {  	_ =	swait.ge @!p0 [sflag:s0], s1  }
0x307: {  	s1 =	ssub.s32 @!p0 $0x0, s1;
	[sflag:s0] =	ssyncset.done @!p0 $0x0  }
0x308: {  	[sflag:s0] =	ssyncadd.s32 @!p0 s1  }
0x309: {  	[bflag:$0x3] =	sbarrier.arrive $0xFFFF  }
0x30a: {  	_ =	shalt  }

</sc_bundles>
